<compile_context>
chip_gen: v7x
topology: tpu7x:2x2x1
jax: 0.10.2.dev20260603
libtpu: 0.0.44.dev20260713+nightly
codegen_flags: <defaults>
</compile_context>

<pallas_src>
import functools

import jax
import jax.numpy as jnp
from jax import lax
from jax.experimental import pallas as pl
from jax.experimental.pallas import tpu as pltpu
from jax.experimental.pallas import tpu_sc as plsc

T = 2048
H = 1024
E = 8
K = 2
FF = 4096
LBW = 0.01

M = 512
LOG2M = 9
NT = 15
NTM = NT * M
FC = 1024
NF = FF // FC

NC = 2
NS = 16
NW = NC * NS
TPW = T // NW
CH = 32
NCH = TPW // CH



def _router_body(x_ref, wr_ref, br_ref, pos_ref, w0b_ref, w1b_ref, texp_ref,
                 loss_ref):
    xb = x_ref[...]
    logits = jnp.dot(xb, wr_ref[...].T,
                     preferred_element_type=jnp.float32) + br_ref[...]
    m = jnp.max(logits, axis=-1, keepdims=True)
    p = jnp.exp(logits - m)
    p = p / jnp.sum(p, axis=-1, keepdims=True)

    iota = lax.broadcasted_iota(jnp.int32, p.shape, 1)
    m1 = jnp.max(p, axis=-1, keepdims=True)
    i1 = jnp.min(jnp.where(p == m1, iota, E), axis=-1, keepdims=True)
    pm = jnp.where(iota == i1, -1.0, p)
    m2 = jnp.max(pm, axis=-1, keepdims=True)
    i2 = jnp.min(jnp.where(pm == m2, iota, E), axis=-1, keepdims=True)
    denom = m1 + m2 + 1e-8
    mask1 = (iota == i1).astype(jnp.float32)
    mask2 = (iota == i2).astype(jnp.float32)
    w0b_ref[...] = jnp.broadcast_to(m1 / denom, (T, 16))
    w1b_ref[...] = jnp.broadcast_to(m2 / denom, (T, 16))

    s = mask1 + mask2
    ci = jnp.sum(s, axis=0, keepdims=True).astype(jnp.int32)
    pci = ((ci + (M - 1)) >> LOG2M) << LOG2M
    pcf = pci.astype(jnp.float32)
    er = lax.broadcasted_iota(jnp.int32, (E, E), 0)
    ec = lax.broadcasted_iota(jnp.int32, (E, E), 1)
    lt8 = (er < ec).astype(jnp.float32)
    off = jnp.dot(pcf, lt8, preferred_element_type=jnp.float32)

    BL = 128
    rr = lax.broadcasted_iota(jnp.int32, (BL, BL), 0)
    cc = lax.broadcasted_iota(jnp.int32, (BL, BL), 1)
    ltb = (cc < rr).astype(jnp.float32)
    run = jnp.zeros((1, E), jnp.float32)
    ranks = []
    for b in range(T // BL):
        sb = s[b * BL:(b + 1) * BL, :]
        ranks.append(jnp.dot(ltb, sb, preferred_element_type=jnp.float32) + run)
        run = run + jnp.sum(sb, axis=0, keepdims=True)
    rank = jnp.concatenate(ranks, axis=0)

    base = off + rank
    pos1 = jnp.sum(mask1 * base, axis=-1, keepdims=True)
    pos2 = jnp.sum(mask2 * (base + mask1), axis=-1, keepdims=True)
    pos_ref[...] = jnp.concatenate([pos1, pos2], axis=1).astype(jnp.int32)

    jm = lax.broadcasted_iota(jnp.int32, (1, NT), 1).astype(jnp.float32) * M
    ei = lax.broadcasted_iota(jnp.int32, (1, E), 1)
    texp = jnp.zeros((1, NT), jnp.float32)
    for e in range(E):
        sel = (ei == e).astype(jnp.float32)
        off_e = jnp.sum(off * sel, axis=-1, keepdims=True)
        pc_e = jnp.sum(pcf * sel, axis=-1, keepdims=True)
        texp += jnp.where((jm >= off_e) & (jm < off_e + pc_e), float(e), 0.0)
    total = jnp.sum(pcf, axis=-1, keepdims=True)
    last_e = jnp.max(jnp.where(pci > 0, ei, 0), axis=-1, keepdims=True)
    texp_ref[...] = jnp.where(jm < total, texp,
                              last_e.astype(jnp.float32)).astype(jnp.int32)

    avg = jnp.sum(p, axis=0, keepdims=True) / T
    mean = jnp.sum(avg) / E
    var = jnp.sum((avg - mean) ** 2) / (E - 1)
    loss_ref[...] = jnp.broadcast_to(LBW * var, (1, 1))


def _router(x2d, Wr, br2):
    return pl.pallas_call(
        _router_body,
        in_specs=[
            pl.BlockSpec((T, H), lambda: (0, 0)),
            pl.BlockSpec((E, H), lambda: (0, 0)),
            pl.BlockSpec((1, E), lambda: (0, 0)),
        ],
        out_specs=[
            pl.BlockSpec((T, K), lambda: (0, 0)),
            pl.BlockSpec((T, 16), lambda: (0, 0)),
            pl.BlockSpec((T, 16), lambda: (0, 0)),
            pl.BlockSpec((1, NT), lambda: (0, 0)),
            pl.BlockSpec((1, 1), lambda: (0, 0)),
        ],
        out_shape=[
            jax.ShapeDtypeStruct((T, K), jnp.int32),
            jax.ShapeDtypeStruct((T, 16), jnp.float32),
            jax.ShapeDtypeStruct((T, 16), jnp.float32),
            jax.ShapeDtypeStruct((1, NT), jnp.int32),
            jax.ShapeDtypeStruct((1, 1), jnp.float32),
        ],
    )(x2d, Wr, br2)



def _dispatch_body(x_hbm, pos_hbm, xg_hbm, idx0_v, idx1_v, rows_v, s0, s1):
    wid = lax.axis_index("s") * NC + lax.axis_index("c")
    tbase = wid * TPW
    pltpu.sync_copy(pos_hbm.at[0, pl.ds(tbase, TPW)], idx0_v)
    pltpu.sync_copy(pos_hbm.at[1, pl.ds(tbase, TPW)], idx1_v)
    pltpu.sync_copy(x_hbm.at[pl.ds(tbase, TPW), :], rows_v)
    c0 = pltpu.async_copy(rows_v, xg_hbm.at[idx0_v], s0)
    c1 = pltpu.async_copy(rows_v, xg_hbm.at[idx1_v], s1)
    c0.wait()
    c1.wait()


@functools.cache
def _make_dispatch():
    return pl.kernel(
        _dispatch_body,
        mesh=plsc.VectorSubcoreMesh(core_axis_name="c", subcore_axis_name="s"),
        out_type=jax.ShapeDtypeStruct((NTM, H), jnp.float32),
        scratch_types=[
            pltpu.VMEM((TPW,), jnp.int32),
            pltpu.VMEM((TPW,), jnp.int32),
            pltpu.VMEM((TPW, H), jnp.float32),
            pltpu.SemaphoreType.DMA,
            pltpu.SemaphoreType.DMA,
        ],
    )



def _gmm_body(texp_ref, xg_ref, w1_ref, b1_ref, w2_ref, b2_ref, out_ref):
    f = pl.program_id(1)
    h = jnp.dot(xg_ref[...], w1_ref[0].T, preferred_element_type=jnp.float32)
    h = h + b1_ref[0, 0]
    h = 0.5 * h * (1.0 + lax.erf(h * 0.7071067811865476))
    yc = jnp.dot(h, w2_ref[0].T, preferred_element_type=jnp.float32)

    @pl.when(f == 0)
    def _():
        out_ref[...] = yc + b2_ref[0]

    @pl.when(f != 0)
    def _():
        out_ref[...] += yc


def _gmm(texp, x_g, W1, b1, W2, b2):
    grid_spec = pltpu.PrefetchScalarGridSpec(
        num_scalar_prefetch=1,
        grid=(NT, NF),
        in_specs=[
            pl.BlockSpec((M, H), lambda j, f, tx: (j, 0)),
            pl.BlockSpec((1, FC, H), lambda j, f, tx: (tx[j], f, 0)),
            pl.BlockSpec((1, 1, 1, FC), lambda j, f, tx: (tx[j], f, 0, 0)),
            pl.BlockSpec((1, H, FC), lambda j, f, tx: (tx[j], 0, f)),
            pl.BlockSpec((1, 1, H), lambda j, f, tx: (tx[j], 0, 0)),
        ],
        out_specs=pl.BlockSpec((M, H), lambda j, f, tx: (j, 0)),
    )
    return pl.pallas_call(
        _gmm_body,
        grid_spec=grid_spec,
        out_shape=jax.ShapeDtypeStruct((NTM, H), jnp.float32),
    )(texp, x_g, W1, b1.reshape(E, NF, 1, FC), W2, b2.reshape(E, 1, H))



def _combine_body(yg_hbm, pos_hbm, w0b_hbm, w1b_hbm, out_hbm,
                  idx0_v, idx1_v, w0_v, w1_v, r0_v, r1_v, ob_v, s0, s1):
    wid = lax.axis_index("s") * NC + lax.axis_index("c")
    tbase = wid * TPW
    for half in range(NCH):
        base = tbase + half * CH
        pltpu.sync_copy(pos_hbm.at[0, pl.ds(base, CH)], idx0_v)
        pltpu.sync_copy(pos_hbm.at[1, pl.ds(base, CH)], idx1_v)
        pltpu.sync_copy(w0b_hbm.at[pl.ds(base, CH), :], w0_v)
        pltpu.sync_copy(w1b_hbm.at[pl.ds(base, CH), :], w1_v)
        c0 = pltpu.async_copy(yg_hbm.at[idx0_v], r0_v, s0)
        c1 = pltpu.async_copy(yg_hbm.at[idx1_v], r1_v, s1)
        c0.wait()
        c1.wait()
        for tok in range(CH):
            w0s = w0_v[tok, :]
            w1s = w1_v[tok, :]

            def body(j, _, tok=tok, w0s=w0s, w1s=w1s):
                a = r0_v[tok, pl.ds(j * 16, 16)]
                b = r1_v[tok, pl.ds(j * 16, 16)]
                ob_v[tok, pl.ds(j * 16, 16)] = a * w0s + b * w1s
                return 0

            lax.fori_loop(0, H // 16, body, 0)
        pltpu.sync_copy(ob_v, out_hbm.at[pl.ds(base, CH), :])


@functools.cache
def _make_combine():
    return pl.kernel(
        _combine_body,
        mesh=plsc.VectorSubcoreMesh(core_axis_name="c", subcore_axis_name="s"),
        out_type=jax.ShapeDtypeStruct((T, H), jnp.float32),
        scratch_types=[
            pltpu.VMEM((CH,), jnp.int32),
            pltpu.VMEM((CH,), jnp.int32),
            pltpu.VMEM((CH, 16), jnp.float32),
            pltpu.VMEM((CH, 16), jnp.float32),
            pltpu.VMEM((CH, H), jnp.float32),
            pltpu.VMEM((CH, H), jnp.float32),
            pltpu.VMEM((CH, H), jnp.float32),
            pltpu.SemaphoreType.DMA,
            pltpu.SemaphoreType.DMA,
        ],
    )



@jax.jit
def _moe(x2d, Wr, br2, W1, b1, W2, b2):
    pos, w0b, w1b, texp, loss = _router(x2d, Wr, br2)
    pos2t = pos.T
    x_g = _make_dispatch()(x2d, pos2t)
    y_g = _gmm(texp.reshape(NT), x_g, W1, b1, W2, b2)
    out = _make_combine()(y_g, pos2t, w0b, w1b)
    return out, loss


def kernel(x, Wr, br, W1, b1, W2, b2):
    Bq, Sq, Hq = x.shape
    x2d = x.reshape(-1, Hq)
    br2 = br.reshape(1, E)
    out, loss = _moe(x2d, Wr, br2, W1, b1, W2, b2)
    return out.reshape(Bq, Sq, Hq), loss.reshape(())

# --- scband reference (transcript-rebuilt; emitter-appended) ---
"""Pipeline reference for scband-mixture-of-experts-8555574854179 (READ-ONLY COPY).

The authoritative reference and input builder live on the scoring server;
editing this copy changes nothing except your own understanding.
"""

import jax, jax.numpy as jnp
import numpy as np

B, S, H = 1, 2048, 1024
E = 8
K = 2  # expert_capacity (top-k)
FF = 4 * H
LBW = 0.01


def setup_inputs(seed: int = 0) -> dict:
    key = jax.random.key(seed)
    ks = jax.random.split(key, 6)
    x = jax.random.normal(ks[0], (B, S, H), dtype=jnp.float32)
    # xavier_uniform init to mirror torch
    lim_r = float(np.sqrt(6.0 / (H + E)))
    Wr = jax.random.uniform(ks[1], (E, H), minval=-lim_r, maxval=lim_r, dtype=jnp.float32)
    br = jnp.zeros((E,), dtype=jnp.float32)
    lim_f = float(np.sqrt(6.0 / (H + FF)))
    W1 = jax.random.uniform(ks[2], (E, FF, H), minval=-lim_f, maxval=lim_f, dtype=jnp.float32)
    b1 = jnp.zeros((E, FF), dtype=jnp.float32)
    W2 = jax.random.uniform(ks[3], (E, H, FF), minval=-lim_f, maxval=lim_f, dtype=jnp.float32)
    b2 = jnp.zeros((E, H), dtype=jnp.float32)
    return {"x": x, "Wr": Wr, "br": br, "W1": W1, "b1": b1, "W2": W2, "b2": b2}


def reference(x, Wr, br, W1, b1, W2, b2):
    Bq, Sq, Hq = x.shape
    router_logits = jnp.einsum('bsh,eh->bse', x, Wr) + br
    router_probs = jax.nn.softmax(router_logits, axis=-1)
    topk_probs, topk_idx = jax.lax.top_k(router_probs, K)
    topk_probs = topk_probs / (jnp.sum(topk_probs, axis=-1, keepdims=True) + 1e-08)
    x_flat = x.reshape(-1, Hq)
    idx_flat = topk_idx.reshape(-1, K)
    probs_flat = topk_probs.reshape(-1, K)
    # per-token per-expert combine weight; topk indices are distinct so the
    # torch 'first matching k position' equals this one-hot weighted sum
    one_hot = jax.nn.one_hot(idx_flat, E, dtype=x.dtype)  # [T, K, E]
    weights = jnp.sum(one_hot * probs_flat[..., None], axis=1)  # [T, E]
    out = jnp.zeros_like(x_flat)
    for e in range(E):
        h = x_flat @ W1[e].T + b1[e]
        h = jax.nn.gelu(h, approximate=False)  # torch nn.GELU default (erf)
        y = h @ W2[e].T + b2[e]  # dropout = identity (eval mode)
        out = out + y * weights[:, e:e + 1]
    out = out.reshape(Bq, Sq, Hq)
    avg_expert_prob = router_probs.reshape(-1, E).mean(axis=0)
    load_balance_loss = LBW * (jnp.std(avg_expert_prob, ddof=1) ** 2)
    return out, load_balance_loss

if __name__ == "__main__":
    import jax
    _d = setup_inputs()
    print(jax.jit(kernel)(*tuple(_d.values())))

</pallas_src>

<mosaic_0001>
#map = affine_map<(d0, d1) -> (0, 0)>
module attributes {stable_mosaic.version = 14 : i64} {
  func.func @_combine_body(%arg0: i32, %arg1: i32, %arg2: memref<7680x1024xf32, #tpu.memory_space<hbm>>, %arg3: memref<2x2048xi32, #tpu.memory_space<hbm>>, %arg4: memref<2048x16xf32, #tpu.memory_space<hbm>>, %arg5: memref<2048x16xf32, #tpu.memory_space<hbm>>, %arg6: memref<2048x1024xf32, #tpu.memory_space<hbm>>, %arg7: memref<32xi32, #tpu.memory_space<vmem>>, %arg8: memref<32xi32, #tpu.memory_space<vmem>>, %arg9: memref<32x16xf32, #tpu.memory_space<vmem>>, %arg10: memref<32x16xf32, #tpu.memory_space<vmem>>, %arg11: memref<32x1024xf32, #tpu.memory_space<vmem>>, %arg12: memref<32x1024xf32, #tpu.memory_space<vmem>>, %arg13: memref<32x1024xf32, #tpu.memory_space<vmem>>, %arg14: memref<!tpu.dma_semaphore, #tpu.memory_space<semaphore_mem>>, %arg15: memref<!tpu.dma_semaphore, #tpu.memory_space<semaphore_mem>>) attributes {dimension_semantics = [#tpu.dimension_semantics<core_parallel>, #tpu.dimension_semantics<subcore_parallel>], iteration_bounds = array<i64: 2, 16>, scalar_prefetch = 0 : i64, scratch_operands = 9 : i64, tpu.core_type = #tpu.core_type<sc_vector_subcore>, window_params = [{transform_indices = #map}, {transform_indices = #map}, {transform_indices = #map}, {transform_indices = #map}, {transform_indices = #map}]} {
    %mul3A = arith.constant 2 : i32
    %mul3A_0 = arith.muli %arg1, %mul3A : i32
    %add3A = arith.addi %mul3A_0, %arg0 : i32
    %mul3A_1 = arith.constant 64 : i32
    %mul3A_2 = arith.muli %add3A, %mul3A_1 : i32
    %add3A_3 = arith.constant 0 : i32
    %add3A_4 = arith.addi %mul3A_2, %add3A_3 : i32
    %run_scoped3A = arith.constant 0 : i32
    "tpu.region"() ({
      %run_scoped3A_1118 = tpu.sem_alloc : memref<!tpu.dma_semaphore, #tpu.memory_space<semaphore_mem>>
      %dma_start3A_1119 = tpu.memref_slice %arg3[%run_scoped3A, %add3A_4] : memref<2x2048xi32, #tpu.memory_space<hbm>> -> memref<1x32xi32, #tpu.memory_space<hbm>>
      %dma_start3A_1120 = tpu.memref_squeeze %dma_start3A_1119 : memref<1x32xi32, #tpu.memory_space<hbm>> -> memref<32xi32, #tpu.memory_space<hbm>>
      %dma_start3A_1121 = tpu.memref_slice %arg3[%run_scoped3A, %add3A_4] : memref<2x2048xi32, #tpu.memory_space<hbm>> -> memref<1x32xi32, #tpu.memory_space<hbm>>
      %dma_start3A_1122 = tpu.memref_squeeze %dma_start3A_1121 : memref<1x32xi32, #tpu.memory_space<hbm>> -> memref<32xi32, #tpu.memory_space<hbm>>
      tpu.enqueue_dma source(%dma_start3A_1122 : memref<32xi32, #tpu.memory_space<hbm>>) target(%arg7 : memref<32xi32, #tpu.memory_space<vmem>>) target_semaphore(%run_scoped3A_1118 : memref<!tpu.dma_semaphore, #tpu.memory_space<semaphore_mem>>)
      %dma_wait3A_1123 = tpu.memref_slice %arg3[%run_scoped3A, %add3A_4] : memref<2x2048xi32, #tpu.memory_space<hbm>> -> memref<1x32xi32, #tpu.memory_space<hbm>>
      %dma_wait3A_1124 = tpu.memref_squeeze %dma_wait3A_1123 : memref<1x32xi32, #tpu.memory_space<hbm>> -> memref<32xi32, #tpu.memory_space<hbm>>
      %dma_wait3A_1125 = tpu.memref_slice %arg3[%run_scoped3A, %add3A_4] : memref<2x2048xi32, #tpu.memory_space<hbm>> -> memref<1x32xi32, #tpu.memory_space<hbm>>
      %dma_wait3A_1126 = tpu.memref_squeeze %dma_wait3A_1125 : memref<1x32xi32, #tpu.memory_space<hbm>> -> memref<32xi32, #tpu.memory_space<hbm>>
      tpu.wait_dma2 semaphore(%run_scoped3A_1118 : memref<!tpu.dma_semaphore, #tpu.memory_space<semaphore_mem>>) src(%dma_wait3A_1126 : memref<32xi32, #tpu.memory_space<hbm>>) dst(%arg7 : memref<32xi32, #tpu.memory_space<vmem>>)
      tpu.yield
    }) : () -> ()
    %run_scoped3A_5 = arith.constant 1 : i32
    "tpu.region"() ({
      %run_scoped3A_1118 = tpu.sem_alloc : memref<!tpu.dma_semaphore, #tpu.memory_space<semaphore_mem>>
      %dma_start3A_1119 = tpu.memref_slice %arg3[%run_scoped3A_5, %add3A_4] : memref<2x2048xi32, #tpu.memory_space<hbm>> -> memref<1x32xi32, #tpu.memory_space<hbm>>
      %dma_start3A_1120 = tpu.memref_squeeze %dma_start3A_1119 : memref<1x32xi32, #tpu.memory_space<hbm>> -> memref<32xi32, #tpu.memory_space<hbm>>
      %dma_start3A_1121 = tpu.memref_slice %arg3[%run_scoped3A_5, %add3A_4] : memref<2x2048xi32, #tpu.memory_space<hbm>> -> memref<1x32xi32, #tpu.memory_space<hbm>>
      %dma_start3A_1122 = tpu.memref_squeeze %dma_start3A_1121 : memref<1x32xi32, #tpu.memory_space<hbm>> -> memref<32xi32, #tpu.memory_space<hbm>>
      tpu.enqueue_dma source(%dma_start3A_1122 : memref<32xi32, #tpu.memory_space<hbm>>) target(%arg8 : memref<32xi32, #tpu.memory_space<vmem>>) target_semaphore(%run_scoped3A_1118 : memref<!tpu.dma_semaphore, #tpu.memory_space<semaphore_mem>>)
      %dma_wait3A_1123 = tpu.memref_slice %arg3[%run_scoped3A_5, %add3A_4] : memref<2x2048xi32, #tpu.memory_space<hbm>> -> memref<1x32xi32, #tpu.memory_space<hbm>>
      %dma_wait3A_1124 = tpu.memref_squeeze %dma_wait3A_1123 : memref<1x32xi32, #tpu.memory_space<hbm>> -> memref<32xi32, #tpu.memory_space<hbm>>
      %dma_wait3A_1125 = tpu.memref_slice %arg3[%run_scoped3A_5, %add3A_4] : memref<2x2048xi32, #tpu.memory_space<hbm>> -> memref<1x32xi32, #tpu.memory_space<hbm>>
      %dma_wait3A_1126 = tpu.memref_squeeze %dma_wait3A_1125 : memref<1x32xi32, #tpu.memory_space<hbm>> -> memref<32xi32, #tpu.memory_space<hbm>>
      tpu.wait_dma2 semaphore(%run_scoped3A_1118 : memref<!tpu.dma_semaphore, #tpu.memory_space<semaphore_mem>>) src(%dma_wait3A_1126 : memref<32xi32, #tpu.memory_space<hbm>>) dst(%arg8 : memref<32xi32, #tpu.memory_space<vmem>>)
      tpu.yield
    }) : () -> ()
    "tpu.region"() ({
      %run_scoped3A_1118 = tpu.sem_alloc : memref<!tpu.dma_semaphore, #tpu.memory_space<semaphore_mem>>
      %dma_start3A_1119 = arith.constant 0 : i32
      %dma_start3A_1120 = tpu.memref_slice %arg4[%add3A_4, %dma_start3A_1119] : memref<2048x16xf32, #tpu.memory_space<hbm>> -> memref<32x16xf32, #tpu.memory_space<hbm>>
      %dma_start3A_1121 = arith.constant 0 : i32
      %dma_start3A_1122 = tpu.memref_slice %arg4[%add3A_4, %dma_start3A_1121] : memref<2048x16xf32, #tpu.memory_space<hbm>> -> memref<32x16xf32, #tpu.memory_space<hbm>>
      tpu.enqueue_dma source(%dma_start3A_1122 : memref<32x16xf32, #tpu.memory_space<hbm>>) target(%arg9 : memref<32x16xf32, #tpu.memory_space<vmem>>) target_semaphore(%run_scoped3A_1118 : memref<!tpu.dma_semaphore, #tpu.memory_space<semaphore_mem>>)
      %dma_wait3A_1123 = arith.constant 0 : i32
      %dma_wait3A_1124 = tpu.memref_slice %arg4[%add3A_4, %dma_wait3A_1123] : memref<2048x16xf32, #tpu.memory_space<hbm>> -> memref<32x16xf32, #tpu.memory_space<hbm>>
      %dma_wait3A_1125 = arith.constant 0 : i32
      %dma_wait3A_1126 = tpu.memref_slice %arg4[%add3A_4, %dma_wait3A_1125] : memref<2048x16xf32, #tpu.memory_space<hbm>> -> memref<32x16xf32, #tpu.memory_space<hbm>>
      tpu.wait_dma2 semaphore(%run_scoped3A_1118 : memref<!tpu.dma_semaphore, #tpu.memory_space<semaphore_mem>>) src(%dma_wait3A_1126 : memref<32x16xf32, #tpu.memory_space<hbm>>) dst(%arg9 : memref<32x16xf32, #tpu.memory_space<vmem>>)
      tpu.yield
    }) : () -> ()
    "tpu.region"() ({
      %run_scoped3A_1118 = tpu.sem_alloc : memref<!tpu.dma_semaphore, #tpu.memory_space<semaphore_mem>>
      %dma_start3A_1119 = arith.constant 0 : i32
      %dma_start3A_1120 = tpu.memref_slice %arg5[%add3A_4, %dma_start3A_1119] : memref<2048x16xf32, #tpu.memory_space<hbm>> -> memref<32x16xf32, #tpu.memory_space<hbm>>
      %dma_start3A_1121 = arith.constant 0 : i32
      %dma_start3A_1122 = tpu.memref_slice %arg5[%add3A_4, %dma_start3A_1121] : memref<2048x16xf32, #tpu.memory_space<hbm>> -> memref<32x16xf32, #tpu.memory_space<hbm>>
      tpu.enqueue_dma source(%dma_start3A_1122 : memref<32x16xf32, #tpu.memory_space<hbm>>) target(%arg10 : memref<32x16xf32, #tpu.memory_space<vmem>>) target_semaphore(%run_scoped3A_1118 : memref<!tpu.dma_semaphore, #tpu.memory_space<semaphore_mem>>)
      %dma_wait3A_1123 = arith.constant 0 : i32
      %dma_wait3A_1124 = tpu.memref_slice %arg5[%add3A_4, %dma_wait3A_1123] : memref<2048x16xf32, #tpu.memory_space<hbm>> -> memref<32x16xf32, #tpu.memory_space<hbm>>
      %dma_wait3A_1125 = arith.constant 0 : i32
      %dma_wait3A_1126 = tpu.memref_slice %arg5[%add3A_4, %dma_wait3A_1125] : memref<2048x16xf32, #tpu.memory_space<hbm>> -> memref<32x16xf32, #tpu.memory_space<hbm>>
      tpu.wait_dma2 semaphore(%run_scoped3A_1118 : memref<!tpu.dma_semaphore, #tpu.memory_space<semaphore_mem>>) src(%dma_wait3A_1126 : memref<32x16xf32, #tpu.memory_space<hbm>>) dst(%arg10 : memref<32x16xf32, #tpu.memory_space<vmem>>)
      tpu.yield
    }) : () -> ()
    %dma_start3A = arith.constant 0 : i32
    %dma_start3A_6 = arith.constant 0 : i32
    %dma_start3A_7 = tpu.memref_slice %arg2[%dma_start3A, %dma_start3A_6] : memref<7680x1024xf32, #tpu.memory_space<hbm>> -> memref<7680x1024xf32, #tpu.memory_space<hbm>>
    tpu.enqueue_indirect_dma source(%dma_start3A_7 : memref<7680x1024xf32, #tpu.memory_space<hbm>>) target(%arg11 : memref<32x1024xf32, #tpu.memory_space<vmem>>) offsets(%arg7 : memref<32xi32, #tpu.memory_space<vmem>>) semaphore(%arg14 : memref<!tpu.dma_semaphore, #tpu.memory_space<semaphore_mem>>)
    %dma_start3A_8 = arith.constant 0 : i32
    %dma_start3A_9 = arith.constant 0 : i32
    %dma_start3A_10 = tpu.memref_slice %arg2[%dma_start3A_8, %dma_start3A_9] : memref<7680x1024xf32, #tpu.memory_space<hbm>> -> memref<7680x1024xf32, #tpu.memory_space<hbm>>
    tpu.enqueue_indirect_dma source(%dma_start3A_10 : memref<7680x1024xf32, #tpu.memory_space<hbm>>) target(%arg12 : memref<32x1024xf32, #tpu.memory_space<vmem>>) offsets(%arg8 : memref<32xi32, #tpu.memory_space<vmem>>) semaphore(%arg15 : memref<!tpu.dma_semaphore, #tpu.memory_space<semaphore_mem>>)
    %dma_wait3A = arith.constant 0 : i32
    %dma_wait3A_11 = arith.constant 0 : i32
    %dma_wait3A_12 = tpu.memref_slice %arg2[%dma_wait3A, %dma_wait3A_11] : memref<7680x1024xf32, #tpu.memory_space<hbm>> -> memref<7680x1024xf32, #tpu.memory_space<hbm>>
    tpu.wait_indirect_dma semaphore(%arg14 : memref<!tpu.dma_semaphore, #tpu.memory_space<semaphore_mem>>) src(%dma_wait3A_12 : memref<7680x1024xf32, #tpu.memory_space<hbm>>) dst(%arg11 : memref<32x1024xf32, #tpu.memory_space<vmem>>)
    %dma_wait3A_13 = arith.constant 0 : i32
    %dma_wait3A_14 = arith.constant 0 : i32
    %dma_wait3A_15 = tpu.memref_slice %arg2[%dma_wait3A_13, %dma_wait3A_14] : memref<7680x1024xf32, #tpu.memory_space<hbm>> -> memref<7680x1024xf32, #tpu.memory_space<hbm>>
    tpu.wait_indirect_dma semaphore(%arg15 : memref<!tpu.dma_semaphore, #tpu.memory_space<semaphore_mem>>) src(%dma_wait3A_15 : memref<7680x1024xf32, #tpu.memory_space<hbm>>) dst(%arg12 : memref<32x1024xf32, #tpu.memory_space<vmem>>)
    %get3A = arith.constant 0 : i32
    %get3A_16 = arith.index_cast %get3A : i32 to index
    %get3A_17 = arith.constant 0 : index
    %get3A_18 = tpu.vector_load %arg9[%get3A_16, %get3A_17] {strides = array<i32>} : memref<32x16xf32, #tpu.memory_space<vmem>>, vector<1x16xf32>,
    %get3A_19 = vector.shape_cast %get3A_18 : vector<1x16xf32> to vector<16xf32>
    %get3A_20 = arith.constant 0 : i32
    %get3A_21 = arith.index_cast %get3A_20 : i32 to index
    %get3A_22 = arith.constant 0 : index
    %get3A_23 = tpu.vector_load %arg10[%get3A_21, %get3A_22] {strides = array<i32>} : memref<32x16xf32, #tpu.memory_space<vmem>>, vector<1x16xf32>,
    %get3A_24 = vector.shape_cast %get3A_23 : vector<1x16xf32> to vector<16xf32>
    %scan3A = arith.constant 0 : i32
    %scan3A_25 = arith.constant 0 : i32
    %scan3A_26 = arith.constant 64 : i32
    %scan3A_27 = arith.addi %scan3A_25, %scan3A_26 : i32
    %scan3A_28 = arith.constant 1 : i32
    %scan3A_29 = scf.for %scan3A_1118 = %scan3A_25 to %scan3A_27 step %scan3A_28 iter_args(%scan3A_1119 = %scan3A) -> (i32)  : i32 {
      %mul3A_1120 = arith.constant 16 : i32
      %mul3A_1121 = arith.muli %scan3A_1118, %mul3A_1120 : i32
      %get3A_1122 = arith.constant 0 : i32
      %get3A_1123 = arith.index_cast %get3A_1122 : i32 to index
      %get3A_1124 = arith.index_cast %mul3A_1121 : i32 to index
      %get3A_1125 = tpu.vector_load %arg11[%get3A_1123, %get3A_1124] {strides = array<i32>} : memref<32x1024xf32, #tpu.memory_space<vmem>>, vector<1x16xf32>,
      %get3A_1126 = vector.shape_cast %get3A_1125 : vector<1x16xf32> to vector<16xf32>
      %mul3A_1127 = arith.constant 16 : i32
      %mul3A_1128 = arith.muli %scan3A_1118, %mul3A_1127 : i32
      %get3A_1129 = arith.constant 0 : i32
      %get3A_1130 = arith.index_cast %get3A_1129 : i32 to index
      %get3A_1131 = arith.index_cast %mul3A_1128 : i32 to index
      %get3A_1132 = tpu.vector_load %arg12[%get3A_1130, %get3A_1131] {strides = array<i32>} : memref<32x1024xf32, #tpu.memory_space<vmem>>, vector<1x16xf32>,
      %get3A_1133 = vector.shape_cast %get3A_1132 : vector<1x16xf32> to vector<16xf32>
      %mul3A_1134 = arith.mulf %get3A_1126, %get3A_19 : vector<16xf32>
      %mul3A_1135 = arith.mulf %get3A_1133, %get3A_24 : vector<16xf32>
      %add3A_1136 = arith.addf %mul3A_1134, %mul3A_1135 : vector<16xf32>
      %mul3A_1137 = arith.constant 16 : i32
      %mul3A_1138 = arith.muli %scan3A_1118, %mul3A_1137 : i32
      %swap3A = arith.constant 0 : i32
      %swap3A_1139 = arith.index_cast %swap3A : i32 to index
      %swap3A_1140 = arith.index_cast %mul3A_1138 : i32 to index
      %swap3A_1141 = tpu.vector_load %arg13[%swap3A_1139, %swap3A_1140] {strides = array<i32>} : memref<32x1024xf32, #tpu.memory_space<vmem>>, vector<1x16xf32>,
      %swap3A_1142 = vector.shape_cast %swap3A_1141 : vector<1x16xf32> to vector<16xf32>
      %swap3A_1143 = vector.shape_cast %add3A_1136 : vector<16xf32> to vector<1x16xf32>
      tpu.vector_store %arg13[%swap3A_1139, %swap3A_1140], %swap3A_1143 {strides = array<i32>} : memref<32x1024xf32, #tpu.memory_space<vmem>>, vector<1x16xf32>,
      %scan3A_1144 = arith.constant 0 : i32
      scf.yield %scan3A_1144 : i32
    }
    %scan3A_30 = arith.constant 64 : i32
    %get3A_31 = arith.constant 1 : i32
    %get3A_32 = arith.index_cast %get3A_31 : i32 to index
    %get3A_33 = arith.constant 0 : index
    %get3A_34 = tpu.vector_load %arg9[%get3A_32, %get3A_33] {strides = array<i32>} : memref<32x16xf32, #tpu.memory_space<vmem>>, vector<1x16xf32>,
    %get3A_35 = vector.shape_cast %get3A_34 : vector<1x16xf32> to vector<16xf32>
    %get3A_36 = arith.constant 1 : i32
    %get3A_37 = arith.index_cast %get3A_36 : i32 to index
    %get3A_38 = arith.constant 0 : index
    %get3A_39 = tpu.vector_load %arg10[%get3A_37, %get3A_38] {strides = array<i32>} : memref<32x16xf32, #tpu.memory_space<vmem>>, vector<1x16xf32>,
    %get3A_40 = vector.shape_cast %get3A_39 : vector<1x16xf32> to vector<16xf32>
    %scan3A_41 = arith.constant 0 : i32
    %scan3A_42 = arith.constant 0 : i32
    %scan3A_43 = arith.constant 64 : i32
    %scan3A_44 = arith.addi %scan3A_42, %scan3A_43 : i32
    %scan3A_45 = arith.constant 1 : i32
    %scan3A_46 = scf.for %scan3A_1118 = %scan3A_42 to %scan3A_44 step %scan3A_45 iter_args(%scan3A_1119 = %scan3A_41) -> (i32)  : i32 {
      %mul3A_1120 = arith.constant 16 : i32
      %mul3A_1121 = arith.muli %scan3A_1118, %mul3A_1120 : i32
      %get3A_1122 = arith.constant 1 : i32
      %get3A_1123 = arith.index_cast %get3A_1122 : i32 to index
      %get3A_1124 = arith.index_cast %mul3A_1121 : i32 to index
      %get3A_1125 = tpu.vector_load %arg11[%get3A_1123, %get3A_1124] {strides = array<i32>} : memref<32x1024xf32, #tpu.memory_space<vmem>>, vector<1x16xf32>,
      %get3A_1126 = vector.shape_cast %get3A_1125 : vector<1x16xf32> to vector<16xf32>
      %mul3A_1127 = arith.constant 16 : i32
      %mul3A_1128 = arith.muli %scan3A_1118, %mul3A_1127 : i32
      %get3A_1129 = arith.constant 1 : i32
      %get3A_1130 = arith.index_cast %get3A_1129 : i32 to index
      %get3A_1131 = arith.index_cast %mul3A_1128 : i32 to index
      %get3A_1132 = tpu.vector_load %arg12[%get3A_1130, %get3A_1131] {strides = array<i32>} : memref<32x1024xf32, #tpu.memory_space<vmem>>, vector<1x16xf32>,
      %get3A_1133 = vector.shape_cast %get3A_1132 : vector<1x16xf32> to vector<16xf32>
      %mul3A_1134 = arith.mulf %get3A_1126, %get3A_35 : vector<16xf32>
      %mul3A_1135 = arith.mulf %get3A_1133, %get3A_40 : vector<16xf32>
      %add3A_1136 = arith.addf %mul3A_1134, %mul3A_1135 : vector<16xf32>
      %mul3A_1137 = arith.constant 16 : i32
      %mul3A_1138 = arith.muli %scan3A_1118, %mul3A_1137 : i32
      %swap3A = arith.constant 1 : i32
      %swap3A_1139 = arith.index_cast %swap3A : i32 to index
      %swap3A_1140 = arith.index_cast %mul3A_1138 : i32 to index
      %swap3A_1141 = tpu.vector_load %arg13[%swap3A_1139, %swap3A_1140] {strides = array<i32>} : memref<32x1024xf32, #tpu.memory_space<vmem>>, vector<1x16xf32>,
      %swap3A_1142 = vector.shape_cast %swap3A_1141 : vector<1x16xf32> to vector<16xf32>
      %swap3A_1143 = vector.shape_cast %add3A_1136 : vector<16xf32> to vector<1x16xf32>
      tpu.vector_store %arg13[%swap3A_1139, %swap3A_1140], %swap3A_1143 {strides = array<i32>} : memref<32x1024xf32, #tpu.memory_space<vmem>>, vector<1x16xf32>,
      %scan3A_1144 = arith.constant 0 : i32
      scf.yield %scan3A_1144 : i32
    }
    %scan3A_47 = arith.constant 64 : i32
    %get3A_48 = arith.constant 2 : i32
    %get3A_49 = arith.index_cast %get3A_48 : i32 to index
    %get3A_50 = arith.constant 0 : index
    %get3A_51 = tpu.vector_load %arg9[%get3A_49, %get3A_50] {strides = array<i32>} : memref<32x16xf32, #tpu.memory_space<vmem>>, vector<1x16xf32>,
    %get3A_52 = vector.shape_cast %get3A_51 : vector<1x16xf32> to vector<16xf32>
    %get3A_53 = arith.constant 2 : i32
    %get3A_54 = arith.index_cast %get3A_53 : i32 to index
    %get3A_55 = arith.constant 0 : index
    %get3A_56 = tpu.vector_load %arg10[%get3A_54, %get3A_55] {strides = array<i32>} : memref<32x16xf32, #tpu.memory_space<vmem>>, vector<1x16xf32>,
    %get3A_57 = vector.shape_cast %get3A_56 : vector<1x16xf32> to vector<16xf32>
    %scan3A_58 = arith.constant 0 : i32
    %scan3A_59 = arith.constant 0 : i32
    %scan3A_60 = arith.constant 64 : i32
    %scan3A_61 = arith.addi %scan3A_59, %scan3A_60 : i32
    %scan3A_62 = arith.constant 1 : i32
    %scan3A_63 = scf.for %scan3A_1118 = %scan3A_59 to %scan3A_61 step %scan3A_62 iter_args(%scan3A_1119 = %scan3A_58) -> (i32)  : i32 {
      %mul3A_1120 = arith.constant 16 : i32
      %mul3A_1121 = arith.muli %scan3A_1118, %mul3A_1120 : i32
      %get3A_1122 = arith.constant 2 : i32
      %get3A_1123 = arith.index_cast %get3A_1122 : i32 to index
      %get3A_1124 = arith.index_cast %mul3A_1121 : i32 to index
      %get3A_1125 = tpu.vector_load %arg11[%get3A_1123, %get3A_1124] {strides = array<i32>} : memref<32x1024xf32, #tpu.memory_space<vmem>>, vector<1x16xf32>,
      %get3A_1126 = vector.shape_cast %get3A_1125 : vector<1x16xf32> to vector<16xf32>
      %mul3A_1127 = arith.constant 16 : i32
      %mul3A_1128 = arith.muli %scan3A_1118, %mul3A_1127 : i32
      %get3A_1129 = arith.constant 2 : i32
      %get3A_1130 = arith.index_cast %get3A_1129 : i32 to index
      %get3A_1131 = arith.index_cast %mul3A_1128 : i32 to index
      %get3A_1132 = tpu.vector_load %arg12[%get3A_1130, %get3A_1131] {strides = array<i32>} : memref<32x1024xf32, #tpu.memory_space<vmem>>, vector<1x16xf32>,
      %get3A_1133 = vector.shape_cast %get3A_1132 : vector<1x16xf32> to vector<16xf32>
      %mul3A_1134 = arith.mulf %get3A_1126, %get3A_52 : vector<16xf32>
      %mul3A_1135 = arith.mulf %get3A_1133, %get3A_57 : vector<16xf32>
      %add3A_1136 = arith.addf %mul3A_1134, %mul3A_1135 : vector<16xf32>
      %mul3A_1137 = arith.constant 16 : i32
      %mul3A_1138 = arith.muli %scan3A_1118, %mul3A_1137 : i32
      %swap3A = arith.constant 2 : i32
      %swap3A_1139 = arith.index_cast %swap3A : i32 to index
      %swap3A_1140 = arith.index_cast %mul3A_1138 : i32 to index
      %swap3A_1141 = tpu.vector_load %arg13[%swap3A_1139, %swap3A_1140] {strides = array<i32>} : memref<32x1024xf32, #tpu.memory_space<vmem>>, vector<1x16xf32>,
      %swap3A_1142 = vector.shape_cast %swap3A_1141 : vector<1x16xf32> to vector<16xf32>
      %swap3A_1143 = vector.shape_cast %add3A_1136 : vector<16xf32> to vector<1x16xf32>
      tpu.vector_store %arg13[%swap3A_1139, %swap3A_1140], %swap3A_1143 {strides = array<i32>} : memref<32x1024xf32, #tpu.memory_space<vmem>>, vector<1x16xf32>,
      %scan3A_1144 = arith.constant 0 : i32
      scf.yield %scan3A_1144 : i32
    }
    %scan3A_64 = arith.constant 64 : i32
    %get3A_65 = arith.constant 3 : i32
    %get3A_66 = arith.index_cast %get3A_65 : i32 to index
    %get3A_67 = arith.constant 0 : index
    %get3A_68 = tpu.vector_load %arg9[%get3A_66, %get3A_67] {strides = array<i32>} : memref<32x16xf32, #tpu.memory_space<vmem>>, vector<1x16xf32>,
    %get3A_69 = vector.shape_cast %get3A_68 : vector<1x16xf32> to vector<16xf32>
    %get3A_70 = arith.constant 3 : i32
    %get3A_71 = arith.index_cast %get3A_70 : i32 to index
    %get3A_72 = arith.constant 0 : index
    %get3A_73 = tpu.vector_load %arg10[%get3A_71, %get3A_72] {strides = array<i32>} : memref<32x16xf32, #tpu.memory_space<vmem>>, vector<1x16xf32>,
    %get3A_74 = vector.shape_cast %get3A_73 : vector<1x16xf32> to vector<16xf32>
    %scan3A_75 = arith.constant 0 : i32
    %scan3A_76 = arith.constant 0 : i32
    %scan3A_77 = arith.constant 64 : i32
    %scan3A_78 = arith.addi %scan3A_76, %scan3A_77 : i32
    %scan3A_79 = arith.constant 1 : i32
    %scan3A_80 = scf.for %scan3A_1118 = %scan3A_76 to %scan3A_78 step %scan3A_79 iter_args(%scan3A_1119 = %scan3A_75) -> (i32)  : i32 {
      %mul3A_1120 = arith.constant 16 : i32
      %mul3A_1121 = arith.muli %scan3A_1118, %mul3A_1120 : i32
      %get3A_1122 = arith.constant 3 : i32
      %get3A_1123 = arith.index_cast %get3A_1122 : i32 to index
      %get3A_1124 = arith.index_cast %mul3A_1121 : i32 to index
      %get3A_1125 = tpu.vector_load %arg11[%get3A_1123, %get3A_1124] {strides = array<i32>} : memref<32x1024xf32, #tpu.memory_space<vmem>>, vector<1x16xf32>,
      %get3A_1126 = vector.shape_cast %get3A_1125 : vector<1x16xf32> to vector<16xf32>
      %mul3A_1127 = arith.constant 16 : i32
      %mul3A_1128 = arith.muli %scan3A_1118, %mul3A_1127 : i32
      %get3A_1129 = arith.constant 3 : i32
      %get3A_1130 = arith.index_cast %get3A_1129 : i32 to index
      %get3A_1131 = arith.index_cast %mul3A_1128 : i32 to index
      %get3A_1132 = tpu.vector_load %arg12[%get3A_1130, %get3A_1131] {strides = array<i32>} : memref<32x1024xf32, #tpu.memory_space<vmem>>, vector<1x16xf32>,
      %get3A_1133 = vector.shape_cast %get3A_1132 : vector<1x16xf32> to vector<16xf32>
      %mul3A_1134 = arith.mulf %get3A_1126, %get3A_69 : vector<16xf32>
      %mul3A_1135 = arith.mulf %get3A_1133, %get3A_74 : vector<16xf32>
      %add3A_1136 = arith.addf %mul3A_1134, %mul3A_1135 : vector<16xf32>
      %mul3A_1137 = arith.constant 16 : i32
      %mul3A_1138 = arith.muli %scan3A_1118, %mul3A_1137 : i32
      %swap3A = arith.constant 3 : i32
      %swap3A_1139 = arith.index_cast %swap3A : i32 to index
      %swap3A_1140 = arith.index_cast %mul3A_1138 : i32 to index
      %swap3A_1141 = tpu.vector_load %arg13[%swap3A_1139, %swap3A_1140] {strides = array<i32>} : memref<32x1024xf32, #tpu.memory_space<vmem>>, vector<1x16xf32>,
      %swap3A_1142 = vector.shape_cast %swap3A_1141 : vector<1x16xf32> to vector<16xf32>
      %swap3A_1143 = vector.shape_cast %add3A_1136 : vector<16xf32> to vector<1x16xf32>
      tpu.vector_store %arg13[%swap3A_1139, %swap3A_1140], %swap3A_1143 {strides = array<i32>} : memref<32x1024xf32, #tpu.memory_space<vmem>>, vector<1x16xf32>,
      %scan3A_1144 = arith.constant 0 : i32
      scf.yield %scan3A_1144 : i32
    }
    %scan3A_81 = arith.constant 64 : i32
    %get3A_82 = arith.constant 4 : i32
    %get3A_83 = arith.index_cast %get3A_82 : i32 to index
    %get3A_84 = arith.constant 0 : index
    %get3A_85 = tpu.vector_load %arg9[%get3A_83, %get3A_84] {strides = array<i32>} : memref<32x16xf32, #tpu.memory_space<vmem>>, vector<1x16xf32>,
    %get3A_86 = vector.shape_cast %get3A_85 : vector<1x16xf32> to vector<16xf32>
    %get3A_87 = arith.constant 4 : i32
    %get3A_88 = arith.index_cast %get3A_87 : i32 to index
    %get3A_89 = arith.constant 0 : index
    %get3A_90 = tpu.vector_load %arg10[%get3A_88, %get3A_89] {strides = array<i32>} : memref<32x16xf32, #tpu.memory_space<vmem>>, vector<1x16xf32>,
    %get3A_91 = vector.shape_cast %get3A_90 : vector<1x16xf32> to vector<16xf32>
    %scan3A_92 = arith.constant 0 : i32
    %scan3A_93 = arith.constant 0 : i32
    %scan3A_94 = arith.constant 64 : i32
    %scan3A_95 = arith.addi %scan3A_93, %scan3A_94 : i32
    %scan3A_96 = arith.constant 1 : i32
    %scan3A_97 = scf.for %scan3A_1118 = %scan3A_93 to %scan3A_95 step %scan3A_96 iter_args(%scan3A_1119 = %scan3A_92) -> (i32)  : i32 {
      %mul3A_1120 = arith.constant 16 : i32
      %mul3A_1121 = arith.muli %scan3A_1118, %mul3A_1120 : i32
      %get3A_1122 = arith.constant 4 : i32
      %get3A_1123 = arith.index_cast %get3A_1122 : i32 to index
      %get3A_1124 = arith.index_cast %mul3A_1121 : i32 to index
      %get3A_1125 = tpu.vector_load %arg11[%get3A_1123, %get3A_1124] {strides = array<i32>} : memref<32x1024xf32, #tpu.memory_space<vmem>>, vector<1x16xf32>,
      %get3A_1126 = vector.shape_cast %get3A_1125 : vector<1x16xf32> to vector<16xf32>
      %mul3A_1127 = arith.constant 16 : i32
      %mul3A_1128 = arith.muli %scan3A_1118, %mul3A_1127 : i32
      %get3A_1129 = arith.constant 4 : i32
      %get3A_1130 = arith.index_cast %get3A_1129 : i32 to index
      %get3A_1131 = arith.index_cast %mul3A_1128 : i32 to index
      %get3A_1132 = tpu.vector_load %arg12[%get3A_1130, %get3A_1131] {strides = array<i32>} : memref<32x1024xf32, #tpu.memory_space<vmem>>, vector<1x16xf32>,
      %get3A_1133 = vector.shape_cast %get3A_1132 : vector<1x16xf32> to vector<16xf32>
      %mul3A_1134 = arith.mulf %get3A_1126, %get3A_86 : vector<16xf32>
      %mul3A_1135 = arith.mulf %get3A_1133, %get3A_91 : vector<16xf32>
      %add3A_1136 = arith.addf %mul3A_1134, %mul3A_1135 : vector<16xf32>
      %mul3A_1137 = arith.constant 16 : i32
      %mul3A_1138 = arith.muli %scan3A_1118, %mul3A_1137 : i32
      %swap3A = arith.constant 4 : i32
      %swap3A_1139 = arith.index_cast %swap3A : i32 to index
      %swap3A_1140 = arith.index_cast %mul3A_1138 : i32 to index
      %swap3A_1141 = tpu.vector_load %arg13[%swap3A_1139, %swap3A_1140] {strides = array<i32>} : memref<32x1024xf32, #tpu.memory_space<vmem>>, vector<1x16xf32>,
      %swap3A_1142 = vector.shape_cast %swap3A_1141 : vector<1x16xf32> to vector<16xf32>
      %swap3A_1143 = vector.shape_cast %add3A_1136 : vector<16xf32> to vector<1x16xf32>
      tpu.vector_store %arg13[%swap3A_1139, %swap3A_1140], %swap3A_1143 {strides = array<i32>} : memref<32x1024xf32, #tpu.memory_space<vmem>>, vector<1x16xf32>,
      %scan3A_1144 = arith.constant 0 : i32
      scf.yield %scan3A_1144 : i32
    }
    %scan3A_98 = arith.constant 64 : i32
    %get3A_99 = arith.constant 5 : i32
    %get3A_100 = arith.index_cast %get3A_99 : i32 to index
    %get3A_101 = arith.constant 0 : index
    %get3A_102 = tpu.vector_load %arg9[%get3A_100, %get3A_101] {strides = array<i32>} : memref<32x16xf32, #tpu.memory_space<vmem>>, vector<1x16xf32>,
    %get3A_103 = vector.shape_cast %get3A_102 : vector<1x16xf32> to vector<16xf32>
    %get3A_104 = arith.constant 5 : i32
    %get3A_105 = arith.index_cast %get3A_104 : i32 to index
    %get3A_106 = arith.constant 0 : index
    %get3A_107 = tpu.vector_load %arg10[%get3A_105, %get3A_106] {strides = array<i32>} : memref<32x16xf32, #tpu.memory_space<vmem>>, vector<1x16xf32>,
    %get3A_108 = vector.shape_cast %get3A_107 : vector<1x16xf32> to vector<16xf32>
    %scan3A_109 = arith.constant 0 : i32
    %scan3A_110 = arith.constant 0 : i32
    %scan3A_111 = arith.constant 64 : i32
    %scan3A_112 = arith.addi %scan3A_110, %scan3A_111 : i32
    %scan3A_113 = arith.constant 1 : i32
    %scan3A_114 = scf.for %scan3A_1118 = %scan3A_110 to %scan3A_112 step %scan3A_113 iter_args(%scan3A_1119 = %scan3A_109) -> (i32)  : i32 {
      %mul3A_1120 = arith.constant 16 : i32
      %mul3A_1121 = arith.muli %scan3A_1118, %mul3A_1120 : i32
      %get3A_1122 = arith.constant 5 : i32
      %get3A_1123 = arith.index_cast %get3A_1122 : i32 to index
      %get3A_1124 = arith.index_cast %mul3A_1121 : i32 to index
      %get3A_1125 = tpu.vector_load %arg11[%get3A_1123, %get3A_1124] {strides = array<i32>} : memref<32x1024xf32, #tpu.memory_space<vmem>>, vector<1x16xf32>,
      %get3A_1126 = vector.shape_cast %get3A_1125 : vector<1x16xf32> to vector<16xf32>
      %mul3A_1127 = arith.constant 16 : i32
      %mul3A_1128 = arith.muli %scan3A_1118, %mul3A_1127 : i32
      %get3A_1129 = arith.constant 5 : i32
      %get3A_1130 = arith.index_cast %get3A_1129 : i32 to index
      %get3A_1131 = arith.index_cast %mul3A_1128 : i32 to index
      %get3A_1132 = tpu.vector_load %arg12[%get3A_1130, %get3A_1131] {strides = array<i32>} : memref<32x1024xf32, #tpu.memory_space<vmem>>, vector<1x16xf32>,
      %get3A_1133 = vector.shape_cast %get3A_1132 : vector<1x16xf32> to vector<16xf32>
      %mul3A_1134 = arith.mulf %get3A_1126, %get3A_103 : vector<16xf32>
      %mul3A_1135 = arith.mulf %get3A_1133, %get3A_108 : vector<16xf32>
      %add3A_1136 = arith.addf %mul3A_1134, %mul3A_1135 : vector<16xf32>
      %mul3A_1137 = arith.constant 16 : i32
      %mul3A_1138 = arith.muli %scan3A_1118, %mul3A_1137 : i32
      %swap3A = arith.constant 5 : i32
      %swap3A_1139 = arith.index_cast %swap3A : i32 to index
      %swap3A_1140 = arith.index_cast %mul3A_1138 : i32 to index
      %swap3A_1141 = tpu.vector_load %arg13[%swap3A_1139, %swap3A_1140] {strides = array<i32>} : memref<32x1024xf32, #tpu.memory_space<vmem>>, vector<1x16xf32>,
      %swap3A_1142 = vector.shape_cast %swap3A_1141 : vector<1x16xf32> to vector<16xf32>
      %swap3A_1143 = vector.shape_cast %add3A_1136 : vector<16xf32> to vector<1x16xf32>
      tpu.vector_store %arg13[%swap3A_1139, %swap3A_1140], %swap3A_1143 {strides = array<i32>} : memref<32x1024xf32, #tpu.memory_space<vmem>>, vector<1x16xf32>,
      %scan3A_1144 = arith.constant 0 : i32
      scf.yield %scan3A_1144 : i32
    }
    %scan3A_115 = arith.constant 64 : i32
    %get3A_116 = arith.constant 6 : i32
    %get3A_117 = arith.index_cast %get3A_116 : i32 to index
    %get3A_118 = arith.constant 0 : index
    %get3A_119 = tpu.vector_load %arg9[%get3A_117, %get3A_118] {strides = array<i32>} : memref<32x16xf32, #tpu.memory_space<vmem>>, vector<1x16xf32>,
    %get3A_120 = vector.shape_cast %get3A_119 : vector<1x16xf32> to vector<16xf32>
    %get3A_121 = arith.constant 6 : i32
    %get3A_122 = arith.index_cast %get3A_121 : i32 to index
    %get3A_123 = arith.constant 0 : index
    %get3A_124 = tpu.vector_load %arg10[%get3A_122, %get3A_123] {strides = array<i32>} : memref<32x16xf32, #tpu.memory_space<vmem>>, vector<1x16xf32>,
    %get3A_125 = vector.shape_cast %get3A_124 : vector<1x16xf32> to vector<16xf32>
    %scan3A_126 = arith.constant 0 : i32
    %scan3A_127 = arith.constant 0 : i32
    %scan3A_128 = arith.constant 64 : i32
    %scan3A_129 = arith.addi %scan3A_127, %scan3A_128 : i32
    %scan3A_130 = arith.constant 1 : i32
    %scan3A_131 = scf.for %scan3A_1118 = %scan3A_127 to %scan3A_129 step %scan3A_130 iter_args(%scan3A_1119 = %scan3A_126) -> (i32)  : i32 {
      %mul3A_1120 = arith.constant 16 : i32
      %mul3A_1121 = arith.muli %scan3A_1118, %mul3A_1120 : i32
      %get3A_1122 = arith.constant 6 : i32
      %get3A_1123 = arith.index_cast %get3A_1122 : i32 to index
      %get3A_1124 = arith.index_cast %mul3A_1121 : i32 to index
      %get3A_1125 = tpu.vector_load %arg11[%get3A_1123, %get3A_1124] {strides = array<i32>} : memref<32x1024xf32, #tpu.memory_space<vmem>>, vector<1x16xf32>,
      %get3A_1126 = vector.shape_cast %get3A_1125 : vector<1x16xf32> to vector<16xf32>
      %mul3A_1127 = arith.constant 16 : i32
      %mul3A_1128 = arith.muli %scan3A_1118, %mul3A_1127 : i32
      %get3A_1129 = arith.constant 6 : i32
      %get3A_1130 = arith.index_cast %get3A_1129 : i32 to index
      %get3A_1131 = arith.index_cast %mul3A_1128 : i32 to index
      %get3A_1132 = tpu.vector_load %arg12[%get3A_1130, %get3A_1131] {strides = array<i32>} : memref<32x1024xf32, #tpu.memory_space<vmem>>, vector<1x16xf32>,
      %get3A_1133 = vector.shape_cast %get3A_1132 : vector<1x16xf32> to vector<16xf32>
      %mul3A_1134 = arith.mulf %get3A_1126, %get3A_120 : vector<16xf32>
      %mul3A_1135 = arith.mulf %get3A_1133, %get3A_125 : vector<16xf32>
      %add3A_1136 = arith.addf %mul3A_1134, %mul3A_1135 : vector<16xf32>
      %mul3A_1137 = arith.constant 16 : i32
      %mul3A_1138 = arith.muli %scan3A_1118, %mul3A_1137 : i32
      %swap3A = arith.constant 6 : i32
      %swap3A_1139 = arith.index_cast %swap3A : i32 to index
      %swap3A_1140 = arith.index_cast %mul3A_1138 : i32 to index
      %swap3A_1141 = tpu.vector_load %arg13[%swap3A_1139, %swap3A_1140] {strides = array<i32>} : memref<32x1024xf32, #tpu.memory_space<vmem>>, vector<1x16xf32>,
      %swap3A_1142 = vector.shape_cast %swap3A_1141 : vector<1x16xf32> to vector<16xf32>
      %swap3A_1143 = vector.shape_cast %add3A_1136 : vector<16xf32> to vector<1x16xf32>
      tpu.vector_store %arg13[%swap3A_1139, %swap3A_1140], %swap3A_1143 {strides = array<i32>} : memref<32x1024xf32, #tpu.memory_space<vmem>>, vector<1x16xf32>,
      %scan3A_1144 = arith.constant 0 : i32
      scf.yield %scan3A_1144 : i32
    }
    %scan3A_132 = arith.constant 64 : i32
    %get3A_133 = arith.constant 7 : i32
    %get3A_134 = arith.index_cast %get3A_133 : i32 to index
    %get3A_135 = arith.constant 0 : index
    %get3A_136 = tpu.vector_load %arg9[%get3A_134, %get3A_135] {strides = array<i32>} : memref<32x16xf32, #tpu.memory_space<vmem>>, vector<1x16xf32>,
    %get3A_137 = vector.shape_cast %get3A_136 : vector<1x16xf32> to vector<16xf32>
    %get3A_138 = arith.constant 7 : i32
    %get3A_139 = arith.index_cast %get3A_138 : i32 to index
    %get3A_140 = arith.constant 0 : index
    %get3A_141 = tpu.vector_load %arg10[%get3A_139, %get3A_140] {strides = array<i32>} : memref<32x16xf32, #tpu.memory_space<vmem>>, vector<1x16xf32>,
    %get3A_142 = vector.shape_cast %get3A_141 : vector<1x16xf32> to vector<16xf32>
    %scan3A_143 = arith.constant 0 : i32
    %scan3A_144 = arith.constant 0 : i32
    %scan3A_145 = arith.constant 64 : i32
    %scan3A_146 = arith.addi %scan3A_144, %scan3A_145 : i32
    %scan3A_147 = arith.constant 1 : i32
    %scan3A_148 = scf.for %scan3A_1118 = %scan3A_144 to %scan3A_146 step %scan3A_147 iter_args(%scan3A_1119 = %scan3A_143) -> (i32)  : i32 {
      %mul3A_1120 = arith.constant 16 : i32
      %mul3A_1121 = arith.muli %scan3A_1118, %mul3A_1120 : i32
      %get3A_1122 = arith.constant 7 : i32
      %get3A_1123 = arith.index_cast %get3A_1122 : i32 to index
      %get3A_1124 = arith.index_cast %mul3A_1121 : i32 to index
      %get3A_1125 = tpu.vector_load %arg11[%get3A_1123, %get3A_1124] {strides = array<i32>} : memref<32x1024xf32, #tpu.memory_space<vmem>>, vector<1x16xf32>,
      %get3A_1126 = vector.shape_cast %get3A_1125 : vector<1x16xf32> to vector<16xf32>
      %mul3A_1127 = arith.constant 16 : i32
      %mul3A_1128 = arith.muli %scan3A_1118, %mul3A_1127 : i32
      %get3A_1129 = arith.constant 7 : i32
      %get3A_1130 = arith.index_cast %get3A_1129 : i32 to index
      %get3A_1131 = arith.index_cast %mul3A_1128 : i32 to index
      %get3A_1132 = tpu.vector_load %arg12[%get3A_1130, %get3A_1131] {strides = array<i32>} : memref<32x1024xf32, #tpu.memory_space<vmem>>, vector<1x16xf32>,
      %get3A_1133 = vector.shape_cast %get3A_1132 : vector<1x16xf32> to vector<16xf32>
      %mul3A_1134 = arith.mulf %get3A_1126, %get3A_137 : vector<16xf32>
      %mul3A_1135 = arith.mulf %get3A_1133, %get3A_142 : vector<16xf32>
      %add3A_1136 = arith.addf %mul3A_1134, %mul3A_1135 : vector<16xf32>
      %mul3A_1137 = arith.constant 16 : i32
      %mul3A_1138 = arith.muli %scan3A_1118, %mul3A_1137 : i32
      %swap3A = arith.constant 7 : i32
      %swap3A_1139 = arith.index_cast %swap3A : i32 to index
      %swap3A_1140 = arith.index_cast %mul3A_1138 : i32 to index
      %swap3A_1141 = tpu.vector_load %arg13[%swap3A_1139, %swap3A_1140] {strides = array<i32>} : memref<32x1024xf32, #tpu.memory_space<vmem>>, vector<1x16xf32>,
      %swap3A_1142 = vector.shape_cast %swap3A_1141 : vector<1x16xf32> to vector<16xf32>
      %swap3A_1143 = vector.shape_cast %add3A_1136 : vector<16xf32> to vector<1x16xf32>
      tpu.vector_store %arg13[%swap3A_1139, %swap3A_1140], %swap3A_1143 {strides = array<i32>} : memref<32x1024xf32, #tpu.memory_space<vmem>>, vector<1x16xf32>,
      %scan3A_1144 = arith.constant 0 : i32
      scf.yield %scan3A_1144 : i32
    }
    %scan3A_149 = arith.constant 64 : i32
    %get3A_150 = arith.constant 8 : i32
    %get3A_151 = arith.index_cast %get3A_150 : i32 to index
    %get3A_152 = arith.constant 0 : index
    %get3A_153 = tpu.vector_load %arg9[%get3A_151, %get3A_152] {strides = array<i32>} : memref<32x16xf32, #tpu.memory_space<vmem>>, vector<1x16xf32>,
    %get3A_154 = vector.shape_cast %get3A_153 : vector<1x16xf32> to vector<16xf32>
    %get3A_155 = arith.constant 8 : i32
    %get3A_156 = arith.index_cast %get3A_155 : i32 to index
    %get3A_157 = arith.constant 0 : index
    %get3A_158 = tpu.vector_load %arg10[%get3A_156, %get3A_157] {strides = array<i32>} : memref<32x16xf32, #tpu.memory_space<vmem>>, vector<1x16xf32>,
    %get3A_159 = vector.shape_cast %get3A_158 : vector<1x16xf32> to vector<16xf32>
    %scan3A_160 = arith.constant 0 : i32
    %scan3A_161 = arith.constant 0 : i32
    %scan3A_162 = arith.constant 64 : i32
    %scan3A_163 = arith.addi %scan3A_161, %scan3A_162 : i32
    %scan3A_164 = arith.constant 1 : i32
    %scan3A_165 = scf.for %scan3A_1118 = %scan3A_161 to %scan3A_163 step %scan3A_164 iter_args(%scan3A_1119 = %scan3A_160) -> (i32)  : i32 {
      %mul3A_1120 = arith.constant 16 : i32
      %mul3A_1121 = arith.muli %scan3A_1118, %mul3A_1120 : i32
      %get3A_1122 = arith.constant 8 : i32
      %get3A_1123 = arith.index_cast %get3A_1122 : i32 to index
      %get3A_1124 = arith.index_cast %mul3A_1121 : i32 to index
      %get3A_1125 = tpu.vector_load %arg11[%get3A_1123, %get3A_1124] {strides = array<i32>} : memref<32x1024xf32, #tpu.memory_space<vmem>>, vector<1x16xf32>,
      %get3A_1126 = vector.shape_cast %get3A_1125 : vector<1x16xf32> to vector<16xf32>
      %mul3A_1127 = arith.constant 16 : i32
      %mul3A_1128 = arith.muli %scan3A_1118, %mul3A_1127 : i32
      %get3A_1129 = arith.constant 8 : i32
      %get3A_1130 = arith.index_cast %get3A_1129 : i32 to index
      %get3A_1131 = arith.index_cast %mul3A_1128 : i32 to index
      %get3A_1132 = tpu.vector_load %arg12[%get3A_1130, %get3A_1131] {strides = array<i32>} : memref<32x1024xf32, #tpu.memory_space<vmem>>, vector<1x16xf32>,
      %get3A_1133 = vector.shape_cast %get3A_1132 : vector<1x16xf32> to vector<16xf32>
      %mul3A_1134 = arith.mulf %get3A_1126, %get3A_154 : vector<16xf32>
      %mul3A_1135 = arith.mulf %get3A_1133, %get3A_159 : vector<16xf32>
      %add3A_1136 = arith.addf %mul3A_1134, %mul3A_1135 : vector<16xf32>
      %mul3A_1137 = arith.constant 16 : i32
      %mul3A_1138 = arith.muli %scan3A_1118, %mul3A_1137 : i32
      %swap3A = arith.constant 8 : i32
      %swap3A_1139 = arith.index_cast %swap3A : i32 to index
      %swap3A_1140 = arith.index_cast %mul3A_1138 : i32 to index
      %swap3A_1141 = tpu.vector_load %arg13[%swap3A_1139, %swap3A_1140] {strides = array<i32>} : memref<32x1024xf32, #tpu.memory_space<vmem>>, vector<1x16xf32>,
      %swap3A_1142 = vector.shape_cast %swap3A_1141 : vector<1x16xf32> to vector<16xf32>
      %swap3A_1143 = vector.shape_cast %add3A_1136 : vector<16xf32> to vector<1x16xf32>
      tpu.vector_store %arg13[%swap3A_1139, %swap3A_1140], %swap3A_1143 {strides = array<i32>} : memref<32x1024xf32, #tpu.memory_space<vmem>>, vector<1x16xf32>,
      %scan3A_1144 = arith.constant 0 : i32
      scf.yield %scan3A_1144 : i32
    }
    %scan3A_166 = arith.constant 64 : i32
    %get3A_167 = arith.constant 9 : i32
    %get3A_168 = arith.index_cast %get3A_167 : i32 to index
    %get3A_169 = arith.constant 0 : index
    %get3A_170 = tpu.vector_load %arg9[%get3A_168, %get3A_169] {strides = array<i32>} : memref<32x16xf32, #tpu.memory_space<vmem>>, vector<1x16xf32>,
    %get3A_171 = vector.shape_cast %get3A_170 : vector<1x16xf32> to vector<16xf32>
    %get3A_172 = arith.constant 9 : i32
    %get3A_173 = arith.index_cast %get3A_172 : i32 to index
    %get3A_174 = arith.constant 0 : index
    %get3A_175 = tpu.vector_load %arg10[%get3A_173, %get3A_174] {strides = array<i32>} : memref<32x16xf32, #tpu.memory_space<vmem>>, vector<1x16xf32>,
    %get3A_176 = vector.shape_cast %get3A_175 : vector<1x16xf32> to vector<16xf32>
    %scan3A_177 = arith.constant 0 : i32
    %scan3A_178 = arith.constant 0 : i32
    %scan3A_179 = arith.constant 64 : i32
    %scan3A_180 = arith.addi %scan3A_178, %scan3A_179 : i32
    %scan3A_181 = arith.constant 1 : i32
    %scan3A_182 = scf.for %scan3A_1118 = %scan3A_178 to %scan3A_180 step %scan3A_181 iter_args(%scan3A_1119 = %scan3A_177) -> (i32)  : i32 {
      %mul3A_1120 = arith.constant 16 : i32
      %mul3A_1121 = arith.muli %scan3A_1118, %mul3A_1120 : i32
      %get3A_1122 = arith.constant 9 : i32
      %get3A_1123 = arith.index_cast %get3A_1122 : i32 to index
      %get3A_1124 = arith.index_cast %mul3A_1121 : i32 to index
      %get3A_1125 = tpu.vector_load %arg11[%get3A_1123, %get3A_1124] {strides = array<i32>} : memref<32x1024xf32, #tpu.memory_space<vmem>>, vector<1x16xf32>,
      %get3A_1126 = vector.shape_cast %get3A_1125 : vector<1x16xf32> to vector<16xf32>
      %mul3A_1127 = arith.constant 16 : i32
      %mul3A_1128 = arith.muli %scan3A_1118, %mul3A_1127 : i32
      %get3A_1129 = arith.constant 9 : i32
      %get3A_1130 = arith.index_cast %get3A_1129 : i32 to index
      %get3A_1131 = arith.index_cast %mul3A_1128 : i32 to index
      %get3A_1132 = tpu.vector_load %arg12[%get3A_1130, %get3A_1131] {strides = array<i32>} : memref<32x1024xf32, #tpu.memory_space<vmem>>, vector<1x16xf32>,
      %get3A_1133 = vector.shape_cast %get3A_1132 : vector<1x16xf32> to vector<16xf32>
      %mul3A_1134 = arith.mulf %get3A_1126, %get3A_171 : vector<16xf32>
      %mul3A_1135 = arith.mulf %get3A_1133, %get3A_176 : vector<16xf32>
      %add3A_1136 = arith.addf %mul3A_1134, %mul3A_1135 : vector<16xf32>
      %mul3A_1137 = arith.constant 16 : i32
      %mul3A_1138 = arith.muli %scan3A_1118, %mul3A_1137 : i32
      %swap3A = arith.constant 9 : i32
      %swap3A_1139 = arith.index_cast %swap3A : i32 to index
      %swap3A_1140 = arith.index_cast %mul3A_1138 : i32 to index
      %swap3A_1141 = tpu.vector_load %arg13[%swap3A_1139, %swap3A_1140] {strides = array<i32>} : memref<32x1024xf32, #tpu.memory_space<vmem>>, vector<1x16xf32>,
      %swap3A_1142 = vector.shape_cast %swap3A_1141 : vector<1x16xf32> to vector<16xf32>
      %swap3A_1143 = vector.shape_cast %add3A_1136 : vector<16xf32> to vector<1x16xf32>
      tpu.vector_store %arg13[%swap3A_1139, %swap3A_1140], %swap3A_1143 {strides = array<i32>} : memref<32x1024xf32, #tpu.memory_space<vmem>>, vector<1x16xf32>,
      %scan3A_1144 = arith.constant 0 : i32
      scf.yield %scan3A_1144 : i32
    }
    %scan3A_183 = arith.constant 64 : i32
    %get3A_184 = arith.constant 10 : i32
    %get3A_185 = arith.index_cast %get3A_184 : i32 to index
    %get3A_186 = arith.constant 0 : index
    %get3A_187 = tpu.vector_load %arg9[%get3A_185, %get3A_186] {strides = array<i32>} : memref<32x16xf32, #tpu.memory_space<vmem>>, vector<1x16xf32>,
    %get3A_188 = vector.shape_cast %get3A_187 : vector<1x16xf32> to vector<16xf32>
    %get3A_189 = arith.constant 10 : i32
    %get3A_190 = arith.index_cast %get3A_189 : i32 to index
    %get3A_191 = arith.constant 0 : index
    %get3A_192 = tpu.vector_load %arg10[%get3A_190, %get3A_191] {strides = array<i32>} : memref<32x16xf32, #tpu.memory_space<vmem>>, vector<1x16xf32>,
    %get3A_193 = vector.shape_cast %get3A_192 : vector<1x16xf32> to vector<16xf32>
    %scan3A_194 = arith.constant 0 : i32
    %scan3A_195 = arith.constant 0 : i32
    %scan3A_196 = arith.constant 64 : i32
    %scan3A_197 = arith.addi %scan3A_195, %scan3A_196 : i32
    %scan3A_198 = arith.constant 1 : i32
    %scan3A_199 = scf.for %scan3A_1118 = %scan3A_195 to %scan3A_197 step %scan3A_198 iter_args(%scan3A_1119 = %scan3A_194) -> (i32)  : i32 {
      %mul3A_1120 = arith.constant 16 : i32
      %mul3A_1121 = arith.muli %scan3A_1118, %mul3A_1120 : i32
      %get3A_1122 = arith.constant 10 : i32
      %get3A_1123 = arith.index_cast %get3A_1122 : i32 to index
      %get3A_1124 = arith.index_cast %mul3A_1121 : i32 to index
      %get3A_1125 = tpu.vector_load %arg11[%get3A_1123, %get3A_1124] {strides = array<i32>} : memref<32x1024xf32, #tpu.memory_space<vmem>>, vector<1x16xf32>,
      %get3A_1126 = vector.shape_cast %get3A_1125 : vector<1x16xf32> to vector<16xf32>
      %mul3A_1127 = arith.constant 16 : i32
      %mul3A_1128 = arith.muli %scan3A_1118, %mul3A_1127 : i32
      %get3A_1129 = arith.constant 10 : i32
      %get3A_1130 = arith.index_cast %get3A_1129 : i32 to index
      %get3A_1131 = arith.index_cast %mul3A_1128 : i32 to index
      %get3A_1132 = tpu.vector_load %arg12[%get3A_1130, %get3A_1131] {strides = array<i32>} : memref<32x1024xf32, #tpu.memory_space<vmem>>, vector<1x16xf32>,
      %get3A_1133 = vector.shape_cast %get3A_1132 : vector<1x16xf32> to vector<16xf32>
      %mul3A_1134 = arith.mulf %get3A_1126, %get3A_188 : vector<16xf32>
      %mul3A_1135 = arith.mulf %get3A_1133, %get3A_193 : vector<16xf32>
      %add3A_1136 = arith.addf %mul3A_1134, %mul3A_1135 : vector<16xf32>
      %mul3A_1137 = arith.constant 16 : i32
      %mul3A_1138 = arith.muli %scan3A_1118, %mul3A_1137 : i32
      %swap3A = arith.constant 10 : i32
      %swap3A_1139 = arith.index_cast %swap3A : i32 to index
      %swap3A_1140 = arith.index_cast %mul3A_1138 : i32 to index
      %swap3A_1141 = tpu.vector_load %arg13[%swap3A_1139, %swap3A_1140] {strides = array<i32>} : memref<32x1024xf32, #tpu.memory_space<vmem>>, vector<1x16xf32>,
      %swap3A_1142 = vector.shape_cast %swap3A_1141 : vector<1x16xf32> to vector<16xf32>
      %swap3A_1143 = vector.shape_cast %add3A_1136 : vector<16xf32> to vector<1x16xf32>
      tpu.vector_store %arg13[%swap3A_1139, %swap3A_1140], %swap3A_1143 {strides = array<i32>} : memref<32x1024xf32, #tpu.memory_space<vmem>>, vector<1x16xf32>,
      %scan3A_1144 = arith.constant 0 : i32
      scf.yield %scan3A_1144 : i32
    }
    %scan3A_200 = arith.constant 64 : i32
    %get3A_201 = arith.constant 11 : i32
    %get3A_202 = arith.index_cast %get3A_201 : i32 to index
    %get3A_203 = arith.constant 0 : index
    %get3A_204 = tpu.vector_load %arg9[%get3A_202, %get3A_203] {strides = array<i32>} : memref<32x16xf32, #tpu.memory_space<vmem>>, vector<1x16xf32>,
    %get3A_205 = vector.shape_cast %get3A_204 : vector<1x16xf32> to vector<16xf32>
    %get3A_206 = arith.constant 11 : i32
    %get3A_207 = arith.index_cast %get3A_206 : i32 to index
    %get3A_208 = arith.constant 0 : index
    %get3A_209 = tpu.vector_load %arg10[%get3A_207, %get3A_208] {strides = array<i32>} : memref<32x16xf32, #tpu.memory_space<vmem>>, vector<1x16xf32>,
    %get3A_210 = vector.shape_cast %get3A_209 : vector<1x16xf32> to vector<16xf32>
    %scan3A_211 = arith.constant 0 : i32
    %scan3A_212 = arith.constant 0 : i32
    %scan3A_213 = arith.constant 64 : i32
    %scan3A_214 = arith.addi %scan3A_212, %scan3A_213 : i32
    %scan3A_215 = arith.constant 1 : i32
    %scan3A_216 = scf.for %scan3A_1118 = %scan3A_212 to %scan3A_214 step %scan3A_215 iter_args(%scan3A_1119 = %scan3A_211) -> (i32)  : i32 {
      %mul3A_1120 = arith.constant 16 : i32
      %mul3A_1121 = arith.muli %scan3A_1118, %mul3A_1120 : i32
      %get3A_1122 = arith.constant 11 : i32
      %get3A_1123 = arith.index_cast %get3A_1122 : i32 to index
      %get3A_1124 = arith.index_cast %mul3A_1121 : i32 to index
      %get3A_1125 = tpu.vector_load %arg11[%get3A_1123, %get3A_1124] {strides = array<i32>} : memref<32x1024xf32, #tpu.memory_space<vmem>>, vector<1x16xf32>,
      %get3A_1126 = vector.shape_cast %get3A_1125 : vector<1x16xf32> to vector<16xf32>
      %mul3A_1127 = arith.constant 16 : i32
      %mul3A_1128 = arith.muli %scan3A_1118, %mul3A_1127 : i32
      %get3A_1129 = arith.constant 11 : i32
      %get3A_1130 = arith.index_cast %get3A_1129 : i32 to index
      %get3A_1131 = arith.index_cast %mul3A_1128 : i32 to index
      %get3A_1132 = tpu.vector_load %arg12[%get3A_1130, %get3A_1131] {strides = array<i32>} : memref<32x1024xf32, #tpu.memory_space<vmem>>, vector<1x16xf32>,
      %get3A_1133 = vector.shape_cast %get3A_1132 : vector<1x16xf32> to vector<16xf32>
      %mul3A_1134 = arith.mulf %get3A_1126, %get3A_205 : vector<16xf32>
      %mul3A_1135 = arith.mulf %get3A_1133, %get3A_210 : vector<16xf32>
      %add3A_1136 = arith.addf %mul3A_1134, %mul3A_1135 : vector<16xf32>
      %mul3A_1137 = arith.constant 16 : i32
      %mul3A_1138 = arith.muli %scan3A_1118, %mul3A_1137 : i32
      %swap3A = arith.constant 11 : i32
      %swap3A_1139 = arith.index_cast %swap3A : i32 to index
      %swap3A_1140 = arith.index_cast %mul3A_1138 : i32 to index
      %swap3A_1141 = tpu.vector_load %arg13[%swap3A_1139, %swap3A_1140] {strides = array<i32>} : memref<32x1024xf32, #tpu.memory_space<vmem>>, vector<1x16xf32>,
      %swap3A_1142 = vector.shape_cast %swap3A_1141 : vector<1x16xf32> to vector<16xf32>
      %swap3A_1143 = vector.shape_cast %add3A_1136 : vector<16xf32> to vector<1x16xf32>
      tpu.vector_store %arg13[%swap3A_1139, %swap3A_1140], %swap3A_1143 {strides = array<i32>} : memref<32x1024xf32, #tpu.memory_space<vmem>>, vector<1x16xf32>,
      %scan3A_1144 = arith.constant 0 : i32
      scf.yield %scan3A_1144 : i32
    }
    %scan3A_217 = arith.constant 64 : i32
    %get3A_218 = arith.constant 12 : i32
    %get3A_219 = arith.index_cast %get3A_218 : i32 to index
    %get3A_220 = arith.constant 0 : index
    %get3A_221 = tpu.vector_load %arg9[%get3A_219, %get3A_220] {strides = array<i32>} : memref<32x16xf32, #tpu.memory_space<vmem>>, vector<1x16xf32>,
    %get3A_222 = vector.shape_cast %get3A_221 : vector<1x16xf32> to vector<16xf32>
    %get3A_223 = arith.constant 12 : i32
    %get3A_224 = arith.index_cast %get3A_223 : i32 to index
    %get3A_225 = arith.constant 0 : index
    %get3A_226 = tpu.vector_load %arg10[%get3A_224, %get3A_225] {strides = array<i32>} : memref<32x16xf32, #tpu.memory_space<vmem>>, vector<1x16xf32>,
    %get3A_227 = vector.shape_cast %get3A_226 : vector<1x16xf32> to vector<16xf32>
    %scan3A_228 = arith.constant 0 : i32
    %scan3A_229 = arith.constant 0 : i32
    %scan3A_230 = arith.constant 64 : i32
    %scan3A_231 = arith.addi %scan3A_229, %scan3A_230 : i32
    %scan3A_232 = arith.constant 1 : i32
    %scan3A_233 = scf.for %scan3A_1118 = %scan3A_229 to %scan3A_231 step %scan3A_232 iter_args(%scan3A_1119 = %scan3A_228) -> (i32)  : i32 {
      %mul3A_1120 = arith.constant 16 : i32
      %mul3A_1121 = arith.muli %scan3A_1118, %mul3A_1120 : i32
      %get3A_1122 = arith.constant 12 : i32
      %get3A_1123 = arith.index_cast %get3A_1122 : i32 to index
      %get3A_1124 = arith.index_cast %mul3A_1121 : i32 to index
      %get3A_1125 = tpu.vector_load %arg11[%get3A_1123, %get3A_1124] {strides = array<i32>} : memref<32x1024xf32, #tpu.memory_space<vmem>>, vector<1x16xf32>,
      %get3A_1126 = vector.shape_cast %get3A_1125 : vector<1x16xf32> to vector<16xf32>
      %mul3A_1127 = arith.constant 16 : i32
      %mul3A_1128 = arith.muli %scan3A_1118, %mul3A_1127 : i32
      %get3A_1129 = arith.constant 12 : i32
      %get3A_1130 = arith.index_cast %get3A_1129 : i32 to index
      %get3A_1131 = arith.index_cast %mul3A_1128 : i32 to index
      %get3A_1132 = tpu.vector_load %arg12[%get3A_1130, %get3A_1131] {strides = array<i32>} : memref<32x1024xf32, #tpu.memory_space<vmem>>, vector<1x16xf32>,
      %get3A_1133 = vector.shape_cast %get3A_1132 : vector<1x16xf32> to vector<16xf32>
      %mul3A_1134 = arith.mulf %get3A_1126, %get3A_222 : vector<16xf32>
      %mul3A_1135 = arith.mulf %get3A_1133, %get3A_227 : vector<16xf32>
      %add3A_1136 = arith.addf %mul3A_1134, %mul3A_1135 : vector<16xf32>
      %mul3A_1137 = arith.constant 16 : i32
      %mul3A_1138 = arith.muli %scan3A_1118, %mul3A_1137 : i32
      %swap3A = arith.constant 12 : i32
      %swap3A_1139 = arith.index_cast %swap3A : i32 to index
      %swap3A_1140 = arith.index_cast %mul3A_1138 : i32 to index
      %swap3A_1141 = tpu.vector_load %arg13[%swap3A_1139, %swap3A_1140] {strides = array<i32>} : memref<32x1024xf32, #tpu.memory_space<vmem>>, vector<1x16xf32>,
      %swap3A_1142 = vector.shape_cast %swap3A_1141 : vector<1x16xf32> to vector<16xf32>
      %swap3A_1143 = vector.shape_cast %add3A_1136 : vector<16xf32> to vector<1x16xf32>
      tpu.vector_store %arg13[%swap3A_1139, %swap3A_1140], %swap3A_1143 {strides = array<i32>} : memref<32x1024xf32, #tpu.memory_space<vmem>>, vector<1x16xf32>,
      %scan3A_1144 = arith.constant 0 : i32
      scf.yield %scan3A_1144 : i32
    }
    %scan3A_234 = arith.constant 64 : i32
    %get3A_235 = arith.constant 13 : i32
    %get3A_236 = arith.index_cast %get3A_235 : i32 to index
    %get3A_237 = arith.constant 0 : index
    %get3A_238 = tpu.vector_load %arg9[%get3A_236, %get3A_237] {strides = array<i32>} : memref<32x16xf32, #tpu.memory_space<vmem>>, vector<1x16xf32>,
    %get3A_239 = vector.shape_cast %get3A_238 : vector<1x16xf32> to vector<16xf32>
    %get3A_240 = arith.constant 13 : i32
    %get3A_241 = arith.index_cast %get3A_240 : i32 to index
    %get3A_242 = arith.constant 0 : index
    %get3A_243 = tpu.vector_load %arg10[%get3A_241, %get3A_242] {strides = array<i32>} : memref<32x16xf32, #tpu.memory_space<vmem>>, vector<1x16xf32>,
    %get3A_244 = vector.shape_cast %get3A_243 : vector<1x16xf32> to vector<16xf32>
    %scan3A_245 = arith.constant 0 : i32
    %scan3A_246 = arith.constant 0 : i32
    %scan3A_247 = arith.constant 64 : i32
    %scan3A_248 = arith.addi %scan3A_246, %scan3A_247 : i32
    %scan3A_249 = arith.constant 1 : i32
    %scan3A_250 = scf.for %scan3A_1118 = %scan3A_246 to %scan3A_248 step %scan3A_249 iter_args(%scan3A_1119 = %scan3A_245) -> (i32)  : i32 {
      %mul3A_1120 = arith.constant 16 : i32
      %mul3A_1121 = arith.muli %scan3A_1118, %mul3A_1120 : i32
      %get3A_1122 = arith.constant 13 : i32
      %get3A_1123 = arith.index_cast %get3A_1122 : i32 to index
      %get3A_1124 = arith.index_cast %mul3A_1121 : i32 to index
      %get3A_1125 = tpu.vector_load %arg11[%get3A_1123, %get3A_1124] {strides = array<i32>} : memref<32x1024xf32, #tpu.memory_space<vmem>>, vector<1x16xf32>,
      %get3A_1126 = vector.shape_cast %get3A_1125 : vector<1x16xf32> to vector<16xf32>
      %mul3A_1127 = arith.constant 16 : i32
      %mul3A_1128 = arith.muli %scan3A_1118, %mul3A_1127 : i32
      %get3A_1129 = arith.constant 13 : i32
      %get3A_1130 = arith.index_cast %get3A_1129 : i32 to index
      %get3A_1131 = arith.index_cast %mul3A_1128 : i32 to index
      %get3A_1132 = tpu.vector_load %arg12[%get3A_1130, %get3A_1131] {strides = array<i32>} : memref<32x1024xf32, #tpu.memory_space<vmem>>, vector<1x16xf32>,
      %get3A_1133 = vector.shape_cast %get3A_1132 : vector<1x16xf32> to vector<16xf32>
      %mul3A_1134 = arith.mulf %get3A_1126, %get3A_239 : vector<16xf32>
      %mul3A_1135 = arith.mulf %get3A_1133, %get3A_244 : vector<16xf32>
      %add3A_1136 = arith.addf %mul3A_1134, %mul3A_1135 : vector<16xf32>
      %mul3A_1137 = arith.constant 16 : i32
      %mul3A_1138 = arith.muli %scan3A_1118, %mul3A_1137 : i32
      %swap3A = arith.constant 13 : i32
      %swap3A_1139 = arith.index_cast %swap3A : i32 to index
      %swap3A_1140 = arith.index_cast %mul3A_1138 : i32 to index
      %swap3A_1141 = tpu.vector_load %arg13[%swap3A_1139, %swap3A_1140] {strides = array<i32>} : memref<32x1024xf32, #tpu.memory_space<vmem>>, vector<1x16xf32>,
      %swap3A_1142 = vector.shape_cast %swap3A_1141 : vector<1x16xf32> to vector<16xf32>
      %swap3A_1143 = vector.shape_cast %add3A_1136 : vector<16xf32> to vector<1x16xf32>
      tpu.vector_store %arg13[%swap3A_1139, %swap3A_1140], %swap3A_1143 {strides = array<i32>} : memref<32x1024xf32, #tpu.memory_space<vmem>>, vector<1x16xf32>,
      %scan3A_1144 = arith.constant 0 : i32
      scf.yield %scan3A_1144 : i32
    }
    %scan3A_251 = arith.constant 64 : i32
    %get3A_252 = arith.constant 14 : i32
    %get3A_253 = arith.index_cast %get3A_252 : i32 to index
    %get3A_254 = arith.constant 0 : index
    %get3A_255 = tpu.vector_load %arg9[%get3A_253, %get3A_254] {strides = array<i32>} : memref<32x16xf32, #tpu.memory_space<vmem>>, vector<1x16xf32>,
    %get3A_256 = vector.shape_cast %get3A_255 : vector<1x16xf32> to vector<16xf32>
    %get3A_257 = arith.constant 14 : i32
    %get3A_258 = arith.index_cast %get3A_257 : i32 to index
    %get3A_259 = arith.constant 0 : index
    %get3A_260 = tpu.vector_load %arg10[%get3A_258, %get3A_259] {strides = array<i32>} : memref<32x16xf32, #tpu.memory_space<vmem>>, vector<1x16xf32>,
    %get3A_261 = vector.shape_cast %get3A_260 : vector<1x16xf32> to vector<16xf32>
    %scan3A_262 = arith.constant 0 : i32
    %scan3A_263 = arith.constant 0 : i32
    %scan3A_264 = arith.constant 64 : i32
    %scan3A_265 = arith.addi %scan3A_263, %scan3A_264 : i32
    %scan3A_266 = arith.constant 1 : i32
    %scan3A_267 = scf.for %scan3A_1118 = %scan3A_263 to %scan3A_265 step %scan3A_266 iter_args(%scan3A_1119 = %scan3A_262) -> (i32)  : i32 {
      %mul3A_1120 = arith.constant 16 : i32
      %mul3A_1121 = arith.muli %scan3A_1118, %mul3A_1120 : i32
      %get3A_1122 = arith.constant 14 : i32
      %get3A_1123 = arith.index_cast %get3A_1122 : i32 to index
      %get3A_1124 = arith.index_cast %mul3A_1121 : i32 to index
      %get3A_1125 = tpu.vector_load %arg11[%get3A_1123, %get3A_1124] {strides = array<i32>} : memref<32x1024xf32, #tpu.memory_space<vmem>>, vector<1x16xf32>,
      %get3A_1126 = vector.shape_cast %get3A_1125 : vector<1x16xf32> to vector<16xf32>
      %mul3A_1127 = arith.constant 16 : i32
      %mul3A_1128 = arith.muli %scan3A_1118, %mul3A_1127 : i32
      %get3A_1129 = arith.constant 14 : i32
      %get3A_1130 = arith.index_cast %get3A_1129 : i32 to index
      %get3A_1131 = arith.index_cast %mul3A_1128 : i32 to index
      %get3A_1132 = tpu.vector_load %arg12[%get3A_1130, %get3A_1131] {strides = array<i32>} : memref<32x1024xf32, #tpu.memory_space<vmem>>, vector<1x16xf32>,
      %get3A_1133 = vector.shape_cast %get3A_1132 : vector<1x16xf32> to vector<16xf32>
      %mul3A_1134 = arith.mulf %get3A_1126, %get3A_256 : vector<16xf32>
      %mul3A_1135 = arith.mulf %get3A_1133, %get3A_261 : vector<16xf32>
      %add3A_1136 = arith.addf %mul3A_1134, %mul3A_1135 : vector<16xf32>
      %mul3A_1137 = arith.constant 16 : i32
      %mul3A_1138 = arith.muli %scan3A_1118, %mul3A_1137 : i32
      %swap3A = arith.constant 14 : i32
      %swap3A_1139 = arith.index_cast %swap3A : i32 to index
      %swap3A_1140 = arith.index_cast %mul3A_1138 : i32 to index
      %swap3A_1141 = tpu.vector_load %arg13[%swap3A_1139, %swap3A_1140] {strides = array<i32>} : memref<32x1024xf32, #tpu.memory_space<vmem>>, vector<1x16xf32>,
      %swap3A_1142 = vector.shape_cast %swap3A_1141 : vector<1x16xf32> to vector<16xf32>
      %swap3A_1143 = vector.shape_cast %add3A_1136 : vector<16xf32> to vector<1x16xf32>
      tpu.vector_store %arg13[%swap3A_1139, %swap3A_1140], %swap3A_1143 {strides = array<i32>} : memref<32x1024xf32, #tpu.memory_space<vmem>>, vector<1x16xf32>,
      %scan3A_1144 = arith.constant 0 : i32
      scf.yield %scan3A_1144 : i32
    }
    %scan3A_268 = arith.constant 64 : i32
    %get3A_269 = arith.constant 15 : i32
    %get3A_270 = arith.index_cast %get3A_269 : i32 to index
    %get3A_271 = arith.constant 0 : index
    %get3A_272 = tpu.vector_load %arg9[%get3A_270, %get3A_271] {strides = array<i32>} : memref<32x16xf32, #tpu.memory_space<vmem>>, vector<1x16xf32>,
    %get3A_273 = vector.shape_cast %get3A_272 : vector<1x16xf32> to vector<16xf32>
    %get3A_274 = arith.constant 15 : i32
    %get3A_275 = arith.index_cast %get3A_274 : i32 to index
    %get3A_276 = arith.constant 0 : index
    %get3A_277 = tpu.vector_load %arg10[%get3A_275, %get3A_276] {strides = array<i32>} : memref<32x16xf32, #tpu.memory_space<vmem>>, vector<1x16xf32>,
    %get3A_278 = vector.shape_cast %get3A_277 : vector<1x16xf32> to vector<16xf32>
    %scan3A_279 = arith.constant 0 : i32
    %scan3A_280 = arith.constant 0 : i32
    %scan3A_281 = arith.constant 64 : i32
    %scan3A_282 = arith.addi %scan3A_280, %scan3A_281 : i32
    %scan3A_283 = arith.constant 1 : i32
    %scan3A_284 = scf.for %scan3A_1118 = %scan3A_280 to %scan3A_282 step %scan3A_283 iter_args(%scan3A_1119 = %scan3A_279) -> (i32)  : i32 {
      %mul3A_1120 = arith.constant 16 : i32
      %mul3A_1121 = arith.muli %scan3A_1118, %mul3A_1120 : i32
      %get3A_1122 = arith.constant 15 : i32
      %get3A_1123 = arith.index_cast %get3A_1122 : i32 to index
      %get3A_1124 = arith.index_cast %mul3A_1121 : i32 to index
      %get3A_1125 = tpu.vector_load %arg11[%get3A_1123, %get3A_1124] {strides = array<i32>} : memref<32x1024xf32, #tpu.memory_space<vmem>>, vector<1x16xf32>,
      %get3A_1126 = vector.shape_cast %get3A_1125 : vector<1x16xf32> to vector<16xf32>
      %mul3A_1127 = arith.constant 16 : i32
      %mul3A_1128 = arith.muli %scan3A_1118, %mul3A_1127 : i32
      %get3A_1129 = arith.constant 15 : i32
      %get3A_1130 = arith.index_cast %get3A_1129 : i32 to index
      %get3A_1131 = arith.index_cast %mul3A_1128 : i32 to index
      %get3A_1132 = tpu.vector_load %arg12[%get3A_1130, %get3A_1131] {strides = array<i32>} : memref<32x1024xf32, #tpu.memory_space<vmem>>, vector<1x16xf32>,
      %get3A_1133 = vector.shape_cast %get3A_1132 : vector<1x16xf32> to vector<16xf32>
      %mul3A_1134 = arith.mulf %get3A_1126, %get3A_273 : vector<16xf32>
      %mul3A_1135 = arith.mulf %get3A_1133, %get3A_278 : vector<16xf32>
      %add3A_1136 = arith.addf %mul3A_1134, %mul3A_1135 : vector<16xf32>
      %mul3A_1137 = arith.constant 16 : i32
      %mul3A_1138 = arith.muli %scan3A_1118, %mul3A_1137 : i32
      %swap3A = arith.constant 15 : i32
      %swap3A_1139 = arith.index_cast %swap3A : i32 to index
      %swap3A_1140 = arith.index_cast %mul3A_1138 : i32 to index
      %swap3A_1141 = tpu.vector_load %arg13[%swap3A_1139, %swap3A_1140] {strides = array<i32>} : memref<32x1024xf32, #tpu.memory_space<vmem>>, vector<1x16xf32>,
      %swap3A_1142 = vector.shape_cast %swap3A_1141 : vector<1x16xf32> to vector<16xf32>
      %swap3A_1143 = vector.shape_cast %add3A_1136 : vector<16xf32> to vector<1x16xf32>
      tpu.vector_store %arg13[%swap3A_1139, %swap3A_1140], %swap3A_1143 {strides = array<i32>} : memref<32x1024xf32, #tpu.memory_space<vmem>>, vector<1x16xf32>,
      %scan3A_1144 = arith.constant 0 : i32
      scf.yield %scan3A_1144 : i32
    }
    %scan3A_285 = arith.constant 64 : i32
    %get3A_286 = arith.constant 16 : i32
    %get3A_287 = arith.index_cast %get3A_286 : i32 to index
    %get3A_288 = arith.constant 0 : index
    %get3A_289 = tpu.vector_load %arg9[%get3A_287, %get3A_288] {strides = array<i32>} : memref<32x16xf32, #tpu.memory_space<vmem>>, vector<1x16xf32>,
    %get3A_290 = vector.shape_cast %get3A_289 : vector<1x16xf32> to vector<16xf32>
    %get3A_291 = arith.constant 16 : i32
    %get3A_292 = arith.index_cast %get3A_291 : i32 to index
    %get3A_293 = arith.constant 0 : index
    %get3A_294 = tpu.vector_load %arg10[%get3A_292, %get3A_293] {strides = array<i32>} : memref<32x16xf32, #tpu.memory_space<vmem>>, vector<1x16xf32>,
    %get3A_295 = vector.shape_cast %get3A_294 : vector<1x16xf32> to vector<16xf32>
    %scan3A_296 = arith.constant 0 : i32
    %scan3A_297 = arith.constant 0 : i32
    %scan3A_298 = arith.constant 64 : i32
    %scan3A_299 = arith.addi %scan3A_297, %scan3A_298 : i32
    %scan3A_300 = arith.constant 1 : i32
    %scan3A_301 = scf.for %scan3A_1118 = %scan3A_297 to %scan3A_299 step %scan3A_300 iter_args(%scan3A_1119 = %scan3A_296) -> (i32)  : i32 {
      %mul3A_1120 = arith.constant 16 : i32
      %mul3A_1121 = arith.muli %scan3A_1118, %mul3A_1120 : i32
      %get3A_1122 = arith.constant 16 : i32
      %get3A_1123 = arith.index_cast %get3A_1122 : i32 to index
      %get3A_1124 = arith.index_cast %mul3A_1121 : i32 to index
      %get3A_1125 = tpu.vector_load %arg11[%get3A_1123, %get3A_1124] {strides = array<i32>} : memref<32x1024xf32, #tpu.memory_space<vmem>>, vector<1x16xf32>,
      %get3A_1126 = vector.shape_cast %get3A_1125 : vector<1x16xf32> to vector<16xf32>
      %mul3A_1127 = arith.constant 16 : i32
      %mul3A_1128 = arith.muli %scan3A_1118, %mul3A_1127 : i32
      %get3A_1129 = arith.constant 16 : i32
      %get3A_1130 = arith.index_cast %get3A_1129 : i32 to index
      %get3A_1131 = arith.index_cast %mul3A_1128 : i32 to index
      %get3A_1132 = tpu.vector_load %arg12[%get3A_1130, %get3A_1131] {strides = array<i32>} : memref<32x1024xf32, #tpu.memory_space<vmem>>, vector<1x16xf32>,
      %get3A_1133 = vector.shape_cast %get3A_1132 : vector<1x16xf32> to vector<16xf32>
      %mul3A_1134 = arith.mulf %get3A_1126, %get3A_290 : vector<16xf32>
      %mul3A_1135 = arith.mulf %get3A_1133, %get3A_295 : vector<16xf32>
      %add3A_1136 = arith.addf %mul3A_1134, %mul3A_1135 : vector<16xf32>
      %mul3A_1137 = arith.constant 16 : i32
      %mul3A_1138 = arith.muli %scan3A_1118, %mul3A_1137 : i32
      %swap3A = arith.constant 16 : i32
      %swap3A_1139 = arith.index_cast %swap3A : i32 to index
      %swap3A_1140 = arith.index_cast %mul3A_1138 : i32 to index
      %swap3A_1141 = tpu.vector_load %arg13[%swap3A_1139, %swap3A_1140] {strides = array<i32>} : memref<32x1024xf32, #tpu.memory_space<vmem>>, vector<1x16xf32>,
      %swap3A_1142 = vector.shape_cast %swap3A_1141 : vector<1x16xf32> to vector<16xf32>
      %swap3A_1143 = vector.shape_cast %add3A_1136 : vector<16xf32> to vector<1x16xf32>
      tpu.vector_store %arg13[%swap3A_1139, %swap3A_1140], %swap3A_1143 {strides = array<i32>} : memref<32x1024xf32, #tpu.memory_space<vmem>>, vector<1x16xf32>,
      %scan3A_1144 = arith.constant 0 : i32
      scf.yield %scan3A_1144 : i32
    }
    %scan3A_302 = arith.constant 64 : i32
    %get3A_303 = arith.constant 17 : i32
    %get3A_304 = arith.index_cast %get3A_303 : i32 to index
    %get3A_305 = arith.constant 0 : index
    %get3A_306 = tpu.vector_load %arg9[%get3A_304, %get3A_305] {strides = array<i32>} : memref<32x16xf32, #tpu.memory_space<vmem>>, vector<1x16xf32>,
    %get3A_307 = vector.shape_cast %get3A_306 : vector<1x16xf32> to vector<16xf32>
    %get3A_308 = arith.constant 17 : i32
    %get3A_309 = arith.index_cast %get3A_308 : i32 to index
    %get3A_310 = arith.constant 0 : index
    %get3A_311 = tpu.vector_load %arg10[%get3A_309, %get3A_310] {strides = array<i32>} : memref<32x16xf32, #tpu.memory_space<vmem>>, vector<1x16xf32>,
    %get3A_312 = vector.shape_cast %get3A_311 : vector<1x16xf32> to vector<16xf32>
    %scan3A_313 = arith.constant 0 : i32
    %scan3A_314 = arith.constant 0 : i32
    %scan3A_315 = arith.constant 64 : i32
    %scan3A_316 = arith.addi %scan3A_314, %scan3A_315 : i32
    %scan3A_317 = arith.constant 1 : i32
    %scan3A_318 = scf.for %scan3A_1118 = %scan3A_314 to %scan3A_316 step %scan3A_317 iter_args(%scan3A_1119 = %scan3A_313) -> (i32)  : i32 {
      %mul3A_1120 = arith.constant 16 : i32
      %mul3A_1121 = arith.muli %scan3A_1118, %mul3A_1120 : i32
      %get3A_1122 = arith.constant 17 : i32
      %get3A_1123 = arith.index_cast %get3A_1122 : i32 to index
      %get3A_1124 = arith.index_cast %mul3A_1121 : i32 to index
      %get3A_1125 = tpu.vector_load %arg11[%get3A_1123, %get3A_1124] {strides = array<i32>} : memref<32x1024xf32, #tpu.memory_space<vmem>>, vector<1x16xf32>,
      %get3A_1126 = vector.shape_cast %get3A_1125 : vector<1x16xf32> to vector<16xf32>
      %mul3A_1127 = arith.constant 16 : i32
      %mul3A_1128 = arith.muli %scan3A_1118, %mul3A_1127 : i32
      %get3A_1129 = arith.constant 17 : i32
      %get3A_1130 = arith.index_cast %get3A_1129 : i32 to index
      %get3A_1131 = arith.index_cast %mul3A_1128 : i32 to index
      %get3A_1132 = tpu.vector_load %arg12[%get3A_1130, %get3A_1131] {strides = array<i32>} : memref<32x1024xf32, #tpu.memory_space<vmem>>, vector<1x16xf32>,
      %get3A_1133 = vector.shape_cast %get3A_1132 : vector<1x16xf32> to vector<16xf32>
      %mul3A_1134 = arith.mulf %get3A_1126, %get3A_307 : vector<16xf32>
      %mul3A_1135 = arith.mulf %get3A_1133, %get3A_312 : vector<16xf32>
      %add3A_1136 = arith.addf %mul3A_1134, %mul3A_1135 : vector<16xf32>
      %mul3A_1137 = arith.constant 16 : i32
      %mul3A_1138 = arith.muli %scan3A_1118, %mul3A_1137 : i32
      %swap3A = arith.constant 17 : i32
      %swap3A_1139 = arith.index_cast %swap3A : i32 to index
      %swap3A_1140 = arith.index_cast %mul3A_1138 : i32 to index
      %swap3A_1141 = tpu.vector_load %arg13[%swap3A_1139, %swap3A_1140] {strides = array<i32>} : memref<32x1024xf32, #tpu.memory_space<vmem>>, vector<1x16xf32>,
      %swap3A_1142 = vector.shape_cast %swap3A_1141 : vector<1x16xf32> to vector<16xf32>
      %swap3A_1143 = vector.shape_cast %add3A_1136 : vector<16xf32> to vector<1x16xf32>
      tpu.vector_store %arg13[%swap3A_1139, %swap3A_1140], %swap3A_1143 {strides = array<i32>} : memref<32x1024xf32, #tpu.memory_space<vmem>>, vector<1x16xf32>,
      %scan3A_1144 = arith.constant 0 : i32
      scf.yield %scan3A_1144 : i32
    }
    %scan3A_319 = arith.constant 64 : i32
    %get3A_320 = arith.constant 18 : i32
    %get3A_321 = arith.index_cast %get3A_320 : i32 to index
    %get3A_322 = arith.constant 0 : index
    %get3A_323 = tpu.vector_load %arg9[%get3A_321, %get3A_322] {strides = array<i32>} : memref<32x16xf32, #tpu.memory_space<vmem>>, vector<1x16xf32>,
    %get3A_324 = vector.shape_cast %get3A_323 : vector<1x16xf32> to vector<16xf32>
    %get3A_325 = arith.constant 18 : i32
    %get3A_326 = arith.index_cast %get3A_325 : i32 to index
    %get3A_327 = arith.constant 0 : index
    %get3A_328 = tpu.vector_load %arg10[%get3A_326, %get3A_327] {strides = array<i32>} : memref<32x16xf32, #tpu.memory_space<vmem>>, vector<1x16xf32>,
    %get3A_329 = vector.shape_cast %get3A_328 : vector<1x16xf32> to vector<16xf32>
    %scan3A_330 = arith.constant 0 : i32
    %scan3A_331 = arith.constant 0 : i32
    %scan3A_332 = arith.constant 64 : i32
    %scan3A_333 = arith.addi %scan3A_331, %scan3A_332 : i32
    %scan3A_334 = arith.constant 1 : i32
    %scan3A_335 = scf.for %scan3A_1118 = %scan3A_331 to %scan3A_333 step %scan3A_334 iter_args(%scan3A_1119 = %scan3A_330) -> (i32)  : i32 {
      %mul3A_1120 = arith.constant 16 : i32
      %mul3A_1121 = arith.muli %scan3A_1118, %mul3A_1120 : i32
      %get3A_1122 = arith.constant 18 : i32
      %get3A_1123 = arith.index_cast %get3A_1122 : i32 to index
      %get3A_1124 = arith.index_cast %mul3A_1121 : i32 to index
      %get3A_1125 = tpu.vector_load %arg11[%get3A_1123, %get3A_1124] {strides = array<i32>} : memref<32x1024xf32, #tpu.memory_space<vmem>>, vector<1x16xf32>,
      %get3A_1126 = vector.shape_cast %get3A_1125 : vector<1x16xf32> to vector<16xf32>
      %mul3A_1127 = arith.constant 16 : i32
      %mul3A_1128 = arith.muli %scan3A_1118, %mul3A_1127 : i32
      %get3A_1129 = arith.constant 18 : i32
      %get3A_1130 = arith.index_cast %get3A_1129 : i32 to index
      %get3A_1131 = arith.index_cast %mul3A_1128 : i32 to index
      %get3A_1132 = tpu.vector_load %arg12[%get3A_1130, %get3A_1131] {strides = array<i32>} : memref<32x1024xf32, #tpu.memory_space<vmem>>, vector<1x16xf32>,
      %get3A_1133 = vector.shape_cast %get3A_1132 : vector<1x16xf32> to vector<16xf32>
      %mul3A_1134 = arith.mulf %get3A_1126, %get3A_324 : vector<16xf32>
      %mul3A_1135 = arith.mulf %get3A_1133, %get3A_329 : vector<16xf32>
      %add3A_1136 = arith.addf %mul3A_1134, %mul3A_1135 : vector<16xf32>
      %mul3A_1137 = arith.constant 16 : i32
      %mul3A_1138 = arith.muli %scan3A_1118, %mul3A_1137 : i32
      %swap3A = arith.constant 18 : i32
      %swap3A_1139 = arith.index_cast %swap3A : i32 to index
      %swap3A_1140 = arith.index_cast %mul3A_1138 : i32 to index
      %swap3A_1141 = tpu.vector_load %arg13[%swap3A_1139, %swap3A_1140] {strides = array<i32>} : memref<32x1024xf32, #tpu.memory_space<vmem>>, vector<1x16xf32>,
      %swap3A_1142 = vector.shape_cast %swap3A_1141 : vector<1x16xf32> to vector<16xf32>
      %swap3A_1143 = vector.shape_cast %add3A_1136 : vector<16xf32> to vector<1x16xf32>
      tpu.vector_store %arg13[%swap3A_1139, %swap3A_1140], %swap3A_1143 {strides = array<i32>} : memref<32x1024xf32, #tpu.memory_space<vmem>>, vector<1x16xf32>,
      %scan3A_1144 = arith.constant 0 : i32
      scf.yield %scan3A_1144 : i32
    }
    %scan3A_336 = arith.constant 64 : i32
    %get3A_337 = arith.constant 19 : i32
    %get3A_338 = arith.index_cast %get3A_337 : i32 to index
    %get3A_339 = arith.constant 0 : index
    %get3A_340 = tpu.vector_load %arg9[%get3A_338, %get3A_339] {strides = array<i32>} : memref<32x16xf32, #tpu.memory_space<vmem>>, vector<1x16xf32>,
    %get3A_341 = vector.shape_cast %get3A_340 : vector<1x16xf32> to vector<16xf32>
    %get3A_342 = arith.constant 19 : i32
    %get3A_343 = arith.index_cast %get3A_342 : i32 to index
    %get3A_344 = arith.constant 0 : index
    %get3A_345 = tpu.vector_load %arg10[%get3A_343, %get3A_344] {strides = array<i32>} : memref<32x16xf32, #tpu.memory_space<vmem>>, vector<1x16xf32>,
    %get3A_346 = vector.shape_cast %get3A_345 : vector<1x16xf32> to vector<16xf32>
    %scan3A_347 = arith.constant 0 : i32
    %scan3A_348 = arith.constant 0 : i32
    %scan3A_349 = arith.constant 64 : i32
    %scan3A_350 = arith.addi %scan3A_348, %scan3A_349 : i32
    %scan3A_351 = arith.constant 1 : i32
    %scan3A_352 = scf.for %scan3A_1118 = %scan3A_348 to %scan3A_350 step %scan3A_351 iter_args(%scan3A_1119 = %scan3A_347) -> (i32)  : i32 {
      %mul3A_1120 = arith.constant 16 : i32
      %mul3A_1121 = arith.muli %scan3A_1118, %mul3A_1120 : i32
      %get3A_1122 = arith.constant 19 : i32
      %get3A_1123 = arith.index_cast %get3A_1122 : i32 to index
      %get3A_1124 = arith.index_cast %mul3A_1121 : i32 to index
      %get3A_1125 = tpu.vector_load %arg11[%get3A_1123, %get3A_1124] {strides = array<i32>} : memref<32x1024xf32, #tpu.memory_space<vmem>>, vector<1x16xf32>,
      %get3A_1126 = vector.shape_cast %get3A_1125 : vector<1x16xf32> to vector<16xf32>
      %mul3A_1127 = arith.constant 16 : i32
      %mul3A_1128 = arith.muli %scan3A_1118, %mul3A_1127 : i32
      %get3A_1129 = arith.constant 19 : i32
      %get3A_1130 = arith.index_cast %get3A_1129 : i32 to index
      %get3A_1131 = arith.index_cast %mul3A_1128 : i32 to index
      %get3A_1132 = tpu.vector_load %arg12[%get3A_1130, %get3A_1131] {strides = array<i32>} : memref<32x1024xf32, #tpu.memory_space<vmem>>, vector<1x16xf32>,
      %get3A_1133 = vector.shape_cast %get3A_1132 : vector<1x16xf32> to vector<16xf32>
      %mul3A_1134 = arith.mulf %get3A_1126, %get3A_341 : vector<16xf32>
      %mul3A_1135 = arith.mulf %get3A_1133, %get3A_346 : vector<16xf32>
      %add3A_1136 = arith.addf %mul3A_1134, %mul3A_1135 : vector<16xf32>
      %mul3A_1137 = arith.constant 16 : i32
      %mul3A_1138 = arith.muli %scan3A_1118, %mul3A_1137 : i32
      %swap3A = arith.constant 19 : i32
      %swap3A_1139 = arith.index_cast %swap3A : i32 to index
      %swap3A_1140 = arith.index_cast %mul3A_1138 : i32 to index
      %swap3A_1141 = tpu.vector_load %arg13[%swap3A_1139, %swap3A_1140] {strides = array<i32>} : memref<32x1024xf32, #tpu.memory_space<vmem>>, vector<1x16xf32>,
      %swap3A_1142 = vector.shape_cast %swap3A_1141 : vector<1x16xf32> to vector<16xf32>
      %swap3A_1143 = vector.shape_cast %add3A_1136 : vector<16xf32> to vector<1x16xf32>
      tpu.vector_store %arg13[%swap3A_1139, %swap3A_1140], %swap3A_1143 {strides = array<i32>} : memref<32x1024xf32, #tpu.memory_space<vmem>>, vector<1x16xf32>,
      %scan3A_1144 = arith.constant 0 : i32
      scf.yield %scan3A_1144 : i32
    }
    %scan3A_353 = arith.constant 64 : i32
    %get3A_354 = arith.constant 20 : i32
    %get3A_355 = arith.index_cast %get3A_354 : i32 to index
    %get3A_356 = arith.constant 0 : index
    %get3A_357 = tpu.vector_load %arg9[%get3A_355, %get3A_356] {strides = array<i32>} : memref<32x16xf32, #tpu.memory_space<vmem>>, vector<1x16xf32>,
    %get3A_358 = vector.shape_cast %get3A_357 : vector<1x16xf32> to vector<16xf32>
    %get3A_359 = arith.constant 20 : i32
    %get3A_360 = arith.index_cast %get3A_359 : i32 to index
    %get3A_361 = arith.constant 0 : index
    %get3A_362 = tpu.vector_load %arg10[%get3A_360, %get3A_361] {strides = array<i32>} : memref<32x16xf32, #tpu.memory_space<vmem>>, vector<1x16xf32>,
    %get3A_363 = vector.shape_cast %get3A_362 : vector<1x16xf32> to vector<16xf32>
    %scan3A_364 = arith.constant 0 : i32
    %scan3A_365 = arith.constant 0 : i32
    %scan3A_366 = arith.constant 64 : i32
    %scan3A_367 = arith.addi %scan3A_365, %scan3A_366 : i32
    %scan3A_368 = arith.constant 1 : i32
    %scan3A_369 = scf.for %scan3A_1118 = %scan3A_365 to %scan3A_367 step %scan3A_368 iter_args(%scan3A_1119 = %scan3A_364) -> (i32)  : i32 {
      %mul3A_1120 = arith.constant 16 : i32
      %mul3A_1121 = arith.muli %scan3A_1118, %mul3A_1120 : i32
      %get3A_1122 = arith.constant 20 : i32
      %get3A_1123 = arith.index_cast %get3A_1122 : i32 to index
      %get3A_1124 = arith.index_cast %mul3A_1121 : i32 to index
      %get3A_1125 = tpu.vector_load %arg11[%get3A_1123, %get3A_1124] {strides = array<i32>} : memref<32x1024xf32, #tpu.memory_space<vmem>>, vector<1x16xf32>,
      %get3A_1126 = vector.shape_cast %get3A_1125 : vector<1x16xf32> to vector<16xf32>
      %mul3A_1127 = arith.constant 16 : i32
      %mul3A_1128 = arith.muli %scan3A_1118, %mul3A_1127 : i32
      %get3A_1129 = arith.constant 20 : i32
      %get3A_1130 = arith.index_cast %get3A_1129 : i32 to index
      %get3A_1131 = arith.index_cast %mul3A_1128 : i32 to index
      %get3A_1132 = tpu.vector_load %arg12[%get3A_1130, %get3A_1131] {strides = array<i32>} : memref<32x1024xf32, #tpu.memory_space<vmem>>, vector<1x16xf32>,
      %get3A_1133 = vector.shape_cast %get3A_1132 : vector<1x16xf32> to vector<16xf32>
      %mul3A_1134 = arith.mulf %get3A_1126, %get3A_358 : vector<16xf32>
      %mul3A_1135 = arith.mulf %get3A_1133, %get3A_363 : vector<16xf32>
      %add3A_1136 = arith.addf %mul3A_1134, %mul3A_1135 : vector<16xf32>
      %mul3A_1137 = arith.constant 16 : i32
      %mul3A_1138 = arith.muli %scan3A_1118, %mul3A_1137 : i32
      %swap3A = arith.constant 20 : i32
      %swap3A_1139 = arith.index_cast %swap3A : i32 to index
      %swap3A_1140 = arith.index_cast %mul3A_1138 : i32 to index
      %swap3A_1141 = tpu.vector_load %arg13[%swap3A_1139, %swap3A_1140] {strides = array<i32>} : memref<32x1024xf32, #tpu.memory_space<vmem>>, vector<1x16xf32>,
      %swap3A_1142 = vector.shape_cast %swap3A_1141 : vector<1x16xf32> to vector<16xf32>
      %swap3A_1143 = vector.shape_cast %add3A_1136 : vector<16xf32> to vector<1x16xf32>
      tpu.vector_store %arg13[%swap3A_1139, %swap3A_1140], %swap3A_1143 {strides = array<i32>} : memref<32x1024xf32, #tpu.memory_space<vmem>>, vector<1x16xf32>,
      %scan3A_1144 = arith.constant 0 : i32
      scf.yield %scan3A_1144 : i32
    }
    %scan3A_370 = arith.constant 64 : i32
    %get3A_371 = arith.constant 21 : i32
    %get3A_372 = arith.index_cast %get3A_371 : i32 to index
    %get3A_373 = arith.constant 0 : index
    %get3A_374 = tpu.vector_load %arg9[%get3A_372, %get3A_373] {strides = array<i32>} : memref<32x16xf32, #tpu.memory_space<vmem>>, vector<1x16xf32>,
    %get3A_375 = vector.shape_cast %get3A_374 : vector<1x16xf32> to vector<16xf32>
    %get3A_376 = arith.constant 21 : i32
    %get3A_377 = arith.index_cast %get3A_376 : i32 to index
    %get3A_378 = arith.constant 0 : index
    %get3A_379 = tpu.vector_load %arg10[%get3A_377, %get3A_378] {strides = array<i32>} : memref<32x16xf32, #tpu.memory_space<vmem>>, vector<1x16xf32>,
    %get3A_380 = vector.shape_cast %get3A_379 : vector<1x16xf32> to vector<16xf32>
    %scan3A_381 = arith.constant 0 : i32
    %scan3A_382 = arith.constant 0 : i32
    %scan3A_383 = arith.constant 64 : i32
    %scan3A_384 = arith.addi %scan3A_382, %scan3A_383 : i32
    %scan3A_385 = arith.constant 1 : i32
    %scan3A_386 = scf.for %scan3A_1118 = %scan3A_382 to %scan3A_384 step %scan3A_385 iter_args(%scan3A_1119 = %scan3A_381) -> (i32)  : i32 {
      %mul3A_1120 = arith.constant 16 : i32
      %mul3A_1121 = arith.muli %scan3A_1118, %mul3A_1120 : i32
      %get3A_1122 = arith.constant 21 : i32
      %get3A_1123 = arith.index_cast %get3A_1122 : i32 to index
      %get3A_1124 = arith.index_cast %mul3A_1121 : i32 to index
      %get3A_1125 = tpu.vector_load %arg11[%get3A_1123, %get3A_1124] {strides = array<i32>} : memref<32x1024xf32, #tpu.memory_space<vmem>>, vector<1x16xf32>,
      %get3A_1126 = vector.shape_cast %get3A_1125 : vector<1x16xf32> to vector<16xf32>
      %mul3A_1127 = arith.constant 16 : i32
      %mul3A_1128 = arith.muli %scan3A_1118, %mul3A_1127 : i32
      %get3A_1129 = arith.constant 21 : i32
      %get3A_1130 = arith.index_cast %get3A_1129 : i32 to index
      %get3A_1131 = arith.index_cast %mul3A_1128 : i32 to index
      %get3A_1132 = tpu.vector_load %arg12[%get3A_1130, %get3A_1131] {strides = array<i32>} : memref<32x1024xf32, #tpu.memory_space<vmem>>, vector<1x16xf32>,
      %get3A_1133 = vector.shape_cast %get3A_1132 : vector<1x16xf32> to vector<16xf32>
      %mul3A_1134 = arith.mulf %get3A_1126, %get3A_375 : vector<16xf32>
      %mul3A_1135 = arith.mulf %get3A_1133, %get3A_380 : vector<16xf32>
      %add3A_1136 = arith.addf %mul3A_1134, %mul3A_1135 : vector<16xf32>
      %mul3A_1137 = arith.constant 16 : i32
      %mul3A_1138 = arith.muli %scan3A_1118, %mul3A_1137 : i32
      %swap3A = arith.constant 21 : i32
      %swap3A_1139 = arith.index_cast %swap3A : i32 to index
      %swap3A_1140 = arith.index_cast %mul3A_1138 : i32 to index
      %swap3A_1141 = tpu.vector_load %arg13[%swap3A_1139, %swap3A_1140] {strides = array<i32>} : memref<32x1024xf32, #tpu.memory_space<vmem>>, vector<1x16xf32>,
      %swap3A_1142 = vector.shape_cast %swap3A_1141 : vector<1x16xf32> to vector<16xf32>
      %swap3A_1143 = vector.shape_cast %add3A_1136 : vector<16xf32> to vector<1x16xf32>
      tpu.vector_store %arg13[%swap3A_1139, %swap3A_1140], %swap3A_1143 {strides = array<i32>} : memref<32x1024xf32, #tpu.memory_space<vmem>>, vector<1x16xf32>,
      %scan3A_1144 = arith.constant 0 : i32
      scf.yield %scan3A_1144 : i32
    }
    %scan3A_387 = arith.constant 64 : i32
    %get3A_388 = arith.constant 22 : i32
    %get3A_389 = arith.index_cast %get3A_388 : i32 to index
    %get3A_390 = arith.constant 0 : index
    %get3A_391 = tpu.vector_load %arg9[%get3A_389, %get3A_390] {strides = array<i32>} : memref<32x16xf32, #tpu.memory_space<vmem>>, vector<1x16xf32>,
    %get3A_392 = vector.shape_cast %get3A_391 : vector<1x16xf32> to vector<16xf32>
    %get3A_393 = arith.constant 22 : i32
    %get3A_394 = arith.index_cast %get3A_393 : i32 to index
    %get3A_395 = arith.constant 0 : index
    %get3A_396 = tpu.vector_load %arg10[%get3A_394, %get3A_395] {strides = array<i32>} : memref<32x16xf32, #tpu.memory_space<vmem>>, vector<1x16xf32>,
    %get3A_397 = vector.shape_cast %get3A_396 : vector<1x16xf32> to vector<16xf32>
    %scan3A_398 = arith.constant 0 : i32
    %scan3A_399 = arith.constant 0 : i32
    %scan3A_400 = arith.constant 64 : i32
    %scan3A_401 = arith.addi %scan3A_399, %scan3A_400 : i32
    %scan3A_402 = arith.constant 1 : i32
    %scan3A_403 = scf.for %scan3A_1118 = %scan3A_399 to %scan3A_401 step %scan3A_402 iter_args(%scan3A_1119 = %scan3A_398) -> (i32)  : i32 {
      %mul3A_1120 = arith.constant 16 : i32
      %mul3A_1121 = arith.muli %scan3A_1118, %mul3A_1120 : i32
      %get3A_1122 = arith.constant 22 : i32
      %get3A_1123 = arith.index_cast %get3A_1122 : i32 to index
      %get3A_1124 = arith.index_cast %mul3A_1121 : i32 to index
      %get3A_1125 = tpu.vector_load %arg11[%get3A_1123, %get3A_1124] {strides = array<i32>} : memref<32x1024xf32, #tpu.memory_space<vmem>>, vector<1x16xf32>,
      %get3A_1126 = vector.shape_cast %get3A_1125 : vector<1x16xf32> to vector<16xf32>
      %mul3A_1127 = arith.constant 16 : i32
      %mul3A_1128 = arith.muli %scan3A_1118, %mul3A_1127 : i32
      %get3A_1129 = arith.constant 22 : i32
      %get3A_1130 = arith.index_cast %get3A_1129 : i32 to index
      %get3A_1131 = arith.index_cast %mul3A_1128 : i32 to index
      %get3A_1132 = tpu.vector_load %arg12[%get3A_1130, %get3A_1131] {strides = array<i32>} : memref<32x1024xf32, #tpu.memory_space<vmem>>, vector<1x16xf32>,
      %get3A_1133 = vector.shape_cast %get3A_1132 : vector<1x16xf32> to vector<16xf32>
      %mul3A_1134 = arith.mulf %get3A_1126, %get3A_392 : vector<16xf32>
      %mul3A_1135 = arith.mulf %get3A_1133, %get3A_397 : vector<16xf32>
      %add3A_1136 = arith.addf %mul3A_1134, %mul3A_1135 : vector<16xf32>
      %mul3A_1137 = arith.constant 16 : i32
      %mul3A_1138 = arith.muli %scan3A_1118, %mul3A_1137 : i32
      %swap3A = arith.constant 22 : i32
      %swap3A_1139 = arith.index_cast %swap3A : i32 to index
      %swap3A_1140 = arith.index_cast %mul3A_1138 : i32 to index
      %swap3A_1141 = tpu.vector_load %arg13[%swap3A_1139, %swap3A_1140] {strides = array<i32>} : memref<32x1024xf32, #tpu.memory_space<vmem>>, vector<1x16xf32>,
      %swap3A_1142 = vector.shape_cast %swap3A_1141 : vector<1x16xf32> to vector<16xf32>
      %swap3A_1143 = vector.shape_cast %add3A_1136 : vector<16xf32> to vector<1x16xf32>
      tpu.vector_store %arg13[%swap3A_1139, %swap3A_1140], %swap3A_1143 {strides = array<i32>} : memref<32x1024xf32, #tpu.memory_space<vmem>>, vector<1x16xf32>,
      %scan3A_1144 = arith.constant 0 : i32
      scf.yield %scan3A_1144 : i32
    }
    %scan3A_404 = arith.constant 64 : i32
    %get3A_405 = arith.constant 23 : i32
    %get3A_406 = arith.index_cast %get3A_405 : i32 to index
    %get3A_407 = arith.constant 0 : index
    %get3A_408 = tpu.vector_load %arg9[%get3A_406, %get3A_407] {strides = array<i32>} : memref<32x16xf32, #tpu.memory_space<vmem>>, vector<1x16xf32>,
    %get3A_409 = vector.shape_cast %get3A_408 : vector<1x16xf32> to vector<16xf32>
    %get3A_410 = arith.constant 23 : i32
    %get3A_411 = arith.index_cast %get3A_410 : i32 to index
    %get3A_412 = arith.constant 0 : index
    %get3A_413 = tpu.vector_load %arg10[%get3A_411, %get3A_412] {strides = array<i32>} : memref<32x16xf32, #tpu.memory_space<vmem>>, vector<1x16xf32>,
    %get3A_414 = vector.shape_cast %get3A_413 : vector<1x16xf32> to vector<16xf32>
    %scan3A_415 = arith.constant 0 : i32
    %scan3A_416 = arith.constant 0 : i32
    %scan3A_417 = arith.constant 64 : i32
    %scan3A_418 = arith.addi %scan3A_416, %scan3A_417 : i32
    %scan3A_419 = arith.constant 1 : i32
    %scan3A_420 = scf.for %scan3A_1118 = %scan3A_416 to %scan3A_418 step %scan3A_419 iter_args(%scan3A_1119 = %scan3A_415) -> (i32)  : i32 {
      %mul3A_1120 = arith.constant 16 : i32
      %mul3A_1121 = arith.muli %scan3A_1118, %mul3A_1120 : i32
      %get3A_1122 = arith.constant 23 : i32
      %get3A_1123 = arith.index_cast %get3A_1122 : i32 to index
      %get3A_1124 = arith.index_cast %mul3A_1121 : i32 to index
      %get3A_1125 = tpu.vector_load %arg11[%get3A_1123, %get3A_1124] {strides = array<i32>} : memref<32x1024xf32, #tpu.memory_space<vmem>>, vector<1x16xf32>,
      %get3A_1126 = vector.shape_cast %get3A_1125 : vector<1x16xf32> to vector<16xf32>
      %mul3A_1127 = arith.constant 16 : i32
      %mul3A_1128 = arith.muli %scan3A_1118, %mul3A_1127 : i32
      %get3A_1129 = arith.constant 23 : i32
      %get3A_1130 = arith.index_cast %get3A_1129 : i32 to index
      %get3A_1131 = arith.index_cast %mul3A_1128 : i32 to index
      %get3A_1132 = tpu.vector_load %arg12[%get3A_1130, %get3A_1131] {strides = array<i32>} : memref<32x1024xf32, #tpu.memory_space<vmem>>, vector<1x16xf32>,
      %get3A_1133 = vector.shape_cast %get3A_1132 : vector<1x16xf32> to vector<16xf32>
      %mul3A_1134 = arith.mulf %get3A_1126, %get3A_409 : vector<16xf32>
      %mul3A_1135 = arith.mulf %get3A_1133, %get3A_414 : vector<16xf32>
      %add3A_1136 = arith.addf %mul3A_1134, %mul3A_1135 : vector<16xf32>
      %mul3A_1137 = arith.constant 16 : i32
      %mul3A_1138 = arith.muli %scan3A_1118, %mul3A_1137 : i32
      %swap3A = arith.constant 23 : i32
      %swap3A_1139 = arith.index_cast %swap3A : i32 to index
      %swap3A_1140 = arith.index_cast %mul3A_1138 : i32 to index
      %swap3A_1141 = tpu.vector_load %arg13[%swap3A_1139, %swap3A_1140] {strides = array<i32>} : memref<32x1024xf32, #tpu.memory_space<vmem>>, vector<1x16xf32>,
      %swap3A_1142 = vector.shape_cast %swap3A_1141 : vector<1x16xf32> to vector<16xf32>
      %swap3A_1143 = vector.shape_cast %add3A_1136 : vector<16xf32> to vector<1x16xf32>
      tpu.vector_store %arg13[%swap3A_1139, %swap3A_1140], %swap3A_1143 {strides = array<i32>} : memref<32x1024xf32, #tpu.memory_space<vmem>>, vector<1x16xf32>,
      %scan3A_1144 = arith.constant 0 : i32
      scf.yield %scan3A_1144 : i32
    }
    %scan3A_421 = arith.constant 64 : i32
    %get3A_422 = arith.constant 24 : i32
    %get3A_423 = arith.index_cast %get3A_422 : i32 to index
    %get3A_424 = arith.constant 0 : index
    %get3A_425 = tpu.vector_load %arg9[%get3A_423, %get3A_424] {strides = array<i32>} : memref<32x16xf32, #tpu.memory_space<vmem>>, vector<1x16xf32>,
    %get3A_426 = vector.shape_cast %get3A_425 : vector<1x16xf32> to vector<16xf32>
    %get3A_427 = arith.constant 24 : i32
    %get3A_428 = arith.index_cast %get3A_427 : i32 to index
    %get3A_429 = arith.constant 0 : index
    %get3A_430 = tpu.vector_load %arg10[%get3A_428, %get3A_429] {strides = array<i32>} : memref<32x16xf32, #tpu.memory_space<vmem>>, vector<1x16xf32>,
    %get3A_431 = vector.shape_cast %get3A_430 : vector<1x16xf32> to vector<16xf32>
    %scan3A_432 = arith.constant 0 : i32
    %scan3A_433 = arith.constant 0 : i32
    %scan3A_434 = arith.constant 64 : i32
    %scan3A_435 = arith.addi %scan3A_433, %scan3A_434 : i32
    %scan3A_436 = arith.constant 1 : i32
    %scan3A_437 = scf.for %scan3A_1118 = %scan3A_433 to %scan3A_435 step %scan3A_436 iter_args(%scan3A_1119 = %scan3A_432) -> (i32)  : i32 {
      %mul3A_1120 = arith.constant 16 : i32
      %mul3A_1121 = arith.muli %scan3A_1118, %mul3A_1120 : i32
      %get3A_1122 = arith.constant 24 : i32
      %get3A_1123 = arith.index_cast %get3A_1122 : i32 to index
      %get3A_1124 = arith.index_cast %mul3A_1121 : i32 to index
      %get3A_1125 = tpu.vector_load %arg11[%get3A_1123, %get3A_1124] {strides = array<i32>} : memref<32x1024xf32, #tpu.memory_space<vmem>>, vector<1x16xf32>,
      %get3A_1126 = vector.shape_cast %get3A_1125 : vector<1x16xf32> to vector<16xf32>
      %mul3A_1127 = arith.constant 16 : i32
      %mul3A_1128 = arith.muli %scan3A_1118, %mul3A_1127 : i32
      %get3A_1129 = arith.constant 24 : i32
      %get3A_1130 = arith.index_cast %get3A_1129 : i32 to index
      %get3A_1131 = arith.index_cast %mul3A_1128 : i32 to index
      %get3A_1132 = tpu.vector_load %arg12[%get3A_1130, %get3A_1131] {strides = array<i32>} : memref<32x1024xf32, #tpu.memory_space<vmem>>, vector<1x16xf32>,
      %get3A_1133 = vector.shape_cast %get3A_1132 : vector<1x16xf32> to vector<16xf32>
      %mul3A_1134 = arith.mulf %get3A_1126, %get3A_426 : vector<16xf32>
      %mul3A_1135 = arith.mulf %get3A_1133, %get3A_431 : vector<16xf32>
      %add3A_1136 = arith.addf %mul3A_1134, %mul3A_1135 : vector<16xf32>
      %mul3A_1137 = arith.constant 16 : i32
      %mul3A_1138 = arith.muli %scan3A_1118, %mul3A_1137 : i32
      %swap3A = arith.constant 24 : i32
      %swap3A_1139 = arith.index_cast %swap3A : i32 to index
      %swap3A_1140 = arith.index_cast %mul3A_1138 : i32 to index
      %swap3A_1141 = tpu.vector_load %arg13[%swap3A_1139, %swap3A_1140] {strides = array<i32>} : memref<32x1024xf32, #tpu.memory_space<vmem>>, vector<1x16xf32>,
      %swap3A_1142 = vector.shape_cast %swap3A_1141 : vector<1x16xf32> to vector<16xf32>
      %swap3A_1143 = vector.shape_cast %add3A_1136 : vector<16xf32> to vector<1x16xf32>
      tpu.vector_store %arg13[%swap3A_1139, %swap3A_1140], %swap3A_1143 {strides = array<i32>} : memref<32x1024xf32, #tpu.memory_space<vmem>>, vector<1x16xf32>,
      %scan3A_1144 = arith.constant 0 : i32
      scf.yield %scan3A_1144 : i32
    }
    %scan3A_438 = arith.constant 64 : i32
    %get3A_439 = arith.constant 25 : i32
    %get3A_440 = arith.index_cast %get3A_439 : i32 to index
    %get3A_441 = arith.constant 0 : index
    %get3A_442 = tpu.vector_load %arg9[%get3A_440, %get3A_441] {strides = array<i32>} : memref<32x16xf32, #tpu.memory_space<vmem>>, vector<1x16xf32>,
    %get3A_443 = vector.shape_cast %get3A_442 : vector<1x16xf32> to vector<16xf32>
    %get3A_444 = arith.constant 25 : i32
    %get3A_445 = arith.index_cast %get3A_444 : i32 to index
    %get3A_446 = arith.constant 0 : index
    %get3A_447 = tpu.vector_load %arg10[%get3A_445, %get3A_446] {strides = array<i32>} : memref<32x16xf32, #tpu.memory_space<vmem>>, vector<1x16xf32>,
    %get3A_448 = vector.shape_cast %get3A_447 : vector<1x16xf32> to vector<16xf32>
    %scan3A_449 = arith.constant 0 : i32
    %scan3A_450 = arith.constant 0 : i32
    %scan3A_451 = arith.constant 64 : i32
    %scan3A_452 = arith.addi %scan3A_450, %scan3A_451 : i32
    %scan3A_453 = arith.constant 1 : i32
    %scan3A_454 = scf.for %scan3A_1118 = %scan3A_450 to %scan3A_452 step %scan3A_453 iter_args(%scan3A_1119 = %scan3A_449) -> (i32)  : i32 {
      %mul3A_1120 = arith.constant 16 : i32
      %mul3A_1121 = arith.muli %scan3A_1118, %mul3A_1120 : i32
      %get3A_1122 = arith.constant 25 : i32
      %get3A_1123 = arith.index_cast %get3A_1122 : i32 to index
      %get3A_1124 = arith.index_cast %mul3A_1121 : i32 to index
      %get3A_1125 = tpu.vector_load %arg11[%get3A_1123, %get3A_1124] {strides = array<i32>} : memref<32x1024xf32, #tpu.memory_space<vmem>>, vector<1x16xf32>,
      %get3A_1126 = vector.shape_cast %get3A_1125 : vector<1x16xf32> to vector<16xf32>
      %mul3A_1127 = arith.constant 16 : i32
      %mul3A_1128 = arith.muli %scan3A_1118, %mul3A_1127 : i32
      %get3A_1129 = arith.constant 25 : i32
      %get3A_1130 = arith.index_cast %get3A_1129 : i32 to index
      %get3A_1131 = arith.index_cast %mul3A_1128 : i32 to index
      %get3A_1132 = tpu.vector_load %arg12[%get3A_1130, %get3A_1131] {strides = array<i32>} : memref<32x1024xf32, #tpu.memory_space<vmem>>, vector<1x16xf32>,
      %get3A_1133 = vector.shape_cast %get3A_1132 : vector<1x16xf32> to vector<16xf32>
      %mul3A_1134 = arith.mulf %get3A_1126, %get3A_443 : vector<16xf32>
      %mul3A_1135 = arith.mulf %get3A_1133, %get3A_448 : vector<16xf32>
      %add3A_1136 = arith.addf %mul3A_1134, %mul3A_1135 : vector<16xf32>
      %mul3A_1137 = arith.constant 16 : i32
      %mul3A_1138 = arith.muli %scan3A_1118, %mul3A_1137 : i32
      %swap3A = arith.constant 25 : i32
      %swap3A_1139 = arith.index_cast %swap3A : i32 to index
      %swap3A_1140 = arith.index_cast %mul3A_1138 : i32 to index
      %swap3A_1141 = tpu.vector_load %arg13[%swap3A_1139, %swap3A_1140] {strides = array<i32>} : memref<32x1024xf32, #tpu.memory_space<vmem>>, vector<1x16xf32>,
      %swap3A_1142 = vector.shape_cast %swap3A_1141 : vector<1x16xf32> to vector<16xf32>
      %swap3A_1143 = vector.shape_cast %add3A_1136 : vector<16xf32> to vector<1x16xf32>
      tpu.vector_store %arg13[%swap3A_1139, %swap3A_1140], %swap3A_1143 {strides = array<i32>} : memref<32x1024xf32, #tpu.memory_space<vmem>>, vector<1x16xf32>,
      %scan3A_1144 = arith.constant 0 : i32
      scf.yield %scan3A_1144 : i32
    }
    %scan3A_455 = arith.constant 64 : i32
    %get3A_456 = arith.constant 26 : i32
    %get3A_457 = arith.index_cast %get3A_456 : i32 to index
    %get3A_458 = arith.constant 0 : index
    %get3A_459 = tpu.vector_load %arg9[%get3A_457, %get3A_458] {strides = array<i32>} : memref<32x16xf32, #tpu.memory_space<vmem>>, vector<1x16xf32>,
    %get3A_460 = vector.shape_cast %get3A_459 : vector<1x16xf32> to vector<16xf32>
    %get3A_461 = arith.constant 26 : i32
    %get3A_462 = arith.index_cast %get3A_461 : i32 to index
    %get3A_463 = arith.constant 0 : index
    %get3A_464 = tpu.vector_load %arg10[%get3A_462, %get3A_463] {strides = array<i32>} : memref<32x16xf32, #tpu.memory_space<vmem>>, vector<1x16xf32>,
    %get3A_465 = vector.shape_cast %get3A_464 : vector<1x16xf32> to vector<16xf32>
    %scan3A_466 = arith.constant 0 : i32
    %scan3A_467 = arith.constant 0 : i32
    %scan3A_468 = arith.constant 64 : i32
    %scan3A_469 = arith.addi %scan3A_467, %scan3A_468 : i32
    %scan3A_470 = arith.constant 1 : i32
    %scan3A_471 = scf.for %scan3A_1118 = %scan3A_467 to %scan3A_469 step %scan3A_470 iter_args(%scan3A_1119 = %scan3A_466) -> (i32)  : i32 {
      %mul3A_1120 = arith.constant 16 : i32
      %mul3A_1121 = arith.muli %scan3A_1118, %mul3A_1120 : i32
      %get3A_1122 = arith.constant 26 : i32
      %get3A_1123 = arith.index_cast %get3A_1122 : i32 to index
      %get3A_1124 = arith.index_cast %mul3A_1121 : i32 to index
      %get3A_1125 = tpu.vector_load %arg11[%get3A_1123, %get3A_1124] {strides = array<i32>} : memref<32x1024xf32, #tpu.memory_space<vmem>>, vector<1x16xf32>,
      %get3A_1126 = vector.shape_cast %get3A_1125 : vector<1x16xf32> to vector<16xf32>
      %mul3A_1127 = arith.constant 16 : i32
      %mul3A_1128 = arith.muli %scan3A_1118, %mul3A_1127 : i32
      %get3A_1129 = arith.constant 26 : i32
      %get3A_1130 = arith.index_cast %get3A_1129 : i32 to index
      %get3A_1131 = arith.index_cast %mul3A_1128 : i32 to index
      %get3A_1132 = tpu.vector_load %arg12[%get3A_1130, %get3A_1131] {strides = array<i32>} : memref<32x1024xf32, #tpu.memory_space<vmem>>, vector<1x16xf32>,
      %get3A_1133 = vector.shape_cast %get3A_1132 : vector<1x16xf32> to vector<16xf32>
      %mul3A_1134 = arith.mulf %get3A_1126, %get3A_460 : vector<16xf32>
      %mul3A_1135 = arith.mulf %get3A_1133, %get3A_465 : vector<16xf32>
      %add3A_1136 = arith.addf %mul3A_1134, %mul3A_1135 : vector<16xf32>
      %mul3A_1137 = arith.constant 16 : i32
      %mul3A_1138 = arith.muli %scan3A_1118, %mul3A_1137 : i32
      %swap3A = arith.constant 26 : i32
      %swap3A_1139 = arith.index_cast %swap3A : i32 to index
      %swap3A_1140 = arith.index_cast %mul3A_1138 : i32 to index
      %swap3A_1141 = tpu.vector_load %arg13[%swap3A_1139, %swap3A_1140] {strides = array<i32>} : memref<32x1024xf32, #tpu.memory_space<vmem>>, vector<1x16xf32>,
      %swap3A_1142 = vector.shape_cast %swap3A_1141 : vector<1x16xf32> to vector<16xf32>
      %swap3A_1143 = vector.shape_cast %add3A_1136 : vector<16xf32> to vector<1x16xf32>
      tpu.vector_store %arg13[%swap3A_1139, %swap3A_1140], %swap3A_1143 {strides = array<i32>} : memref<32x1024xf32, #tpu.memory_space<vmem>>, vector<1x16xf32>,
      %scan3A_1144 = arith.constant 0 : i32
      scf.yield %scan3A_1144 : i32
    }
    %scan3A_472 = arith.constant 64 : i32
    %get3A_473 = arith.constant 27 : i32
    %get3A_474 = arith.index_cast %get3A_473 : i32 to index
    %get3A_475 = arith.constant 0 : index
    %get3A_476 = tpu.vector_load %arg9[%get3A_474, %get3A_475] {strides = array<i32>} : memref<32x16xf32, #tpu.memory_space<vmem>>, vector<1x16xf32>,
    %get3A_477 = vector.shape_cast %get3A_476 : vector<1x16xf32> to vector<16xf32>
    %get3A_478 = arith.constant 27 : i32
    %get3A_479 = arith.index_cast %get3A_478 : i32 to index
    %get3A_480 = arith.constant 0 : index
    %get3A_481 = tpu.vector_load %arg10[%get3A_479, %get3A_480] {strides = array<i32>} : memref<32x16xf32, #tpu.memory_space<vmem>>, vector<1x16xf32>,
    %get3A_482 = vector.shape_cast %get3A_481 : vector<1x16xf32> to vector<16xf32>
    %scan3A_483 = arith.constant 0 : i32
    %scan3A_484 = arith.constant 0 : i32
    %scan3A_485 = arith.constant 64 : i32
    %scan3A_486 = arith.addi %scan3A_484, %scan3A_485 : i32
    %scan3A_487 = arith.constant 1 : i32
    %scan3A_488 = scf.for %scan3A_1118 = %scan3A_484 to %scan3A_486 step %scan3A_487 iter_args(%scan3A_1119 = %scan3A_483) -> (i32)  : i32 {
      %mul3A_1120 = arith.constant 16 : i32
      %mul3A_1121 = arith.muli %scan3A_1118, %mul3A_1120 : i32
      %get3A_1122 = arith.constant 27 : i32
      %get3A_1123 = arith.index_cast %get3A_1122 : i32 to index
      %get3A_1124 = arith.index_cast %mul3A_1121 : i32 to index
      %get3A_1125 = tpu.vector_load %arg11[%get3A_1123, %get3A_1124] {strides = array<i32>} : memref<32x1024xf32, #tpu.memory_space<vmem>>, vector<1x16xf32>,
      %get3A_1126 = vector.shape_cast %get3A_1125 : vector<1x16xf32> to vector<16xf32>
      %mul3A_1127 = arith.constant 16 : i32
      %mul3A_1128 = arith.muli %scan3A_1118, %mul3A_1127 : i32
      %get3A_1129 = arith.constant 27 : i32
      %get3A_1130 = arith.index_cast %get3A_1129 : i32 to index
      %get3A_1131 = arith.index_cast %mul3A_1128 : i32 to index
      %get3A_1132 = tpu.vector_load %arg12[%get3A_1130, %get3A_1131] {strides = array<i32>} : memref<32x1024xf32, #tpu.memory_space<vmem>>, vector<1x16xf32>,
      %get3A_1133 = vector.shape_cast %get3A_1132 : vector<1x16xf32> to vector<16xf32>
      %mul3A_1134 = arith.mulf %get3A_1126, %get3A_477 : vector<16xf32>
      %mul3A_1135 = arith.mulf %get3A_1133, %get3A_482 : vector<16xf32>
      %add3A_1136 = arith.addf %mul3A_1134, %mul3A_1135 : vector<16xf32>
      %mul3A_1137 = arith.constant 16 : i32
      %mul3A_1138 = arith.muli %scan3A_1118, %mul3A_1137 : i32
      %swap3A = arith.constant 27 : i32
      %swap3A_1139 = arith.index_cast %swap3A : i32 to index
      %swap3A_1140 = arith.index_cast %mul3A_1138 : i32 to index
      %swap3A_1141 = tpu.vector_load %arg13[%swap3A_1139, %swap3A_1140] {strides = array<i32>} : memref<32x1024xf32, #tpu.memory_space<vmem>>, vector<1x16xf32>,
      %swap3A_1142 = vector.shape_cast %swap3A_1141 : vector<1x16xf32> to vector<16xf32>
      %swap3A_1143 = vector.shape_cast %add3A_1136 : vector<16xf32> to vector<1x16xf32>
      tpu.vector_store %arg13[%swap3A_1139, %swap3A_1140], %swap3A_1143 {strides = array<i32>} : memref<32x1024xf32, #tpu.memory_space<vmem>>, vector<1x16xf32>,
      %scan3A_1144 = arith.constant 0 : i32
      scf.yield %scan3A_1144 : i32
    }
    %scan3A_489 = arith.constant 64 : i32
    %get3A_490 = arith.constant 28 : i32
    %get3A_491 = arith.index_cast %get3A_490 : i32 to index
    %get3A_492 = arith.constant 0 : index
    %get3A_493 = tpu.vector_load %arg9[%get3A_491, %get3A_492] {strides = array<i32>} : memref<32x16xf32, #tpu.memory_space<vmem>>, vector<1x16xf32>,
    %get3A_494 = vector.shape_cast %get3A_493 : vector<1x16xf32> to vector<16xf32>
    %get3A_495 = arith.constant 28 : i32
    %get3A_496 = arith.index_cast %get3A_495 : i32 to index
    %get3A_497 = arith.constant 0 : index
    %get3A_498 = tpu.vector_load %arg10[%get3A_496, %get3A_497] {strides = array<i32>} : memref<32x16xf32, #tpu.memory_space<vmem>>, vector<1x16xf32>,
    %get3A_499 = vector.shape_cast %get3A_498 : vector<1x16xf32> to vector<16xf32>
    %scan3A_500 = arith.constant 0 : i32
    %scan3A_501 = arith.constant 0 : i32
    %scan3A_502 = arith.constant 64 : i32
    %scan3A_503 = arith.addi %scan3A_501, %scan3A_502 : i32
    %scan3A_504 = arith.constant 1 : i32
    %scan3A_505 = scf.for %scan3A_1118 = %scan3A_501 to %scan3A_503 step %scan3A_504 iter_args(%scan3A_1119 = %scan3A_500) -> (i32)  : i32 {
      %mul3A_1120 = arith.constant 16 : i32
      %mul3A_1121 = arith.muli %scan3A_1118, %mul3A_1120 : i32
      %get3A_1122 = arith.constant 28 : i32
      %get3A_1123 = arith.index_cast %get3A_1122 : i32 to index
      %get3A_1124 = arith.index_cast %mul3A_1121 : i32 to index
      %get3A_1125 = tpu.vector_load %arg11[%get3A_1123, %get3A_1124] {strides = array<i32>} : memref<32x1024xf32, #tpu.memory_space<vmem>>, vector<1x16xf32>,
      %get3A_1126 = vector.shape_cast %get3A_1125 : vector<1x16xf32> to vector<16xf32>
      %mul3A_1127 = arith.constant 16 : i32
      %mul3A_1128 = arith.muli %scan3A_1118, %mul3A_1127 : i32
      %get3A_1129 = arith.constant 28 : i32
      %get3A_1130 = arith.index_cast %get3A_1129 : i32 to index
      %get3A_1131 = arith.index_cast %mul3A_1128 : i32 to index
      %get3A_1132 = tpu.vector_load %arg12[%get3A_1130, %get3A_1131] {strides = array<i32>} : memref<32x1024xf32, #tpu.memory_space<vmem>>, vector<1x16xf32>,
      %get3A_1133 = vector.shape_cast %get3A_1132 : vector<1x16xf32> to vector<16xf32>
      %mul3A_1134 = arith.mulf %get3A_1126, %get3A_494 : vector<16xf32>
      %mul3A_1135 = arith.mulf %get3A_1133, %get3A_499 : vector<16xf32>
      %add3A_1136 = arith.addf %mul3A_1134, %mul3A_1135 : vector<16xf32>
      %mul3A_1137 = arith.constant 16 : i32
      %mul3A_1138 = arith.muli %scan3A_1118, %mul3A_1137 : i32
      %swap3A = arith.constant 28 : i32
      %swap3A_1139 = arith.index_cast %swap3A : i32 to index
      %swap3A_1140 = arith.index_cast %mul3A_1138 : i32 to index
      %swap3A_1141 = tpu.vector_load %arg13[%swap3A_1139, %swap3A_1140] {strides = array<i32>} : memref<32x1024xf32, #tpu.memory_space<vmem>>, vector<1x16xf32>,
      %swap3A_1142 = vector.shape_cast %swap3A_1141 : vector<1x16xf32> to vector<16xf32>
      %swap3A_1143 = vector.shape_cast %add3A_1136 : vector<16xf32> to vector<1x16xf32>
      tpu.vector_store %arg13[%swap3A_1139, %swap3A_1140], %swap3A_1143 {strides = array<i32>} : memref<32x1024xf32, #tpu.memory_space<vmem>>, vector<1x16xf32>,
      %scan3A_1144 = arith.constant 0 : i32
      scf.yield %scan3A_1144 : i32
    }
    %scan3A_506 = arith.constant 64 : i32
    %get3A_507 = arith.constant 29 : i32
    %get3A_508 = arith.index_cast %get3A_507 : i32 to index
    %get3A_509 = arith.constant 0 : index
    %get3A_510 = tpu.vector_load %arg9[%get3A_508, %get3A_509] {strides = array<i32>} : memref<32x16xf32, #tpu.memory_space<vmem>>, vector<1x16xf32>,
    %get3A_511 = vector.shape_cast %get3A_510 : vector<1x16xf32> to vector<16xf32>
    %get3A_512 = arith.constant 29 : i32
    %get3A_513 = arith.index_cast %get3A_512 : i32 to index
    %get3A_514 = arith.constant 0 : index
    %get3A_515 = tpu.vector_load %arg10[%get3A_513, %get3A_514] {strides = array<i32>} : memref<32x16xf32, #tpu.memory_space<vmem>>, vector<1x16xf32>,
    %get3A_516 = vector.shape_cast %get3A_515 : vector<1x16xf32> to vector<16xf32>
    %scan3A_517 = arith.constant 0 : i32
    %scan3A_518 = arith.constant 0 : i32
    %scan3A_519 = arith.constant 64 : i32
    %scan3A_520 = arith.addi %scan3A_518, %scan3A_519 : i32
    %scan3A_521 = arith.constant 1 : i32
    %scan3A_522 = scf.for %scan3A_1118 = %scan3A_518 to %scan3A_520 step %scan3A_521 iter_args(%scan3A_1119 = %scan3A_517) -> (i32)  : i32 {
      %mul3A_1120 = arith.constant 16 : i32
      %mul3A_1121 = arith.muli %scan3A_1118, %mul3A_1120 : i32
      %get3A_1122 = arith.constant 29 : i32
      %get3A_1123 = arith.index_cast %get3A_1122 : i32 to index
      %get3A_1124 = arith.index_cast %mul3A_1121 : i32 to index
      %get3A_1125 = tpu.vector_load %arg11[%get3A_1123, %get3A_1124] {strides = array<i32>} : memref<32x1024xf32, #tpu.memory_space<vmem>>, vector<1x16xf32>,
      %get3A_1126 = vector.shape_cast %get3A_1125 : vector<1x16xf32> to vector<16xf32>
      %mul3A_1127 = arith.constant 16 : i32
      %mul3A_1128 = arith.muli %scan3A_1118, %mul3A_1127 : i32
      %get3A_1129 = arith.constant 29 : i32
      %get3A_1130 = arith.index_cast %get3A_1129 : i32 to index
      %get3A_1131 = arith.index_cast %mul3A_1128 : i32 to index
      %get3A_1132 = tpu.vector_load %arg12[%get3A_1130, %get3A_1131] {strides = array<i32>} : memref<32x1024xf32, #tpu.memory_space<vmem>>, vector<1x16xf32>,
      %get3A_1133 = vector.shape_cast %get3A_1132 : vector<1x16xf32> to vector<16xf32>
      %mul3A_1134 = arith.mulf %get3A_1126, %get3A_511 : vector<16xf32>
      %mul3A_1135 = arith.mulf %get3A_1133, %get3A_516 : vector<16xf32>
      %add3A_1136 = arith.addf %mul3A_1134, %mul3A_1135 : vector<16xf32>
      %mul3A_1137 = arith.constant 16 : i32
      %mul3A_1138 = arith.muli %scan3A_1118, %mul3A_1137 : i32
      %swap3A = arith.constant 29 : i32
      %swap3A_1139 = arith.index_cast %swap3A : i32 to index
      %swap3A_1140 = arith.index_cast %mul3A_1138 : i32 to index
      %swap3A_1141 = tpu.vector_load %arg13[%swap3A_1139, %swap3A_1140] {strides = array<i32>} : memref<32x1024xf32, #tpu.memory_space<vmem>>, vector<1x16xf32>,
      %swap3A_1142 = vector.shape_cast %swap3A_1141 : vector<1x16xf32> to vector<16xf32>
      %swap3A_1143 = vector.shape_cast %add3A_1136 : vector<16xf32> to vector<1x16xf32>
      tpu.vector_store %arg13[%swap3A_1139, %swap3A_1140], %swap3A_1143 {strides = array<i32>} : memref<32x1024xf32, #tpu.memory_space<vmem>>, vector<1x16xf32>,
      %scan3A_1144 = arith.constant 0 : i32
      scf.yield %scan3A_1144 : i32
    }
    %scan3A_523 = arith.constant 64 : i32
    %get3A_524 = arith.constant 30 : i32
    %get3A_525 = arith.index_cast %get3A_524 : i32 to index
    %get3A_526 = arith.constant 0 : index
    %get3A_527 = tpu.vector_load %arg9[%get3A_525, %get3A_526] {strides = array<i32>} : memref<32x16xf32, #tpu.memory_space<vmem>>, vector<1x16xf32>,
    %get3A_528 = vector.shape_cast %get3A_527 : vector<1x16xf32> to vector<16xf32>
    %get3A_529 = arith.constant 30 : i32
    %get3A_530 = arith.index_cast %get3A_529 : i32 to index
    %get3A_531 = arith.constant 0 : index
    %get3A_532 = tpu.vector_load %arg10[%get3A_530, %get3A_531] {strides = array<i32>} : memref<32x16xf32, #tpu.memory_space<vmem>>, vector<1x16xf32>,
    %get3A_533 = vector.shape_cast %get3A_532 : vector<1x16xf32> to vector<16xf32>
    %scan3A_534 = arith.constant 0 : i32
    %scan3A_535 = arith.constant 0 : i32
    %scan3A_536 = arith.constant 64 : i32
    %scan3A_537 = arith.addi %scan3A_535, %scan3A_536 : i32
    %scan3A_538 = arith.constant 1 : i32
    %scan3A_539 = scf.for %scan3A_1118 = %scan3A_535 to %scan3A_537 step %scan3A_538 iter_args(%scan3A_1119 = %scan3A_534) -> (i32)  : i32 {
      %mul3A_1120 = arith.constant 16 : i32
      %mul3A_1121 = arith.muli %scan3A_1118, %mul3A_1120 : i32
      %get3A_1122 = arith.constant 30 : i32
      %get3A_1123 = arith.index_cast %get3A_1122 : i32 to index
      %get3A_1124 = arith.index_cast %mul3A_1121 : i32 to index
      %get3A_1125 = tpu.vector_load %arg11[%get3A_1123, %get3A_1124] {strides = array<i32>} : memref<32x1024xf32, #tpu.memory_space<vmem>>, vector<1x16xf32>,
      %get3A_1126 = vector.shape_cast %get3A_1125 : vector<1x16xf32> to vector<16xf32>
      %mul3A_1127 = arith.constant 16 : i32
      %mul3A_1128 = arith.muli %scan3A_1118, %mul3A_1127 : i32
      %get3A_1129 = arith.constant 30 : i32
      %get3A_1130 = arith.index_cast %get3A_1129 : i32 to index
      %get3A_1131 = arith.index_cast %mul3A_1128 : i32 to index
      %get3A_1132 = tpu.vector_load %arg12[%get3A_1130, %get3A_1131] {strides = array<i32>} : memref<32x1024xf32, #tpu.memory_space<vmem>>, vector<1x16xf32>,
      %get3A_1133 = vector.shape_cast %get3A_1132 : vector<1x16xf32> to vector<16xf32>
      %mul3A_1134 = arith.mulf %get3A_1126, %get3A_528 : vector<16xf32>
      %mul3A_1135 = arith.mulf %get3A_1133, %get3A_533 : vector<16xf32>
      %add3A_1136 = arith.addf %mul3A_1134, %mul3A_1135 : vector<16xf32>
      %mul3A_1137 = arith.constant 16 : i32
      %mul3A_1138 = arith.muli %scan3A_1118, %mul3A_1137 : i32
      %swap3A = arith.constant 30 : i32
      %swap3A_1139 = arith.index_cast %swap3A : i32 to index
      %swap3A_1140 = arith.index_cast %mul3A_1138 : i32 to index
      %swap3A_1141 = tpu.vector_load %arg13[%swap3A_1139, %swap3A_1140] {strides = array<i32>} : memref<32x1024xf32, #tpu.memory_space<vmem>>, vector<1x16xf32>,
      %swap3A_1142 = vector.shape_cast %swap3A_1141 : vector<1x16xf32> to vector<16xf32>
      %swap3A_1143 = vector.shape_cast %add3A_1136 : vector<16xf32> to vector<1x16xf32>
      tpu.vector_store %arg13[%swap3A_1139, %swap3A_1140], %swap3A_1143 {strides = array<i32>} : memref<32x1024xf32, #tpu.memory_space<vmem>>, vector<1x16xf32>,
      %scan3A_1144 = arith.constant 0 : i32
      scf.yield %scan3A_1144 : i32
    }
    %scan3A_540 = arith.constant 64 : i32
    %get3A_541 = arith.constant 31 : i32
    %get3A_542 = arith.index_cast %get3A_541 : i32 to index
    %get3A_543 = arith.constant 0 : index
    %get3A_544 = tpu.vector_load %arg9[%get3A_542, %get3A_543] {strides = array<i32>} : memref<32x16xf32, #tpu.memory_space<vmem>>, vector<1x16xf32>,
    %get3A_545 = vector.shape_cast %get3A_544 : vector<1x16xf32> to vector<16xf32>
    %get3A_546 = arith.constant 31 : i32
    %get3A_547 = arith.index_cast %get3A_546 : i32 to index
    %get3A_548 = arith.constant 0 : index
    %get3A_549 = tpu.vector_load %arg10[%get3A_547, %get3A_548] {strides = array<i32>} : memref<32x16xf32, #tpu.memory_space<vmem>>, vector<1x16xf32>,
    %get3A_550 = vector.shape_cast %get3A_549 : vector<1x16xf32> to vector<16xf32>
    %scan3A_551 = arith.constant 0 : i32
    %scan3A_552 = arith.constant 0 : i32
    %scan3A_553 = arith.constant 64 : i32
    %scan3A_554 = arith.addi %scan3A_552, %scan3A_553 : i32
    %scan3A_555 = arith.constant 1 : i32
    %scan3A_556 = scf.for %scan3A_1118 = %scan3A_552 to %scan3A_554 step %scan3A_555 iter_args(%scan3A_1119 = %scan3A_551) -> (i32)  : i32 {
      %mul3A_1120 = arith.constant 16 : i32
      %mul3A_1121 = arith.muli %scan3A_1118, %mul3A_1120 : i32
      %get3A_1122 = arith.constant 31 : i32
      %get3A_1123 = arith.index_cast %get3A_1122 : i32 to index
      %get3A_1124 = arith.index_cast %mul3A_1121 : i32 to index
      %get3A_1125 = tpu.vector_load %arg11[%get3A_1123, %get3A_1124] {strides = array<i32>} : memref<32x1024xf32, #tpu.memory_space<vmem>>, vector<1x16xf32>,
      %get3A_1126 = vector.shape_cast %get3A_1125 : vector<1x16xf32> to vector<16xf32>
      %mul3A_1127 = arith.constant 16 : i32
      %mul3A_1128 = arith.muli %scan3A_1118, %mul3A_1127 : i32
      %get3A_1129 = arith.constant 31 : i32
      %get3A_1130 = arith.index_cast %get3A_1129 : i32 to index
      %get3A_1131 = arith.index_cast %mul3A_1128 : i32 to index
      %get3A_1132 = tpu.vector_load %arg12[%get3A_1130, %get3A_1131] {strides = array<i32>} : memref<32x1024xf32, #tpu.memory_space<vmem>>, vector<1x16xf32>,
      %get3A_1133 = vector.shape_cast %get3A_1132 : vector<1x16xf32> to vector<16xf32>
      %mul3A_1134 = arith.mulf %get3A_1126, %get3A_545 : vector<16xf32>
      %mul3A_1135 = arith.mulf %get3A_1133, %get3A_550 : vector<16xf32>
      %add3A_1136 = arith.addf %mul3A_1134, %mul3A_1135 : vector<16xf32>
      %mul3A_1137 = arith.constant 16 : i32
      %mul3A_1138 = arith.muli %scan3A_1118, %mul3A_1137 : i32
      %swap3A = arith.constant 31 : i32
      %swap3A_1139 = arith.index_cast %swap3A : i32 to index
      %swap3A_1140 = arith.index_cast %mul3A_1138 : i32 to index
      %swap3A_1141 = tpu.vector_load %arg13[%swap3A_1139, %swap3A_1140] {strides = array<i32>} : memref<32x1024xf32, #tpu.memory_space<vmem>>, vector<1x16xf32>,
      %swap3A_1142 = vector.shape_cast %swap3A_1141 : vector<1x16xf32> to vector<16xf32>
      %swap3A_1143 = vector.shape_cast %add3A_1136 : vector<16xf32> to vector<1x16xf32>
      tpu.vector_store %arg13[%swap3A_1139, %swap3A_1140], %swap3A_1143 {strides = array<i32>} : memref<32x1024xf32, #tpu.memory_space<vmem>>, vector<1x16xf32>,
      %scan3A_1144 = arith.constant 0 : i32
      scf.yield %scan3A_1144 : i32
    }
    %scan3A_557 = arith.constant 64 : i32
    "tpu.region"() ({
      %run_scoped3A_1118 = tpu.sem_alloc : memref<!tpu.dma_semaphore, #tpu.memory_space<semaphore_mem>>
      %dma_start3A_1119 = arith.constant 0 : i32
      %dma_start3A_1120 = tpu.memref_slice %arg6[%add3A_4, %dma_start3A_1119] : memref<2048x1024xf32, #tpu.memory_space<hbm>> -> memref<32x1024xf32, #tpu.memory_space<hbm>>
      %dma_start3A_1121 = arith.constant 0 : i32
      %dma_start3A_1122 = tpu.memref_slice %arg6[%add3A_4, %dma_start3A_1121] : memref<2048x1024xf32, #tpu.memory_space<hbm>> -> memref<32x1024xf32, #tpu.memory_space<hbm>>
      tpu.enqueue_dma source(%arg13 : memref<32x1024xf32, #tpu.memory_space<vmem>>) target(%dma_start3A_1122 : memref<32x1024xf32, #tpu.memory_space<hbm>>) target_semaphore(%run_scoped3A_1118 : memref<!tpu.dma_semaphore, #tpu.memory_space<semaphore_mem>>)
      %dma_wait3A_1123 = arith.constant 0 : i32
      %dma_wait3A_1124 = tpu.memref_slice %arg6[%add3A_4, %dma_wait3A_1123] : memref<2048x1024xf32, #tpu.memory_space<hbm>> -> memref<32x1024xf32, #tpu.memory_space<hbm>>
      %dma_wait3A_1125 = arith.constant 0 : i32
      %dma_wait3A_1126 = tpu.memref_slice %arg6[%add3A_4, %dma_wait3A_1125] : memref<2048x1024xf32, #tpu.memory_space<hbm>> -> memref<32x1024xf32, #tpu.memory_space<hbm>>
      tpu.wait_dma2 semaphore(%run_scoped3A_1118 : memref<!tpu.dma_semaphore, #tpu.memory_space<semaphore_mem>>) src(%arg13 : memref<32x1024xf32, #tpu.memory_space<vmem>>) dst(%dma_wait3A_1126 : memref<32x1024xf32, #tpu.memory_space<hbm>>)
      tpu.yield
    }) : () -> ()
    %add3A_558 = arith.constant 32 : i32
    %add3A_559 = arith.addi %mul3A_2, %add3A_558 : i32
    %run_scoped3A_560 = arith.constant 0 : i32
    "tpu.region"() ({
      %run_scoped3A_1118 = tpu.sem_alloc : memref<!tpu.dma_semaphore, #tpu.memory_space<semaphore_mem>>
      %dma_start3A_1119 = tpu.memref_slice %arg3[%run_scoped3A_560, %add3A_559] : memref<2x2048xi32, #tpu.memory_space<hbm>> -> memref<1x32xi32, #tpu.memory_space<hbm>>
      %dma_start3A_1120 = tpu.memref_squeeze %dma_start3A_1119 : memref<1x32xi32, #tpu.memory_space<hbm>> -> memref<32xi32, #tpu.memory_space<hbm>>
      %dma_start3A_1121 = tpu.memref_slice %arg3[%run_scoped3A_560, %add3A_559] : memref<2x2048xi32, #tpu.memory_space<hbm>> -> memref<1x32xi32, #tpu.memory_space<hbm>>
      %dma_start3A_1122 = tpu.memref_squeeze %dma_start3A_1121 : memref<1x32xi32, #tpu.memory_space<hbm>> -> memref<32xi32, #tpu.memory_space<hbm>>
      tpu.enqueue_dma source(%dma_start3A_1122 : memref<32xi32, #tpu.memory_space<hbm>>) target(%arg7 : memref<32xi32, #tpu.memory_space<vmem>>) target_semaphore(%run_scoped3A_1118 : memref<!tpu.dma_semaphore, #tpu.memory_space<semaphore_mem>>)
      %dma_wait3A_1123 = tpu.memref_slice %arg3[%run_scoped3A_560, %add3A_559] : memref<2x2048xi32, #tpu.memory_space<hbm>> -> memref<1x32xi32, #tpu.memory_space<hbm>>
      %dma_wait3A_1124 = tpu.memref_squeeze %dma_wait3A_1123 : memref<1x32xi32, #tpu.memory_space<hbm>> -> memref<32xi32, #tpu.memory_space<hbm>>
      %dma_wait3A_1125 = tpu.memref_slice %arg3[%run_scoped3A_560, %add3A_559] : memref<2x2048xi32, #tpu.memory_space<hbm>> -> memref<1x32xi32, #tpu.memory_space<hbm>>
      %dma_wait3A_1126 = tpu.memref_squeeze %dma_wait3A_1125 : memref<1x32xi32, #tpu.memory_space<hbm>> -> memref<32xi32, #tpu.memory_space<hbm>>
      tpu.wait_dma2 semaphore(%run_scoped3A_1118 : memref<!tpu.dma_semaphore, #tpu.memory_space<semaphore_mem>>) src(%dma_wait3A_1126 : memref<32xi32, #tpu.memory_space<hbm>>) dst(%arg7 : memref<32xi32, #tpu.memory_space<vmem>>)
      tpu.yield
    }) : () -> ()
    %run_scoped3A_561 = arith.constant 1 : i32
    "tpu.region"() ({
      %run_scoped3A_1118 = tpu.sem_alloc : memref<!tpu.dma_semaphore, #tpu.memory_space<semaphore_mem>>
      %dma_start3A_1119 = tpu.memref_slice %arg3[%run_scoped3A_561, %add3A_559] : memref<2x2048xi32, #tpu.memory_space<hbm>> -> memref<1x32xi32, #tpu.memory_space<hbm>>
      %dma_start3A_1120 = tpu.memref_squeeze %dma_start3A_1119 : memref<1x32xi32, #tpu.memory_space<hbm>> -> memref<32xi32, #tpu.memory_space<hbm>>
      %dma_start3A_1121 = tpu.memref_slice %arg3[%run_scoped3A_561, %add3A_559] : memref<2x2048xi32, #tpu.memory_space<hbm>> -> memref<1x32xi32, #tpu.memory_space<hbm>>
      %dma_start3A_1122 = tpu.memref_squeeze %dma_start3A_1121 : memref<1x32xi32, #tpu.memory_space<hbm>> -> memref<32xi32, #tpu.memory_space<hbm>>
      tpu.enqueue_dma source(%dma_start3A_1122 : memref<32xi32, #tpu.memory_space<hbm>>) target(%arg8 : memref<32xi32, #tpu.memory_space<vmem>>) target_semaphore(%run_scoped3A_1118 : memref<!tpu.dma_semaphore, #tpu.memory_space<semaphore_mem>>)
      %dma_wait3A_1123 = tpu.memref_slice %arg3[%run_scoped3A_561, %add3A_559] : memref<2x2048xi32, #tpu.memory_space<hbm>> -> memref<1x32xi32, #tpu.memory_space<hbm>>
      %dma_wait3A_1124 = tpu.memref_squeeze %dma_wait3A_1123 : memref<1x32xi32, #tpu.memory_space<hbm>> -> memref<32xi32, #tpu.memory_space<hbm>>
      %dma_wait3A_1125 = tpu.memref_slice %arg3[%run_scoped3A_561, %add3A_559] : memref<2x2048xi32, #tpu.memory_space<hbm>> -> memref<1x32xi32, #tpu.memory_space<hbm>>
      %dma_wait3A_1126 = tpu.memref_squeeze %dma_wait3A_1125 : memref<1x32xi32, #tpu.memory_space<hbm>> -> memref<32xi32, #tpu.memory_space<hbm>>
      tpu.wait_dma2 semaphore(%run_scoped3A_1118 : memref<!tpu.dma_semaphore, #tpu.memory_space<semaphore_mem>>) src(%dma_wait3A_1126 : memref<32xi32, #tpu.memory_space<hbm>>) dst(%arg8 : memref<32xi32, #tpu.memory_space<vmem>>)
      tpu.yield
    }) : () -> ()
    "tpu.region"() ({
      %run_scoped3A_1118 = tpu.sem_alloc : memref<!tpu.dma_semaphore, #tpu.memory_space<semaphore_mem>>
      %dma_start3A_1119 = arith.constant 0 : i32
      %dma_start3A_1120 = tpu.memref_slice %arg4[%add3A_559, %dma_start3A_1119] : memref<2048x16xf32, #tpu.memory_space<hbm>> -> memref<32x16xf32, #tpu.memory_space<hbm>>
      %dma_start3A_1121 = arith.constant 0 : i32
      %dma_start3A_1122 = tpu.memref_slice %arg4[%add3A_559, %dma_start3A_1121] : memref<2048x16xf32, #tpu.memory_space<hbm>> -> memref<32x16xf32, #tpu.memory_space<hbm>>
      tpu.enqueue_dma source(%dma_start3A_1122 : memref<32x16xf32, #tpu.memory_space<hbm>>) target(%arg9 : memref<32x16xf32, #tpu.memory_space<vmem>>) target_semaphore(%run_scoped3A_1118 : memref<!tpu.dma_semaphore, #tpu.memory_space<semaphore_mem>>)
      %dma_wait3A_1123 = arith.constant 0 : i32
      %dma_wait3A_1124 = tpu.memref_slice %arg4[%add3A_559, %dma_wait3A_1123] : memref<2048x16xf32, #tpu.memory_space<hbm>> -> memref<32x16xf32, #tpu.memory_space<hbm>>
      %dma_wait3A_1125 = arith.constant 0 : i32
      %dma_wait3A_1126 = tpu.memref_slice %arg4[%add3A_559, %dma_wait3A_1125] : memref<2048x16xf32, #tpu.memory_space<hbm>> -> memref<32x16xf32, #tpu.memory_space<hbm>>
      tpu.wait_dma2 semaphore(%run_scoped3A_1118 : memref<!tpu.dma_semaphore, #tpu.memory_space<semaphore_mem>>) src(%dma_wait3A_1126 : memref<32x16xf32, #tpu.memory_space<hbm>>) dst(%arg9 : memref<32x16xf32, #tpu.memory_space<vmem>>)
      tpu.yield
    }) : () -> ()
    "tpu.region"() ({
      %run_scoped3A_1118 = tpu.sem_alloc : memref<!tpu.dma_semaphore, #tpu.memory_space<semaphore_mem>>
      %dma_start3A_1119 = arith.constant 0 : i32
      %dma_start3A_1120 = tpu.memref_slice %arg5[%add3A_559, %dma_start3A_1119] : memref<2048x16xf32, #tpu.memory_space<hbm>> -> memref<32x16xf32, #tpu.memory_space<hbm>>
      %dma_start3A_1121 = arith.constant 0 : i32
      %dma_start3A_1122 = tpu.memref_slice %arg5[%add3A_559, %dma_start3A_1121] : memref<2048x16xf32, #tpu.memory_space<hbm>> -> memref<32x16xf32, #tpu.memory_space<hbm>>
      tpu.enqueue_dma source(%dma_start3A_1122 : memref<32x16xf32, #tpu.memory_space<hbm>>) target(%arg10 : memref<32x16xf32, #tpu.memory_space<vmem>>) target_semaphore(%run_scoped3A_1118 : memref<!tpu.dma_semaphore, #tpu.memory_space<semaphore_mem>>)
      %dma_wait3A_1123 = arith.constant 0 : i32
      %dma_wait3A_1124 = tpu.memref_slice %arg5[%add3A_559, %dma_wait3A_1123] : memref<2048x16xf32, #tpu.memory_space<hbm>> -> memref<32x16xf32, #tpu.memory_space<hbm>>
      %dma_wait3A_1125 = arith.constant 0 : i32
      %dma_wait3A_1126 = tpu.memref_slice %arg5[%add3A_559, %dma_wait3A_1125] : memref<2048x16xf32, #tpu.memory_space<hbm>> -> memref<32x16xf32, #tpu.memory_space<hbm>>
      tpu.wait_dma2 semaphore(%run_scoped3A_1118 : memref<!tpu.dma_semaphore, #tpu.memory_space<semaphore_mem>>) src(%dma_wait3A_1126 : memref<32x16xf32, #tpu.memory_space<hbm>>) dst(%arg10 : memref<32x16xf32, #tpu.memory_space<vmem>>)
      tpu.yield
    }) : () -> ()
    %dma_start3A_562 = arith.constant 0 : i32
    %dma_start3A_563 = arith.constant 0 : i32
    %dma_start3A_564 = tpu.memref_slice %arg2[%dma_start3A_562, %dma_start3A_563] : memref<7680x1024xf32, #tpu.memory_space<hbm>> -> memref<7680x1024xf32, #tpu.memory_space<hbm>>
    tpu.enqueue_indirect_dma source(%dma_start3A_564 : memref<7680x1024xf32, #tpu.memory_space<hbm>>) target(%arg11 : memref<32x1024xf32, #tpu.memory_space<vmem>>) offsets(%arg7 : memref<32xi32, #tpu.memory_space<vmem>>) semaphore(%arg14 : memref<!tpu.dma_semaphore, #tpu.memory_space<semaphore_mem>>)
    %dma_start3A_565 = arith.constant 0 : i32
    %dma_start3A_566 = arith.constant 0 : i32
    %dma_start3A_567 = tpu.memref_slice %arg2[%dma_start3A_565, %dma_start3A_566] : memref<7680x1024xf32, #tpu.memory_space<hbm>> -> memref<7680x1024xf32, #tpu.memory_space<hbm>>
    tpu.enqueue_indirect_dma source(%dma_start3A_567 : memref<7680x1024xf32, #tpu.memory_space<hbm>>) target(%arg12 : memref<32x1024xf32, #tpu.memory_space<vmem>>) offsets(%arg8 : memref<32xi32, #tpu.memory_space<vmem>>) semaphore(%arg15 : memref<!tpu.dma_semaphore, #tpu.memory_space<semaphore_mem>>)
    %dma_wait3A_568 = arith.constant 0 : i32
    %dma_wait3A_569 = arith.constant 0 : i32
    %dma_wait3A_570 = tpu.memref_slice %arg2[%dma_wait3A_568, %dma_wait3A_569] : memref<7680x1024xf32, #tpu.memory_space<hbm>> -> memref<7680x1024xf32, #tpu.memory_space<hbm>>
    tpu.wait_indirect_dma semaphore(%arg14 : memref<!tpu.dma_semaphore, #tpu.memory_space<semaphore_mem>>) src(%dma_wait3A_570 : memref<7680x1024xf32, #tpu.memory_space<hbm>>) dst(%arg11 : memref<32x1024xf32, #tpu.memory_space<vmem>>)
    %dma_wait3A_571 = arith.constant 0 : i32
    %dma_wait3A_572 = arith.constant 0 : i32
    %dma_wait3A_573 = tpu.memref_slice %arg2[%dma_wait3A_571, %dma_wait3A_572] : memref<7680x1024xf32, #tpu.memory_space<hbm>> -> memref<7680x1024xf32, #tpu.memory_space<hbm>>
    tpu.wait_indirect_dma semaphore(%arg15 : memref<!tpu.dma_semaphore, #tpu.memory_space<semaphore_mem>>) src(%dma_wait3A_573 : memref<7680x1024xf32, #tpu.memory_space<hbm>>) dst(%arg12 : memref<32x1024xf32, #tpu.memory_space<vmem>>)
    %get3A_574 = arith.constant 0 : i32
    %get3A_575 = arith.index_cast %get3A_574 : i32 to index
    %get3A_576 = arith.constant 0 : index
    %get3A_577 = tpu.vector_load %arg9[%get3A_575, %get3A_576] {strides = array<i32>} : memref<32x16xf32, #tpu.memory_space<vmem>>, vector<1x16xf32>,
    %get3A_578 = vector.shape_cast %get3A_577 : vector<1x16xf32> to vector<16xf32>
    %get3A_579 = arith.constant 0 : i32
    %get3A_580 = arith.index_cast %get3A_579 : i32 to index
    %get3A_581 = arith.constant 0 : index
    %get3A_582 = tpu.vector_load %arg10[%get3A_580, %get3A_581] {strides = array<i32>} : memref<32x16xf32, #tpu.memory_space<vmem>>, vector<1x16xf32>,
    %get3A_583 = vector.shape_cast %get3A_582 : vector<1x16xf32> to vector<16xf32>
    %scan3A_584 = arith.constant 0 : i32
    %scan3A_585 = arith.constant 0 : i32
    %scan3A_586 = arith.constant 64 : i32
    %scan3A_587 = arith.addi %scan3A_585, %scan3A_586 : i32
    %scan3A_588 = arith.constant 1 : i32
    %scan3A_589 = scf.for %scan3A_1118 = %scan3A_585 to %scan3A_587 step %scan3A_588 iter_args(%scan3A_1119 = %scan3A_584) -> (i32)  : i32 {
      %mul3A_1120 = arith.constant 16 : i32
      %mul3A_1121 = arith.muli %scan3A_1118, %mul3A_1120 : i32
      %get3A_1122 = arith.constant 0 : i32
      %get3A_1123 = arith.index_cast %get3A_1122 : i32 to index
      %get3A_1124 = arith.index_cast %mul3A_1121 : i32 to index
      %get3A_1125 = tpu.vector_load %arg11[%get3A_1123, %get3A_1124] {strides = array<i32>} : memref<32x1024xf32, #tpu.memory_space<vmem>>, vector<1x16xf32>,
      %get3A_1126 = vector.shape_cast %get3A_1125 : vector<1x16xf32> to vector<16xf32>
      %mul3A_1127 = arith.constant 16 : i32
      %mul3A_1128 = arith.muli %scan3A_1118, %mul3A_1127 : i32
      %get3A_1129 = arith.constant 0 : i32
      %get3A_1130 = arith.index_cast %get3A_1129 : i32 to index
      %get3A_1131 = arith.index_cast %mul3A_1128 : i32 to index
      %get3A_1132 = tpu.vector_load %arg12[%get3A_1130, %get3A_1131] {strides = array<i32>} : memref<32x1024xf32, #tpu.memory_space<vmem>>, vector<1x16xf32>,
      %get3A_1133 = vector.shape_cast %get3A_1132 : vector<1x16xf32> to vector<16xf32>
      %mul3A_1134 = arith.mulf %get3A_1126, %get3A_578 : vector<16xf32>
      %mul3A_1135 = arith.mulf %get3A_1133, %get3A_583 : vector<16xf32>
      %add3A_1136 = arith.addf %mul3A_1134, %mul3A_1135 : vector<16xf32>
      %mul3A_1137 = arith.constant 16 : i32
      %mul3A_1138 = arith.muli %scan3A_1118, %mul3A_1137 : i32
      %swap3A = arith.constant 0 : i32
      %swap3A_1139 = arith.index_cast %swap3A : i32 to index
      %swap3A_1140 = arith.index_cast %mul3A_1138 : i32 to index
      %swap3A_1141 = tpu.vector_load %arg13[%swap3A_1139, %swap3A_1140] {strides = array<i32>} : memref<32x1024xf32, #tpu.memory_space<vmem>>, vector<1x16xf32>,
      %swap3A_1142 = vector.shape_cast %swap3A_1141 : vector<1x16xf32> to vector<16xf32>
      %swap3A_1143 = vector.shape_cast %add3A_1136 : vector<16xf32> to vector<1x16xf32>
      tpu.vector_store %arg13[%swap3A_1139, %swap3A_1140], %swap3A_1143 {strides = array<i32>} : memref<32x1024xf32, #tpu.memory_space<vmem>>, vector<1x16xf32>,
      %scan3A_1144 = arith.constant 0 : i32
      scf.yield %scan3A_1144 : i32
    }
    %scan3A_590 = arith.constant 64 : i32
    %get3A_591 = arith.constant 1 : i32
    %get3A_592 = arith.index_cast %get3A_591 : i32 to index
    %get3A_593 = arith.constant 0 : index
    %get3A_594 = tpu.vector_load %arg9[%get3A_592, %get3A_593] {strides = array<i32>} : memref<32x16xf32, #tpu.memory_space<vmem>>, vector<1x16xf32>,
    %get3A_595 = vector.shape_cast %get3A_594 : vector<1x16xf32> to vector<16xf32>
    %get3A_596 = arith.constant 1 : i32
    %get3A_597 = arith.index_cast %get3A_596 : i32 to index
    %get3A_598 = arith.constant 0 : index
    %get3A_599 = tpu.vector_load %arg10[%get3A_597, %get3A_598] {strides = array<i32>} : memref<32x16xf32, #tpu.memory_space<vmem>>, vector<1x16xf32>,
    %get3A_600 = vector.shape_cast %get3A_599 : vector<1x16xf32> to vector<16xf32>
    %scan3A_601 = arith.constant 0 : i32
    %scan3A_602 = arith.constant 0 : i32
    %scan3A_603 = arith.constant 64 : i32
    %scan3A_604 = arith.addi %scan3A_602, %scan3A_603 : i32
    %scan3A_605 = arith.constant 1 : i32
    %scan3A_606 = scf.for %scan3A_1118 = %scan3A_602 to %scan3A_604 step %scan3A_605 iter_args(%scan3A_1119 = %scan3A_601) -> (i32)  : i32 {
      %mul3A_1120 = arith.constant 16 : i32
      %mul3A_1121 = arith.muli %scan3A_1118, %mul3A_1120 : i32
      %get3A_1122 = arith.constant 1 : i32
      %get3A_1123 = arith.index_cast %get3A_1122 : i32 to index
      %get3A_1124 = arith.index_cast %mul3A_1121 : i32 to index
      %get3A_1125 = tpu.vector_load %arg11[%get3A_1123, %get3A_1124] {strides = array<i32>} : memref<32x1024xf32, #tpu.memory_space<vmem>>, vector<1x16xf32>,
      %get3A_1126 = vector.shape_cast %get3A_1125 : vector<1x16xf32> to vector<16xf32>
      %mul3A_1127 = arith.constant 16 : i32
      %mul3A_1128 = arith.muli %scan3A_1118, %mul3A_1127 : i32
      %get3A_1129 = arith.constant 1 : i32
      %get3A_1130 = arith.index_cast %get3A_1129 : i32 to index
      %get3A_1131 = arith.index_cast %mul3A_1128 : i32 to index
      %get3A_1132 = tpu.vector_load %arg12[%get3A_1130, %get3A_1131] {strides = array<i32>} : memref<32x1024xf32, #tpu.memory_space<vmem>>, vector<1x16xf32>,
      %get3A_1133 = vector.shape_cast %get3A_1132 : vector<1x16xf32> to vector<16xf32>
      %mul3A_1134 = arith.mulf %get3A_1126, %get3A_595 : vector<16xf32>
      %mul3A_1135 = arith.mulf %get3A_1133, %get3A_600 : vector<16xf32>
      %add3A_1136 = arith.addf %mul3A_1134, %mul3A_1135 : vector<16xf32>
      %mul3A_1137 = arith.constant 16 : i32
      %mul3A_1138 = arith.muli %scan3A_1118, %mul3A_1137 : i32
      %swap3A = arith.constant 1 : i32
      %swap3A_1139 = arith.index_cast %swap3A : i32 to index
      %swap3A_1140 = arith.index_cast %mul3A_1138 : i32 to index
      %swap3A_1141 = tpu.vector_load %arg13[%swap3A_1139, %swap3A_1140] {strides = array<i32>} : memref<32x1024xf32, #tpu.memory_space<vmem>>, vector<1x16xf32>,
      %swap3A_1142 = vector.shape_cast %swap3A_1141 : vector<1x16xf32> to vector<16xf32>
      %swap3A_1143 = vector.shape_cast %add3A_1136 : vector<16xf32> to vector<1x16xf32>
      tpu.vector_store %arg13[%swap3A_1139, %swap3A_1140], %swap3A_1143 {strides = array<i32>} : memref<32x1024xf32, #tpu.memory_space<vmem>>, vector<1x16xf32>,
      %scan3A_1144 = arith.constant 0 : i32
      scf.yield %scan3A_1144 : i32
    }
    %scan3A_607 = arith.constant 64 : i32
    %get3A_608 = arith.constant 2 : i32
    %get3A_609 = arith.index_cast %get3A_608 : i32 to index
    %get3A_610 = arith.constant 0 : index
    %get3A_611 = tpu.vector_load %arg9[%get3A_609, %get3A_610] {strides = array<i32>} : memref<32x16xf32, #tpu.memory_space<vmem>>, vector<1x16xf32>,
    %get3A_612 = vector.shape_cast %get3A_611 : vector<1x16xf32> to vector<16xf32>
    %get3A_613 = arith.constant 2 : i32
    %get3A_614 = arith.index_cast %get3A_613 : i32 to index
    %get3A_615 = arith.constant 0 : index
    %get3A_616 = tpu.vector_load %arg10[%get3A_614, %get3A_615] {strides = array<i32>} : memref<32x16xf32, #tpu.memory_space<vmem>>, vector<1x16xf32>,
    %get3A_617 = vector.shape_cast %get3A_616 : vector<1x16xf32> to vector<16xf32>
    %scan3A_618 = arith.constant 0 : i32
    %scan3A_619 = arith.constant 0 : i32
    %scan3A_620 = arith.constant 64 : i32
    %scan3A_621 = arith.addi %scan3A_619, %scan3A_620 : i32
    %scan3A_622 = arith.constant 1 : i32
    %scan3A_623 = scf.for %scan3A_1118 = %scan3A_619 to %scan3A_621 step %scan3A_622 iter_args(%scan3A_1119 = %scan3A_618) -> (i32)  : i32 {
      %mul3A_1120 = arith.constant 16 : i32
      %mul3A_1121 = arith.muli %scan3A_1118, %mul3A_1120 : i32
      %get3A_1122 = arith.constant 2 : i32
      %get3A_1123 = arith.index_cast %get3A_1122 : i32 to index
      %get3A_1124 = arith.index_cast %mul3A_1121 : i32 to index
      %get3A_1125 = tpu.vector_load %arg11[%get3A_1123, %get3A_1124] {strides = array<i32>} : memref<32x1024xf32, #tpu.memory_space<vmem>>, vector<1x16xf32>,
      %get3A_1126 = vector.shape_cast %get3A_1125 : vector<1x16xf32> to vector<16xf32>
      %mul3A_1127 = arith.constant 16 : i32
      %mul3A_1128 = arith.muli %scan3A_1118, %mul3A_1127 : i32
      %get3A_1129 = arith.constant 2 : i32
      %get3A_1130 = arith.index_cast %get3A_1129 : i32 to index
      %get3A_1131 = arith.index_cast %mul3A_1128 : i32 to index
      %get3A_1132 = tpu.vector_load %arg12[%get3A_1130, %get3A_1131] {strides = array<i32>} : memref<32x1024xf32, #tpu.memory_space<vmem>>, vector<1x16xf32>,
      %get3A_1133 = vector.shape_cast %get3A_1132 : vector<1x16xf32> to vector<16xf32>
      %mul3A_1134 = arith.mulf %get3A_1126, %get3A_612 : vector<16xf32>
      %mul3A_1135 = arith.mulf %get3A_1133, %get3A_617 : vector<16xf32>
      %add3A_1136 = arith.addf %mul3A_1134, %mul3A_1135 : vector<16xf32>
      %mul3A_1137 = arith.constant 16 : i32
      %mul3A_1138 = arith.muli %scan3A_1118, %mul3A_1137 : i32
      %swap3A = arith.constant 2 : i32
      %swap3A_1139 = arith.index_cast %swap3A : i32 to index
      %swap3A_1140 = arith.index_cast %mul3A_1138 : i32 to index
      %swap3A_1141 = tpu.vector_load %arg13[%swap3A_1139, %swap3A_1140] {strides = array<i32>} : memref<32x1024xf32, #tpu.memory_space<vmem>>, vector<1x16xf32>,
      %swap3A_1142 = vector.shape_cast %swap3A_1141 : vector<1x16xf32> to vector<16xf32>
      %swap3A_1143 = vector.shape_cast %add3A_1136 : vector<16xf32> to vector<1x16xf32>
      tpu.vector_store %arg13[%swap3A_1139, %swap3A_1140], %swap3A_1143 {strides = array<i32>} : memref<32x1024xf32, #tpu.memory_space<vmem>>, vector<1x16xf32>,
      %scan3A_1144 = arith.constant 0 : i32
      scf.yield %scan3A_1144 : i32
    }
    %scan3A_624 = arith.constant 64 : i32
    %get3A_625 = arith.constant 3 : i32
    %get3A_626 = arith.index_cast %get3A_625 : i32 to index
    %get3A_627 = arith.constant 0 : index
    %get3A_628 = tpu.vector_load %arg9[%get3A_626, %get3A_627] {strides = array<i32>} : memref<32x16xf32, #tpu.memory_space<vmem>>, vector<1x16xf32>,
    %get3A_629 = vector.shape_cast %get3A_628 : vector<1x16xf32> to vector<16xf32>
    %get3A_630 = arith.constant 3 : i32
    %get3A_631 = arith.index_cast %get3A_630 : i32 to index
    %get3A_632 = arith.constant 0 : index
    %get3A_633 = tpu.vector_load %arg10[%get3A_631, %get3A_632] {strides = array<i32>} : memref<32x16xf32, #tpu.memory_space<vmem>>, vector<1x16xf32>,
    %get3A_634 = vector.shape_cast %get3A_633 : vector<1x16xf32> to vector<16xf32>
    %scan3A_635 = arith.constant 0 : i32
    %scan3A_636 = arith.constant 0 : i32
    %scan3A_637 = arith.constant 64 : i32
    %scan3A_638 = arith.addi %scan3A_636, %scan3A_637 : i32
    %scan3A_639 = arith.constant 1 : i32
    %scan3A_640 = scf.for %scan3A_1118 = %scan3A_636 to %scan3A_638 step %scan3A_639 iter_args(%scan3A_1119 = %scan3A_635) -> (i32)  : i32 {
      %mul3A_1120 = arith.constant 16 : i32
      %mul3A_1121 = arith.muli %scan3A_1118, %mul3A_1120 : i32
      %get3A_1122 = arith.constant 3 : i32
      %get3A_1123 = arith.index_cast %get3A_1122 : i32 to index
      %get3A_1124 = arith.index_cast %mul3A_1121 : i32 to index
      %get3A_1125 = tpu.vector_load %arg11[%get3A_1123, %get3A_1124] {strides = array<i32>} : memref<32x1024xf32, #tpu.memory_space<vmem>>, vector<1x16xf32>,
      %get3A_1126 = vector.shape_cast %get3A_1125 : vector<1x16xf32> to vector<16xf32>
      %mul3A_1127 = arith.constant 16 : i32
      %mul3A_1128 = arith.muli %scan3A_1118, %mul3A_1127 : i32
      %get3A_1129 = arith.constant 3 : i32
      %get3A_1130 = arith.index_cast %get3A_1129 : i32 to index
      %get3A_1131 = arith.index_cast %mul3A_1128 : i32 to index
      %get3A_1132 = tpu.vector_load %arg12[%get3A_1130, %get3A_1131] {strides = array<i32>} : memref<32x1024xf32, #tpu.memory_space<vmem>>, vector<1x16xf32>,
      %get3A_1133 = vector.shape_cast %get3A_1132 : vector<1x16xf32> to vector<16xf32>
      %mul3A_1134 = arith.mulf %get3A_1126, %get3A_629 : vector<16xf32>
      %mul3A_1135 = arith.mulf %get3A_1133, %get3A_634 : vector<16xf32>
      %add3A_1136 = arith.addf %mul3A_1134, %mul3A_1135 : vector<16xf32>
      %mul3A_1137 = arith.constant 16 : i32
      %mul3A_1138 = arith.muli %scan3A_1118, %mul3A_1137 : i32
      %swap3A = arith.constant 3 : i32
      %swap3A_1139 = arith.index_cast %swap3A : i32 to index
      %swap3A_1140 = arith.index_cast %mul3A_1138 : i32 to index
      %swap3A_1141 = tpu.vector_load %arg13[%swap3A_1139, %swap3A_1140] {strides = array<i32>} : memref<32x1024xf32, #tpu.memory_space<vmem>>, vector<1x16xf32>,
      %swap3A_1142 = vector.shape_cast %swap3A_1141 : vector<1x16xf32> to vector<16xf32>
      %swap3A_1143 = vector.shape_cast %add3A_1136 : vector<16xf32> to vector<1x16xf32>
      tpu.vector_store %arg13[%swap3A_1139, %swap3A_1140], %swap3A_1143 {strides = array<i32>} : memref<32x1024xf32, #tpu.memory_space<vmem>>, vector<1x16xf32>,
      %scan3A_1144 = arith.constant 0 : i32
      scf.yield %scan3A_1144 : i32
    }
    %scan3A_641 = arith.constant 64 : i32
    %get3A_642 = arith.constant 4 : i32
    %get3A_643 = arith.index_cast %get3A_642 : i32 to index
    %get3A_644 = arith.constant 0 : index
    %get3A_645 = tpu.vector_load %arg9[%get3A_643, %get3A_644] {strides = array<i32>} : memref<32x16xf32, #tpu.memory_space<vmem>>, vector<1x16xf32>,
    %get3A_646 = vector.shape_cast %get3A_645 : vector<1x16xf32> to vector<16xf32>
    %get3A_647 = arith.constant 4 : i32
    %get3A_648 = arith.index_cast %get3A_647 : i32 to index
    %get3A_649 = arith.constant 0 : index
    %get3A_650 = tpu.vector_load %arg10[%get3A_648, %get3A_649] {strides = array<i32>} : memref<32x16xf32, #tpu.memory_space<vmem>>, vector<1x16xf32>,
    %get3A_651 = vector.shape_cast %get3A_650 : vector<1x16xf32> to vector<16xf32>
    %scan3A_652 = arith.constant 0 : i32
    %scan3A_653 = arith.constant 0 : i32
    %scan3A_654 = arith.constant 64 : i32
    %scan3A_655 = arith.addi %scan3A_653, %scan3A_654 : i32
    %scan3A_656 = arith.constant 1 : i32
    %scan3A_657 = scf.for %scan3A_1118 = %scan3A_653 to %scan3A_655 step %scan3A_656 iter_args(%scan3A_1119 = %scan3A_652) -> (i32)  : i32 {
      %mul3A_1120 = arith.constant 16 : i32
      %mul3A_1121 = arith.muli %scan3A_1118, %mul3A_1120 : i32
      %get3A_1122 = arith.constant 4 : i32
      %get3A_1123 = arith.index_cast %get3A_1122 : i32 to index
      %get3A_1124 = arith.index_cast %mul3A_1121 : i32 to index
      %get3A_1125 = tpu.vector_load %arg11[%get3A_1123, %get3A_1124] {strides = array<i32>} : memref<32x1024xf32, #tpu.memory_space<vmem>>, vector<1x16xf32>,
      %get3A_1126 = vector.shape_cast %get3A_1125 : vector<1x16xf32> to vector<16xf32>
      %mul3A_1127 = arith.constant 16 : i32
      %mul3A_1128 = arith.muli %scan3A_1118, %mul3A_1127 : i32
      %get3A_1129 = arith.constant 4 : i32
      %get3A_1130 = arith.index_cast %get3A_1129 : i32 to index
      %get3A_1131 = arith.index_cast %mul3A_1128 : i32 to index
      %get3A_1132 = tpu.vector_load %arg12[%get3A_1130, %get3A_1131] {strides = array<i32>} : memref<32x1024xf32, #tpu.memory_space<vmem>>, vector<1x16xf32>,
      %get3A_1133 = vector.shape_cast %get3A_1132 : vector<1x16xf32> to vector<16xf32>
      %mul3A_1134 = arith.mulf %get3A_1126, %get3A_646 : vector<16xf32>
      %mul3A_1135 = arith.mulf %get3A_1133, %get3A_651 : vector<16xf32>
      %add3A_1136 = arith.addf %mul3A_1134, %mul3A_1135 : vector<16xf32>
      %mul3A_1137 = arith.constant 16 : i32
      %mul3A_1138 = arith.muli %scan3A_1118, %mul3A_1137 : i32
      %swap3A = arith.constant 4 : i32
      %swap3A_1139 = arith.index_cast %swap3A : i32 to index
      %swap3A_1140 = arith.index_cast %mul3A_1138 : i32 to index
      %swap3A_1141 = tpu.vector_load %arg13[%swap3A_1139, %swap3A_1140] {strides = array<i32>} : memref<32x1024xf32, #tpu.memory_space<vmem>>, vector<1x16xf32>,
      %swap3A_1142 = vector.shape_cast %swap3A_1141 : vector<1x16xf32> to vector<16xf32>
      %swap3A_1143 = vector.shape_cast %add3A_1136 : vector<16xf32> to vector<1x16xf32>
      tpu.vector_store %arg13[%swap3A_1139, %swap3A_1140], %swap3A_1143 {strides = array<i32>} : memref<32x1024xf32, #tpu.memory_space<vmem>>, vector<1x16xf32>,
      %scan3A_1144 = arith.constant 0 : i32
      scf.yield %scan3A_1144 : i32
    }
    %scan3A_658 = arith.constant 64 : i32
    %get3A_659 = arith.constant 5 : i32
    %get3A_660 = arith.index_cast %get3A_659 : i32 to index
    %get3A_661 = arith.constant 0 : index
    %get3A_662 = tpu.vector_load %arg9[%get3A_660, %get3A_661] {strides = array<i32>} : memref<32x16xf32, #tpu.memory_space<vmem>>, vector<1x16xf32>,
    %get3A_663 = vector.shape_cast %get3A_662 : vector<1x16xf32> to vector<16xf32>
    %get3A_664 = arith.constant 5 : i32
    %get3A_665 = arith.index_cast %get3A_664 : i32 to index
    %get3A_666 = arith.constant 0 : index
    %get3A_667 = tpu.vector_load %arg10[%get3A_665, %get3A_666] {strides = array<i32>} : memref<32x16xf32, #tpu.memory_space<vmem>>, vector<1x16xf32>,
    %get3A_668 = vector.shape_cast %get3A_667 : vector<1x16xf32> to vector<16xf32>
    %scan3A_669 = arith.constant 0 : i32
    %scan3A_670 = arith.constant 0 : i32
    %scan3A_671 = arith.constant 64 : i32
    %scan3A_672 = arith.addi %scan3A_670, %scan3A_671 : i32
    %scan3A_673 = arith.constant 1 : i32
    %scan3A_674 = scf.for %scan3A_1118 = %scan3A_670 to %scan3A_672 step %scan3A_673 iter_args(%scan3A_1119 = %scan3A_669) -> (i32)  : i32 {
      %mul3A_1120 = arith.constant 16 : i32
      %mul3A_1121 = arith.muli %scan3A_1118, %mul3A_1120 : i32
      %get3A_1122 = arith.constant 5 : i32
      %get3A_1123 = arith.index_cast %get3A_1122 : i32 to index
      %get3A_1124 = arith.index_cast %mul3A_1121 : i32 to index
      %get3A_1125 = tpu.vector_load %arg11[%get3A_1123, %get3A_1124] {strides = array<i32>} : memref<32x1024xf32, #tpu.memory_space<vmem>>, vector<1x16xf32>,
      %get3A_1126 = vector.shape_cast %get3A_1125 : vector<1x16xf32> to vector<16xf32>
      %mul3A_1127 = arith.constant 16 : i32
      %mul3A_1128 = arith.muli %scan3A_1118, %mul3A_1127 : i32
      %get3A_1129 = arith.constant 5 : i32
      %get3A_1130 = arith.index_cast %get3A_1129 : i32 to index
      %get3A_1131 = arith.index_cast %mul3A_1128 : i32 to index
      %get3A_1132 = tpu.vector_load %arg12[%get3A_1130, %get3A_1131] {strides = array<i32>} : memref<32x1024xf32, #tpu.memory_space<vmem>>, vector<1x16xf32>,
      %get3A_1133 = vector.shape_cast %get3A_1132 : vector<1x16xf32> to vector<16xf32>
      %mul3A_1134 = arith.mulf %get3A_1126, %get3A_663 : vector<16xf32>
      %mul3A_1135 = arith.mulf %get3A_1133, %get3A_668 : vector<16xf32>
      %add3A_1136 = arith.addf %mul3A_1134, %mul3A_1135 : vector<16xf32>
      %mul3A_1137 = arith.constant 16 : i32
      %mul3A_1138 = arith.muli %scan3A_1118, %mul3A_1137 : i32
      %swap3A = arith.constant 5 : i32
      %swap3A_1139 = arith.index_cast %swap3A : i32 to index
      %swap3A_1140 = arith.index_cast %mul3A_1138 : i32 to index
      %swap3A_1141 = tpu.vector_load %arg13[%swap3A_1139, %swap3A_1140] {strides = array<i32>} : memref<32x1024xf32, #tpu.memory_space<vmem>>, vector<1x16xf32>,
      %swap3A_1142 = vector.shape_cast %swap3A_1141 : vector<1x16xf32> to vector<16xf32>
      %swap3A_1143 = vector.shape_cast %add3A_1136 : vector<16xf32> to vector<1x16xf32>
      tpu.vector_store %arg13[%swap3A_1139, %swap3A_1140], %swap3A_1143 {strides = array<i32>} : memref<32x1024xf32, #tpu.memory_space<vmem>>, vector<1x16xf32>,
      %scan3A_1144 = arith.constant 0 : i32
      scf.yield %scan3A_1144 : i32
    }
    %scan3A_675 = arith.constant 64 : i32
    %get3A_676 = arith.constant 6 : i32
    %get3A_677 = arith.index_cast %get3A_676 : i32 to index
    %get3A_678 = arith.constant 0 : index
    %get3A_679 = tpu.vector_load %arg9[%get3A_677, %get3A_678] {strides = array<i32>} : memref<32x16xf32, #tpu.memory_space<vmem>>, vector<1x16xf32>,
    %get3A_680 = vector.shape_cast %get3A_679 : vector<1x16xf32> to vector<16xf32>
    %get3A_681 = arith.constant 6 : i32
    %get3A_682 = arith.index_cast %get3A_681 : i32 to index
    %get3A_683 = arith.constant 0 : index
    %get3A_684 = tpu.vector_load %arg10[%get3A_682, %get3A_683] {strides = array<i32>} : memref<32x16xf32, #tpu.memory_space<vmem>>, vector<1x16xf32>,
    %get3A_685 = vector.shape_cast %get3A_684 : vector<1x16xf32> to vector<16xf32>
    %scan3A_686 = arith.constant 0 : i32
    %scan3A_687 = arith.constant 0 : i32
    %scan3A_688 = arith.constant 64 : i32
    %scan3A_689 = arith.addi %scan3A_687, %scan3A_688 : i32
    %scan3A_690 = arith.constant 1 : i32
    %scan3A_691 = scf.for %scan3A_1118 = %scan3A_687 to %scan3A_689 step %scan3A_690 iter_args(%scan3A_1119 = %scan3A_686) -> (i32)  : i32 {
      %mul3A_1120 = arith.constant 16 : i32
      %mul3A_1121 = arith.muli %scan3A_1118, %mul3A_1120 : i32
      %get3A_1122 = arith.constant 6 : i32
      %get3A_1123 = arith.index_cast %get3A_1122 : i32 to index
      %get3A_1124 = arith.index_cast %mul3A_1121 : i32 to index
      %get3A_1125 = tpu.vector_load %arg11[%get3A_1123, %get3A_1124] {strides = array<i32>} : memref<32x1024xf32, #tpu.memory_space<vmem>>, vector<1x16xf32>,
      %get3A_1126 = vector.shape_cast %get3A_1125 : vector<1x16xf32> to vector<16xf32>
      %mul3A_1127 = arith.constant 16 : i32
      %mul3A_1128 = arith.muli %scan3A_1118, %mul3A_1127 : i32
      %get3A_1129 = arith.constant 6 : i32
      %get3A_1130 = arith.index_cast %get3A_1129 : i32 to index
      %get3A_1131 = arith.index_cast %mul3A_1128 : i32 to index
      %get3A_1132 = tpu.vector_load %arg12[%get3A_1130, %get3A_1131] {strides = array<i32>} : memref<32x1024xf32, #tpu.memory_space<vmem>>, vector<1x16xf32>,
      %get3A_1133 = vector.shape_cast %get3A_1132 : vector<1x16xf32> to vector<16xf32>
      %mul3A_1134 = arith.mulf %get3A_1126, %get3A_680 : vector<16xf32>
      %mul3A_1135 = arith.mulf %get3A_1133, %get3A_685 : vector<16xf32>
      %add3A_1136 = arith.addf %mul3A_1134, %mul3A_1135 : vector<16xf32>
      %mul3A_1137 = arith.constant 16 : i32
      %mul3A_1138 = arith.muli %scan3A_1118, %mul3A_1137 : i32
      %swap3A = arith.constant 6 : i32
      %swap3A_1139 = arith.index_cast %swap3A : i32 to index
      %swap3A_1140 = arith.index_cast %mul3A_1138 : i32 to index
      %swap3A_1141 = tpu.vector_load %arg13[%swap3A_1139, %swap3A_1140] {strides = array<i32>} : memref<32x1024xf32, #tpu.memory_space<vmem>>, vector<1x16xf32>,
      %swap3A_1142 = vector.shape_cast %swap3A_1141 : vector<1x16xf32> to vector<16xf32>
      %swap3A_1143 = vector.shape_cast %add3A_1136 : vector<16xf32> to vector<1x16xf32>
      tpu.vector_store %arg13[%swap3A_1139, %swap3A_1140], %swap3A_1143 {strides = array<i32>} : memref<32x1024xf32, #tpu.memory_space<vmem>>, vector<1x16xf32>,
      %scan3A_1144 = arith.constant 0 : i32
      scf.yield %scan3A_1144 : i32
    }
    %scan3A_692 = arith.constant 64 : i32
    %get3A_693 = arith.constant 7 : i32
    %get3A_694 = arith.index_cast %get3A_693 : i32 to index
    %get3A_695 = arith.constant 0 : index
    %get3A_696 = tpu.vector_load %arg9[%get3A_694, %get3A_695] {strides = array<i32>} : memref<32x16xf32, #tpu.memory_space<vmem>>, vector<1x16xf32>,
    %get3A_697 = vector.shape_cast %get3A_696 : vector<1x16xf32> to vector<16xf32>
    %get3A_698 = arith.constant 7 : i32
    %get3A_699 = arith.index_cast %get3A_698 : i32 to index
    %get3A_700 = arith.constant 0 : index
    %get3A_701 = tpu.vector_load %arg10[%get3A_699, %get3A_700] {strides = array<i32>} : memref<32x16xf32, #tpu.memory_space<vmem>>, vector<1x16xf32>,
    %get3A_702 = vector.shape_cast %get3A_701 : vector<1x16xf32> to vector<16xf32>
    %scan3A_703 = arith.constant 0 : i32
    %scan3A_704 = arith.constant 0 : i32
    %scan3A_705 = arith.constant 64 : i32
    %scan3A_706 = arith.addi %scan3A_704, %scan3A_705 : i32
    %scan3A_707 = arith.constant 1 : i32
    %scan3A_708 = scf.for %scan3A_1118 = %scan3A_704 to %scan3A_706 step %scan3A_707 iter_args(%scan3A_1119 = %scan3A_703) -> (i32)  : i32 {
      %mul3A_1120 = arith.constant 16 : i32
      %mul3A_1121 = arith.muli %scan3A_1118, %mul3A_1120 : i32
      %get3A_1122 = arith.constant 7 : i32
      %get3A_1123 = arith.index_cast %get3A_1122 : i32 to index
      %get3A_1124 = arith.index_cast %mul3A_1121 : i32 to index
      %get3A_1125 = tpu.vector_load %arg11[%get3A_1123, %get3A_1124] {strides = array<i32>} : memref<32x1024xf32, #tpu.memory_space<vmem>>, vector<1x16xf32>,
      %get3A_1126 = vector.shape_cast %get3A_1125 : vector<1x16xf32> to vector<16xf32>
      %mul3A_1127 = arith.constant 16 : i32
      %mul3A_1128 = arith.muli %scan3A_1118, %mul3A_1127 : i32
      %get3A_1129 = arith.constant 7 : i32
      %get3A_1130 = arith.index_cast %get3A_1129 : i32 to index
      %get3A_1131 = arith.index_cast %mul3A_1128 : i32 to index
      %get3A_1132 = tpu.vector_load %arg12[%get3A_1130, %get3A_1131] {strides = array<i32>} : memref<32x1024xf32, #tpu.memory_space<vmem>>, vector<1x16xf32>,
      %get3A_1133 = vector.shape_cast %get3A_1132 : vector<1x16xf32> to vector<16xf32>
      %mul3A_1134 = arith.mulf %get3A_1126, %get3A_697 : vector<16xf32>
      %mul3A_1135 = arith.mulf %get3A_1133, %get3A_702 : vector<16xf32>
      %add3A_1136 = arith.addf %mul3A_1134, %mul3A_1135 : vector<16xf32>
      %mul3A_1137 = arith.constant 16 : i32
      %mul3A_1138 = arith.muli %scan3A_1118, %mul3A_1137 : i32
      %swap3A = arith.constant 7 : i32
      %swap3A_1139 = arith.index_cast %swap3A : i32 to index
      %swap3A_1140 = arith.index_cast %mul3A_1138 : i32 to index
      %swap3A_1141 = tpu.vector_load %arg13[%swap3A_1139, %swap3A_1140] {strides = array<i32>} : memref<32x1024xf32, #tpu.memory_space<vmem>>, vector<1x16xf32>,
      %swap3A_1142 = vector.shape_cast %swap3A_1141 : vector<1x16xf32> to vector<16xf32>
      %swap3A_1143 = vector.shape_cast %add3A_1136 : vector<16xf32> to vector<1x16xf32>
      tpu.vector_store %arg13[%swap3A_1139, %swap3A_1140], %swap3A_1143 {strides = array<i32>} : memref<32x1024xf32, #tpu.memory_space<vmem>>, vector<1x16xf32>,
      %scan3A_1144 = arith.constant 0 : i32
      scf.yield %scan3A_1144 : i32
    }
    %scan3A_709 = arith.constant 64 : i32
    %get3A_710 = arith.constant 8 : i32
    %get3A_711 = arith.index_cast %get3A_710 : i32 to index
    %get3A_712 = arith.constant 0 : index
    %get3A_713 = tpu.vector_load %arg9[%get3A_711, %get3A_712] {strides = array<i32>} : memref<32x16xf32, #tpu.memory_space<vmem>>, vector<1x16xf32>,
    %get3A_714 = vector.shape_cast %get3A_713 : vector<1x16xf32> to vector<16xf32>
    %get3A_715 = arith.constant 8 : i32
    %get3A_716 = arith.index_cast %get3A_715 : i32 to index
    %get3A_717 = arith.constant 0 : index
    %get3A_718 = tpu.vector_load %arg10[%get3A_716, %get3A_717] {strides = array<i32>} : memref<32x16xf32, #tpu.memory_space<vmem>>, vector<1x16xf32>,
    %get3A_719 = vector.shape_cast %get3A_718 : vector<1x16xf32> to vector<16xf32>
    %scan3A_720 = arith.constant 0 : i32
    %scan3A_721 = arith.constant 0 : i32
    %scan3A_722 = arith.constant 64 : i32
    %scan3A_723 = arith.addi %scan3A_721, %scan3A_722 : i32
    %scan3A_724 = arith.constant 1 : i32
    %scan3A_725 = scf.for %scan3A_1118 = %scan3A_721 to %scan3A_723 step %scan3A_724 iter_args(%scan3A_1119 = %scan3A_720) -> (i32)  : i32 {
      %mul3A_1120 = arith.constant 16 : i32
      %mul3A_1121 = arith.muli %scan3A_1118, %mul3A_1120 : i32
      %get3A_1122 = arith.constant 8 : i32
      %get3A_1123 = arith.index_cast %get3A_1122 : i32 to index
      %get3A_1124 = arith.index_cast %mul3A_1121 : i32 to index
      %get3A_1125 = tpu.vector_load %arg11[%get3A_1123, %get3A_1124] {strides = array<i32>} : memref<32x1024xf32, #tpu.memory_space<vmem>>, vector<1x16xf32>,
      %get3A_1126 = vector.shape_cast %get3A_1125 : vector<1x16xf32> to vector<16xf32>
      %mul3A_1127 = arith.constant 16 : i32
      %mul3A_1128 = arith.muli %scan3A_1118, %mul3A_1127 : i32
      %get3A_1129 = arith.constant 8 : i32
      %get3A_1130 = arith.index_cast %get3A_1129 : i32 to index
      %get3A_1131 = arith.index_cast %mul3A_1128 : i32 to index
      %get3A_1132 = tpu.vector_load %arg12[%get3A_1130, %get3A_1131] {strides = array<i32>} : memref<32x1024xf32, #tpu.memory_space<vmem>>, vector<1x16xf32>,
      %get3A_1133 = vector.shape_cast %get3A_1132 : vector<1x16xf32> to vector<16xf32>
      %mul3A_1134 = arith.mulf %get3A_1126, %get3A_714 : vector<16xf32>
      %mul3A_1135 = arith.mulf %get3A_1133, %get3A_719 : vector<16xf32>
      %add3A_1136 = arith.addf %mul3A_1134, %mul3A_1135 : vector<16xf32>
      %mul3A_1137 = arith.constant 16 : i32
      %mul3A_1138 = arith.muli %scan3A_1118, %mul3A_1137 : i32
      %swap3A = arith.constant 8 : i32
      %swap3A_1139 = arith.index_cast %swap3A : i32 to index
      %swap3A_1140 = arith.index_cast %mul3A_1138 : i32 to index
      %swap3A_1141 = tpu.vector_load %arg13[%swap3A_1139, %swap3A_1140] {strides = array<i32>} : memref<32x1024xf32, #tpu.memory_space<vmem>>, vector<1x16xf32>,
      %swap3A_1142 = vector.shape_cast %swap3A_1141 : vector<1x16xf32> to vector<16xf32>
      %swap3A_1143 = vector.shape_cast %add3A_1136 : vector<16xf32> to vector<1x16xf32>
      tpu.vector_store %arg13[%swap3A_1139, %swap3A_1140], %swap3A_1143 {strides = array<i32>} : memref<32x1024xf32, #tpu.memory_space<vmem>>, vector<1x16xf32>,
      %scan3A_1144 = arith.constant 0 : i32
      scf.yield %scan3A_1144 : i32
    }
    %scan3A_726 = arith.constant 64 : i32
    %get3A_727 = arith.constant 9 : i32
    %get3A_728 = arith.index_cast %get3A_727 : i32 to index
    %get3A_729 = arith.constant 0 : index
    %get3A_730 = tpu.vector_load %arg9[%get3A_728, %get3A_729] {strides = array<i32>} : memref<32x16xf32, #tpu.memory_space<vmem>>, vector<1x16xf32>,
    %get3A_731 = vector.shape_cast %get3A_730 : vector<1x16xf32> to vector<16xf32>
    %get3A_732 = arith.constant 9 : i32
    %get3A_733 = arith.index_cast %get3A_732 : i32 to index
    %get3A_734 = arith.constant 0 : index
    %get3A_735 = tpu.vector_load %arg10[%get3A_733, %get3A_734] {strides = array<i32>} : memref<32x16xf32, #tpu.memory_space<vmem>>, vector<1x16xf32>,
    %get3A_736 = vector.shape_cast %get3A_735 : vector<1x16xf32> to vector<16xf32>
    %scan3A_737 = arith.constant 0 : i32
    %scan3A_738 = arith.constant 0 : i32
    %scan3A_739 = arith.constant 64 : i32
    %scan3A_740 = arith.addi %scan3A_738, %scan3A_739 : i32
    %scan3A_741 = arith.constant 1 : i32
    %scan3A_742 = scf.for %scan3A_1118 = %scan3A_738 to %scan3A_740 step %scan3A_741 iter_args(%scan3A_1119 = %scan3A_737) -> (i32)  : i32 {
      %mul3A_1120 = arith.constant 16 : i32
      %mul3A_1121 = arith.muli %scan3A_1118, %mul3A_1120 : i32
      %get3A_1122 = arith.constant 9 : i32
      %get3A_1123 = arith.index_cast %get3A_1122 : i32 to index
      %get3A_1124 = arith.index_cast %mul3A_1121 : i32 to index
      %get3A_1125 = tpu.vector_load %arg11[%get3A_1123, %get3A_1124] {strides = array<i32>} : memref<32x1024xf32, #tpu.memory_space<vmem>>, vector<1x16xf32>,
      %get3A_1126 = vector.shape_cast %get3A_1125 : vector<1x16xf32> to vector<16xf32>
      %mul3A_1127 = arith.constant 16 : i32
      %mul3A_1128 = arith.muli %scan3A_1118, %mul3A_1127 : i32
      %get3A_1129 = arith.constant 9 : i32
      %get3A_1130 = arith.index_cast %get3A_1129 : i32 to index
      %get3A_1131 = arith.index_cast %mul3A_1128 : i32 to index
      %get3A_1132 = tpu.vector_load %arg12[%get3A_1130, %get3A_1131] {strides = array<i32>} : memref<32x1024xf32, #tpu.memory_space<vmem>>, vector<1x16xf32>,
      %get3A_1133 = vector.shape_cast %get3A_1132 : vector<1x16xf32> to vector<16xf32>
      %mul3A_1134 = arith.mulf %get3A_1126, %get3A_731 : vector<16xf32>
      %mul3A_1135 = arith.mulf %get3A_1133, %get3A_736 : vector<16xf32>
      %add3A_1136 = arith.addf %mul3A_1134, %mul3A_1135 : vector<16xf32>
      %mul3A_1137 = arith.constant 16 : i32
      %mul3A_1138 = arith.muli %scan3A_1118, %mul3A_1137 : i32
      %swap3A = arith.constant 9 : i32
      %swap3A_1139 = arith.index_cast %swap3A : i32 to index
      %swap3A_1140 = arith.index_cast %mul3A_1138 : i32 to index
      %swap3A_1141 = tpu.vector_load %arg13[%swap3A_1139, %swap3A_1140] {strides = array<i32>} : memref<32x1024xf32, #tpu.memory_space<vmem>>, vector<1x16xf32>,
      %swap3A_1142 = vector.shape_cast %swap3A_1141 : vector<1x16xf32> to vector<16xf32>
      %swap3A_1143 = vector.shape_cast %add3A_1136 : vector<16xf32> to vector<1x16xf32>
      tpu.vector_store %arg13[%swap3A_1139, %swap3A_1140], %swap3A_1143 {strides = array<i32>} : memref<32x1024xf32, #tpu.memory_space<vmem>>, vector<1x16xf32>,
      %scan3A_1144 = arith.constant 0 : i32
      scf.yield %scan3A_1144 : i32
    }
    %scan3A_743 = arith.constant 64 : i32
    %get3A_744 = arith.constant 10 : i32
    %get3A_745 = arith.index_cast %get3A_744 : i32 to index
    %get3A_746 = arith.constant 0 : index
    %get3A_747 = tpu.vector_load %arg9[%get3A_745, %get3A_746] {strides = array<i32>} : memref<32x16xf32, #tpu.memory_space<vmem>>, vector<1x16xf32>,
    %get3A_748 = vector.shape_cast %get3A_747 : vector<1x16xf32> to vector<16xf32>
    %get3A_749 = arith.constant 10 : i32
    %get3A_750 = arith.index_cast %get3A_749 : i32 to index
    %get3A_751 = arith.constant 0 : index
    %get3A_752 = tpu.vector_load %arg10[%get3A_750, %get3A_751] {strides = array<i32>} : memref<32x16xf32, #tpu.memory_space<vmem>>, vector<1x16xf32>,
    %get3A_753 = vector.shape_cast %get3A_752 : vector<1x16xf32> to vector<16xf32>
    %scan3A_754 = arith.constant 0 : i32
    %scan3A_755 = arith.constant 0 : i32
    %scan3A_756 = arith.constant 64 : i32
    %scan3A_757 = arith.addi %scan3A_755, %scan3A_756 : i32
    %scan3A_758 = arith.constant 1 : i32
    %scan3A_759 = scf.for %scan3A_1118 = %scan3A_755 to %scan3A_757 step %scan3A_758 iter_args(%scan3A_1119 = %scan3A_754) -> (i32)  : i32 {
      %mul3A_1120 = arith.constant 16 : i32
      %mul3A_1121 = arith.muli %scan3A_1118, %mul3A_1120 : i32
      %get3A_1122 = arith.constant 10 : i32
      %get3A_1123 = arith.index_cast %get3A_1122 : i32 to index
      %get3A_1124 = arith.index_cast %mul3A_1121 : i32 to index
      %get3A_1125 = tpu.vector_load %arg11[%get3A_1123, %get3A_1124] {strides = array<i32>} : memref<32x1024xf32, #tpu.memory_space<vmem>>, vector<1x16xf32>,
      %get3A_1126 = vector.shape_cast %get3A_1125 : vector<1x16xf32> to vector<16xf32>
      %mul3A_1127 = arith.constant 16 : i32
      %mul3A_1128 = arith.muli %scan3A_1118, %mul3A_1127 : i32
      %get3A_1129 = arith.constant 10 : i32
      %get3A_1130 = arith.index_cast %get3A_1129 : i32 to index
      %get3A_1131 = arith.index_cast %mul3A_1128 : i32 to index
      %get3A_1132 = tpu.vector_load %arg12[%get3A_1130, %get3A_1131] {strides = array<i32>} : memref<32x1024xf32, #tpu.memory_space<vmem>>, vector<1x16xf32>,
      %get3A_1133 = vector.shape_cast %get3A_1132 : vector<1x16xf32> to vector<16xf32>
      %mul3A_1134 = arith.mulf %get3A_1126, %get3A_748 : vector<16xf32>
      %mul3A_1135 = arith.mulf %get3A_1133, %get3A_753 : vector<16xf32>
      %add3A_1136 = arith.addf %mul3A_1134, %mul3A_1135 : vector<16xf32>
      %mul3A_1137 = arith.constant 16 : i32
      %mul3A_1138 = arith.muli %scan3A_1118, %mul3A_1137 : i32
      %swap3A = arith.constant 10 : i32
      %swap3A_1139 = arith.index_cast %swap3A : i32 to index
      %swap3A_1140 = arith.index_cast %mul3A_1138 : i32 to index
      %swap3A_1141 = tpu.vector_load %arg13[%swap3A_1139, %swap3A_1140] {strides = array<i32>} : memref<32x1024xf32, #tpu.memory_space<vmem>>, vector<1x16xf32>,
      %swap3A_1142 = vector.shape_cast %swap3A_1141 : vector<1x16xf32> to vector<16xf32>
      %swap3A_1143 = vector.shape_cast %add3A_1136 : vector<16xf32> to vector<1x16xf32>
      tpu.vector_store %arg13[%swap3A_1139, %swap3A_1140], %swap3A_1143 {strides = array<i32>} : memref<32x1024xf32, #tpu.memory_space<vmem>>, vector<1x16xf32>,
      %scan3A_1144 = arith.constant 0 : i32
      scf.yield %scan3A_1144 : i32
    }
    %scan3A_760 = arith.constant 64 : i32
    %get3A_761 = arith.constant 11 : i32
    %get3A_762 = arith.index_cast %get3A_761 : i32 to index
    %get3A_763 = arith.constant 0 : index
    %get3A_764 = tpu.vector_load %arg9[%get3A_762, %get3A_763] {strides = array<i32>} : memref<32x16xf32, #tpu.memory_space<vmem>>, vector<1x16xf32>,
    %get3A_765 = vector.shape_cast %get3A_764 : vector<1x16xf32> to vector<16xf32>
    %get3A_766 = arith.constant 11 : i32
    %get3A_767 = arith.index_cast %get3A_766 : i32 to index
    %get3A_768 = arith.constant 0 : index
    %get3A_769 = tpu.vector_load %arg10[%get3A_767, %get3A_768] {strides = array<i32>} : memref<32x16xf32, #tpu.memory_space<vmem>>, vector<1x16xf32>,
    %get3A_770 = vector.shape_cast %get3A_769 : vector<1x16xf32> to vector<16xf32>
    %scan3A_771 = arith.constant 0 : i32
    %scan3A_772 = arith.constant 0 : i32
    %scan3A_773 = arith.constant 64 : i32
    %scan3A_774 = arith.addi %scan3A_772, %scan3A_773 : i32
    %scan3A_775 = arith.constant 1 : i32
    %scan3A_776 = scf.for %scan3A_1118 = %scan3A_772 to %scan3A_774 step %scan3A_775 iter_args(%scan3A_1119 = %scan3A_771) -> (i32)  : i32 {
      %mul3A_1120 = arith.constant 16 : i32
      %mul3A_1121 = arith.muli %scan3A_1118, %mul3A_1120 : i32
      %get3A_1122 = arith.constant 11 : i32
      %get3A_1123 = arith.index_cast %get3A_1122 : i32 to index
      %get3A_1124 = arith.index_cast %mul3A_1121 : i32 to index
      %get3A_1125 = tpu.vector_load %arg11[%get3A_1123, %get3A_1124] {strides = array<i32>} : memref<32x1024xf32, #tpu.memory_space<vmem>>, vector<1x16xf32>,
      %get3A_1126 = vector.shape_cast %get3A_1125 : vector<1x16xf32> to vector<16xf32>
      %mul3A_1127 = arith.constant 16 : i32
      %mul3A_1128 = arith.muli %scan3A_1118, %mul3A_1127 : i32
      %get3A_1129 = arith.constant 11 : i32
      %get3A_1130 = arith.index_cast %get3A_1129 : i32 to index
      %get3A_1131 = arith.index_cast %mul3A_1128 : i32 to index
      %get3A_1132 = tpu.vector_load %arg12[%get3A_1130, %get3A_1131] {strides = array<i32>} : memref<32x1024xf32, #tpu.memory_space<vmem>>, vector<1x16xf32>,
      %get3A_1133 = vector.shape_cast %get3A_1132 : vector<1x16xf32> to vector<16xf32>
      %mul3A_1134 = arith.mulf %get3A_1126, %get3A_765 : vector<16xf32>
      %mul3A_1135 = arith.mulf %get3A_1133, %get3A_770 : vector<16xf32>
      %add3A_1136 = arith.addf %mul3A_1134, %mul3A_1135 : vector<16xf32>
      %mul3A_1137 = arith.constant 16 : i32
      %mul3A_1138 = arith.muli %scan3A_1118, %mul3A_1137 : i32
      %swap3A = arith.constant 11 : i32
      %swap3A_1139 = arith.index_cast %swap3A : i32 to index
      %swap3A_1140 = arith.index_cast %mul3A_1138 : i32 to index
      %swap3A_1141 = tpu.vector_load %arg13[%swap3A_1139, %swap3A_1140] {strides = array<i32>} : memref<32x1024xf32, #tpu.memory_space<vmem>>, vector<1x16xf32>,
      %swap3A_1142 = vector.shape_cast %swap3A_1141 : vector<1x16xf32> to vector<16xf32>
      %swap3A_1143 = vector.shape_cast %add3A_1136 : vector<16xf32> to vector<1x16xf32>
      tpu.vector_store %arg13[%swap3A_1139, %swap3A_1140], %swap3A_1143 {strides = array<i32>} : memref<32x1024xf32, #tpu.memory_space<vmem>>, vector<1x16xf32>,
      %scan3A_1144 = arith.constant 0 : i32
      scf.yield %scan3A_1144 : i32
    }
    %scan3A_777 = arith.constant 64 : i32
    %get3A_778 = arith.constant 12 : i32
    %get3A_779 = arith.index_cast %get3A_778 : i32 to index
    %get3A_780 = arith.constant 0 : index
    %get3A_781 = tpu.vector_load %arg9[%get3A_779, %get3A_780] {strides = array<i32>} : memref<32x16xf32, #tpu.memory_space<vmem>>, vector<1x16xf32>,
    %get3A_782 = vector.shape_cast %get3A_781 : vector<1x16xf32> to vector<16xf32>
    %get3A_783 = arith.constant 12 : i32
    %get3A_784 = arith.index_cast %get3A_783 : i32 to index
    %get3A_785 = arith.constant 0 : index
    %get3A_786 = tpu.vector_load %arg10[%get3A_784, %get3A_785] {strides = array<i32>} : memref<32x16xf32, #tpu.memory_space<vmem>>, vector<1x16xf32>,
    %get3A_787 = vector.shape_cast %get3A_786 : vector<1x16xf32> to vector<16xf32>
    %scan3A_788 = arith.constant 0 : i32
    %scan3A_789 = arith.constant 0 : i32
    %scan3A_790 = arith.constant 64 : i32
    %scan3A_791 = arith.addi %scan3A_789, %scan3A_790 : i32
    %scan3A_792 = arith.constant 1 : i32
    %scan3A_793 = scf.for %scan3A_1118 = %scan3A_789 to %scan3A_791 step %scan3A_792 iter_args(%scan3A_1119 = %scan3A_788) -> (i32)  : i32 {
      %mul3A_1120 = arith.constant 16 : i32
      %mul3A_1121 = arith.muli %scan3A_1118, %mul3A_1120 : i32
      %get3A_1122 = arith.constant 12 : i32
      %get3A_1123 = arith.index_cast %get3A_1122 : i32 to index
      %get3A_1124 = arith.index_cast %mul3A_1121 : i32 to index
      %get3A_1125 = tpu.vector_load %arg11[%get3A_1123, %get3A_1124] {strides = array<i32>} : memref<32x1024xf32, #tpu.memory_space<vmem>>, vector<1x16xf32>,
      %get3A_1126 = vector.shape_cast %get3A_1125 : vector<1x16xf32> to vector<16xf32>
      %mul3A_1127 = arith.constant 16 : i32
      %mul3A_1128 = arith.muli %scan3A_1118, %mul3A_1127 : i32
      %get3A_1129 = arith.constant 12 : i32
      %get3A_1130 = arith.index_cast %get3A_1129 : i32 to index
      %get3A_1131 = arith.index_cast %mul3A_1128 : i32 to index
      %get3A_1132 = tpu.vector_load %arg12[%get3A_1130, %get3A_1131] {strides = array<i32>} : memref<32x1024xf32, #tpu.memory_space<vmem>>, vector<1x16xf32>,
      %get3A_1133 = vector.shape_cast %get3A_1132 : vector<1x16xf32> to vector<16xf32>
      %mul3A_1134 = arith.mulf %get3A_1126, %get3A_782 : vector<16xf32>
      %mul3A_1135 = arith.mulf %get3A_1133, %get3A_787 : vector<16xf32>
      %add3A_1136 = arith.addf %mul3A_1134, %mul3A_1135 : vector<16xf32>
      %mul3A_1137 = arith.constant 16 : i32
      %mul3A_1138 = arith.muli %scan3A_1118, %mul3A_1137 : i32
      %swap3A = arith.constant 12 : i32
      %swap3A_1139 = arith.index_cast %swap3A : i32 to index
      %swap3A_1140 = arith.index_cast %mul3A_1138 : i32 to index
      %swap3A_1141 = tpu.vector_load %arg13[%swap3A_1139, %swap3A_1140] {strides = array<i32>} : memref<32x1024xf32, #tpu.memory_space<vmem>>, vector<1x16xf32>,
      %swap3A_1142 = vector.shape_cast %swap3A_1141 : vector<1x16xf32> to vector<16xf32>
      %swap3A_1143 = vector.shape_cast %add3A_1136 : vector<16xf32> to vector<1x16xf32>
      tpu.vector_store %arg13[%swap3A_1139, %swap3A_1140], %swap3A_1143 {strides = array<i32>} : memref<32x1024xf32, #tpu.memory_space<vmem>>, vector<1x16xf32>,
      %scan3A_1144 = arith.constant 0 : i32
      scf.yield %scan3A_1144 : i32
    }
    %scan3A_794 = arith.constant 64 : i32
    %get3A_795 = arith.constant 13 : i32
    %get3A_796 = arith.index_cast %get3A_795 : i32 to index
    %get3A_797 = arith.constant 0 : index
    %get3A_798 = tpu.vector_load %arg9[%get3A_796, %get3A_797] {strides = array<i32>} : memref<32x16xf32, #tpu.memory_space<vmem>>, vector<1x16xf32>,
    %get3A_799 = vector.shape_cast %get3A_798 : vector<1x16xf32> to vector<16xf32>
    %get3A_800 = arith.constant 13 : i32
    %get3A_801 = arith.index_cast %get3A_800 : i32 to index
    %get3A_802 = arith.constant 0 : index
    %get3A_803 = tpu.vector_load %arg10[%get3A_801, %get3A_802] {strides = array<i32>} : memref<32x16xf32, #tpu.memory_space<vmem>>, vector<1x16xf32>,
    %get3A_804 = vector.shape_cast %get3A_803 : vector<1x16xf32> to vector<16xf32>
    %scan3A_805 = arith.constant 0 : i32
    %scan3A_806 = arith.constant 0 : i32
    %scan3A_807 = arith.constant 64 : i32
    %scan3A_808 = arith.addi %scan3A_806, %scan3A_807 : i32
    %scan3A_809 = arith.constant 1 : i32
    %scan3A_810 = scf.for %scan3A_1118 = %scan3A_806 to %scan3A_808 step %scan3A_809 iter_args(%scan3A_1119 = %scan3A_805) -> (i32)  : i32 {
      %mul3A_1120 = arith.constant 16 : i32
      %mul3A_1121 = arith.muli %scan3A_1118, %mul3A_1120 : i32
      %get3A_1122 = arith.constant 13 : i32
      %get3A_1123 = arith.index_cast %get3A_1122 : i32 to index
      %get3A_1124 = arith.index_cast %mul3A_1121 : i32 to index
      %get3A_1125 = tpu.vector_load %arg11[%get3A_1123, %get3A_1124] {strides = array<i32>} : memref<32x1024xf32, #tpu.memory_space<vmem>>, vector<1x16xf32>,
      %get3A_1126 = vector.shape_cast %get3A_1125 : vector<1x16xf32> to vector<16xf32>
      %mul3A_1127 = arith.constant 16 : i32
      %mul3A_1128 = arith.muli %scan3A_1118, %mul3A_1127 : i32
      %get3A_1129 = arith.constant 13 : i32
      %get3A_1130 = arith.index_cast %get3A_1129 : i32 to index
      %get3A_1131 = arith.index_cast %mul3A_1128 : i32 to index
      %get3A_1132 = tpu.vector_load %arg12[%get3A_1130, %get3A_1131] {strides = array<i32>} : memref<32x1024xf32, #tpu.memory_space<vmem>>, vector<1x16xf32>,
      %get3A_1133 = vector.shape_cast %get3A_1132 : vector<1x16xf32> to vector<16xf32>
      %mul3A_1134 = arith.mulf %get3A_1126, %get3A_799 : vector<16xf32>
      %mul3A_1135 = arith.mulf %get3A_1133, %get3A_804 : vector<16xf32>
      %add3A_1136 = arith.addf %mul3A_1134, %mul3A_1135 : vector<16xf32>
      %mul3A_1137 = arith.constant 16 : i32
      %mul3A_1138 = arith.muli %scan3A_1118, %mul3A_1137 : i32
      %swap3A = arith.constant 13 : i32
      %swap3A_1139 = arith.index_cast %swap3A : i32 to index
      %swap3A_1140 = arith.index_cast %mul3A_1138 : i32 to index
      %swap3A_1141 = tpu.vector_load %arg13[%swap3A_1139, %swap3A_1140] {strides = array<i32>} : memref<32x1024xf32, #tpu.memory_space<vmem>>, vector<1x16xf32>,
      %swap3A_1142 = vector.shape_cast %swap3A_1141 : vector<1x16xf32> to vector<16xf32>
      %swap3A_1143 = vector.shape_cast %add3A_1136 : vector<16xf32> to vector<1x16xf32>
      tpu.vector_store %arg13[%swap3A_1139, %swap3A_1140], %swap3A_1143 {strides = array<i32>} : memref<32x1024xf32, #tpu.memory_space<vmem>>, vector<1x16xf32>,
      %scan3A_1144 = arith.constant 0 : i32
      scf.yield %scan3A_1144 : i32
    }
    %scan3A_811 = arith.constant 64 : i32
    %get3A_812 = arith.constant 14 : i32
    %get3A_813 = arith.index_cast %get3A_812 : i32 to index
    %get3A_814 = arith.constant 0 : index
    %get3A_815 = tpu.vector_load %arg9[%get3A_813, %get3A_814] {strides = array<i32>} : memref<32x16xf32, #tpu.memory_space<vmem>>, vector<1x16xf32>,
    %get3A_816 = vector.shape_cast %get3A_815 : vector<1x16xf32> to vector<16xf32>
    %get3A_817 = arith.constant 14 : i32
    %get3A_818 = arith.index_cast %get3A_817 : i32 to index
    %get3A_819 = arith.constant 0 : index
    %get3A_820 = tpu.vector_load %arg10[%get3A_818, %get3A_819] {strides = array<i32>} : memref<32x16xf32, #tpu.memory_space<vmem>>, vector<1x16xf32>,
    %get3A_821 = vector.shape_cast %get3A_820 : vector<1x16xf32> to vector<16xf32>
    %scan3A_822 = arith.constant 0 : i32
    %scan3A_823 = arith.constant 0 : i32
    %scan3A_824 = arith.constant 64 : i32
    %scan3A_825 = arith.addi %scan3A_823, %scan3A_824 : i32
    %scan3A_826 = arith.constant 1 : i32
    %scan3A_827 = scf.for %scan3A_1118 = %scan3A_823 to %scan3A_825 step %scan3A_826 iter_args(%scan3A_1119 = %scan3A_822) -> (i32)  : i32 {
      %mul3A_1120 = arith.constant 16 : i32
      %mul3A_1121 = arith.muli %scan3A_1118, %mul3A_1120 : i32
      %get3A_1122 = arith.constant 14 : i32
      %get3A_1123 = arith.index_cast %get3A_1122 : i32 to index
      %get3A_1124 = arith.index_cast %mul3A_1121 : i32 to index
      %get3A_1125 = tpu.vector_load %arg11[%get3A_1123, %get3A_1124] {strides = array<i32>} : memref<32x1024xf32, #tpu.memory_space<vmem>>, vector<1x16xf32>,
      %get3A_1126 = vector.shape_cast %get3A_1125 : vector<1x16xf32> to vector<16xf32>
      %mul3A_1127 = arith.constant 16 : i32
      %mul3A_1128 = arith.muli %scan3A_1118, %mul3A_1127 : i32
      %get3A_1129 = arith.constant 14 : i32
      %get3A_1130 = arith.index_cast %get3A_1129 : i32 to index
      %get3A_1131 = arith.index_cast %mul3A_1128 : i32 to index
      %get3A_1132 = tpu.vector_load %arg12[%get3A_1130, %get3A_1131] {strides = array<i32>} : memref<32x1024xf32, #tpu.memory_space<vmem>>, vector<1x16xf32>,
      %get3A_1133 = vector.shape_cast %get3A_1132 : vector<1x16xf32> to vector<16xf32>
      %mul3A_1134 = arith.mulf %get3A_1126, %get3A_816 : vector<16xf32>
      %mul3A_1135 = arith.mulf %get3A_1133, %get3A_821 : vector<16xf32>
      %add3A_1136 = arith.addf %mul3A_1134, %mul3A_1135 : vector<16xf32>
      %mul3A_1137 = arith.constant 16 : i32
      %mul3A_1138 = arith.muli %scan3A_1118, %mul3A_1137 : i32
      %swap3A = arith.constant 14 : i32
      %swap3A_1139 = arith.index_cast %swap3A : i32 to index
      %swap3A_1140 = arith.index_cast %mul3A_1138 : i32 to index
      %swap3A_1141 = tpu.vector_load %arg13[%swap3A_1139, %swap3A_1140] {strides = array<i32>} : memref<32x1024xf32, #tpu.memory_space<vmem>>, vector<1x16xf32>,
      %swap3A_1142 = vector.shape_cast %swap3A_1141 : vector<1x16xf32> to vector<16xf32>
      %swap3A_1143 = vector.shape_cast %add3A_1136 : vector<16xf32> to vector<1x16xf32>
      tpu.vector_store %arg13[%swap3A_1139, %swap3A_1140], %swap3A_1143 {strides = array<i32>} : memref<32x1024xf32, #tpu.memory_space<vmem>>, vector<1x16xf32>,
      %scan3A_1144 = arith.constant 0 : i32
      scf.yield %scan3A_1144 : i32
    }
    %scan3A_828 = arith.constant 64 : i32
    %get3A_829 = arith.constant 15 : i32
    %get3A_830 = arith.index_cast %get3A_829 : i32 to index
    %get3A_831 = arith.constant 0 : index
    %get3A_832 = tpu.vector_load %arg9[%get3A_830, %get3A_831] {strides = array<i32>} : memref<32x16xf32, #tpu.memory_space<vmem>>, vector<1x16xf32>,
    %get3A_833 = vector.shape_cast %get3A_832 : vector<1x16xf32> to vector<16xf32>
    %get3A_834 = arith.constant 15 : i32
    %get3A_835 = arith.index_cast %get3A_834 : i32 to index
    %get3A_836 = arith.constant 0 : index
    %get3A_837 = tpu.vector_load %arg10[%get3A_835, %get3A_836] {strides = array<i32>} : memref<32x16xf32, #tpu.memory_space<vmem>>, vector<1x16xf32>,
    %get3A_838 = vector.shape_cast %get3A_837 : vector<1x16xf32> to vector<16xf32>
    %scan3A_839 = arith.constant 0 : i32
    %scan3A_840 = arith.constant 0 : i32
    %scan3A_841 = arith.constant 64 : i32
    %scan3A_842 = arith.addi %scan3A_840, %scan3A_841 : i32
    %scan3A_843 = arith.constant 1 : i32
    %scan3A_844 = scf.for %scan3A_1118 = %scan3A_840 to %scan3A_842 step %scan3A_843 iter_args(%scan3A_1119 = %scan3A_839) -> (i32)  : i32 {
      %mul3A_1120 = arith.constant 16 : i32
      %mul3A_1121 = arith.muli %scan3A_1118, %mul3A_1120 : i32
      %get3A_1122 = arith.constant 15 : i32
      %get3A_1123 = arith.index_cast %get3A_1122 : i32 to index
      %get3A_1124 = arith.index_cast %mul3A_1121 : i32 to index
      %get3A_1125 = tpu.vector_load %arg11[%get3A_1123, %get3A_1124] {strides = array<i32>} : memref<32x1024xf32, #tpu.memory_space<vmem>>, vector<1x16xf32>,
      %get3A_1126 = vector.shape_cast %get3A_1125 : vector<1x16xf32> to vector<16xf32>
      %mul3A_1127 = arith.constant 16 : i32
      %mul3A_1128 = arith.muli %scan3A_1118, %mul3A_1127 : i32
      %get3A_1129 = arith.constant 15 : i32
      %get3A_1130 = arith.index_cast %get3A_1129 : i32 to index
      %get3A_1131 = arith.index_cast %mul3A_1128 : i32 to index
      %get3A_1132 = tpu.vector_load %arg12[%get3A_1130, %get3A_1131] {strides = array<i32>} : memref<32x1024xf32, #tpu.memory_space<vmem>>, vector<1x16xf32>,
      %get3A_1133 = vector.shape_cast %get3A_1132 : vector<1x16xf32> to vector<16xf32>
      %mul3A_1134 = arith.mulf %get3A_1126, %get3A_833 : vector<16xf32>
      %mul3A_1135 = arith.mulf %get3A_1133, %get3A_838 : vector<16xf32>
      %add3A_1136 = arith.addf %mul3A_1134, %mul3A_1135 : vector<16xf32>
      %mul3A_1137 = arith.constant 16 : i32
      %mul3A_1138 = arith.muli %scan3A_1118, %mul3A_1137 : i32
      %swap3A = arith.constant 15 : i32
      %swap3A_1139 = arith.index_cast %swap3A : i32 to index
      %swap3A_1140 = arith.index_cast %mul3A_1138 : i32 to index
      %swap3A_1141 = tpu.vector_load %arg13[%swap3A_1139, %swap3A_1140] {strides = array<i32>} : memref<32x1024xf32, #tpu.memory_space<vmem>>, vector<1x16xf32>,
      %swap3A_1142 = vector.shape_cast %swap3A_1141 : vector<1x16xf32> to vector<16xf32>
      %swap3A_1143 = vector.shape_cast %add3A_1136 : vector<16xf32> to vector<1x16xf32>
      tpu.vector_store %arg13[%swap3A_1139, %swap3A_1140], %swap3A_1143 {strides = array<i32>} : memref<32x1024xf32, #tpu.memory_space<vmem>>, vector<1x16xf32>,
      %scan3A_1144 = arith.constant 0 : i32
      scf.yield %scan3A_1144 : i32
    }
    %scan3A_845 = arith.constant 64 : i32
    %get3A_846 = arith.constant 16 : i32
    %get3A_847 = arith.index_cast %get3A_846 : i32 to index
    %get3A_848 = arith.constant 0 : index
    %get3A_849 = tpu.vector_load %arg9[%get3A_847, %get3A_848] {strides = array<i32>} : memref<32x16xf32, #tpu.memory_space<vmem>>, vector<1x16xf32>,
    %get3A_850 = vector.shape_cast %get3A_849 : vector<1x16xf32> to vector<16xf32>
    %get3A_851 = arith.constant 16 : i32
    %get3A_852 = arith.index_cast %get3A_851 : i32 to index
    %get3A_853 = arith.constant 0 : index
    %get3A_854 = tpu.vector_load %arg10[%get3A_852, %get3A_853] {strides = array<i32>} : memref<32x16xf32, #tpu.memory_space<vmem>>, vector<1x16xf32>,
    %get3A_855 = vector.shape_cast %get3A_854 : vector<1x16xf32> to vector<16xf32>
    %scan3A_856 = arith.constant 0 : i32
    %scan3A_857 = arith.constant 0 : i32
    %scan3A_858 = arith.constant 64 : i32
    %scan3A_859 = arith.addi %scan3A_857, %scan3A_858 : i32
    %scan3A_860 = arith.constant 1 : i32
    %scan3A_861 = scf.for %scan3A_1118 = %scan3A_857 to %scan3A_859 step %scan3A_860 iter_args(%scan3A_1119 = %scan3A_856) -> (i32)  : i32 {
      %mul3A_1120 = arith.constant 16 : i32
      %mul3A_1121 = arith.muli %scan3A_1118, %mul3A_1120 : i32
      %get3A_1122 = arith.constant 16 : i32
      %get3A_1123 = arith.index_cast %get3A_1122 : i32 to index
      %get3A_1124 = arith.index_cast %mul3A_1121 : i32 to index
      %get3A_1125 = tpu.vector_load %arg11[%get3A_1123, %get3A_1124] {strides = array<i32>} : memref<32x1024xf32, #tpu.memory_space<vmem>>, vector<1x16xf32>,
      %get3A_1126 = vector.shape_cast %get3A_1125 : vector<1x16xf32> to vector<16xf32>
      %mul3A_1127 = arith.constant 16 : i32
      %mul3A_1128 = arith.muli %scan3A_1118, %mul3A_1127 : i32
      %get3A_1129 = arith.constant 16 : i32
      %get3A_1130 = arith.index_cast %get3A_1129 : i32 to index
      %get3A_1131 = arith.index_cast %mul3A_1128 : i32 to index
      %get3A_1132 = tpu.vector_load %arg12[%get3A_1130, %get3A_1131] {strides = array<i32>} : memref<32x1024xf32, #tpu.memory_space<vmem>>, vector<1x16xf32>,
      %get3A_1133 = vector.shape_cast %get3A_1132 : vector<1x16xf32> to vector<16xf32>
      %mul3A_1134 = arith.mulf %get3A_1126, %get3A_850 : vector<16xf32>
      %mul3A_1135 = arith.mulf %get3A_1133, %get3A_855 : vector<16xf32>
      %add3A_1136 = arith.addf %mul3A_1134, %mul3A_1135 : vector<16xf32>
      %mul3A_1137 = arith.constant 16 : i32
      %mul3A_1138 = arith.muli %scan3A_1118, %mul3A_1137 : i32
      %swap3A = arith.constant 16 : i32
      %swap3A_1139 = arith.index_cast %swap3A : i32 to index
      %swap3A_1140 = arith.index_cast %mul3A_1138 : i32 to index
      %swap3A_1141 = tpu.vector_load %arg13[%swap3A_1139, %swap3A_1140] {strides = array<i32>} : memref<32x1024xf32, #tpu.memory_space<vmem>>, vector<1x16xf32>,
      %swap3A_1142 = vector.shape_cast %swap3A_1141 : vector<1x16xf32> to vector<16xf32>
      %swap3A_1143 = vector.shape_cast %add3A_1136 : vector<16xf32> to vector<1x16xf32>
      tpu.vector_store %arg13[%swap3A_1139, %swap3A_1140], %swap3A_1143 {strides = array<i32>} : memref<32x1024xf32, #tpu.memory_space<vmem>>, vector<1x16xf32>,
      %scan3A_1144 = arith.constant 0 : i32
      scf.yield %scan3A_1144 : i32
    }
    %scan3A_862 = arith.constant 64 : i32
    %get3A_863 = arith.constant 17 : i32
    %get3A_864 = arith.index_cast %get3A_863 : i32 to index
    %get3A_865 = arith.constant 0 : index
    %get3A_866 = tpu.vector_load %arg9[%get3A_864, %get3A_865] {strides = array<i32>} : memref<32x16xf32, #tpu.memory_space<vmem>>, vector<1x16xf32>,
    %get3A_867 = vector.shape_cast %get3A_866 : vector<1x16xf32> to vector<16xf32>
    %get3A_868 = arith.constant 17 : i32
    %get3A_869 = arith.index_cast %get3A_868 : i32 to index
    %get3A_870 = arith.constant 0 : index
    %get3A_871 = tpu.vector_load %arg10[%get3A_869, %get3A_870] {strides = array<i32>} : memref<32x16xf32, #tpu.memory_space<vmem>>, vector<1x16xf32>,
    %get3A_872 = vector.shape_cast %get3A_871 : vector<1x16xf32> to vector<16xf32>
    %scan3A_873 = arith.constant 0 : i32
    %scan3A_874 = arith.constant 0 : i32
    %scan3A_875 = arith.constant 64 : i32
    %scan3A_876 = arith.addi %scan3A_874, %scan3A_875 : i32
    %scan3A_877 = arith.constant 1 : i32
    %scan3A_878 = scf.for %scan3A_1118 = %scan3A_874 to %scan3A_876 step %scan3A_877 iter_args(%scan3A_1119 = %scan3A_873) -> (i32)  : i32 {
      %mul3A_1120 = arith.constant 16 : i32
      %mul3A_1121 = arith.muli %scan3A_1118, %mul3A_1120 : i32
      %get3A_1122 = arith.constant 17 : i32
      %get3A_1123 = arith.index_cast %get3A_1122 : i32 to index
      %get3A_1124 = arith.index_cast %mul3A_1121 : i32 to index
      %get3A_1125 = tpu.vector_load %arg11[%get3A_1123, %get3A_1124] {strides = array<i32>} : memref<32x1024xf32, #tpu.memory_space<vmem>>, vector<1x16xf32>,
      %get3A_1126 = vector.shape_cast %get3A_1125 : vector<1x16xf32> to vector<16xf32>
      %mul3A_1127 = arith.constant 16 : i32
      %mul3A_1128 = arith.muli %scan3A_1118, %mul3A_1127 : i32
      %get3A_1129 = arith.constant 17 : i32
      %get3A_1130 = arith.index_cast %get3A_1129 : i32 to index
      %get3A_1131 = arith.index_cast %mul3A_1128 : i32 to index
      %get3A_1132 = tpu.vector_load %arg12[%get3A_1130, %get3A_1131] {strides = array<i32>} : memref<32x1024xf32, #tpu.memory_space<vmem>>, vector<1x16xf32>,
      %get3A_1133 = vector.shape_cast %get3A_1132 : vector<1x16xf32> to vector<16xf32>
      %mul3A_1134 = arith.mulf %get3A_1126, %get3A_867 : vector<16xf32>
      %mul3A_1135 = arith.mulf %get3A_1133, %get3A_872 : vector<16xf32>
      %add3A_1136 = arith.addf %mul3A_1134, %mul3A_1135 : vector<16xf32>
      %mul3A_1137 = arith.constant 16 : i32
      %mul3A_1138 = arith.muli %scan3A_1118, %mul3A_1137 : i32
      %swap3A = arith.constant 17 : i32
      %swap3A_1139 = arith.index_cast %swap3A : i32 to index
      %swap3A_1140 = arith.index_cast %mul3A_1138 : i32 to index
      %swap3A_1141 = tpu.vector_load %arg13[%swap3A_1139, %swap3A_1140] {strides = array<i32>} : memref<32x1024xf32, #tpu.memory_space<vmem>>, vector<1x16xf32>,
      %swap3A_1142 = vector.shape_cast %swap3A_1141 : vector<1x16xf32> to vector<16xf32>
      %swap3A_1143 = vector.shape_cast %add3A_1136 : vector<16xf32> to vector<1x16xf32>
      tpu.vector_store %arg13[%swap3A_1139, %swap3A_1140], %swap3A_1143 {strides = array<i32>} : memref<32x1024xf32, #tpu.memory_space<vmem>>, vector<1x16xf32>,
      %scan3A_1144 = arith.constant 0 : i32
      scf.yield %scan3A_1144 : i32
    }
    %scan3A_879 = arith.constant 64 : i32
    %get3A_880 = arith.constant 18 : i32
    %get3A_881 = arith.index_cast %get3A_880 : i32 to index
    %get3A_882 = arith.constant 0 : index
    %get3A_883 = tpu.vector_load %arg9[%get3A_881, %get3A_882] {strides = array<i32>} : memref<32x16xf32, #tpu.memory_space<vmem>>, vector<1x16xf32>,
    %get3A_884 = vector.shape_cast %get3A_883 : vector<1x16xf32> to vector<16xf32>
    %get3A_885 = arith.constant 18 : i32
    %get3A_886 = arith.index_cast %get3A_885 : i32 to index
    %get3A_887 = arith.constant 0 : index
    %get3A_888 = tpu.vector_load %arg10[%get3A_886, %get3A_887] {strides = array<i32>} : memref<32x16xf32, #tpu.memory_space<vmem>>, vector<1x16xf32>,
    %get3A_889 = vector.shape_cast %get3A_888 : vector<1x16xf32> to vector<16xf32>
    %scan3A_890 = arith.constant 0 : i32
    %scan3A_891 = arith.constant 0 : i32
    %scan3A_892 = arith.constant 64 : i32
    %scan3A_893 = arith.addi %scan3A_891, %scan3A_892 : i32
    %scan3A_894 = arith.constant 1 : i32
    %scan3A_895 = scf.for %scan3A_1118 = %scan3A_891 to %scan3A_893 step %scan3A_894 iter_args(%scan3A_1119 = %scan3A_890) -> (i32)  : i32 {
      %mul3A_1120 = arith.constant 16 : i32
      %mul3A_1121 = arith.muli %scan3A_1118, %mul3A_1120 : i32
      %get3A_1122 = arith.constant 18 : i32
      %get3A_1123 = arith.index_cast %get3A_1122 : i32 to index
      %get3A_1124 = arith.index_cast %mul3A_1121 : i32 to index
      %get3A_1125 = tpu.vector_load %arg11[%get3A_1123, %get3A_1124] {strides = array<i32>} : memref<32x1024xf32, #tpu.memory_space<vmem>>, vector<1x16xf32>,
      %get3A_1126 = vector.shape_cast %get3A_1125 : vector<1x16xf32> to vector<16xf32>
      %mul3A_1127 = arith.constant 16 : i32
      %mul3A_1128 = arith.muli %scan3A_1118, %mul3A_1127 : i32
      %get3A_1129 = arith.constant 18 : i32
      %get3A_1130 = arith.index_cast %get3A_1129 : i32 to index
      %get3A_1131 = arith.index_cast %mul3A_1128 : i32 to index
      %get3A_1132 = tpu.vector_load %arg12[%get3A_1130, %get3A_1131] {strides = array<i32>} : memref<32x1024xf32, #tpu.memory_space<vmem>>, vector<1x16xf32>,
      %get3A_1133 = vector.shape_cast %get3A_1132 : vector<1x16xf32> to vector<16xf32>
      %mul3A_1134 = arith.mulf %get3A_1126, %get3A_884 : vector<16xf32>
      %mul3A_1135 = arith.mulf %get3A_1133, %get3A_889 : vector<16xf32>
      %add3A_1136 = arith.addf %mul3A_1134, %mul3A_1135 : vector<16xf32>
      %mul3A_1137 = arith.constant 16 : i32
      %mul3A_1138 = arith.muli %scan3A_1118, %mul3A_1137 : i32
      %swap3A = arith.constant 18 : i32
      %swap3A_1139 = arith.index_cast %swap3A : i32 to index
      %swap3A_1140 = arith.index_cast %mul3A_1138 : i32 to index
      %swap3A_1141 = tpu.vector_load %arg13[%swap3A_1139, %swap3A_1140] {strides = array<i32>} : memref<32x1024xf32, #tpu.memory_space<vmem>>, vector<1x16xf32>,
      %swap3A_1142 = vector.shape_cast %swap3A_1141 : vector<1x16xf32> to vector<16xf32>
      %swap3A_1143 = vector.shape_cast %add3A_1136 : vector<16xf32> to vector<1x16xf32>
      tpu.vector_store %arg13[%swap3A_1139, %swap3A_1140], %swap3A_1143 {strides = array<i32>} : memref<32x1024xf32, #tpu.memory_space<vmem>>, vector<1x16xf32>,
      %scan3A_1144 = arith.constant 0 : i32
      scf.yield %scan3A_1144 : i32
    }
    %scan3A_896 = arith.constant 64 : i32
    %get3A_897 = arith.constant 19 : i32
    %get3A_898 = arith.index_cast %get3A_897 : i32 to index
    %get3A_899 = arith.constant 0 : index
    %get3A_900 = tpu.vector_load %arg9[%get3A_898, %get3A_899] {strides = array<i32>} : memref<32x16xf32, #tpu.memory_space<vmem>>, vector<1x16xf32>,
    %get3A_901 = vector.shape_cast %get3A_900 : vector<1x16xf32> to vector<16xf32>
    %get3A_902 = arith.constant 19 : i32
    %get3A_903 = arith.index_cast %get3A_902 : i32 to index
    %get3A_904 = arith.constant 0 : index
    %get3A_905 = tpu.vector_load %arg10[%get3A_903, %get3A_904] {strides = array<i32>} : memref<32x16xf32, #tpu.memory_space<vmem>>, vector<1x16xf32>,
    %get3A_906 = vector.shape_cast %get3A_905 : vector<1x16xf32> to vector<16xf32>
    %scan3A_907 = arith.constant 0 : i32
    %scan3A_908 = arith.constant 0 : i32
    %scan3A_909 = arith.constant 64 : i32
    %scan3A_910 = arith.addi %scan3A_908, %scan3A_909 : i32
    %scan3A_911 = arith.constant 1 : i32
    %scan3A_912 = scf.for %scan3A_1118 = %scan3A_908 to %scan3A_910 step %scan3A_911 iter_args(%scan3A_1119 = %scan3A_907) -> (i32)  : i32 {
      %mul3A_1120 = arith.constant 16 : i32
      %mul3A_1121 = arith.muli %scan3A_1118, %mul3A_1120 : i32
      %get3A_1122 = arith.constant 19 : i32
      %get3A_1123 = arith.index_cast %get3A_1122 : i32 to index
      %get3A_1124 = arith.index_cast %mul3A_1121 : i32 to index
      %get3A_1125 = tpu.vector_load %arg11[%get3A_1123, %get3A_1124] {strides = array<i32>} : memref<32x1024xf32, #tpu.memory_space<vmem>>, vector<1x16xf32>,
      %get3A_1126 = vector.shape_cast %get3A_1125 : vector<1x16xf32> to vector<16xf32>
      %mul3A_1127 = arith.constant 16 : i32
      %mul3A_1128 = arith.muli %scan3A_1118, %mul3A_1127 : i32
      %get3A_1129 = arith.constant 19 : i32
      %get3A_1130 = arith.index_cast %get3A_1129 : i32 to index
      %get3A_1131 = arith.index_cast %mul3A_1128 : i32 to index
      %get3A_1132 = tpu.vector_load %arg12[%get3A_1130, %get3A_1131] {strides = array<i32>} : memref<32x1024xf32, #tpu.memory_space<vmem>>, vector<1x16xf32>,
      %get3A_1133 = vector.shape_cast %get3A_1132 : vector<1x16xf32> to vector<16xf32>
      %mul3A_1134 = arith.mulf %get3A_1126, %get3A_901 : vector<16xf32>
      %mul3A_1135 = arith.mulf %get3A_1133, %get3A_906 : vector<16xf32>
      %add3A_1136 = arith.addf %mul3A_1134, %mul3A_1135 : vector<16xf32>
      %mul3A_1137 = arith.constant 16 : i32
      %mul3A_1138 = arith.muli %scan3A_1118, %mul3A_1137 : i32
      %swap3A = arith.constant 19 : i32
      %swap3A_1139 = arith.index_cast %swap3A : i32 to index
      %swap3A_1140 = arith.index_cast %mul3A_1138 : i32 to index
      %swap3A_1141 = tpu.vector_load %arg13[%swap3A_1139, %swap3A_1140] {strides = array<i32>} : memref<32x1024xf32, #tpu.memory_space<vmem>>, vector<1x16xf32>,
      %swap3A_1142 = vector.shape_cast %swap3A_1141 : vector<1x16xf32> to vector<16xf32>
      %swap3A_1143 = vector.shape_cast %add3A_1136 : vector<16xf32> to vector<1x16xf32>
      tpu.vector_store %arg13[%swap3A_1139, %swap3A_1140], %swap3A_1143 {strides = array<i32>} : memref<32x1024xf32, #tpu.memory_space<vmem>>, vector<1x16xf32>,
      %scan3A_1144 = arith.constant 0 : i32
      scf.yield %scan3A_1144 : i32
    }
    %scan3A_913 = arith.constant 64 : i32
    %get3A_914 = arith.constant 20 : i32
    %get3A_915 = arith.index_cast %get3A_914 : i32 to index
    %get3A_916 = arith.constant 0 : index
    %get3A_917 = tpu.vector_load %arg9[%get3A_915, %get3A_916] {strides = array<i32>} : memref<32x16xf32, #tpu.memory_space<vmem>>, vector<1x16xf32>,
    %get3A_918 = vector.shape_cast %get3A_917 : vector<1x16xf32> to vector<16xf32>
    %get3A_919 = arith.constant 20 : i32
    %get3A_920 = arith.index_cast %get3A_919 : i32 to index
    %get3A_921 = arith.constant 0 : index
    %get3A_922 = tpu.vector_load %arg10[%get3A_920, %get3A_921] {strides = array<i32>} : memref<32x16xf32, #tpu.memory_space<vmem>>, vector<1x16xf32>,
    %get3A_923 = vector.shape_cast %get3A_922 : vector<1x16xf32> to vector<16xf32>
    %scan3A_924 = arith.constant 0 : i32
    %scan3A_925 = arith.constant 0 : i32
    %scan3A_926 = arith.constant 64 : i32
    %scan3A_927 = arith.addi %scan3A_925, %scan3A_926 : i32
    %scan3A_928 = arith.constant 1 : i32
    %scan3A_929 = scf.for %scan3A_1118 = %scan3A_925 to %scan3A_927 step %scan3A_928 iter_args(%scan3A_1119 = %scan3A_924) -> (i32)  : i32 {
      %mul3A_1120 = arith.constant 16 : i32
      %mul3A_1121 = arith.muli %scan3A_1118, %mul3A_1120 : i32
      %get3A_1122 = arith.constant 20 : i32
      %get3A_1123 = arith.index_cast %get3A_1122 : i32 to index
      %get3A_1124 = arith.index_cast %mul3A_1121 : i32 to index
      %get3A_1125 = tpu.vector_load %arg11[%get3A_1123, %get3A_1124] {strides = array<i32>} : memref<32x1024xf32, #tpu.memory_space<vmem>>, vector<1x16xf32>,
      %get3A_1126 = vector.shape_cast %get3A_1125 : vector<1x16xf32> to vector<16xf32>
      %mul3A_1127 = arith.constant 16 : i32
      %mul3A_1128 = arith.muli %scan3A_1118, %mul3A_1127 : i32
      %get3A_1129 = arith.constant 20 : i32
      %get3A_1130 = arith.index_cast %get3A_1129 : i32 to index
      %get3A_1131 = arith.index_cast %mul3A_1128 : i32 to index
      %get3A_1132 = tpu.vector_load %arg12[%get3A_1130, %get3A_1131] {strides = array<i32>} : memref<32x1024xf32, #tpu.memory_space<vmem>>, vector<1x16xf32>,
      %get3A_1133 = vector.shape_cast %get3A_1132 : vector<1x16xf32> to vector<16xf32>
      %mul3A_1134 = arith.mulf %get3A_1126, %get3A_918 : vector<16xf32>
      %mul3A_1135 = arith.mulf %get3A_1133, %get3A_923 : vector<16xf32>
      %add3A_1136 = arith.addf %mul3A_1134, %mul3A_1135 : vector<16xf32>
      %mul3A_1137 = arith.constant 16 : i32
      %mul3A_1138 = arith.muli %scan3A_1118, %mul3A_1137 : i32
      %swap3A = arith.constant 20 : i32
      %swap3A_1139 = arith.index_cast %swap3A : i32 to index
      %swap3A_1140 = arith.index_cast %mul3A_1138 : i32 to index
      %swap3A_1141 = tpu.vector_load %arg13[%swap3A_1139, %swap3A_1140] {strides = array<i32>} : memref<32x1024xf32, #tpu.memory_space<vmem>>, vector<1x16xf32>,
      %swap3A_1142 = vector.shape_cast %swap3A_1141 : vector<1x16xf32> to vector<16xf32>
      %swap3A_1143 = vector.shape_cast %add3A_1136 : vector<16xf32> to vector<1x16xf32>
      tpu.vector_store %arg13[%swap3A_1139, %swap3A_1140], %swap3A_1143 {strides = array<i32>} : memref<32x1024xf32, #tpu.memory_space<vmem>>, vector<1x16xf32>,
      %scan3A_1144 = arith.constant 0 : i32
      scf.yield %scan3A_1144 : i32
    }
    %scan3A_930 = arith.constant 64 : i32
    %get3A_931 = arith.constant 21 : i32
    %get3A_932 = arith.index_cast %get3A_931 : i32 to index
    %get3A_933 = arith.constant 0 : index
    %get3A_934 = tpu.vector_load %arg9[%get3A_932, %get3A_933] {strides = array<i32>} : memref<32x16xf32, #tpu.memory_space<vmem>>, vector<1x16xf32>,
    %get3A_935 = vector.shape_cast %get3A_934 : vector<1x16xf32> to vector<16xf32>
    %get3A_936 = arith.constant 21 : i32
    %get3A_937 = arith.index_cast %get3A_936 : i32 to index
    %get3A_938 = arith.constant 0 : index
    %get3A_939 = tpu.vector_load %arg10[%get3A_937, %get3A_938] {strides = array<i32>} : memref<32x16xf32, #tpu.memory_space<vmem>>, vector<1x16xf32>,
    %get3A_940 = vector.shape_cast %get3A_939 : vector<1x16xf32> to vector<16xf32>
    %scan3A_941 = arith.constant 0 : i32
    %scan3A_942 = arith.constant 0 : i32
    %scan3A_943 = arith.constant 64 : i32
    %scan3A_944 = arith.addi %scan3A_942, %scan3A_943 : i32
    %scan3A_945 = arith.constant 1 : i32
    %scan3A_946 = scf.for %scan3A_1118 = %scan3A_942 to %scan3A_944 step %scan3A_945 iter_args(%scan3A_1119 = %scan3A_941) -> (i32)  : i32 {
      %mul3A_1120 = arith.constant 16 : i32
      %mul3A_1121 = arith.muli %scan3A_1118, %mul3A_1120 : i32
      %get3A_1122 = arith.constant 21 : i32
      %get3A_1123 = arith.index_cast %get3A_1122 : i32 to index
      %get3A_1124 = arith.index_cast %mul3A_1121 : i32 to index
      %get3A_1125 = tpu.vector_load %arg11[%get3A_1123, %get3A_1124] {strides = array<i32>} : memref<32x1024xf32, #tpu.memory_space<vmem>>, vector<1x16xf32>,
      %get3A_1126 = vector.shape_cast %get3A_1125 : vector<1x16xf32> to vector<16xf32>
      %mul3A_1127 = arith.constant 16 : i32
      %mul3A_1128 = arith.muli %scan3A_1118, %mul3A_1127 : i32
      %get3A_1129 = arith.constant 21 : i32
      %get3A_1130 = arith.index_cast %get3A_1129 : i32 to index
      %get3A_1131 = arith.index_cast %mul3A_1128 : i32 to index
      %get3A_1132 = tpu.vector_load %arg12[%get3A_1130, %get3A_1131] {strides = array<i32>} : memref<32x1024xf32, #tpu.memory_space<vmem>>, vector<1x16xf32>,
      %get3A_1133 = vector.shape_cast %get3A_1132 : vector<1x16xf32> to vector<16xf32>
      %mul3A_1134 = arith.mulf %get3A_1126, %get3A_935 : vector<16xf32>
      %mul3A_1135 = arith.mulf %get3A_1133, %get3A_940 : vector<16xf32>
      %add3A_1136 = arith.addf %mul3A_1134, %mul3A_1135 : vector<16xf32>
      %mul3A_1137 = arith.constant 16 : i32
      %mul3A_1138 = arith.muli %scan3A_1118, %mul3A_1137 : i32
      %swap3A = arith.constant 21 : i32
      %swap3A_1139 = arith.index_cast %swap3A : i32 to index
      %swap3A_1140 = arith.index_cast %mul3A_1138 : i32 to index
      %swap3A_1141 = tpu.vector_load %arg13[%swap3A_1139, %swap3A_1140] {strides = array<i32>} : memref<32x1024xf32, #tpu.memory_space<vmem>>, vector<1x16xf32>,
      %swap3A_1142 = vector.shape_cast %swap3A_1141 : vector<1x16xf32> to vector<16xf32>
      %swap3A_1143 = vector.shape_cast %add3A_1136 : vector<16xf32> to vector<1x16xf32>
      tpu.vector_store %arg13[%swap3A_1139, %swap3A_1140], %swap3A_1143 {strides = array<i32>} : memref<32x1024xf32, #tpu.memory_space<vmem>>, vector<1x16xf32>,
      %scan3A_1144 = arith.constant 0 : i32
      scf.yield %scan3A_1144 : i32
    }
    %scan3A_947 = arith.constant 64 : i32
    %get3A_948 = arith.constant 22 : i32
    %get3A_949 = arith.index_cast %get3A_948 : i32 to index
    %get3A_950 = arith.constant 0 : index
    %get3A_951 = tpu.vector_load %arg9[%get3A_949, %get3A_950] {strides = array<i32>} : memref<32x16xf32, #tpu.memory_space<vmem>>, vector<1x16xf32>,
    %get3A_952 = vector.shape_cast %get3A_951 : vector<1x16xf32> to vector<16xf32>
    %get3A_953 = arith.constant 22 : i32
    %get3A_954 = arith.index_cast %get3A_953 : i32 to index
    %get3A_955 = arith.constant 0 : index
    %get3A_956 = tpu.vector_load %arg10[%get3A_954, %get3A_955] {strides = array<i32>} : memref<32x16xf32, #tpu.memory_space<vmem>>, vector<1x16xf32>,
    %get3A_957 = vector.shape_cast %get3A_956 : vector<1x16xf32> to vector<16xf32>
    %scan3A_958 = arith.constant 0 : i32
    %scan3A_959 = arith.constant 0 : i32
    %scan3A_960 = arith.constant 64 : i32
    %scan3A_961 = arith.addi %scan3A_959, %scan3A_960 : i32
    %scan3A_962 = arith.constant 1 : i32
    %scan3A_963 = scf.for %scan3A_1118 = %scan3A_959 to %scan3A_961 step %scan3A_962 iter_args(%scan3A_1119 = %scan3A_958) -> (i32)  : i32 {
      %mul3A_1120 = arith.constant 16 : i32
      %mul3A_1121 = arith.muli %scan3A_1118, %mul3A_1120 : i32
      %get3A_1122 = arith.constant 22 : i32
      %get3A_1123 = arith.index_cast %get3A_1122 : i32 to index
      %get3A_1124 = arith.index_cast %mul3A_1121 : i32 to index
      %get3A_1125 = tpu.vector_load %arg11[%get3A_1123, %get3A_1124] {strides = array<i32>} : memref<32x1024xf32, #tpu.memory_space<vmem>>, vector<1x16xf32>,
      %get3A_1126 = vector.shape_cast %get3A_1125 : vector<1x16xf32> to vector<16xf32>
      %mul3A_1127 = arith.constant 16 : i32
      %mul3A_1128 = arith.muli %scan3A_1118, %mul3A_1127 : i32
      %get3A_1129 = arith.constant 22 : i32
      %get3A_1130 = arith.index_cast %get3A_1129 : i32 to index
      %get3A_1131 = arith.index_cast %mul3A_1128 : i32 to index
      %get3A_1132 = tpu.vector_load %arg12[%get3A_1130, %get3A_1131] {strides = array<i32>} : memref<32x1024xf32, #tpu.memory_space<vmem>>, vector<1x16xf32>,
      %get3A_1133 = vector.shape_cast %get3A_1132 : vector<1x16xf32> to vector<16xf32>
      %mul3A_1134 = arith.mulf %get3A_1126, %get3A_952 : vector<16xf32>
      %mul3A_1135 = arith.mulf %get3A_1133, %get3A_957 : vector<16xf32>
      %add3A_1136 = arith.addf %mul3A_1134, %mul3A_1135 : vector<16xf32>
      %mul3A_1137 = arith.constant 16 : i32
      %mul3A_1138 = arith.muli %scan3A_1118, %mul3A_1137 : i32
      %swap3A = arith.constant 22 : i32
      %swap3A_1139 = arith.index_cast %swap3A : i32 to index
      %swap3A_1140 = arith.index_cast %mul3A_1138 : i32 to index
      %swap3A_1141 = tpu.vector_load %arg13[%swap3A_1139, %swap3A_1140] {strides = array<i32>} : memref<32x1024xf32, #tpu.memory_space<vmem>>, vector<1x16xf32>,
      %swap3A_1142 = vector.shape_cast %swap3A_1141 : vector<1x16xf32> to vector<16xf32>
      %swap3A_1143 = vector.shape_cast %add3A_1136 : vector<16xf32> to vector<1x16xf32>
      tpu.vector_store %arg13[%swap3A_1139, %swap3A_1140], %swap3A_1143 {strides = array<i32>} : memref<32x1024xf32, #tpu.memory_space<vmem>>, vector<1x16xf32>,
      %scan3A_1144 = arith.constant 0 : i32
      scf.yield %scan3A_1144 : i32
    }
    %scan3A_964 = arith.constant 64 : i32
    %get3A_965 = arith.constant 23 : i32
    %get3A_966 = arith.index_cast %get3A_965 : i32 to index
    %get3A_967 = arith.constant 0 : index
    %get3A_968 = tpu.vector_load %arg9[%get3A_966, %get3A_967] {strides = array<i32>} : memref<32x16xf32, #tpu.memory_space<vmem>>, vector<1x16xf32>,
    %get3A_969 = vector.shape_cast %get3A_968 : vector<1x16xf32> to vector<16xf32>
    %get3A_970 = arith.constant 23 : i32
    %get3A_971 = arith.index_cast %get3A_970 : i32 to index
    %get3A_972 = arith.constant 0 : index
    %get3A_973 = tpu.vector_load %arg10[%get3A_971, %get3A_972] {strides = array<i32>} : memref<32x16xf32, #tpu.memory_space<vmem>>, vector<1x16xf32>,
    %get3A_974 = vector.shape_cast %get3A_973 : vector<1x16xf32> to vector<16xf32>
    %scan3A_975 = arith.constant 0 : i32
    %scan3A_976 = arith.constant 0 : i32
    %scan3A_977 = arith.constant 64 : i32
    %scan3A_978 = arith.addi %scan3A_976, %scan3A_977 : i32
    %scan3A_979 = arith.constant 1 : i32
    %scan3A_980 = scf.for %scan3A_1118 = %scan3A_976 to %scan3A_978 step %scan3A_979 iter_args(%scan3A_1119 = %scan3A_975) -> (i32)  : i32 {
      %mul3A_1120 = arith.constant 16 : i32
      %mul3A_1121 = arith.muli %scan3A_1118, %mul3A_1120 : i32
      %get3A_1122 = arith.constant 23 : i32
      %get3A_1123 = arith.index_cast %get3A_1122 : i32 to index
      %get3A_1124 = arith.index_cast %mul3A_1121 : i32 to index
      %get3A_1125 = tpu.vector_load %arg11[%get3A_1123, %get3A_1124] {strides = array<i32>} : memref<32x1024xf32, #tpu.memory_space<vmem>>, vector<1x16xf32>,
      %get3A_1126 = vector.shape_cast %get3A_1125 : vector<1x16xf32> to vector<16xf32>
      %mul3A_1127 = arith.constant 16 : i32
      %mul3A_1128 = arith.muli %scan3A_1118, %mul3A_1127 : i32
      %get3A_1129 = arith.constant 23 : i32
      %get3A_1130 = arith.index_cast %get3A_1129 : i32 to index
      %get3A_1131 = arith.index_cast %mul3A_1128 : i32 to index
      %get3A_1132 = tpu.vector_load %arg12[%get3A_1130, %get3A_1131] {strides = array<i32>} : memref<32x1024xf32, #tpu.memory_space<vmem>>, vector<1x16xf32>,
      %get3A_1133 = vector.shape_cast %get3A_1132 : vector<1x16xf32> to vector<16xf32>
      %mul3A_1134 = arith.mulf %get3A_1126, %get3A_969 : vector<16xf32>
      %mul3A_1135 = arith.mulf %get3A_1133, %get3A_974 : vector<16xf32>
      %add3A_1136 = arith.addf %mul3A_1134, %mul3A_1135 : vector<16xf32>
      %mul3A_1137 = arith.constant 16 : i32
      %mul3A_1138 = arith.muli %scan3A_1118, %mul3A_1137 : i32
      %swap3A = arith.constant 23 : i32
      %swap3A_1139 = arith.index_cast %swap3A : i32 to index
      %swap3A_1140 = arith.index_cast %mul3A_1138 : i32 to index
      %swap3A_1141 = tpu.vector_load %arg13[%swap3A_1139, %swap3A_1140] {strides = array<i32>} : memref<32x1024xf32, #tpu.memory_space<vmem>>, vector<1x16xf32>,
      %swap3A_1142 = vector.shape_cast %swap3A_1141 : vector<1x16xf32> to vector<16xf32>
      %swap3A_1143 = vector.shape_cast %add3A_1136 : vector<16xf32> to vector<1x16xf32>
      tpu.vector_store %arg13[%swap3A_1139, %swap3A_1140], %swap3A_1143 {strides = array<i32>} : memref<32x1024xf32, #tpu.memory_space<vmem>>, vector<1x16xf32>,
      %scan3A_1144 = arith.constant 0 : i32
      scf.yield %scan3A_1144 : i32
    }
    %scan3A_981 = arith.constant 64 : i32
    %get3A_982 = arith.constant 24 : i32
    %get3A_983 = arith.index_cast %get3A_982 : i32 to index
    %get3A_984 = arith.constant 0 : index
    %get3A_985 = tpu.vector_load %arg9[%get3A_983, %get3A_984] {strides = array<i32>} : memref<32x16xf32, #tpu.memory_space<vmem>>, vector<1x16xf32>,
    %get3A_986 = vector.shape_cast %get3A_985 : vector<1x16xf32> to vector<16xf32>
    %get3A_987 = arith.constant 24 : i32
    %get3A_988 = arith.index_cast %get3A_987 : i32 to index
    %get3A_989 = arith.constant 0 : index
    %get3A_990 = tpu.vector_load %arg10[%get3A_988, %get3A_989] {strides = array<i32>} : memref<32x16xf32, #tpu.memory_space<vmem>>, vector<1x16xf32>,
    %get3A_991 = vector.shape_cast %get3A_990 : vector<1x16xf32> to vector<16xf32>
    %scan3A_992 = arith.constant 0 : i32
    %scan3A_993 = arith.constant 0 : i32
    %scan3A_994 = arith.constant 64 : i32
    %scan3A_995 = arith.addi %scan3A_993, %scan3A_994 : i32
    %scan3A_996 = arith.constant 1 : i32
    %scan3A_997 = scf.for %scan3A_1118 = %scan3A_993 to %scan3A_995 step %scan3A_996 iter_args(%scan3A_1119 = %scan3A_992) -> (i32)  : i32 {
      %mul3A_1120 = arith.constant 16 : i32
      %mul3A_1121 = arith.muli %scan3A_1118, %mul3A_1120 : i32
      %get3A_1122 = arith.constant 24 : i32
      %get3A_1123 = arith.index_cast %get3A_1122 : i32 to index
      %get3A_1124 = arith.index_cast %mul3A_1121 : i32 to index
      %get3A_1125 = tpu.vector_load %arg11[%get3A_1123, %get3A_1124] {strides = array<i32>} : memref<32x1024xf32, #tpu.memory_space<vmem>>, vector<1x16xf32>,
      %get3A_1126 = vector.shape_cast %get3A_1125 : vector<1x16xf32> to vector<16xf32>
      %mul3A_1127 = arith.constant 16 : i32
      %mul3A_1128 = arith.muli %scan3A_1118, %mul3A_1127 : i32
      %get3A_1129 = arith.constant 24 : i32
      %get3A_1130 = arith.index_cast %get3A_1129 : i32 to index
      %get3A_1131 = arith.index_cast %mul3A_1128 : i32 to index
      %get3A_1132 = tpu.vector_load %arg12[%get3A_1130, %get3A_1131] {strides = array<i32>} : memref<32x1024xf32, #tpu.memory_space<vmem>>, vector<1x16xf32>,
      %get3A_1133 = vector.shape_cast %get3A_1132 : vector<1x16xf32> to vector<16xf32>
      %mul3A_1134 = arith.mulf %get3A_1126, %get3A_986 : vector<16xf32>
      %mul3A_1135 = arith.mulf %get3A_1133, %get3A_991 : vector<16xf32>
      %add3A_1136 = arith.addf %mul3A_1134, %mul3A_1135 : vector<16xf32>
      %mul3A_1137 = arith.constant 16 : i32
      %mul3A_1138 = arith.muli %scan3A_1118, %mul3A_1137 : i32
      %swap3A = arith.constant 24 : i32
      %swap3A_1139 = arith.index_cast %swap3A : i32 to index
      %swap3A_1140 = arith.index_cast %mul3A_1138 : i32 to index
      %swap3A_1141 = tpu.vector_load %arg13[%swap3A_1139, %swap3A_1140] {strides = array<i32>} : memref<32x1024xf32, #tpu.memory_space<vmem>>, vector<1x16xf32>,
      %swap3A_1142 = vector.shape_cast %swap3A_1141 : vector<1x16xf32> to vector<16xf32>
      %swap3A_1143 = vector.shape_cast %add3A_1136 : vector<16xf32> to vector<1x16xf32>
      tpu.vector_store %arg13[%swap3A_1139, %swap3A_1140], %swap3A_1143 {strides = array<i32>} : memref<32x1024xf32, #tpu.memory_space<vmem>>, vector<1x16xf32>,
      %scan3A_1144 = arith.constant 0 : i32
      scf.yield %scan3A_1144 : i32
    }
    %scan3A_998 = arith.constant 64 : i32
    %get3A_999 = arith.constant 25 : i32
    %get3A_1000 = arith.index_cast %get3A_999 : i32 to index
    %get3A_1001 = arith.constant 0 : index
    %get3A_1002 = tpu.vector_load %arg9[%get3A_1000, %get3A_1001] {strides = array<i32>} : memref<32x16xf32, #tpu.memory_space<vmem>>, vector<1x16xf32>,
    %get3A_1003 = vector.shape_cast %get3A_1002 : vector<1x16xf32> to vector<16xf32>
    %get3A_1004 = arith.constant 25 : i32
    %get3A_1005 = arith.index_cast %get3A_1004 : i32 to index
    %get3A_1006 = arith.constant 0 : index
    %get3A_1007 = tpu.vector_load %arg10[%get3A_1005, %get3A_1006] {strides = array<i32>} : memref<32x16xf32, #tpu.memory_space<vmem>>, vector<1x16xf32>,
    %get3A_1008 = vector.shape_cast %get3A_1007 : vector<1x16xf32> to vector<16xf32>
    %scan3A_1009 = arith.constant 0 : i32
    %scan3A_1010 = arith.constant 0 : i32
    %scan3A_1011 = arith.constant 64 : i32
    %scan3A_1012 = arith.addi %scan3A_1010, %scan3A_1011 : i32
    %scan3A_1013 = arith.constant 1 : i32
    %scan3A_1014 = scf.for %scan3A_1118 = %scan3A_1010 to %scan3A_1012 step %scan3A_1013 iter_args(%scan3A_1119 = %scan3A_1009) -> (i32)  : i32 {
      %mul3A_1120 = arith.constant 16 : i32
      %mul3A_1121 = arith.muli %scan3A_1118, %mul3A_1120 : i32
      %get3A_1122 = arith.constant 25 : i32
      %get3A_1123 = arith.index_cast %get3A_1122 : i32 to index
      %get3A_1124 = arith.index_cast %mul3A_1121 : i32 to index
      %get3A_1125 = tpu.vector_load %arg11[%get3A_1123, %get3A_1124] {strides = array<i32>} : memref<32x1024xf32, #tpu.memory_space<vmem>>, vector<1x16xf32>,
      %get3A_1126 = vector.shape_cast %get3A_1125 : vector<1x16xf32> to vector<16xf32>
      %mul3A_1127 = arith.constant 16 : i32
      %mul3A_1128 = arith.muli %scan3A_1118, %mul3A_1127 : i32
      %get3A_1129 = arith.constant 25 : i32
      %get3A_1130 = arith.index_cast %get3A_1129 : i32 to index
      %get3A_1131 = arith.index_cast %mul3A_1128 : i32 to index
      %get3A_1132 = tpu.vector_load %arg12[%get3A_1130, %get3A_1131] {strides = array<i32>} : memref<32x1024xf32, #tpu.memory_space<vmem>>, vector<1x16xf32>,
      %get3A_1133 = vector.shape_cast %get3A_1132 : vector<1x16xf32> to vector<16xf32>
      %mul3A_1134 = arith.mulf %get3A_1126, %get3A_1003 : vector<16xf32>
      %mul3A_1135 = arith.mulf %get3A_1133, %get3A_1008 : vector<16xf32>
      %add3A_1136 = arith.addf %mul3A_1134, %mul3A_1135 : vector<16xf32>
      %mul3A_1137 = arith.constant 16 : i32
      %mul3A_1138 = arith.muli %scan3A_1118, %mul3A_1137 : i32
      %swap3A = arith.constant 25 : i32
      %swap3A_1139 = arith.index_cast %swap3A : i32 to index
      %swap3A_1140 = arith.index_cast %mul3A_1138 : i32 to index
      %swap3A_1141 = tpu.vector_load %arg13[%swap3A_1139, %swap3A_1140] {strides = array<i32>} : memref<32x1024xf32, #tpu.memory_space<vmem>>, vector<1x16xf32>,
      %swap3A_1142 = vector.shape_cast %swap3A_1141 : vector<1x16xf32> to vector<16xf32>
      %swap3A_1143 = vector.shape_cast %add3A_1136 : vector<16xf32> to vector<1x16xf32>
      tpu.vector_store %arg13[%swap3A_1139, %swap3A_1140], %swap3A_1143 {strides = array<i32>} : memref<32x1024xf32, #tpu.memory_space<vmem>>, vector<1x16xf32>,
      %scan3A_1144 = arith.constant 0 : i32
      scf.yield %scan3A_1144 : i32
    }
    %scan3A_1015 = arith.constant 64 : i32
    %get3A_1016 = arith.constant 26 : i32
    %get3A_1017 = arith.index_cast %get3A_1016 : i32 to index
    %get3A_1018 = arith.constant 0 : index
    %get3A_1019 = tpu.vector_load %arg9[%get3A_1017, %get3A_1018] {strides = array<i32>} : memref<32x16xf32, #tpu.memory_space<vmem>>, vector<1x16xf32>,
    %get3A_1020 = vector.shape_cast %get3A_1019 : vector<1x16xf32> to vector<16xf32>
    %get3A_1021 = arith.constant 26 : i32
    %get3A_1022 = arith.index_cast %get3A_1021 : i32 to index
    %get3A_1023 = arith.constant 0 : index
    %get3A_1024 = tpu.vector_load %arg10[%get3A_1022, %get3A_1023] {strides = array<i32>} : memref<32x16xf32, #tpu.memory_space<vmem>>, vector<1x16xf32>,
    %get3A_1025 = vector.shape_cast %get3A_1024 : vector<1x16xf32> to vector<16xf32>
    %scan3A_1026 = arith.constant 0 : i32
    %scan3A_1027 = arith.constant 0 : i32
    %scan3A_1028 = arith.constant 64 : i32
    %scan3A_1029 = arith.addi %scan3A_1027, %scan3A_1028 : i32
    %scan3A_1030 = arith.constant 1 : i32
    %scan3A_1031 = scf.for %scan3A_1118 = %scan3A_1027 to %scan3A_1029 step %scan3A_1030 iter_args(%scan3A_1119 = %scan3A_1026) -> (i32)  : i32 {
      %mul3A_1120 = arith.constant 16 : i32
      %mul3A_1121 = arith.muli %scan3A_1118, %mul3A_1120 : i32
      %get3A_1122 = arith.constant 26 : i32
      %get3A_1123 = arith.index_cast %get3A_1122 : i32 to index
      %get3A_1124 = arith.index_cast %mul3A_1121 : i32 to index
      %get3A_1125 = tpu.vector_load %arg11[%get3A_1123, %get3A_1124] {strides = array<i32>} : memref<32x1024xf32, #tpu.memory_space<vmem>>, vector<1x16xf32>,
      %get3A_1126 = vector.shape_cast %get3A_1125 : vector<1x16xf32> to vector<16xf32>
      %mul3A_1127 = arith.constant 16 : i32
      %mul3A_1128 = arith.muli %scan3A_1118, %mul3A_1127 : i32
      %get3A_1129 = arith.constant 26 : i32
      %get3A_1130 = arith.index_cast %get3A_1129 : i32 to index
      %get3A_1131 = arith.index_cast %mul3A_1128 : i32 to index
      %get3A_1132 = tpu.vector_load %arg12[%get3A_1130, %get3A_1131] {strides = array<i32>} : memref<32x1024xf32, #tpu.memory_space<vmem>>, vector<1x16xf32>,
      %get3A_1133 = vector.shape_cast %get3A_1132 : vector<1x16xf32> to vector<16xf32>
      %mul3A_1134 = arith.mulf %get3A_1126, %get3A_1020 : vector<16xf32>
      %mul3A_1135 = arith.mulf %get3A_1133, %get3A_1025 : vector<16xf32>
      %add3A_1136 = arith.addf %mul3A_1134, %mul3A_1135 : vector<16xf32>
      %mul3A_1137 = arith.constant 16 : i32
      %mul3A_1138 = arith.muli %scan3A_1118, %mul3A_1137 : i32
      %swap3A = arith.constant 26 : i32
      %swap3A_1139 = arith.index_cast %swap3A : i32 to index
      %swap3A_1140 = arith.index_cast %mul3A_1138 : i32 to index
      %swap3A_1141 = tpu.vector_load %arg13[%swap3A_1139, %swap3A_1140] {strides = array<i32>} : memref<32x1024xf32, #tpu.memory_space<vmem>>, vector<1x16xf32>,
      %swap3A_1142 = vector.shape_cast %swap3A_1141 : vector<1x16xf32> to vector<16xf32>
      %swap3A_1143 = vector.shape_cast %add3A_1136 : vector<16xf32> to vector<1x16xf32>
      tpu.vector_store %arg13[%swap3A_1139, %swap3A_1140], %swap3A_1143 {strides = array<i32>} : memref<32x1024xf32, #tpu.memory_space<vmem>>, vector<1x16xf32>,
      %scan3A_1144 = arith.constant 0 : i32
      scf.yield %scan3A_1144 : i32
    }
    %scan3A_1032 = arith.constant 64 : i32
    %get3A_1033 = arith.constant 27 : i32
    %get3A_1034 = arith.index_cast %get3A_1033 : i32 to index
    %get3A_1035 = arith.constant 0 : index
    %get3A_1036 = tpu.vector_load %arg9[%get3A_1034, %get3A_1035] {strides = array<i32>} : memref<32x16xf32, #tpu.memory_space<vmem>>, vector<1x16xf32>,
    %get3A_1037 = vector.shape_cast %get3A_1036 : vector<1x16xf32> to vector<16xf32>
    %get3A_1038 = arith.constant 27 : i32
    %get3A_1039 = arith.index_cast %get3A_1038 : i32 to index
    %get3A_1040 = arith.constant 0 : index
    %get3A_1041 = tpu.vector_load %arg10[%get3A_1039, %get3A_1040] {strides = array<i32>} : memref<32x16xf32, #tpu.memory_space<vmem>>, vector<1x16xf32>,
    %get3A_1042 = vector.shape_cast %get3A_1041 : vector<1x16xf32> to vector<16xf32>
    %scan3A_1043 = arith.constant 0 : i32
    %scan3A_1044 = arith.constant 0 : i32
    %scan3A_1045 = arith.constant 64 : i32
    %scan3A_1046 = arith.addi %scan3A_1044, %scan3A_1045 : i32
    %scan3A_1047 = arith.constant 1 : i32
    %scan3A_1048 = scf.for %scan3A_1118 = %scan3A_1044 to %scan3A_1046 step %scan3A_1047 iter_args(%scan3A_1119 = %scan3A_1043) -> (i32)  : i32 {
      %mul3A_1120 = arith.constant 16 : i32
      %mul3A_1121 = arith.muli %scan3A_1118, %mul3A_1120 : i32
      %get3A_1122 = arith.constant 27 : i32
      %get3A_1123 = arith.index_cast %get3A_1122 : i32 to index
      %get3A_1124 = arith.index_cast %mul3A_1121 : i32 to index
      %get3A_1125 = tpu.vector_load %arg11[%get3A_1123, %get3A_1124] {strides = array<i32>} : memref<32x1024xf32, #tpu.memory_space<vmem>>, vector<1x16xf32>,
      %get3A_1126 = vector.shape_cast %get3A_1125 : vector<1x16xf32> to vector<16xf32>
      %mul3A_1127 = arith.constant 16 : i32
      %mul3A_1128 = arith.muli %scan3A_1118, %mul3A_1127 : i32
      %get3A_1129 = arith.constant 27 : i32
      %get3A_1130 = arith.index_cast %get3A_1129 : i32 to index
      %get3A_1131 = arith.index_cast %mul3A_1128 : i32 to index
      %get3A_1132 = tpu.vector_load %arg12[%get3A_1130, %get3A_1131] {strides = array<i32>} : memref<32x1024xf32, #tpu.memory_space<vmem>>, vector<1x16xf32>,
      %get3A_1133 = vector.shape_cast %get3A_1132 : vector<1x16xf32> to vector<16xf32>
      %mul3A_1134 = arith.mulf %get3A_1126, %get3A_1037 : vector<16xf32>
      %mul3A_1135 = arith.mulf %get3A_1133, %get3A_1042 : vector<16xf32>
      %add3A_1136 = arith.addf %mul3A_1134, %mul3A_1135 : vector<16xf32>
      %mul3A_1137 = arith.constant 16 : i32
      %mul3A_1138 = arith.muli %scan3A_1118, %mul3A_1137 : i32
      %swap3A = arith.constant 27 : i32
      %swap3A_1139 = arith.index_cast %swap3A : i32 to index
      %swap3A_1140 = arith.index_cast %mul3A_1138 : i32 to index
      %swap3A_1141 = tpu.vector_load %arg13[%swap3A_1139, %swap3A_1140] {strides = array<i32>} : memref<32x1024xf32, #tpu.memory_space<vmem>>, vector<1x16xf32>,
      %swap3A_1142 = vector.shape_cast %swap3A_1141 : vector<1x16xf32> to vector<16xf32>
      %swap3A_1143 = vector.shape_cast %add3A_1136 : vector<16xf32> to vector<1x16xf32>
      tpu.vector_store %arg13[%swap3A_1139, %swap3A_1140], %swap3A_1143 {strides = array<i32>} : memref<32x1024xf32, #tpu.memory_space<vmem>>, vector<1x16xf32>,
      %scan3A_1144 = arith.constant 0 : i32
      scf.yield %scan3A_1144 : i32
    }
    %scan3A_1049 = arith.constant 64 : i32
    %get3A_1050 = arith.constant 28 : i32
    %get3A_1051 = arith.index_cast %get3A_1050 : i32 to index
    %get3A_1052 = arith.constant 0 : index
    %get3A_1053 = tpu.vector_load %arg9[%get3A_1051, %get3A_1052] {strides = array<i32>} : memref<32x16xf32, #tpu.memory_space<vmem>>, vector<1x16xf32>,
    %get3A_1054 = vector.shape_cast %get3A_1053 : vector<1x16xf32> to vector<16xf32>
    %get3A_1055 = arith.constant 28 : i32
    %get3A_1056 = arith.index_cast %get3A_1055 : i32 to index
    %get3A_1057 = arith.constant 0 : index
    %get3A_1058 = tpu.vector_load %arg10[%get3A_1056, %get3A_1057] {strides = array<i32>} : memref<32x16xf32, #tpu.memory_space<vmem>>, vector<1x16xf32>,
    %get3A_1059 = vector.shape_cast %get3A_1058 : vector<1x16xf32> to vector<16xf32>
    %scan3A_1060 = arith.constant 0 : i32
    %scan3A_1061 = arith.constant 0 : i32
    %scan3A_1062 = arith.constant 64 : i32
    %scan3A_1063 = arith.addi %scan3A_1061, %scan3A_1062 : i32
    %scan3A_1064 = arith.constant 1 : i32
    %scan3A_1065 = scf.for %scan3A_1118 = %scan3A_1061 to %scan3A_1063 step %scan3A_1064 iter_args(%scan3A_1119 = %scan3A_1060) -> (i32)  : i32 {
      %mul3A_1120 = arith.constant 16 : i32
      %mul3A_1121 = arith.muli %scan3A_1118, %mul3A_1120 : i32
      %get3A_1122 = arith.constant 28 : i32
      %get3A_1123 = arith.index_cast %get3A_1122 : i32 to index
      %get3A_1124 = arith.index_cast %mul3A_1121 : i32 to index
      %get3A_1125 = tpu.vector_load %arg11[%get3A_1123, %get3A_1124] {strides = array<i32>} : memref<32x1024xf32, #tpu.memory_space<vmem>>, vector<1x16xf32>,
      %get3A_1126 = vector.shape_cast %get3A_1125 : vector<1x16xf32> to vector<16xf32>
      %mul3A_1127 = arith.constant 16 : i32
      %mul3A_1128 = arith.muli %scan3A_1118, %mul3A_1127 : i32
      %get3A_1129 = arith.constant 28 : i32
      %get3A_1130 = arith.index_cast %get3A_1129 : i32 to index
      %get3A_1131 = arith.index_cast %mul3A_1128 : i32 to index
      %get3A_1132 = tpu.vector_load %arg12[%get3A_1130, %get3A_1131] {strides = array<i32>} : memref<32x1024xf32, #tpu.memory_space<vmem>>, vector<1x16xf32>,
      %get3A_1133 = vector.shape_cast %get3A_1132 : vector<1x16xf32> to vector<16xf32>
      %mul3A_1134 = arith.mulf %get3A_1126, %get3A_1054 : vector<16xf32>
      %mul3A_1135 = arith.mulf %get3A_1133, %get3A_1059 : vector<16xf32>
      %add3A_1136 = arith.addf %mul3A_1134, %mul3A_1135 : vector<16xf32>
      %mul3A_1137 = arith.constant 16 : i32
      %mul3A_1138 = arith.muli %scan3A_1118, %mul3A_1137 : i32
      %swap3A = arith.constant 28 : i32
      %swap3A_1139 = arith.index_cast %swap3A : i32 to index
      %swap3A_1140 = arith.index_cast %mul3A_1138 : i32 to index
      %swap3A_1141 = tpu.vector_load %arg13[%swap3A_1139, %swap3A_1140] {strides = array<i32>} : memref<32x1024xf32, #tpu.memory_space<vmem>>, vector<1x16xf32>,
      %swap3A_1142 = vector.shape_cast %swap3A_1141 : vector<1x16xf32> to vector<16xf32>
      %swap3A_1143 = vector.shape_cast %add3A_1136 : vector<16xf32> to vector<1x16xf32>
      tpu.vector_store %arg13[%swap3A_1139, %swap3A_1140], %swap3A_1143 {strides = array<i32>} : memref<32x1024xf32, #tpu.memory_space<vmem>>, vector<1x16xf32>,
      %scan3A_1144 = arith.constant 0 : i32
      scf.yield %scan3A_1144 : i32
    }
    %scan3A_1066 = arith.constant 64 : i32
    %get3A_1067 = arith.constant 29 : i32
    %get3A_1068 = arith.index_cast %get3A_1067 : i32 to index
    %get3A_1069 = arith.constant 0 : index
    %get3A_1070 = tpu.vector_load %arg9[%get3A_1068, %get3A_1069] {strides = array<i32>} : memref<32x16xf32, #tpu.memory_space<vmem>>, vector<1x16xf32>,
    %get3A_1071 = vector.shape_cast %get3A_1070 : vector<1x16xf32> to vector<16xf32>
    %get3A_1072 = arith.constant 29 : i32
    %get3A_1073 = arith.index_cast %get3A_1072 : i32 to index
    %get3A_1074 = arith.constant 0 : index
    %get3A_1075 = tpu.vector_load %arg10[%get3A_1073, %get3A_1074] {strides = array<i32>} : memref<32x16xf32, #tpu.memory_space<vmem>>, vector<1x16xf32>,
    %get3A_1076 = vector.shape_cast %get3A_1075 : vector<1x16xf32> to vector<16xf32>
    %scan3A_1077 = arith.constant 0 : i32
    %scan3A_1078 = arith.constant 0 : i32
    %scan3A_1079 = arith.constant 64 : i32
    %scan3A_1080 = arith.addi %scan3A_1078, %scan3A_1079 : i32
    %scan3A_1081 = arith.constant 1 : i32
    %scan3A_1082 = scf.for %scan3A_1118 = %scan3A_1078 to %scan3A_1080 step %scan3A_1081 iter_args(%scan3A_1119 = %scan3A_1077) -> (i32)  : i32 {
      %mul3A_1120 = arith.constant 16 : i32
      %mul3A_1121 = arith.muli %scan3A_1118, %mul3A_1120 : i32
      %get3A_1122 = arith.constant 29 : i32
      %get3A_1123 = arith.index_cast %get3A_1122 : i32 to index
      %get3A_1124 = arith.index_cast %mul3A_1121 : i32 to index
      %get3A_1125 = tpu.vector_load %arg11[%get3A_1123, %get3A_1124] {strides = array<i32>} : memref<32x1024xf32, #tpu.memory_space<vmem>>, vector<1x16xf32>,
      %get3A_1126 = vector.shape_cast %get3A_1125 : vector<1x16xf32> to vector<16xf32>
      %mul3A_1127 = arith.constant 16 : i32
      %mul3A_1128 = arith.muli %scan3A_1118, %mul3A_1127 : i32
      %get3A_1129 = arith.constant 29 : i32
      %get3A_1130 = arith.index_cast %get3A_1129 : i32 to index
      %get3A_1131 = arith.index_cast %mul3A_1128 : i32 to index
      %get3A_1132 = tpu.vector_load %arg12[%get3A_1130, %get3A_1131] {strides = array<i32>} : memref<32x1024xf32, #tpu.memory_space<vmem>>, vector<1x16xf32>,
      %get3A_1133 = vector.shape_cast %get3A_1132 : vector<1x16xf32> to vector<16xf32>
      %mul3A_1134 = arith.mulf %get3A_1126, %get3A_1071 : vector<16xf32>
      %mul3A_1135 = arith.mulf %get3A_1133, %get3A_1076 : vector<16xf32>
      %add3A_1136 = arith.addf %mul3A_1134, %mul3A_1135 : vector<16xf32>
      %mul3A_1137 = arith.constant 16 : i32
      %mul3A_1138 = arith.muli %scan3A_1118, %mul3A_1137 : i32
      %swap3A = arith.constant 29 : i32
      %swap3A_1139 = arith.index_cast %swap3A : i32 to index
      %swap3A_1140 = arith.index_cast %mul3A_1138 : i32 to index
      %swap3A_1141 = tpu.vector_load %arg13[%swap3A_1139, %swap3A_1140] {strides = array<i32>} : memref<32x1024xf32, #tpu.memory_space<vmem>>, vector<1x16xf32>,
      %swap3A_1142 = vector.shape_cast %swap3A_1141 : vector<1x16xf32> to vector<16xf32>
      %swap3A_1143 = vector.shape_cast %add3A_1136 : vector<16xf32> to vector<1x16xf32>
      tpu.vector_store %arg13[%swap3A_1139, %swap3A_1140], %swap3A_1143 {strides = array<i32>} : memref<32x1024xf32, #tpu.memory_space<vmem>>, vector<1x16xf32>,
      %scan3A_1144 = arith.constant 0 : i32
      scf.yield %scan3A_1144 : i32
    }
    %scan3A_1083 = arith.constant 64 : i32
    %get3A_1084 = arith.constant 30 : i32
    %get3A_1085 = arith.index_cast %get3A_1084 : i32 to index
    %get3A_1086 = arith.constant 0 : index
    %get3A_1087 = tpu.vector_load %arg9[%get3A_1085, %get3A_1086] {strides = array<i32>} : memref<32x16xf32, #tpu.memory_space<vmem>>, vector<1x16xf32>,
    %get3A_1088 = vector.shape_cast %get3A_1087 : vector<1x16xf32> to vector<16xf32>
    %get3A_1089 = arith.constant 30 : i32
    %get3A_1090 = arith.index_cast %get3A_1089 : i32 to index
    %get3A_1091 = arith.constant 0 : index
    %get3A_1092 = tpu.vector_load %arg10[%get3A_1090, %get3A_1091] {strides = array<i32>} : memref<32x16xf32, #tpu.memory_space<vmem>>, vector<1x16xf32>,
    %get3A_1093 = vector.shape_cast %get3A_1092 : vector<1x16xf32> to vector<16xf32>
    %scan3A_1094 = arith.constant 0 : i32
    %scan3A_1095 = arith.constant 0 : i32
    %scan3A_1096 = arith.constant 64 : i32
    %scan3A_1097 = arith.addi %scan3A_1095, %scan3A_1096 : i32
    %scan3A_1098 = arith.constant 1 : i32
    %scan3A_1099 = scf.for %scan3A_1118 = %scan3A_1095 to %scan3A_1097 step %scan3A_1098 iter_args(%scan3A_1119 = %scan3A_1094) -> (i32)  : i32 {
      %mul3A_1120 = arith.constant 16 : i32
      %mul3A_1121 = arith.muli %scan3A_1118, %mul3A_1120 : i32
      %get3A_1122 = arith.constant 30 : i32
      %get3A_1123 = arith.index_cast %get3A_1122 : i32 to index
      %get3A_1124 = arith.index_cast %mul3A_1121 : i32 to index
      %get3A_1125 = tpu.vector_load %arg11[%get3A_1123, %get3A_1124] {strides = array<i32>} : memref<32x1024xf32, #tpu.memory_space<vmem>>, vector<1x16xf32>,
      %get3A_1126 = vector.shape_cast %get3A_1125 : vector<1x16xf32> to vector<16xf32>
      %mul3A_1127 = arith.constant 16 : i32
      %mul3A_1128 = arith.muli %scan3A_1118, %mul3A_1127 : i32
      %get3A_1129 = arith.constant 30 : i32
      %get3A_1130 = arith.index_cast %get3A_1129 : i32 to index
      %get3A_1131 = arith.index_cast %mul3A_1128 : i32 to index
      %get3A_1132 = tpu.vector_load %arg12[%get3A_1130, %get3A_1131] {strides = array<i32>} : memref<32x1024xf32, #tpu.memory_space<vmem>>, vector<1x16xf32>,
      %get3A_1133 = vector.shape_cast %get3A_1132 : vector<1x16xf32> to vector<16xf32>
      %mul3A_1134 = arith.mulf %get3A_1126, %get3A_1088 : vector<16xf32>
      %mul3A_1135 = arith.mulf %get3A_1133, %get3A_1093 : vector<16xf32>
      %add3A_1136 = arith.addf %mul3A_1134, %mul3A_1135 : vector<16xf32>
      %mul3A_1137 = arith.constant 16 : i32
      %mul3A_1138 = arith.muli %scan3A_1118, %mul3A_1137 : i32
      %swap3A = arith.constant 30 : i32
      %swap3A_1139 = arith.index_cast %swap3A : i32 to index
      %swap3A_1140 = arith.index_cast %mul3A_1138 : i32 to index
      %swap3A_1141 = tpu.vector_load %arg13[%swap3A_1139, %swap3A_1140] {strides = array<i32>} : memref<32x1024xf32, #tpu.memory_space<vmem>>, vector<1x16xf32>,
      %swap3A_1142 = vector.shape_cast %swap3A_1141 : vector<1x16xf32> to vector<16xf32>
      %swap3A_1143 = vector.shape_cast %add3A_1136 : vector<16xf32> to vector<1x16xf32>
      tpu.vector_store %arg13[%swap3A_1139, %swap3A_1140], %swap3A_1143 {strides = array<i32>} : memref<32x1024xf32, #tpu.memory_space<vmem>>, vector<1x16xf32>,
      %scan3A_1144 = arith.constant 0 : i32
      scf.yield %scan3A_1144 : i32
    }
    %scan3A_1100 = arith.constant 64 : i32
    %get3A_1101 = arith.constant 31 : i32
    %get3A_1102 = arith.index_cast %get3A_1101 : i32 to index
    %get3A_1103 = arith.constant 0 : index
    %get3A_1104 = tpu.vector_load %arg9[%get3A_1102, %get3A_1103] {strides = array<i32>} : memref<32x16xf32, #tpu.memory_space<vmem>>, vector<1x16xf32>,
    %get3A_1105 = vector.shape_cast %get3A_1104 : vector<1x16xf32> to vector<16xf32>
    %get3A_1106 = arith.constant 31 : i32
    %get3A_1107 = arith.index_cast %get3A_1106 : i32 to index
    %get3A_1108 = arith.constant 0 : index
    %get3A_1109 = tpu.vector_load %arg10[%get3A_1107, %get3A_1108] {strides = array<i32>} : memref<32x16xf32, #tpu.memory_space<vmem>>, vector<1x16xf32>,
    %get3A_1110 = vector.shape_cast %get3A_1109 : vector<1x16xf32> to vector<16xf32>
    %scan3A_1111 = arith.constant 0 : i32
    %scan3A_1112 = arith.constant 0 : i32
    %scan3A_1113 = arith.constant 64 : i32
    %scan3A_1114 = arith.addi %scan3A_1112, %scan3A_1113 : i32
    %scan3A_1115 = arith.constant 1 : i32
    %scan3A_1116 = scf.for %scan3A_1118 = %scan3A_1112 to %scan3A_1114 step %scan3A_1115 iter_args(%scan3A_1119 = %scan3A_1111) -> (i32)  : i32 {
      %mul3A_1120 = arith.constant 16 : i32
      %mul3A_1121 = arith.muli %scan3A_1118, %mul3A_1120 : i32
      %get3A_1122 = arith.constant 31 : i32
      %get3A_1123 = arith.index_cast %get3A_1122 : i32 to index
      %get3A_1124 = arith.index_cast %mul3A_1121 : i32 to index
      %get3A_1125 = tpu.vector_load %arg11[%get3A_1123, %get3A_1124] {strides = array<i32>} : memref<32x1024xf32, #tpu.memory_space<vmem>>, vector<1x16xf32>,
      %get3A_1126 = vector.shape_cast %get3A_1125 : vector<1x16xf32> to vector<16xf32>
      %mul3A_1127 = arith.constant 16 : i32
      %mul3A_1128 = arith.muli %scan3A_1118, %mul3A_1127 : i32
      %get3A_1129 = arith.constant 31 : i32
      %get3A_1130 = arith.index_cast %get3A_1129 : i32 to index
      %get3A_1131 = arith.index_cast %mul3A_1128 : i32 to index
      %get3A_1132 = tpu.vector_load %arg12[%get3A_1130, %get3A_1131] {strides = array<i32>} : memref<32x1024xf32, #tpu.memory_space<vmem>>, vector<1x16xf32>,
      %get3A_1133 = vector.shape_cast %get3A_1132 : vector<1x16xf32> to vector<16xf32>
      %mul3A_1134 = arith.mulf %get3A_1126, %get3A_1105 : vector<16xf32>
      %mul3A_1135 = arith.mulf %get3A_1133, %get3A_1110 : vector<16xf32>
      %add3A_1136 = arith.addf %mul3A_1134, %mul3A_1135 : vector<16xf32>
      %mul3A_1137 = arith.constant 16 : i32
      %mul3A_1138 = arith.muli %scan3A_1118, %mul3A_1137 : i32
      %swap3A = arith.constant 31 : i32
      %swap3A_1139 = arith.index_cast %swap3A : i32 to index
      %swap3A_1140 = arith.index_cast %mul3A_1138 : i32 to index
      %swap3A_1141 = tpu.vector_load %arg13[%swap3A_1139, %swap3A_1140] {strides = array<i32>} : memref<32x1024xf32, #tpu.memory_space<vmem>>, vector<1x16xf32>,
      %swap3A_1142 = vector.shape_cast %swap3A_1141 : vector<1x16xf32> to vector<16xf32>
      %swap3A_1143 = vector.shape_cast %add3A_1136 : vector<16xf32> to vector<1x16xf32>
      tpu.vector_store %arg13[%swap3A_1139, %swap3A_1140], %swap3A_1143 {strides = array<i32>} : memref<32x1024xf32, #tpu.memory_space<vmem>>, vector<1x16xf32>,
      %scan3A_1144 = arith.constant 0 : i32
      scf.yield %scan3A_1144 : i32
    }
    %scan3A_1117 = arith.constant 64 : i32
    "tpu.region"() ({
      %run_scoped3A_1118 = tpu.sem_alloc : memref<!tpu.dma_semaphore, #tpu.memory_space<semaphore_mem>>
      %dma_start3A_1119 = arith.constant 0 : i32
      %dma_start3A_1120 = tpu.memref_slice %arg6[%add3A_559, %dma_start3A_1119] : memref<2048x1024xf32, #tpu.memory_space<hbm>> -> memref<32x1024xf32, #tpu.memory_space<hbm>>
      %dma_start3A_1121 = arith.constant 0 : i32
      %dma_start3A_1122 = tpu.memref_slice %arg6[%add3A_559, %dma_start3A_1121] : memref<2048x1024xf32, #tpu.memory_space<hbm>> -> memref<32x1024xf32, #tpu.memory_space<hbm>>
      tpu.enqueue_dma source(%arg13 : memref<32x1024xf32, #tpu.memory_space<vmem>>) target(%dma_start3A_1122 : memref<32x1024xf32, #tpu.memory_space<hbm>>) target_semaphore(%run_scoped3A_1118 : memref<!tpu.dma_semaphore, #tpu.memory_space<semaphore_mem>>)
      %dma_wait3A_1123 = arith.constant 0 : i32
      %dma_wait3A_1124 = tpu.memref_slice %arg6[%add3A_559, %dma_wait3A_1123] : memref<2048x1024xf32, #tpu.memory_space<hbm>> -> memref<32x1024xf32, #tpu.memory_space<hbm>>
      %dma_wait3A_1125 = arith.constant 0 : i32
      %dma_wait3A_1126 = tpu.memref_slice %arg6[%add3A_559, %dma_wait3A_1125] : memref<2048x1024xf32, #tpu.memory_space<hbm>> -> memref<32x1024xf32, #tpu.memory_space<hbm>>
      tpu.wait_dma2 semaphore(%run_scoped3A_1118 : memref<!tpu.dma_semaphore, #tpu.memory_space<semaphore_mem>>) src(%arg13 : memref<32x1024xf32, #tpu.memory_space<vmem>>) dst(%dma_wait3A_1126 : memref<32x1024xf32, #tpu.memory_space<hbm>>)
      tpu.yield
    }) : () -> ()
    return
  }
}

#map = affine_map<(d0, d1) -> (0, 0)>
module attributes {stable_mosaic.version = 14 : i64} {
  func.func @_dispatch_body(%arg0: i32, %arg1: i32, %arg2: memref<2048x1024xf32, #tpu.memory_space<hbm>>, %arg3: memref<2x2048xi32, #tpu.memory_space<hbm>>, %arg4: memref<7680x1024xf32, #tpu.memory_space<hbm>>, %arg5: memref<64xi32, #tpu.memory_space<vmem>>, %arg6: memref<64xi32, #tpu.memory_space<vmem>>, %arg7: memref<64x1024xf32, #tpu.memory_space<vmem>>, %arg8: memref<!tpu.dma_semaphore, #tpu.memory_space<semaphore_mem>>, %arg9: memref<!tpu.dma_semaphore, #tpu.memory_space<semaphore_mem>>) attributes {dimension_semantics = [#tpu.dimension_semantics<core_parallel>, #tpu.dimension_semantics<subcore_parallel>], iteration_bounds = array<i64: 2, 16>, scalar_prefetch = 0 : i64, scratch_operands = 5 : i64, tpu.core_type = #tpu.core_type<sc_vector_subcore>, window_params = [{transform_indices = #map}, {transform_indices = #map}, {transform_indices = #map}]} {
    %mul3A = arith.constant 2 : i32
    %mul3A_0 = arith.muli %arg1, %mul3A : i32
    %add3A = arith.addi %mul3A_0, %arg0 : i32
    %mul3A_1 = arith.constant 64 : i32
    %mul3A_2 = arith.muli %add3A, %mul3A_1 : i32
    %run_scoped3A = arith.constant 0 : i32
    "tpu.region"() ({
      %run_scoped3A_14 = tpu.sem_alloc : memref<!tpu.dma_semaphore, #tpu.memory_space<semaphore_mem>>
      %dma_start3A_15 = tpu.memref_slice %arg3[%run_scoped3A, %mul3A_2] : memref<2x2048xi32, #tpu.memory_space<hbm>> -> memref<1x64xi32, #tpu.memory_space<hbm>>
      %dma_start3A_16 = tpu.memref_squeeze %dma_start3A_15 : memref<1x64xi32, #tpu.memory_space<hbm>> -> memref<64xi32, #tpu.memory_space<hbm>>
      %dma_start3A_17 = tpu.memref_slice %arg3[%run_scoped3A, %mul3A_2] : memref<2x2048xi32, #tpu.memory_space<hbm>> -> memref<1x64xi32, #tpu.memory_space<hbm>>
      %dma_start3A_18 = tpu.memref_squeeze %dma_start3A_17 : memref<1x64xi32, #tpu.memory_space<hbm>> -> memref<64xi32, #tpu.memory_space<hbm>>
      tpu.enqueue_dma source(%dma_start3A_18 : memref<64xi32, #tpu.memory_space<hbm>>) target(%arg5 : memref<64xi32, #tpu.memory_space<vmem>>) target_semaphore(%run_scoped3A_14 : memref<!tpu.dma_semaphore, #tpu.memory_space<semaphore_mem>>)
      %dma_wait3A_19 = tpu.memref_slice %arg3[%run_scoped3A, %mul3A_2] : memref<2x2048xi32, #tpu.memory_space<hbm>> -> memref<1x64xi32, #tpu.memory_space<hbm>>
      %dma_wait3A_20 = tpu.memref_squeeze %dma_wait3A_19 : memref<1x64xi32, #tpu.memory_space<hbm>> -> memref<64xi32, #tpu.memory_space<hbm>>
      %dma_wait3A_21 = tpu.memref_slice %arg3[%run_scoped3A, %mul3A_2] : memref<2x2048xi32, #tpu.memory_space<hbm>> -> memref<1x64xi32, #tpu.memory_space<hbm>>
      %dma_wait3A_22 = tpu.memref_squeeze %dma_wait3A_21 : memref<1x64xi32, #tpu.memory_space<hbm>> -> memref<64xi32, #tpu.memory_space<hbm>>
      tpu.wait_dma2 semaphore(%run_scoped3A_14 : memref<!tpu.dma_semaphore, #tpu.memory_space<semaphore_mem>>) src(%dma_wait3A_22 : memref<64xi32, #tpu.memory_space<hbm>>) dst(%arg5 : memref<64xi32, #tpu.memory_space<vmem>>)
      tpu.yield
    }) : () -> ()
    %run_scoped3A_3 = arith.constant 1 : i32
    "tpu.region"() ({
      %run_scoped3A_14 = tpu.sem_alloc : memref<!tpu.dma_semaphore, #tpu.memory_space<semaphore_mem>>
      %dma_start3A_15 = tpu.memref_slice %arg3[%run_scoped3A_3, %mul3A_2] : memref<2x2048xi32, #tpu.memory_space<hbm>> -> memref<1x64xi32, #tpu.memory_space<hbm>>
      %dma_start3A_16 = tpu.memref_squeeze %dma_start3A_15 : memref<1x64xi32, #tpu.memory_space<hbm>> -> memref<64xi32, #tpu.memory_space<hbm>>
      %dma_start3A_17 = tpu.memref_slice %arg3[%run_scoped3A_3, %mul3A_2] : memref<2x2048xi32, #tpu.memory_space<hbm>> -> memref<1x64xi32, #tpu.memory_space<hbm>>
      %dma_start3A_18 = tpu.memref_squeeze %dma_start3A_17 : memref<1x64xi32, #tpu.memory_space<hbm>> -> memref<64xi32, #tpu.memory_space<hbm>>
      tpu.enqueue_dma source(%dma_start3A_18 : memref<64xi32, #tpu.memory_space<hbm>>) target(%arg6 : memref<64xi32, #tpu.memory_space<vmem>>) target_semaphore(%run_scoped3A_14 : memref<!tpu.dma_semaphore, #tpu.memory_space<semaphore_mem>>)
      %dma_wait3A_19 = tpu.memref_slice %arg3[%run_scoped3A_3, %mul3A_2] : memref<2x2048xi32, #tpu.memory_space<hbm>> -> memref<1x64xi32, #tpu.memory_space<hbm>>
      %dma_wait3A_20 = tpu.memref_squeeze %dma_wait3A_19 : memref<1x64xi32, #tpu.memory_space<hbm>> -> memref<64xi32, #tpu.memory_space<hbm>>
      %dma_wait3A_21 = tpu.memref_slice %arg3[%run_scoped3A_3, %mul3A_2] : memref<2x2048xi32, #tpu.memory_space<hbm>> -> memref<1x64xi32, #tpu.memory_space<hbm>>
      %dma_wait3A_22 = tpu.memref_squeeze %dma_wait3A_21 : memref<1x64xi32, #tpu.memory_space<hbm>> -> memref<64xi32, #tpu.memory_space<hbm>>
      tpu.wait_dma2 semaphore(%run_scoped3A_14 : memref<!tpu.dma_semaphore, #tpu.memory_space<semaphore_mem>>) src(%dma_wait3A_22 : memref<64xi32, #tpu.memory_space<hbm>>) dst(%arg6 : memref<64xi32, #tpu.memory_space<vmem>>)
      tpu.yield
    }) : () -> ()
    "tpu.region"() ({
      %run_scoped3A_14 = tpu.sem_alloc : memref<!tpu.dma_semaphore, #tpu.memory_space<semaphore_mem>>
      %dma_start3A_15 = arith.constant 0 : i32
      %dma_start3A_16 = tpu.memref_slice %arg2[%mul3A_2, %dma_start3A_15] : memref<2048x1024xf32, #tpu.memory_space<hbm>> -> memref<64x1024xf32, #tpu.memory_space<hbm>>
      %dma_start3A_17 = arith.constant 0 : i32
      %dma_start3A_18 = tpu.memref_slice %arg2[%mul3A_2, %dma_start3A_17] : memref<2048x1024xf32, #tpu.memory_space<hbm>> -> memref<64x1024xf32, #tpu.memory_space<hbm>>
      tpu.enqueue_dma source(%dma_start3A_18 : memref<64x1024xf32, #tpu.memory_space<hbm>>) target(%arg7 : memref<64x1024xf32, #tpu.memory_space<vmem>>) target_semaphore(%run_scoped3A_14 : memref<!tpu.dma_semaphore, #tpu.memory_space<semaphore_mem>>)
      %dma_wait3A_19 = arith.constant 0 : i32
      %dma_wait3A_20 = tpu.memref_slice %arg2[%mul3A_2, %dma_wait3A_19] : memref<2048x1024xf32, #tpu.memory_space<hbm>> -> memref<64x1024xf32, #tpu.memory_space<hbm>>
      %dma_wait3A_21 = arith.constant 0 : i32
      %dma_wait3A_22 = tpu.memref_slice %arg2[%mul3A_2, %dma_wait3A_21] : memref<2048x1024xf32, #tpu.memory_space<hbm>> -> memref<64x1024xf32, #tpu.memory_space<hbm>>
      tpu.wait_dma2 semaphore(%run_scoped3A_14 : memref<!tpu.dma_semaphore, #tpu.memory_space<semaphore_mem>>) src(%dma_wait3A_22 : memref<64x1024xf32, #tpu.memory_space<hbm>>) dst(%arg7 : memref<64x1024xf32, #tpu.memory_space<vmem>>)
      tpu.yield
    }) : () -> ()
    %dma_start3A = arith.constant 0 : i32
    %dma_start3A_4 = arith.constant 0 : i32
    %dma_start3A_5 = tpu.memref_slice %arg4[%dma_start3A, %dma_start3A_4] : memref<7680x1024xf32, #tpu.memory_space<hbm>> -> memref<7680x1024xf32, #tpu.memory_space<hbm>>
    tpu.enqueue_indirect_dma source(%arg7 : memref<64x1024xf32, #tpu.memory_space<vmem>>) target(%dma_start3A_5 : memref<7680x1024xf32, #tpu.memory_space<hbm>>) offsets(%arg5 : memref<64xi32, #tpu.memory_space<vmem>>) semaphore(%arg8 : memref<!tpu.dma_semaphore, #tpu.memory_space<semaphore_mem>>)
    %dma_start3A_6 = arith.constant 0 : i32
    %dma_start3A_7 = arith.constant 0 : i32
    %dma_start3A_8 = tpu.memref_slice %arg4[%dma_start3A_6, %dma_start3A_7] : memref<7680x1024xf32, #tpu.memory_space<hbm>> -> memref<7680x1024xf32, #tpu.memory_space<hbm>>
    tpu.enqueue_indirect_dma source(%arg7 : memref<64x1024xf32, #tpu.memory_space<vmem>>) target(%dma_start3A_8 : memref<7680x1024xf32, #tpu.memory_space<hbm>>) offsets(%arg6 : memref<64xi32, #tpu.memory_space<vmem>>) semaphore(%arg9 : memref<!tpu.dma_semaphore, #tpu.memory_space<semaphore_mem>>)
    %dma_wait3A = arith.constant 0 : i32
    %dma_wait3A_9 = arith.constant 0 : i32
    %dma_wait3A_10 = tpu.memref_slice %arg4[%dma_wait3A, %dma_wait3A_9] : memref<7680x1024xf32, #tpu.memory_space<hbm>> -> memref<7680x1024xf32, #tpu.memory_space<hbm>>
    tpu.wait_indirect_dma semaphore(%arg8 : memref<!tpu.dma_semaphore, #tpu.memory_space<semaphore_mem>>) src(%arg7 : memref<64x1024xf32, #tpu.memory_space<vmem>>) dst(%dma_wait3A_10 : memref<7680x1024xf32, #tpu.memory_space<hbm>>)
    %dma_wait3A_11 = arith.constant 0 : i32
    %dma_wait3A_12 = arith.constant 0 : i32
    %dma_wait3A_13 = tpu.memref_slice %arg4[%dma_wait3A_11, %dma_wait3A_12] : memref<7680x1024xf32, #tpu.memory_space<hbm>> -> memref<7680x1024xf32, #tpu.memory_space<hbm>>
    tpu.wait_indirect_dma semaphore(%arg9 : memref<!tpu.dma_semaphore, #tpu.memory_space<semaphore_mem>>) src(%arg7 : memref<64x1024xf32, #tpu.memory_space<vmem>>) dst(%dma_wait3A_13 : memref<7680x1024xf32, #tpu.memory_space<hbm>>)
    return
  }
}

module attributes {stable_mosaic.version = 14 : i64} {
  func.func @_router_body(%arg0: memref<2048x1024xf32, #tpu.memory_space<vmem>>, %arg1: memref<8x1024xf32, #tpu.memory_space<vmem>>, %arg2: memref<1x8xf32, #tpu.memory_space<vmem>>, %arg3: memref<2048x2xi32, #tpu.memory_space<vmem>>, %arg4: memref<2048x16xf32, #tpu.memory_space<vmem>>, %arg5: memref<2048x16xf32, #tpu.memory_space<vmem>>, %arg6: memref<1x15xi32, #tpu.memory_space<vmem>>, %arg7: memref<1x1xf32, #tpu.memory_space<vmem>>) attributes {dimension_semantics = [], scalar_prefetch = 0 : i64, scratch_operands = 0 : i64, tpu.core_type = #tpu.core_type<tc>} {
    %get3A = arith.constant 0 : index
    %get3A_0 = arith.constant 0 : index
    %get3A_1 = vector.load %arg0[%get3A, %get3A_0] : memref<2048x1024xf32, #tpu.memory_space<vmem>>, vector<2048x1024xf32>
    %get3A_2 = arith.constant 0 : index
    %get3A_3 = arith.constant 0 : index
    %get3A_4 = vector.load %arg1[%get3A_2, %get3A_3] : memref<8x1024xf32, #tpu.memory_space<vmem>>, vector<8x1024xf32>
    %transpose3A = tpu.transpose %get3A_4, [1, 0] : vector<8x1024xf32> -> vector<1024x8xf32>
    %dot_general3A = arith.constant dense<0.000000e+00> : vector<2048x8xf32>
    %dot_general3A_5 = tpu.matmul %get3A_1, %transpose3A, %dot_general3A {dimension_numbers = #tpu.dot_dimension_numbers<[1], [0], [0], [1], [0, 0, 1, 1], [], []>, transpose_lhs_hint = false} : vector<2048x1024xf32>, vector<1024x8xf32>, vector<2048x8xf32> -> vector<2048x8xf32>
    %get3A_6 = arith.constant 0 : index
    %get3A_7 = arith.constant 0 : index
    %get3A_8 = vector.load %arg2[%get3A_6, %get3A_7] : memref<1x8xf32, #tpu.memory_space<vmem>>, vector<1x8xf32>
    %add3A = vector.broadcast %get3A_8 : vector<1x8xf32> to vector<2048x8xf32>
    %add3A_9 = arith.addf %dot_general3A_5, %add3A : vector<2048x8xf32>
    %reduce_max3A = arith.constant dense<0xFF800000> : vector<2048xf32>
    %reduce_max3A_10 = vector.multi_reduction <maximumf>, %add3A_9, %reduce_max3A [1] : vector<2048x8xf32> to vector<2048xf32>
    %broadcast_in_dim3A = vector.shape_cast %reduce_max3A_10 : vector<2048xf32> to vector<2048x1xf32>
    %sub3A = vector.broadcast %broadcast_in_dim3A : vector<2048x1xf32> to vector<2048x8xf32>
    %sub3A_11 = arith.subf %add3A_9, %sub3A : vector<2048x8xf32>
    %exp3A = math.exp %sub3A_11 : vector<2048x8xf32>
    %reduce_sum3A = arith.constant dense<0.000000e+00> : vector<2048xf32>
    %reduce_sum3A_12 = vector.multi_reduction <add>, %exp3A, %reduce_sum3A [1] : vector<2048x8xf32> to vector<2048xf32>
    %broadcast_in_dim3A_13 = vector.shape_cast %reduce_sum3A_12 : vector<2048xf32> to vector<2048x1xf32>
    %div3A = vector.broadcast %broadcast_in_dim3A_13 : vector<2048x1xf32> to vector<2048x8xf32>
    %div3A_14 = arith.divf %exp3A, %div3A : vector<2048x8xf32>
    %iota3A = tpu.iota {dimensions = array<i32: 1>} : vector<2048x8xi32>
    %reduce_max3A_15 = arith.constant dense<0xFF800000> : vector<2048xf32>
    %reduce_max3A_16 = vector.multi_reduction <maximumf>, %div3A_14, %reduce_max3A_15 [1] : vector<2048x8xf32> to vector<2048xf32>
    %broadcast_in_dim3A_17 = vector.shape_cast %reduce_max3A_16 : vector<2048xf32> to vector<2048x1xf32>
    %eq3A = vector.broadcast %broadcast_in_dim3A_17 : vector<2048x1xf32> to vector<2048x8xf32>
    %eq3A_18 = arith.cmpf oeq, %div3A_14, %eq3A : vector<2048x8xf32>
    %jit3A = arith.constant 8 : i32
    %broadcast_in_dim3A_19 = vector.broadcast %jit3A : i32 to vector<2048x8xi32>
    %select_n3A = arith.select %eq3A_18, %iota3A, %broadcast_in_dim3A_19 : vector<2048x8xi1>, vector<2048x8xi32>
    %reduce_min3A = arith.constant dense<2147483647> : vector<2048xi32>
    %reduce_min3A_20 = vector.multi_reduction <minsi>, %select_n3A, %reduce_min3A [1] : vector<2048x8xi32> to vector<2048xi32>
    %broadcast_in_dim3A_21 = vector.shape_cast %reduce_min3A_20 : vector<2048xi32> to vector<2048x1xi32>
    %eq3A_22 = vector.broadcast %broadcast_in_dim3A_21 : vector<2048x1xi32> to vector<2048x8xi32>
    %eq3A_23 = arith.cmpi eq, %iota3A, %eq3A_22 : vector<2048x8xi32>
    %jit3A_24 = arith.constant -1.000000e+00 : f32
    %broadcast_in_dim3A_25 = vector.broadcast %jit3A_24 : f32 to vector<2048x8xf32>
    %select_n3A_26 = arith.select %eq3A_23, %broadcast_in_dim3A_25, %div3A_14 : vector<2048x8xi1>, vector<2048x8xf32>
    %reduce_max3A_27 = arith.constant dense<0xFF800000> : vector<2048xf32>
    %reduce_max3A_28 = vector.multi_reduction <maximumf>, %select_n3A_26, %reduce_max3A_27 [1] : vector<2048x8xf32> to vector<2048xf32>
    %broadcast_in_dim3A_29 = vector.shape_cast %reduce_max3A_28 : vector<2048xf32> to vector<2048x1xf32>
    %eq3A_30 = vector.broadcast %broadcast_in_dim3A_29 : vector<2048x1xf32> to vector<2048x8xf32>
    %eq3A_31 = arith.cmpf oeq, %select_n3A_26, %eq3A_30 : vector<2048x8xf32>
    %jit3A_32 = arith.constant 8 : i32
    %broadcast_in_dim3A_33 = vector.broadcast %jit3A_32 : i32 to vector<2048x8xi32>
    %select_n3A_34 = arith.select %eq3A_31, %iota3A, %broadcast_in_dim3A_33 : vector<2048x8xi1>, vector<2048x8xi32>
    %reduce_min3A_35 = arith.constant dense<2147483647> : vector<2048xi32>
    %reduce_min3A_36 = vector.multi_reduction <minsi>, %select_n3A_34, %reduce_min3A_35 [1] : vector<2048x8xi32> to vector<2048xi32>
    %broadcast_in_dim3A_37 = vector.shape_cast %reduce_min3A_36 : vector<2048xi32> to vector<2048x1xi32>
    %add3A_38 = arith.addf %broadcast_in_dim3A_17, %broadcast_in_dim3A_29 : vector<2048x1xf32>
    %add3A_39 = arith.constant 9.99999993E-9 : f32
    %add3A_40 = vector.broadcast %add3A_39 : f32 to vector<2048x1xf32>
    %add3A_41 = arith.addf %add3A_38, %add3A_40 : vector<2048x1xf32>
    %eq3A_42 = vector.broadcast %broadcast_in_dim3A_21 : vector<2048x1xi32> to vector<2048x8xi32>
    %eq3A_43 = arith.cmpi eq, %iota3A, %eq3A_42 : vector<2048x8xi32>
    %convert_element_type3A = arith.extui %eq3A_43 : vector<2048x8xi1> to vector<2048x8xi32>
    %convert_element_type3A_44 = arith.sitofp %convert_element_type3A : vector<2048x8xi32> to vector<2048x8xf32>
    %eq3A_45 = vector.broadcast %broadcast_in_dim3A_37 : vector<2048x1xi32> to vector<2048x8xi32>
    %eq3A_46 = arith.cmpi eq, %iota3A, %eq3A_45 : vector<2048x8xi32>
    %convert_element_type3A_47 = arith.extui %eq3A_46 : vector<2048x8xi1> to vector<2048x8xi32>
    %convert_element_type3A_48 = arith.sitofp %convert_element_type3A_47 : vector<2048x8xi32> to vector<2048x8xf32>
    %div3A_49 = arith.divf %broadcast_in_dim3A_17, %add3A_41 : vector<2048x1xf32>
    %broadcast_in_dim3A_50 = vector.shape_cast %div3A_49 : vector<2048x1xf32> to vector<2048x1xf32>
    %broadcast_in_dim3A_51 = vector.broadcast %broadcast_in_dim3A_50 : vector<2048x1xf32> to vector<2048x16xf32>
    %swap3A = arith.constant 0 : index
    %swap3A_52 = arith.constant 0 : index
    %swap3A_53 = vector.load %arg4[%swap3A, %swap3A_52] : memref<2048x16xf32, #tpu.memory_space<vmem>>, vector<2048x16xf32>
    tpu.vector_store %arg4[%swap3A, %swap3A_52], %broadcast_in_dim3A_51 {strides = array<i32>} : memref<2048x16xf32, #tpu.memory_space<vmem>>, vector<2048x16xf32>,
    %div3A_54 = arith.divf %broadcast_in_dim3A_29, %add3A_41 : vector<2048x1xf32>
    %broadcast_in_dim3A_55 = vector.shape_cast %div3A_54 : vector<2048x1xf32> to vector<2048x1xf32>
    %broadcast_in_dim3A_56 = vector.broadcast %broadcast_in_dim3A_55 : vector<2048x1xf32> to vector<2048x16xf32>
    %swap3A_57 = arith.constant 0 : index
    %swap3A_58 = arith.constant 0 : index
    %swap3A_59 = vector.load %arg5[%swap3A_57, %swap3A_58] : memref<2048x16xf32, #tpu.memory_space<vmem>>, vector<2048x16xf32>
    tpu.vector_store %arg5[%swap3A_57, %swap3A_58], %broadcast_in_dim3A_56 {strides = array<i32>} : memref<2048x16xf32, #tpu.memory_space<vmem>>, vector<2048x16xf32>,
    %add3A_60 = arith.addf %convert_element_type3A_44, %convert_element_type3A_48 : vector<2048x8xf32>
    %reduce_sum3A_61 = arith.constant dense<0.000000e+00> : vector<8xf32>
    %reduce_sum3A_62 = vector.multi_reduction <add>, %add3A_60, %reduce_sum3A_61 [0] : vector<2048x8xf32> to vector<8xf32>
    %broadcast_in_dim3A_63 = vector.shape_cast %reduce_sum3A_62 : vector<8xf32> to vector<1x8xf32>
    %convert_element_type3A_64 = arith.fptosi %broadcast_in_dim3A_63 : vector<1x8xf32> to vector<1x8xi32>
    %add3A_65 = arith.constant 511 : i32
    %add3A_66 = vector.broadcast %add3A_65 : i32 to vector<1x8xi32>
    %add3A_67 = arith.addi %convert_element_type3A_64, %add3A_66 : vector<1x8xi32>
    %shift_right_arithmetic3A = arith.constant 9 : i32
    %shift_right_arithmetic3A_68 = vector.broadcast %shift_right_arithmetic3A : i32 to vector<1x8xi32>
    %shift_right_arithmetic3A_69 = arith.shrsi %add3A_67, %shift_right_arithmetic3A_68 : vector<1x8xi32>
    %shift_left3A = arith.constant 9 : i32
    %shift_left3A_70 = vector.broadcast %shift_left3A : i32 to vector<1x8xi32>
    %shift_left3A_71 = arith.shli %shift_right_arithmetic3A_69, %shift_left3A_70 : vector<1x8xi32>
    %convert_element_type3A_72 = arith.sitofp %shift_left3A_71 : vector<1x8xi32> to vector<1x8xf32>
    %iota3A_73 = tpu.iota {dimensions = array<i32: 0>} : vector<8x8xi32>
    %iota3A_74 = tpu.iota {dimensions = array<i32: 1>} : vector<8x8xi32>
    %lt3A = arith.cmpi slt, %iota3A_73, %iota3A_74 : vector<8x8xi32>
    %convert_element_type3A_75 = arith.extui %lt3A : vector<8x8xi1> to vector<8x8xi32>
    %convert_element_type3A_76 = arith.sitofp %convert_element_type3A_75 : vector<8x8xi32> to vector<8x8xf32>
    %dot_general3A_77 = arith.constant dense<0.000000e+00> : vector<1x8xf32>
    %dot_general3A_78 = tpu.matmul %convert_element_type3A_72, %convert_element_type3A_76, %dot_general3A_77 {dimension_numbers = #tpu.dot_dimension_numbers<[1], [0], [0], [1], [0, 0, 1, 1], [], []>, transpose_lhs_hint = false} : vector<1x8xf32>, vector<8x8xf32>, vector<1x8xf32> -> vector<1x8xf32>
    %iota3A_79 = tpu.iota {dimensions = array<i32: 0>} : vector<128x128xi32>
    %iota3A_80 = tpu.iota {dimensions = array<i32: 1>} : vector<128x128xi32>
    %lt3A_81 = arith.cmpi slt, %iota3A_80, %iota3A_79 : vector<128x128xi32>
    %convert_element_type3A_82 = arith.extui %lt3A_81 : vector<128x128xi1> to vector<128x128xi32>
    %convert_element_type3A_83 = arith.sitofp %convert_element_type3A_82 : vector<128x128xi32> to vector<128x128xf32>
    %broadcast_in_dim3A_84 = arith.constant 0.000000e+00 : f32
    %broadcast_in_dim3A_85 = vector.broadcast %broadcast_in_dim3A_84 : f32 to vector<1x8xf32>
    %slice3A = vector.extract_strided_slice %add3A_60 {offsets = [0, 0], sizes = [128, 8], strides = [1, 1]} : vector<2048x8xf32> to vector<128x8xf32>
    %dot_general3A_86 = arith.constant dense<0.000000e+00> : vector<128x8xf32>
    %dot_general3A_87 = tpu.matmul %convert_element_type3A_83, %slice3A, %dot_general3A_86 {dimension_numbers = #tpu.dot_dimension_numbers<[1], [0], [0], [1], [0, 0, 1, 1], [], []>, transpose_lhs_hint = false} : vector<128x128xf32>, vector<128x8xf32>, vector<128x8xf32> -> vector<128x8xf32>
    %add3A_88 = vector.broadcast %broadcast_in_dim3A_85 : vector<1x8xf32> to vector<128x8xf32>
    %add3A_89 = arith.addf %dot_general3A_87, %add3A_88 : vector<128x8xf32>
    %reduce_sum3A_90 = arith.constant dense<0.000000e+00> : vector<8xf32>
    %reduce_sum3A_91 = vector.multi_reduction <add>, %slice3A, %reduce_sum3A_90 [0] : vector<128x8xf32> to vector<8xf32>
    %broadcast_in_dim3A_92 = vector.shape_cast %reduce_sum3A_91 : vector<8xf32> to vector<1x8xf32>
    %add3A_93 = arith.addf %broadcast_in_dim3A_85, %broadcast_in_dim3A_92 : vector<1x8xf32>
    %slice3A_94 = vector.extract_strided_slice %add3A_60 {offsets = [128, 0], sizes = [128, 8], strides = [1, 1]} : vector<2048x8xf32> to vector<128x8xf32>
    %dot_general3A_95 = arith.constant dense<0.000000e+00> : vector<128x8xf32>
    %dot_general3A_96 = tpu.matmul %convert_element_type3A_83, %slice3A_94, %dot_general3A_95 {dimension_numbers = #tpu.dot_dimension_numbers<[1], [0], [0], [1], [0, 0, 1, 1], [], []>, transpose_lhs_hint = false} : vector<128x128xf32>, vector<128x8xf32>, vector<128x8xf32> -> vector<128x8xf32>
    %add3A_97 = vector.broadcast %add3A_93 : vector<1x8xf32> to vector<128x8xf32>
    %add3A_98 = arith.addf %dot_general3A_96, %add3A_97 : vector<128x8xf32>
    %reduce_sum3A_99 = arith.constant dense<0.000000e+00> : vector<8xf32>
    %reduce_sum3A_100 = vector.multi_reduction <add>, %slice3A_94, %reduce_sum3A_99 [0] : vector<128x8xf32> to vector<8xf32>
    %broadcast_in_dim3A_101 = vector.shape_cast %reduce_sum3A_100 : vector<8xf32> to vector<1x8xf32>
    %add3A_102 = arith.addf %add3A_93, %broadcast_in_dim3A_101 : vector<1x8xf32>
    %slice3A_103 = vector.extract_strided_slice %add3A_60 {offsets = [256, 0], sizes = [128, 8], strides = [1, 1]} : vector<2048x8xf32> to vector<128x8xf32>
    %dot_general3A_104 = arith.constant dense<0.000000e+00> : vector<128x8xf32>
    %dot_general3A_105 = tpu.matmul %convert_element_type3A_83, %slice3A_103, %dot_general3A_104 {dimension_numbers = #tpu.dot_dimension_numbers<[1], [0], [0], [1], [0, 0, 1, 1], [], []>, transpose_lhs_hint = false} : vector<128x128xf32>, vector<128x8xf32>, vector<128x8xf32> -> vector<128x8xf32>
    %add3A_106 = vector.broadcast %add3A_102 : vector<1x8xf32> to vector<128x8xf32>
    %add3A_107 = arith.addf %dot_general3A_105, %add3A_106 : vector<128x8xf32>
    %reduce_sum3A_108 = arith.constant dense<0.000000e+00> : vector<8xf32>
    %reduce_sum3A_109 = vector.multi_reduction <add>, %slice3A_103, %reduce_sum3A_108 [0] : vector<128x8xf32> to vector<8xf32>
    %broadcast_in_dim3A_110 = vector.shape_cast %reduce_sum3A_109 : vector<8xf32> to vector<1x8xf32>
    %add3A_111 = arith.addf %add3A_102, %broadcast_in_dim3A_110 : vector<1x8xf32>
    %slice3A_112 = vector.extract_strided_slice %add3A_60 {offsets = [384, 0], sizes = [128, 8], strides = [1, 1]} : vector<2048x8xf32> to vector<128x8xf32>
    %dot_general3A_113 = arith.constant dense<0.000000e+00> : vector<128x8xf32>
    %dot_general3A_114 = tpu.matmul %convert_element_type3A_83, %slice3A_112, %dot_general3A_113 {dimension_numbers = #tpu.dot_dimension_numbers<[1], [0], [0], [1], [0, 0, 1, 1], [], []>, transpose_lhs_hint = false} : vector<128x128xf32>, vector<128x8xf32>, vector<128x8xf32> -> vector<128x8xf32>
    %add3A_115 = vector.broadcast %add3A_111 : vector<1x8xf32> to vector<128x8xf32>
    %add3A_116 = arith.addf %dot_general3A_114, %add3A_115 : vector<128x8xf32>
    %reduce_sum3A_117 = arith.constant dense<0.000000e+00> : vector<8xf32>
    %reduce_sum3A_118 = vector.multi_reduction <add>, %slice3A_112, %reduce_sum3A_117 [0] : vector<128x8xf32> to vector<8xf32>
    %broadcast_in_dim3A_119 = vector.shape_cast %reduce_sum3A_118 : vector<8xf32> to vector<1x8xf32>
    %add3A_120 = arith.addf %add3A_111, %broadcast_in_dim3A_119 : vector<1x8xf32>
    %slice3A_121 = vector.extract_strided_slice %add3A_60 {offsets = [512, 0], sizes = [128, 8], strides = [1, 1]} : vector<2048x8xf32> to vector<128x8xf32>
    %dot_general3A_122 = arith.constant dense<0.000000e+00> : vector<128x8xf32>
    %dot_general3A_123 = tpu.matmul %convert_element_type3A_83, %slice3A_121, %dot_general3A_122 {dimension_numbers = #tpu.dot_dimension_numbers<[1], [0], [0], [1], [0, 0, 1, 1], [], []>, transpose_lhs_hint = false} : vector<128x128xf32>, vector<128x8xf32>, vector<128x8xf32> -> vector<128x8xf32>
    %add3A_124 = vector.broadcast %add3A_120 : vector<1x8xf32> to vector<128x8xf32>
    %add3A_125 = arith.addf %dot_general3A_123, %add3A_124 : vector<128x8xf32>
    %reduce_sum3A_126 = arith.constant dense<0.000000e+00> : vector<8xf32>
    %reduce_sum3A_127 = vector.multi_reduction <add>, %slice3A_121, %reduce_sum3A_126 [0] : vector<128x8xf32> to vector<8xf32>
    %broadcast_in_dim3A_128 = vector.shape_cast %reduce_sum3A_127 : vector<8xf32> to vector<1x8xf32>
    %add3A_129 = arith.addf %add3A_120, %broadcast_in_dim3A_128 : vector<1x8xf32>
    %slice3A_130 = vector.extract_strided_slice %add3A_60 {offsets = [640, 0], sizes = [128, 8], strides = [1, 1]} : vector<2048x8xf32> to vector<128x8xf32>
    %dot_general3A_131 = arith.constant dense<0.000000e+00> : vector<128x8xf32>
    %dot_general3A_132 = tpu.matmul %convert_element_type3A_83, %slice3A_130, %dot_general3A_131 {dimension_numbers = #tpu.dot_dimension_numbers<[1], [0], [0], [1], [0, 0, 1, 1], [], []>, transpose_lhs_hint = false} : vector<128x128xf32>, vector<128x8xf32>, vector<128x8xf32> -> vector<128x8xf32>
    %add3A_133 = vector.broadcast %add3A_129 : vector<1x8xf32> to vector<128x8xf32>
    %add3A_134 = arith.addf %dot_general3A_132, %add3A_133 : vector<128x8xf32>
    %reduce_sum3A_135 = arith.constant dense<0.000000e+00> : vector<8xf32>
    %reduce_sum3A_136 = vector.multi_reduction <add>, %slice3A_130, %reduce_sum3A_135 [0] : vector<128x8xf32> to vector<8xf32>
    %broadcast_in_dim3A_137 = vector.shape_cast %reduce_sum3A_136 : vector<8xf32> to vector<1x8xf32>
    %add3A_138 = arith.addf %add3A_129, %broadcast_in_dim3A_137 : vector<1x8xf32>
    %slice3A_139 = vector.extract_strided_slice %add3A_60 {offsets = [768, 0], sizes = [128, 8], strides = [1, 1]} : vector<2048x8xf32> to vector<128x8xf32>
    %dot_general3A_140 = arith.constant dense<0.000000e+00> : vector<128x8xf32>
    %dot_general3A_141 = tpu.matmul %convert_element_type3A_83, %slice3A_139, %dot_general3A_140 {dimension_numbers = #tpu.dot_dimension_numbers<[1], [0], [0], [1], [0, 0, 1, 1], [], []>, transpose_lhs_hint = false} : vector<128x128xf32>, vector<128x8xf32>, vector<128x8xf32> -> vector<128x8xf32>
    %add3A_142 = vector.broadcast %add3A_138 : vector<1x8xf32> to vector<128x8xf32>
    %add3A_143 = arith.addf %dot_general3A_141, %add3A_142 : vector<128x8xf32>
    %reduce_sum3A_144 = arith.constant dense<0.000000e+00> : vector<8xf32>
    %reduce_sum3A_145 = vector.multi_reduction <add>, %slice3A_139, %reduce_sum3A_144 [0] : vector<128x8xf32> to vector<8xf32>
    %broadcast_in_dim3A_146 = vector.shape_cast %reduce_sum3A_145 : vector<8xf32> to vector<1x8xf32>
    %add3A_147 = arith.addf %add3A_138, %broadcast_in_dim3A_146 : vector<1x8xf32>
    %slice3A_148 = vector.extract_strided_slice %add3A_60 {offsets = [896, 0], sizes = [128, 8], strides = [1, 1]} : vector<2048x8xf32> to vector<128x8xf32>
    %dot_general3A_149 = arith.constant dense<0.000000e+00> : vector<128x8xf32>
    %dot_general3A_150 = tpu.matmul %convert_element_type3A_83, %slice3A_148, %dot_general3A_149 {dimension_numbers = #tpu.dot_dimension_numbers<[1], [0], [0], [1], [0, 0, 1, 1], [], []>, transpose_lhs_hint = false} : vector<128x128xf32>, vector<128x8xf32>, vector<128x8xf32> -> vector<128x8xf32>
    %add3A_151 = vector.broadcast %add3A_147 : vector<1x8xf32> to vector<128x8xf32>
    %add3A_152 = arith.addf %dot_general3A_150, %add3A_151 : vector<128x8xf32>
    %reduce_sum3A_153 = arith.constant dense<0.000000e+00> : vector<8xf32>
    %reduce_sum3A_154 = vector.multi_reduction <add>, %slice3A_148, %reduce_sum3A_153 [0] : vector<128x8xf32> to vector<8xf32>
    %broadcast_in_dim3A_155 = vector.shape_cast %reduce_sum3A_154 : vector<8xf32> to vector<1x8xf32>
    %add3A_156 = arith.addf %add3A_147, %broadcast_in_dim3A_155 : vector<1x8xf32>
    %slice3A_157 = vector.extract_strided_slice %add3A_60 {offsets = [1024, 0], sizes = [128, 8], strides = [1, 1]} : vector<2048x8xf32> to vector<128x8xf32>
    %dot_general3A_158 = arith.constant dense<0.000000e+00> : vector<128x8xf32>
    %dot_general3A_159 = tpu.matmul %convert_element_type3A_83, %slice3A_157, %dot_general3A_158 {dimension_numbers = #tpu.dot_dimension_numbers<[1], [0], [0], [1], [0, 0, 1, 1], [], []>, transpose_lhs_hint = false} : vector<128x128xf32>, vector<128x8xf32>, vector<128x8xf32> -> vector<128x8xf32>
    %add3A_160 = vector.broadcast %add3A_156 : vector<1x8xf32> to vector<128x8xf32>
    %add3A_161 = arith.addf %dot_general3A_159, %add3A_160 : vector<128x8xf32>
    %reduce_sum3A_162 = arith.constant dense<0.000000e+00> : vector<8xf32>
    %reduce_sum3A_163 = vector.multi_reduction <add>, %slice3A_157, %reduce_sum3A_162 [0] : vector<128x8xf32> to vector<8xf32>
    %broadcast_in_dim3A_164 = vector.shape_cast %reduce_sum3A_163 : vector<8xf32> to vector<1x8xf32>
    %add3A_165 = arith.addf %add3A_156, %broadcast_in_dim3A_164 : vector<1x8xf32>
    %slice3A_166 = vector.extract_strided_slice %add3A_60 {offsets = [1152, 0], sizes = [128, 8], strides = [1, 1]} : vector<2048x8xf32> to vector<128x8xf32>
    %dot_general3A_167 = arith.constant dense<0.000000e+00> : vector<128x8xf32>
    %dot_general3A_168 = tpu.matmul %convert_element_type3A_83, %slice3A_166, %dot_general3A_167 {dimension_numbers = #tpu.dot_dimension_numbers<[1], [0], [0], [1], [0, 0, 1, 1], [], []>, transpose_lhs_hint = false} : vector<128x128xf32>, vector<128x8xf32>, vector<128x8xf32> -> vector<128x8xf32>
    %add3A_169 = vector.broadcast %add3A_165 : vector<1x8xf32> to vector<128x8xf32>
    %add3A_170 = arith.addf %dot_general3A_168, %add3A_169 : vector<128x8xf32>
    %reduce_sum3A_171 = arith.constant dense<0.000000e+00> : vector<8xf32>
    %reduce_sum3A_172 = vector.multi_reduction <add>, %slice3A_166, %reduce_sum3A_171 [0] : vector<128x8xf32> to vector<8xf32>
    %broadcast_in_dim3A_173 = vector.shape_cast %reduce_sum3A_172 : vector<8xf32> to vector<1x8xf32>
    %add3A_174 = arith.addf %add3A_165, %broadcast_in_dim3A_173 : vector<1x8xf32>
    %slice3A_175 = vector.extract_strided_slice %add3A_60 {offsets = [1280, 0], sizes = [128, 8], strides = [1, 1]} : vector<2048x8xf32> to vector<128x8xf32>
    %dot_general3A_176 = arith.constant dense<0.000000e+00> : vector<128x8xf32>
    %dot_general3A_177 = tpu.matmul %convert_element_type3A_83, %slice3A_175, %dot_general3A_176 {dimension_numbers = #tpu.dot_dimension_numbers<[1], [0], [0], [1], [0, 0, 1, 1], [], []>, transpose_lhs_hint = false} : vector<128x128xf32>, vector<128x8xf32>, vector<128x8xf32> -> vector<128x8xf32>
    %add3A_178 = vector.broadcast %add3A_174 : vector<1x8xf32> to vector<128x8xf32>
    %add3A_179 = arith.addf %dot_general3A_177, %add3A_178 : vector<128x8xf32>
    %reduce_sum3A_180 = arith.constant dense<0.000000e+00> : vector<8xf32>
    %reduce_sum3A_181 = vector.multi_reduction <add>, %slice3A_175, %reduce_sum3A_180 [0] : vector<128x8xf32> to vector<8xf32>
    %broadcast_in_dim3A_182 = vector.shape_cast %reduce_sum3A_181 : vector<8xf32> to vector<1x8xf32>
    %add3A_183 = arith.addf %add3A_174, %broadcast_in_dim3A_182 : vector<1x8xf32>
    %slice3A_184 = vector.extract_strided_slice %add3A_60 {offsets = [1408, 0], sizes = [128, 8], strides = [1, 1]} : vector<2048x8xf32> to vector<128x8xf32>
    %dot_general3A_185 = arith.constant dense<0.000000e+00> : vector<128x8xf32>
    %dot_general3A_186 = tpu.matmul %convert_element_type3A_83, %slice3A_184, %dot_general3A_185 {dimension_numbers = #tpu.dot_dimension_numbers<[1], [0], [0], [1], [0, 0, 1, 1], [], []>, transpose_lhs_hint = false} : vector<128x128xf32>, vector<128x8xf32>, vector<128x8xf32> -> vector<128x8xf32>
    %add3A_187 = vector.broadcast %add3A_183 : vector<1x8xf32> to vector<128x8xf32>
    %add3A_188 = arith.addf %dot_general3A_186, %add3A_187 : vector<128x8xf32>
    %reduce_sum3A_189 = arith.constant dense<0.000000e+00> : vector<8xf32>
    %reduce_sum3A_190 = vector.multi_reduction <add>, %slice3A_184, %reduce_sum3A_189 [0] : vector<128x8xf32> to vector<8xf32>
    %broadcast_in_dim3A_191 = vector.shape_cast %reduce_sum3A_190 : vector<8xf32> to vector<1x8xf32>
    %add3A_192 = arith.addf %add3A_183, %broadcast_in_dim3A_191 : vector<1x8xf32>
    %slice3A_193 = vector.extract_strided_slice %add3A_60 {offsets = [1536, 0], sizes = [128, 8], strides = [1, 1]} : vector<2048x8xf32> to vector<128x8xf32>
    %dot_general3A_194 = arith.constant dense<0.000000e+00> : vector<128x8xf32>
    %dot_general3A_195 = tpu.matmul %convert_element_type3A_83, %slice3A_193, %dot_general3A_194 {dimension_numbers = #tpu.dot_dimension_numbers<[1], [0], [0], [1], [0, 0, 1, 1], [], []>, transpose_lhs_hint = false} : vector<128x128xf32>, vector<128x8xf32>, vector<128x8xf32> -> vector<128x8xf32>
    %add3A_196 = vector.broadcast %add3A_192 : vector<1x8xf32> to vector<128x8xf32>
    %add3A_197 = arith.addf %dot_general3A_195, %add3A_196 : vector<128x8xf32>
    %reduce_sum3A_198 = arith.constant dense<0.000000e+00> : vector<8xf32>
    %reduce_sum3A_199 = vector.multi_reduction <add>, %slice3A_193, %reduce_sum3A_198 [0] : vector<128x8xf32> to vector<8xf32>
    %broadcast_in_dim3A_200 = vector.shape_cast %reduce_sum3A_199 : vector<8xf32> to vector<1x8xf32>
    %add3A_201 = arith.addf %add3A_192, %broadcast_in_dim3A_200 : vector<1x8xf32>
    %slice3A_202 = vector.extract_strided_slice %add3A_60 {offsets = [1664, 0], sizes = [128, 8], strides = [1, 1]} : vector<2048x8xf32> to vector<128x8xf32>
    %dot_general3A_203 = arith.constant dense<0.000000e+00> : vector<128x8xf32>
    %dot_general3A_204 = tpu.matmul %convert_element_type3A_83, %slice3A_202, %dot_general3A_203 {dimension_numbers = #tpu.dot_dimension_numbers<[1], [0], [0], [1], [0, 0, 1, 1], [], []>, transpose_lhs_hint = false} : vector<128x128xf32>, vector<128x8xf32>, vector<128x8xf32> -> vector<128x8xf32>
    %add3A_205 = vector.broadcast %add3A_201 : vector<1x8xf32> to vector<128x8xf32>
    %add3A_206 = arith.addf %dot_general3A_204, %add3A_205 : vector<128x8xf32>
    %reduce_sum3A_207 = arith.constant dense<0.000000e+00> : vector<8xf32>
    %reduce_sum3A_208 = vector.multi_reduction <add>, %slice3A_202, %reduce_sum3A_207 [0] : vector<128x8xf32> to vector<8xf32>
    %broadcast_in_dim3A_209 = vector.shape_cast %reduce_sum3A_208 : vector<8xf32> to vector<1x8xf32>
    %add3A_210 = arith.addf %add3A_201, %broadcast_in_dim3A_209 : vector<1x8xf32>
    %slice3A_211 = vector.extract_strided_slice %add3A_60 {offsets = [1792, 0], sizes = [128, 8], strides = [1, 1]} : vector<2048x8xf32> to vector<128x8xf32>
    %dot_general3A_212 = arith.constant dense<0.000000e+00> : vector<128x8xf32>
    %dot_general3A_213 = tpu.matmul %convert_element_type3A_83, %slice3A_211, %dot_general3A_212 {dimension_numbers = #tpu.dot_dimension_numbers<[1], [0], [0], [1], [0, 0, 1, 1], [], []>, transpose_lhs_hint = false} : vector<128x128xf32>, vector<128x8xf32>, vector<128x8xf32> -> vector<128x8xf32>
    %add3A_214 = vector.broadcast %add3A_210 : vector<1x8xf32> to vector<128x8xf32>
    %add3A_215 = arith.addf %dot_general3A_213, %add3A_214 : vector<128x8xf32>
    %reduce_sum3A_216 = arith.constant dense<0.000000e+00> : vector<8xf32>
    %reduce_sum3A_217 = vector.multi_reduction <add>, %slice3A_211, %reduce_sum3A_216 [0] : vector<128x8xf32> to vector<8xf32>
    %broadcast_in_dim3A_218 = vector.shape_cast %reduce_sum3A_217 : vector<8xf32> to vector<1x8xf32>
    %add3A_219 = arith.addf %add3A_210, %broadcast_in_dim3A_218 : vector<1x8xf32>
    %slice3A_220 = vector.extract_strided_slice %add3A_60 {offsets = [1920, 0], sizes = [128, 8], strides = [1, 1]} : vector<2048x8xf32> to vector<128x8xf32>
    %dot_general3A_221 = arith.constant dense<0.000000e+00> : vector<128x8xf32>
    %dot_general3A_222 = tpu.matmul %convert_element_type3A_83, %slice3A_220, %dot_general3A_221 {dimension_numbers = #tpu.dot_dimension_numbers<[1], [0], [0], [1], [0, 0, 1, 1], [], []>, transpose_lhs_hint = false} : vector<128x128xf32>, vector<128x8xf32>, vector<128x8xf32> -> vector<128x8xf32>
    %add3A_223 = vector.broadcast %add3A_219 : vector<1x8xf32> to vector<128x8xf32>
    %add3A_224 = arith.addf %dot_general3A_222, %add3A_223 : vector<128x8xf32>
    %concatenate3A = tpu.concatenate %add3A_89, %add3A_98, %add3A_107, %add3A_116, %add3A_125, %add3A_134, %add3A_143, %add3A_152, %add3A_161, %add3A_170, %add3A_179, %add3A_188, %add3A_197, %add3A_206, %add3A_215, %add3A_224 in 0 : vector<128x8xf32>, vector<128x8xf32>, vector<128x8xf32>, vector<128x8xf32>, vector<128x8xf32>, vector<128x8xf32>, vector<128x8xf32>, vector<128x8xf32>, vector<128x8xf32>, vector<128x8xf32>, vector<128x8xf32>, vector<128x8xf32>, vector<128x8xf32>, vector<128x8xf32>, vector<128x8xf32>, vector<128x8xf32> -> vector<2048x8xf32>
    %add3A_225 = vector.broadcast %dot_general3A_78 : vector<1x8xf32> to vector<2048x8xf32>
    %add3A_226 = arith.addf %add3A_225, %concatenate3A : vector<2048x8xf32>
    %mul3A = arith.mulf %convert_element_type3A_44, %add3A_226 : vector<2048x8xf32>
    %reduce_sum3A_227 = arith.constant dense<0.000000e+00> : vector<2048xf32>
    %reduce_sum3A_228 = vector.multi_reduction <add>, %mul3A, %reduce_sum3A_227 [1] : vector<2048x8xf32> to vector<2048xf32>
    %broadcast_in_dim3A_229 = vector.shape_cast %reduce_sum3A_228 : vector<2048xf32> to vector<2048x1xf32>
    %add3A_230 = arith.addf %add3A_226, %convert_element_type3A_44 : vector<2048x8xf32>
    %mul3A_231 = arith.mulf %convert_element_type3A_48, %add3A_230 : vector<2048x8xf32>
    %reduce_sum3A_232 = arith.constant dense<0.000000e+00> : vector<2048xf32>
    %reduce_sum3A_233 = vector.multi_reduction <add>, %mul3A_231, %reduce_sum3A_232 [1] : vector<2048x8xf32> to vector<2048xf32>
    %broadcast_in_dim3A_234 = vector.shape_cast %reduce_sum3A_233 : vector<2048xf32> to vector<2048x1xf32>
    %concatenate3A_235 = tpu.concatenate %broadcast_in_dim3A_229, %broadcast_in_dim3A_234 in 1 : vector<2048x1xf32>, vector<2048x1xf32> -> vector<2048x2xf32>
    %convert_element_type3A_236 = arith.fptosi %concatenate3A_235 : vector<2048x2xf32> to vector<2048x2xi32>
    %swap3A_237 = arith.constant 0 : index
    %swap3A_238 = arith.constant 0 : index
    %swap3A_239 = vector.load %arg3[%swap3A_237, %swap3A_238] : memref<2048x2xi32, #tpu.memory_space<vmem>>, vector<2048x2xi32>
    tpu.vector_store %arg3[%swap3A_237, %swap3A_238], %convert_element_type3A_236 {strides = array<i32>} : memref<2048x2xi32, #tpu.memory_space<vmem>>, vector<2048x2xi32>,
    %iota3A_240 = tpu.iota {dimensions = array<i32: 1>} : vector<1x15xi32>
    %convert_element_type3A_241 = arith.sitofp %iota3A_240 : vector<1x15xi32> to vector<1x15xf32>
    %mul3A_242 = arith.constant 5.120000e+02 : f32
    %mul3A_243 = vector.broadcast %mul3A_242 : f32 to vector<1x15xf32>
    %mul3A_244 = arith.mulf %convert_element_type3A_241, %mul3A_243 : vector<1x15xf32>
    %iota3A_245 = tpu.iota {dimensions = array<i32: 1>} : vector<1x8xi32>
    %broadcast_in_dim3A_246 = arith.constant 0.000000e+00 : f32
    %broadcast_in_dim3A_247 = vector.broadcast %broadcast_in_dim3A_246 : f32 to vector<1x15xf32>
    %eq3A_248 = arith.constant 0 : i32
    %eq3A_249 = vector.broadcast %eq3A_248 : i32 to vector<1x8xi32>
    %eq3A_250 = arith.cmpi eq, %iota3A_245, %eq3A_249 : vector<1x8xi32>
    %convert_element_type3A_251 = arith.extui %eq3A_250 : vector<1x8xi1> to vector<1x8xi32>
    %convert_element_type3A_252 = arith.sitofp %convert_element_type3A_251 : vector<1x8xi32> to vector<1x8xf32>
    %mul3A_253 = arith.mulf %dot_general3A_78, %convert_element_type3A_252 : vector<1x8xf32>
    %reduce_sum3A_254 = arith.constant dense<0.000000e+00> : vector<1xf32>
    %reduce_sum3A_255 = vector.multi_reduction <add>, %mul3A_253, %reduce_sum3A_254 [1] : vector<1x8xf32> to vector<1xf32>
    %broadcast_in_dim3A_256 = vector.shape_cast %reduce_sum3A_255 : vector<1xf32> to vector<1x1xf32>
    %mul3A_257 = arith.mulf %convert_element_type3A_72, %convert_element_type3A_252 : vector<1x8xf32>
    %reduce_sum3A_258 = arith.constant dense<0.000000e+00> : vector<1xf32>
    %reduce_sum3A_259 = vector.multi_reduction <add>, %mul3A_257, %reduce_sum3A_258 [1] : vector<1x8xf32> to vector<1xf32>
    %broadcast_in_dim3A_260 = vector.shape_cast %reduce_sum3A_259 : vector<1xf32> to vector<1x1xf32>
    %ge3A = vector.broadcast %broadcast_in_dim3A_256 : vector<1x1xf32> to vector<1x15xf32>
    %ge3A_261 = arith.cmpf oge, %mul3A_244, %ge3A : vector<1x15xf32>
    %add3A_262 = arith.addf %broadcast_in_dim3A_256, %broadcast_in_dim3A_260 : vector<1x1xf32>
    %lt3A_263 = vector.broadcast %add3A_262 : vector<1x1xf32> to vector<1x15xf32>
    %lt3A_264 = arith.cmpf olt, %mul3A_244, %lt3A_263 : vector<1x15xf32>
    %and3A = arith.andi %ge3A_261, %lt3A_264 : vector<1x15xi1>
    %jit3A_265 = arith.constant 0.000000e+00 : f32
    %jit3A_266 = arith.constant 0.000000e+00 : f32
    %broadcast_in_dim3A_267 = vector.broadcast %jit3A_265 : f32 to vector<1x15xf32>
    %broadcast_in_dim3A_268 = vector.broadcast %jit3A_266 : f32 to vector<1x15xf32>
    %select_n3A_269 = arith.select %and3A, %broadcast_in_dim3A_267, %broadcast_in_dim3A_268 : vector<1x15xi1>, vector<1x15xf32>
    %add3A_270 = arith.addf %broadcast_in_dim3A_247, %select_n3A_269 : vector<1x15xf32>
    %eq3A_271 = arith.constant 1 : i32
    %eq3A_272 = vector.broadcast %eq3A_271 : i32 to vector<1x8xi32>
    %eq3A_273 = arith.cmpi eq, %iota3A_245, %eq3A_272 : vector<1x8xi32>
    %convert_element_type3A_274 = arith.extui %eq3A_273 : vector<1x8xi1> to vector<1x8xi32>
    %convert_element_type3A_275 = arith.sitofp %convert_element_type3A_274 : vector<1x8xi32> to vector<1x8xf32>
    %mul3A_276 = arith.mulf %dot_general3A_78, %convert_element_type3A_275 : vector<1x8xf32>
    %reduce_sum3A_277 = arith.constant dense<0.000000e+00> : vector<1xf32>
    %reduce_sum3A_278 = vector.multi_reduction <add>, %mul3A_276, %reduce_sum3A_277 [1] : vector<1x8xf32> to vector<1xf32>
    %broadcast_in_dim3A_279 = vector.shape_cast %reduce_sum3A_278 : vector<1xf32> to vector<1x1xf32>
    %mul3A_280 = arith.mulf %convert_element_type3A_72, %convert_element_type3A_275 : vector<1x8xf32>
    %reduce_sum3A_281 = arith.constant dense<0.000000e+00> : vector<1xf32>
    %reduce_sum3A_282 = vector.multi_reduction <add>, %mul3A_280, %reduce_sum3A_281 [1] : vector<1x8xf32> to vector<1xf32>
    %broadcast_in_dim3A_283 = vector.shape_cast %reduce_sum3A_282 : vector<1xf32> to vector<1x1xf32>
    %ge3A_284 = vector.broadcast %broadcast_in_dim3A_279 : vector<1x1xf32> to vector<1x15xf32>
    %ge3A_285 = arith.cmpf oge, %mul3A_244, %ge3A_284 : vector<1x15xf32>
    %add3A_286 = arith.addf %broadcast_in_dim3A_279, %broadcast_in_dim3A_283 : vector<1x1xf32>
    %lt3A_287 = vector.broadcast %add3A_286 : vector<1x1xf32> to vector<1x15xf32>
    %lt3A_288 = arith.cmpf olt, %mul3A_244, %lt3A_287 : vector<1x15xf32>
    %and3A_289 = arith.andi %ge3A_285, %lt3A_288 : vector<1x15xi1>
    %jit3A_290 = arith.constant 1.000000e+00 : f32
    %jit3A_291 = arith.constant 0.000000e+00 : f32
    %broadcast_in_dim3A_292 = vector.broadcast %jit3A_290 : f32 to vector<1x15xf32>
    %broadcast_in_dim3A_293 = vector.broadcast %jit3A_291 : f32 to vector<1x15xf32>
    %select_n3A_294 = arith.select %and3A_289, %broadcast_in_dim3A_292, %broadcast_in_dim3A_293 : vector<1x15xi1>, vector<1x15xf32>
    %add3A_295 = arith.addf %add3A_270, %select_n3A_294 : vector<1x15xf32>
    %eq3A_296 = arith.constant 2 : i32
    %eq3A_297 = vector.broadcast %eq3A_296 : i32 to vector<1x8xi32>
    %eq3A_298 = arith.cmpi eq, %iota3A_245, %eq3A_297 : vector<1x8xi32>
    %convert_element_type3A_299 = arith.extui %eq3A_298 : vector<1x8xi1> to vector<1x8xi32>
    %convert_element_type3A_300 = arith.sitofp %convert_element_type3A_299 : vector<1x8xi32> to vector<1x8xf32>
    %mul3A_301 = arith.mulf %dot_general3A_78, %convert_element_type3A_300 : vector<1x8xf32>
    %reduce_sum3A_302 = arith.constant dense<0.000000e+00> : vector<1xf32>
    %reduce_sum3A_303 = vector.multi_reduction <add>, %mul3A_301, %reduce_sum3A_302 [1] : vector<1x8xf32> to vector<1xf32>
    %broadcast_in_dim3A_304 = vector.shape_cast %reduce_sum3A_303 : vector<1xf32> to vector<1x1xf32>
    %mul3A_305 = arith.mulf %convert_element_type3A_72, %convert_element_type3A_300 : vector<1x8xf32>
    %reduce_sum3A_306 = arith.constant dense<0.000000e+00> : vector<1xf32>
    %reduce_sum3A_307 = vector.multi_reduction <add>, %mul3A_305, %reduce_sum3A_306 [1] : vector<1x8xf32> to vector<1xf32>
    %broadcast_in_dim3A_308 = vector.shape_cast %reduce_sum3A_307 : vector<1xf32> to vector<1x1xf32>
    %ge3A_309 = vector.broadcast %broadcast_in_dim3A_304 : vector<1x1xf32> to vector<1x15xf32>
    %ge3A_310 = arith.cmpf oge, %mul3A_244, %ge3A_309 : vector<1x15xf32>
    %add3A_311 = arith.addf %broadcast_in_dim3A_304, %broadcast_in_dim3A_308 : vector<1x1xf32>
    %lt3A_312 = vector.broadcast %add3A_311 : vector<1x1xf32> to vector<1x15xf32>
    %lt3A_313 = arith.cmpf olt, %mul3A_244, %lt3A_312 : vector<1x15xf32>
    %and3A_314 = arith.andi %ge3A_310, %lt3A_313 : vector<1x15xi1>
    %jit3A_315 = arith.constant 2.000000e+00 : f32
    %jit3A_316 = arith.constant 0.000000e+00 : f32
    %broadcast_in_dim3A_317 = vector.broadcast %jit3A_315 : f32 to vector<1x15xf32>
    %broadcast_in_dim3A_318 = vector.broadcast %jit3A_316 : f32 to vector<1x15xf32>
    %select_n3A_319 = arith.select %and3A_314, %broadcast_in_dim3A_317, %broadcast_in_dim3A_318 : vector<1x15xi1>, vector<1x15xf32>
    %add3A_320 = arith.addf %add3A_295, %select_n3A_319 : vector<1x15xf32>
    %eq3A_321 = arith.constant 3 : i32
    %eq3A_322 = vector.broadcast %eq3A_321 : i32 to vector<1x8xi32>
    %eq3A_323 = arith.cmpi eq, %iota3A_245, %eq3A_322 : vector<1x8xi32>
    %convert_element_type3A_324 = arith.extui %eq3A_323 : vector<1x8xi1> to vector<1x8xi32>
    %convert_element_type3A_325 = arith.sitofp %convert_element_type3A_324 : vector<1x8xi32> to vector<1x8xf32>
    %mul3A_326 = arith.mulf %dot_general3A_78, %convert_element_type3A_325 : vector<1x8xf32>
    %reduce_sum3A_327 = arith.constant dense<0.000000e+00> : vector<1xf32>
    %reduce_sum3A_328 = vector.multi_reduction <add>, %mul3A_326, %reduce_sum3A_327 [1] : vector<1x8xf32> to vector<1xf32>
    %broadcast_in_dim3A_329 = vector.shape_cast %reduce_sum3A_328 : vector<1xf32> to vector<1x1xf32>
    %mul3A_330 = arith.mulf %convert_element_type3A_72, %convert_element_type3A_325 : vector<1x8xf32>
    %reduce_sum3A_331 = arith.constant dense<0.000000e+00> : vector<1xf32>
    %reduce_sum3A_332 = vector.multi_reduction <add>, %mul3A_330, %reduce_sum3A_331 [1] : vector<1x8xf32> to vector<1xf32>
    %broadcast_in_dim3A_333 = vector.shape_cast %reduce_sum3A_332 : vector<1xf32> to vector<1x1xf32>
    %ge3A_334 = vector.broadcast %broadcast_in_dim3A_329 : vector<1x1xf32> to vector<1x15xf32>
    %ge3A_335 = arith.cmpf oge, %mul3A_244, %ge3A_334 : vector<1x15xf32>
    %add3A_336 = arith.addf %broadcast_in_dim3A_329, %broadcast_in_dim3A_333 : vector<1x1xf32>
    %lt3A_337 = vector.broadcast %add3A_336 : vector<1x1xf32> to vector<1x15xf32>
    %lt3A_338 = arith.cmpf olt, %mul3A_244, %lt3A_337 : vector<1x15xf32>
    %and3A_339 = arith.andi %ge3A_335, %lt3A_338 : vector<1x15xi1>
    %jit3A_340 = arith.constant 3.000000e+00 : f32
    %jit3A_341 = arith.constant 0.000000e+00 : f32
    %broadcast_in_dim3A_342 = vector.broadcast %jit3A_340 : f32 to vector<1x15xf32>
    %broadcast_in_dim3A_343 = vector.broadcast %jit3A_341 : f32 to vector<1x15xf32>
    %select_n3A_344 = arith.select %and3A_339, %broadcast_in_dim3A_342, %broadcast_in_dim3A_343 : vector<1x15xi1>, vector<1x15xf32>
    %add3A_345 = arith.addf %add3A_320, %select_n3A_344 : vector<1x15xf32>
    %eq3A_346 = arith.constant 4 : i32
    %eq3A_347 = vector.broadcast %eq3A_346 : i32 to vector<1x8xi32>
    %eq3A_348 = arith.cmpi eq, %iota3A_245, %eq3A_347 : vector<1x8xi32>
    %convert_element_type3A_349 = arith.extui %eq3A_348 : vector<1x8xi1> to vector<1x8xi32>
    %convert_element_type3A_350 = arith.sitofp %convert_element_type3A_349 : vector<1x8xi32> to vector<1x8xf32>
    %mul3A_351 = arith.mulf %dot_general3A_78, %convert_element_type3A_350 : vector<1x8xf32>
    %reduce_sum3A_352 = arith.constant dense<0.000000e+00> : vector<1xf32>
    %reduce_sum3A_353 = vector.multi_reduction <add>, %mul3A_351, %reduce_sum3A_352 [1] : vector<1x8xf32> to vector<1xf32>
    %broadcast_in_dim3A_354 = vector.shape_cast %reduce_sum3A_353 : vector<1xf32> to vector<1x1xf32>
    %mul3A_355 = arith.mulf %convert_element_type3A_72, %convert_element_type3A_350 : vector<1x8xf32>
    %reduce_sum3A_356 = arith.constant dense<0.000000e+00> : vector<1xf32>
    %reduce_sum3A_357 = vector.multi_reduction <add>, %mul3A_355, %reduce_sum3A_356 [1] : vector<1x8xf32> to vector<1xf32>
    %broadcast_in_dim3A_358 = vector.shape_cast %reduce_sum3A_357 : vector<1xf32> to vector<1x1xf32>
    %ge3A_359 = vector.broadcast %broadcast_in_dim3A_354 : vector<1x1xf32> to vector<1x15xf32>
    %ge3A_360 = arith.cmpf oge, %mul3A_244, %ge3A_359 : vector<1x15xf32>
    %add3A_361 = arith.addf %broadcast_in_dim3A_354, %broadcast_in_dim3A_358 : vector<1x1xf32>
    %lt3A_362 = vector.broadcast %add3A_361 : vector<1x1xf32> to vector<1x15xf32>
    %lt3A_363 = arith.cmpf olt, %mul3A_244, %lt3A_362 : vector<1x15xf32>
    %and3A_364 = arith.andi %ge3A_360, %lt3A_363 : vector<1x15xi1>
    %jit3A_365 = arith.constant 4.000000e+00 : f32
    %jit3A_366 = arith.constant 0.000000e+00 : f32
    %broadcast_in_dim3A_367 = vector.broadcast %jit3A_365 : f32 to vector<1x15xf32>
    %broadcast_in_dim3A_368 = vector.broadcast %jit3A_366 : f32 to vector<1x15xf32>
    %select_n3A_369 = arith.select %and3A_364, %broadcast_in_dim3A_367, %broadcast_in_dim3A_368 : vector<1x15xi1>, vector<1x15xf32>
    %add3A_370 = arith.addf %add3A_345, %select_n3A_369 : vector<1x15xf32>
    %eq3A_371 = arith.constant 5 : i32
    %eq3A_372 = vector.broadcast %eq3A_371 : i32 to vector<1x8xi32>
    %eq3A_373 = arith.cmpi eq, %iota3A_245, %eq3A_372 : vector<1x8xi32>
    %convert_element_type3A_374 = arith.extui %eq3A_373 : vector<1x8xi1> to vector<1x8xi32>
    %convert_element_type3A_375 = arith.sitofp %convert_element_type3A_374 : vector<1x8xi32> to vector<1x8xf32>
    %mul3A_376 = arith.mulf %dot_general3A_78, %convert_element_type3A_375 : vector<1x8xf32>
    %reduce_sum3A_377 = arith.constant dense<0.000000e+00> : vector<1xf32>
    %reduce_sum3A_378 = vector.multi_reduction <add>, %mul3A_376, %reduce_sum3A_377 [1] : vector<1x8xf32> to vector<1xf32>
    %broadcast_in_dim3A_379 = vector.shape_cast %reduce_sum3A_378 : vector<1xf32> to vector<1x1xf32>
    %mul3A_380 = arith.mulf %convert_element_type3A_72, %convert_element_type3A_375 : vector<1x8xf32>
    %reduce_sum3A_381 = arith.constant dense<0.000000e+00> : vector<1xf32>
    %reduce_sum3A_382 = vector.multi_reduction <add>, %mul3A_380, %reduce_sum3A_381 [1] : vector<1x8xf32> to vector<1xf32>
    %broadcast_in_dim3A_383 = vector.shape_cast %reduce_sum3A_382 : vector<1xf32> to vector<1x1xf32>
    %ge3A_384 = vector.broadcast %broadcast_in_dim3A_379 : vector<1x1xf32> to vector<1x15xf32>
    %ge3A_385 = arith.cmpf oge, %mul3A_244, %ge3A_384 : vector<1x15xf32>
    %add3A_386 = arith.addf %broadcast_in_dim3A_379, %broadcast_in_dim3A_383 : vector<1x1xf32>
    %lt3A_387 = vector.broadcast %add3A_386 : vector<1x1xf32> to vector<1x15xf32>
    %lt3A_388 = arith.cmpf olt, %mul3A_244, %lt3A_387 : vector<1x15xf32>
    %and3A_389 = arith.andi %ge3A_385, %lt3A_388 : vector<1x15xi1>
    %jit3A_390 = arith.constant 5.000000e+00 : f32
    %jit3A_391 = arith.constant 0.000000e+00 : f32
    %broadcast_in_dim3A_392 = vector.broadcast %jit3A_390 : f32 to vector<1x15xf32>
    %broadcast_in_dim3A_393 = vector.broadcast %jit3A_391 : f32 to vector<1x15xf32>
    %select_n3A_394 = arith.select %and3A_389, %broadcast_in_dim3A_392, %broadcast_in_dim3A_393 : vector<1x15xi1>, vector<1x15xf32>
    %add3A_395 = arith.addf %add3A_370, %select_n3A_394 : vector<1x15xf32>
    %eq3A_396 = arith.constant 6 : i32
    %eq3A_397 = vector.broadcast %eq3A_396 : i32 to vector<1x8xi32>
    %eq3A_398 = arith.cmpi eq, %iota3A_245, %eq3A_397 : vector<1x8xi32>
    %convert_element_type3A_399 = arith.extui %eq3A_398 : vector<1x8xi1> to vector<1x8xi32>
    %convert_element_type3A_400 = arith.sitofp %convert_element_type3A_399 : vector<1x8xi32> to vector<1x8xf32>
    %mul3A_401 = arith.mulf %dot_general3A_78, %convert_element_type3A_400 : vector<1x8xf32>
    %reduce_sum3A_402 = arith.constant dense<0.000000e+00> : vector<1xf32>
    %reduce_sum3A_403 = vector.multi_reduction <add>, %mul3A_401, %reduce_sum3A_402 [1] : vector<1x8xf32> to vector<1xf32>
    %broadcast_in_dim3A_404 = vector.shape_cast %reduce_sum3A_403 : vector<1xf32> to vector<1x1xf32>
    %mul3A_405 = arith.mulf %convert_element_type3A_72, %convert_element_type3A_400 : vector<1x8xf32>
    %reduce_sum3A_406 = arith.constant dense<0.000000e+00> : vector<1xf32>
    %reduce_sum3A_407 = vector.multi_reduction <add>, %mul3A_405, %reduce_sum3A_406 [1] : vector<1x8xf32> to vector<1xf32>
    %broadcast_in_dim3A_408 = vector.shape_cast %reduce_sum3A_407 : vector<1xf32> to vector<1x1xf32>
    %ge3A_409 = vector.broadcast %broadcast_in_dim3A_404 : vector<1x1xf32> to vector<1x15xf32>
    %ge3A_410 = arith.cmpf oge, %mul3A_244, %ge3A_409 : vector<1x15xf32>
    %add3A_411 = arith.addf %broadcast_in_dim3A_404, %broadcast_in_dim3A_408 : vector<1x1xf32>
    %lt3A_412 = vector.broadcast %add3A_411 : vector<1x1xf32> to vector<1x15xf32>
    %lt3A_413 = arith.cmpf olt, %mul3A_244, %lt3A_412 : vector<1x15xf32>
    %and3A_414 = arith.andi %ge3A_410, %lt3A_413 : vector<1x15xi1>
    %jit3A_415 = arith.constant 6.000000e+00 : f32
    %jit3A_416 = arith.constant 0.000000e+00 : f32
    %broadcast_in_dim3A_417 = vector.broadcast %jit3A_415 : f32 to vector<1x15xf32>
    %broadcast_in_dim3A_418 = vector.broadcast %jit3A_416 : f32 to vector<1x15xf32>
    %select_n3A_419 = arith.select %and3A_414, %broadcast_in_dim3A_417, %broadcast_in_dim3A_418 : vector<1x15xi1>, vector<1x15xf32>
    %add3A_420 = arith.addf %add3A_395, %select_n3A_419 : vector<1x15xf32>
    %eq3A_421 = arith.constant 7 : i32
    %eq3A_422 = vector.broadcast %eq3A_421 : i32 to vector<1x8xi32>
    %eq3A_423 = arith.cmpi eq, %iota3A_245, %eq3A_422 : vector<1x8xi32>
    %convert_element_type3A_424 = arith.extui %eq3A_423 : vector<1x8xi1> to vector<1x8xi32>
    %convert_element_type3A_425 = arith.sitofp %convert_element_type3A_424 : vector<1x8xi32> to vector<1x8xf32>
    %mul3A_426 = arith.mulf %dot_general3A_78, %convert_element_type3A_425 : vector<1x8xf32>
    %reduce_sum3A_427 = arith.constant dense<0.000000e+00> : vector<1xf32>
    %reduce_sum3A_428 = vector.multi_reduction <add>, %mul3A_426, %reduce_sum3A_427 [1] : vector<1x8xf32> to vector<1xf32>
    %broadcast_in_dim3A_429 = vector.shape_cast %reduce_sum3A_428 : vector<1xf32> to vector<1x1xf32>
    %mul3A_430 = arith.mulf %convert_element_type3A_72, %convert_element_type3A_425 : vector<1x8xf32>
    %reduce_sum3A_431 = arith.constant dense<0.000000e+00> : vector<1xf32>
    %reduce_sum3A_432 = vector.multi_reduction <add>, %mul3A_430, %reduce_sum3A_431 [1] : vector<1x8xf32> to vector<1xf32>
    %broadcast_in_dim3A_433 = vector.shape_cast %reduce_sum3A_432 : vector<1xf32> to vector<1x1xf32>
    %ge3A_434 = vector.broadcast %broadcast_in_dim3A_429 : vector<1x1xf32> to vector<1x15xf32>
    %ge3A_435 = arith.cmpf oge, %mul3A_244, %ge3A_434 : vector<1x15xf32>
    %add3A_436 = arith.addf %broadcast_in_dim3A_429, %broadcast_in_dim3A_433 : vector<1x1xf32>
    %lt3A_437 = vector.broadcast %add3A_436 : vector<1x1xf32> to vector<1x15xf32>
    %lt3A_438 = arith.cmpf olt, %mul3A_244, %lt3A_437 : vector<1x15xf32>
    %and3A_439 = arith.andi %ge3A_435, %lt3A_438 : vector<1x15xi1>
    %jit3A_440 = arith.constant 7.000000e+00 : f32
    %jit3A_441 = arith.constant 0.000000e+00 : f32
    %broadcast_in_dim3A_442 = vector.broadcast %jit3A_440 : f32 to vector<1x15xf32>
    %broadcast_in_dim3A_443 = vector.broadcast %jit3A_441 : f32 to vector<1x15xf32>
    %select_n3A_444 = arith.select %and3A_439, %broadcast_in_dim3A_442, %broadcast_in_dim3A_443 : vector<1x15xi1>, vector<1x15xf32>
    %add3A_445 = arith.addf %add3A_420, %select_n3A_444 : vector<1x15xf32>
    %reduce_sum3A_446 = arith.constant dense<0.000000e+00> : vector<1xf32>
    %reduce_sum3A_447 = vector.multi_reduction <add>, %convert_element_type3A_72, %reduce_sum3A_446 [1] : vector<1x8xf32> to vector<1xf32>
    %broadcast_in_dim3A_448 = vector.shape_cast %reduce_sum3A_447 : vector<1xf32> to vector<1x1xf32>
    %gt3A = arith.constant 0 : i32
    %gt3A_449 = vector.broadcast %gt3A : i32 to vector<1x8xi32>
    %gt3A_450 = arith.cmpi sgt, %shift_left3A_71, %gt3A_449 : vector<1x8xi32>
    %jit3A_451 = arith.constant 0 : i32
    %broadcast_in_dim3A_452 = vector.broadcast %jit3A_451 : i32 to vector<1x8xi32>
    %select_n3A_453 = arith.select %gt3A_450, %iota3A_245, %broadcast_in_dim3A_452 : vector<1x8xi1>, vector<1x8xi32>
    %reduce_max3A_454 = arith.constant dense<-2147483648> : vector<1xi32>
    %reduce_max3A_455 = vector.multi_reduction <maxsi>, %select_n3A_453, %reduce_max3A_454 [1] : vector<1x8xi32> to vector<1xi32>
    %broadcast_in_dim3A_456 = vector.shape_cast %reduce_max3A_455 : vector<1xi32> to vector<1x1xi32>
    %lt3A_457 = vector.broadcast %broadcast_in_dim3A_448 : vector<1x1xf32> to vector<1x15xf32>
    %lt3A_458 = arith.cmpf olt, %mul3A_244, %lt3A_457 : vector<1x15xf32>
    %convert_element_type3A_459 = arith.sitofp %broadcast_in_dim3A_456 : vector<1x1xi32> to vector<1x1xf32>
    %broadcast_in_dim3A_460 = vector.shape_cast %convert_element_type3A_459 : vector<1x1xf32> to vector<1x1xf32>
    %broadcast_in_dim3A_461 = vector.broadcast %broadcast_in_dim3A_460 : vector<1x1xf32> to vector<1x15xf32>
    %select_n3A_462 = arith.select %lt3A_458, %add3A_445, %broadcast_in_dim3A_461 : vector<1x15xi1>, vector<1x15xf32>
    %convert_element_type3A_463 = arith.fptosi %select_n3A_462 : vector<1x15xf32> to vector<1x15xi32>
    %swap3A_464 = arith.constant 0 : index
    %swap3A_465 = arith.constant 0 : index
    %swap3A_466 = vector.load %arg6[%swap3A_464, %swap3A_465] : memref<1x15xi32, #tpu.memory_space<vmem>>, vector<1x15xi32>
    tpu.vector_store %arg6[%swap3A_464, %swap3A_465], %convert_element_type3A_463 {strides = array<i32>} : memref<1x15xi32, #tpu.memory_space<vmem>>, vector<1x15xi32>,
    %reduce_sum3A_467 = arith.constant dense<0.000000e+00> : vector<8xf32>
    %reduce_sum3A_468 = vector.multi_reduction <add>, %div3A_14, %reduce_sum3A_467 [0] : vector<2048x8xf32> to vector<8xf32>
    %broadcast_in_dim3A_469 = vector.shape_cast %reduce_sum3A_468 : vector<8xf32> to vector<1x8xf32>
    %div3A_470 = arith.constant 2.048000e+03 : f32
    %div3A_471 = vector.broadcast %div3A_470 : f32 to vector<1x8xf32>
    %div3A_472 = arith.divf %broadcast_in_dim3A_469, %div3A_471 : vector<1x8xf32>
    %reduce_sum3A_473 = vector.shape_cast %div3A_472 : vector<1x8xf32> to vector<1x1x8xf32>
    %reduce_sum3A_474 = arith.constant dense<0.000000e+00> : vector<1xf32>
    %reduce_sum3A_475 = vector.multi_reduction <add>, %reduce_sum3A_473, %reduce_sum3A_474 [1, 2] : vector<1x1x8xf32> to vector<1xf32>
    %reduce_sum3A_476 = vector.shape_cast %reduce_sum3A_475 : vector<1xf32> to vector<1x1x1xf32>
    %reduce_sum3A_477 = vector.extract %reduce_sum3A_476[0, 0, 0] : f32 from vector<1x1x1xf32>
    %div3A_478 = arith.constant 8.000000e+00 : f32
    %div3A_479 = arith.divf %reduce_sum3A_477, %div3A_478 : f32
    %sub3A_480 = vector.broadcast %div3A_479 : f32 to vector<1x8xf32>
    %sub3A_481 = arith.subf %div3A_472, %sub3A_480 : vector<1x8xf32>
    %integer_pow3A = arith.mulf %sub3A_481, %sub3A_481 : vector<1x8xf32>
    %reduce_sum3A_482 = vector.shape_cast %integer_pow3A : vector<1x8xf32> to vector<1x1x8xf32>
    %reduce_sum3A_483 = arith.constant dense<0.000000e+00> : vector<1xf32>
    %reduce_sum3A_484 = vector.multi_reduction <add>, %reduce_sum3A_482, %reduce_sum3A_483 [1, 2] : vector<1x1x8xf32> to vector<1xf32>
    %reduce_sum3A_485 = vector.shape_cast %reduce_sum3A_484 : vector<1xf32> to vector<1x1x1xf32>
    %reduce_sum3A_486 = vector.extract %reduce_sum3A_485[0, 0, 0] : f32 from vector<1x1x1xf32>
    %div3A_487 = arith.constant 7.000000e+00 : f32
    %div3A_488 = arith.divf %reduce_sum3A_486, %div3A_487 : f32
    %mul3A_489 = arith.constant 0.00999999977 : f32
    %mul3A_490 = arith.mulf %mul3A_489, %div3A_488 : f32
    %broadcast_in_dim3A_491 = vector.broadcast %mul3A_490 : f32 to vector<1x1xf32>
    %swap3A_492 = arith.constant 0 : index
    %swap3A_493 = arith.constant 0 : index
    %swap3A_494 = vector.load %arg7[%swap3A_492, %swap3A_493] : memref<1x1xf32, #tpu.memory_space<vmem>>, vector<1x1xf32>
    tpu.vector_store %arg7[%swap3A_492, %swap3A_493], %broadcast_in_dim3A_491 {strides = array<i32>} : memref<1x1xf32, #tpu.memory_space<vmem>>, vector<1x1xf32>,
    return
  }
}

module attributes {stable_mosaic.version = 14 : i64} {
  func.func @_gmm_body(%arg0: i32, %arg1: i32, %arg2: memref<15xi32, #tpu.memory_space<smem>>, %arg3: memref<512x1024xf32, #tpu.memory_space<vmem>>, %arg4: memref<1x1024x1024xf32, #tpu.memory_space<vmem>>, %arg5: memref<1x1x1x1024xf32, #tpu.memory_space<vmem>>, %arg6: memref<1x1024x1024xf32, #tpu.memory_space<vmem>>, %arg7: memref<1x1x1024xf32, #tpu.memory_space<vmem>>, %arg8: memref<512x1024xf32, #tpu.memory_space<vmem>>) attributes {dimension_semantics = [#tpu.dimension_semantics<arbitrary>, #tpu.dimension_semantics<arbitrary>], iteration_bounds = array<i64: 15, 4>, scalar_prefetch = 1 : i64, scratch_operands = 0 : i64, tpu.core_type = #tpu.core_type<tc>, window_params = [{transform_indices = @transform_0, window_bounds = array<i64: 512, 1024>}, {transform_indices = @transform_1, window_bounds = array<i64: 1, 1024, 1024>}, {transform_indices = @transform_2, window_bounds = array<i64: 1, 1, 1, 1024>}, {transform_indices = @transform_3, window_bounds = array<i64: 1, 1024, 1024>}, {transform_indices = @transform_4, window_bounds = array<i64: 1, 1, 1024>}, {transform_indices = @transform_5, window_bounds = array<i64: 512, 1024>}]} {
    %get3A = arith.constant 0 : index
    %get3A_0 = arith.constant 0 : index
    %get3A_1 = vector.load %arg3[%get3A, %get3A_0] : memref<512x1024xf32, #tpu.memory_space<vmem>>, vector<512x1024xf32>
    %get3A_2 = arith.constant 0 : index
    %get3A_3 = arith.constant 0 : index
    %get3A_4 = arith.constant 0 : index
    %get3A_5 = vector.load %arg4[%get3A_2, %get3A_3, %get3A_4] : memref<1x1024x1024xf32, #tpu.memory_space<vmem>>, vector<1x1024x1024xf32>
    %get3A_6 = vector.shape_cast %get3A_5 : vector<1x1024x1024xf32> to vector<1024x1024xf32>
    %transpose3A = tpu.transpose %get3A_6, [1, 0] : vector<1024x1024xf32> -> vector<1024x1024xf32>
    %dot_general3A = arith.constant dense<0.000000e+00> : vector<512x1024xf32>
    %dot_general3A_7 = tpu.matmul %get3A_1, %transpose3A, %dot_general3A {dimension_numbers = #tpu.dot_dimension_numbers<[1], [0], [0], [1], [0, 0, 1, 1], [], []>, transpose_lhs_hint = false} : vector<512x1024xf32>, vector<1024x1024xf32>, vector<512x1024xf32> -> vector<512x1024xf32>
    %get3A_8 = arith.constant 0 : index
    %get3A_9 = arith.constant 0 : index
    %get3A_10 = arith.constant 0 : index
    %get3A_11 = arith.constant 0 : index
    %get3A_12 = vector.load %arg5[%get3A_8, %get3A_9, %get3A_10, %get3A_11] : memref<1x1x1x1024xf32, #tpu.memory_space<vmem>>, vector<1x1x1x1024xf32>
    %get3A_13 = vector.shape_cast %get3A_12 : vector<1x1x1x1024xf32> to vector<1x1024xf32>
    %add3A = vector.broadcast %get3A_13 : vector<1x1024xf32> to vector<512x1024xf32>
    %add3A_14 = arith.addf %dot_general3A_7, %add3A : vector<512x1024xf32>
    %mul3A = arith.constant 5.000000e-01 : f32
    %mul3A_15 = vector.broadcast %mul3A : f32 to vector<512x1024xf32>
    %mul3A_16 = arith.mulf %mul3A_15, %add3A_14 : vector<512x1024xf32>
    %mul3A_17 = arith.constant 0.707106769 : f32
    %mul3A_18 = vector.broadcast %mul3A_17 : f32 to vector<512x1024xf32>
    %mul3A_19 = arith.mulf %add3A_14, %mul3A_18 : vector<512x1024xf32>
    %erf3A = math.erf %mul3A_19 : vector<512x1024xf32>
    %add3A_20 = arith.constant 1.000000e+00 : f32
    %add3A_21 = vector.broadcast %add3A_20 : f32 to vector<512x1024xf32>
    %add3A_22 = arith.addf %add3A_21, %erf3A : vector<512x1024xf32>
    %mul3A_23 = arith.mulf %mul3A_16, %add3A_22 : vector<512x1024xf32>
    %get3A_24 = arith.constant 0 : index
    %get3A_25 = arith.constant 0 : index
    %get3A_26 = arith.constant 0 : index
    %get3A_27 = vector.load %arg6[%get3A_24, %get3A_25, %get3A_26] : memref<1x1024x1024xf32, #tpu.memory_space<vmem>>, vector<1x1024x1024xf32>
    %get3A_28 = vector.shape_cast %get3A_27 : vector<1x1024x1024xf32> to vector<1024x1024xf32>
    %transpose3A_29 = tpu.transpose %get3A_28, [1, 0] : vector<1024x1024xf32> -> vector<1024x1024xf32>
    %dot_general3A_30 = arith.constant dense<0.000000e+00> : vector<512x1024xf32>
    %dot_general3A_31 = tpu.matmul %mul3A_23, %transpose3A_29, %dot_general3A_30 {dimension_numbers = #tpu.dot_dimension_numbers<[1], [0], [0], [1], [0, 0, 1, 1], [], []>, transpose_lhs_hint = false} : vector<512x1024xf32>, vector<1024x1024xf32>, vector<512x1024xf32> -> vector<512x1024xf32>
    %eq3A = arith.constant 0 : i32
    %eq3A_32 = arith.cmpi eq, %arg1, %eq3A : i32
    %convert_element_type3A = arith.extui %eq3A_32 : i1 to i32
    %cond3A = arith.constant 0 : i32
    %cond3A_33 = arith.cmpi ne, %convert_element_type3A, %cond3A : i32
    scf.if %cond3A_33 {
      %get3A_38 = arith.constant 0 : index
      %get3A_39 = arith.constant 0 : index
      %get3A_40 = arith.constant 0 : index
      %get3A_41 = vector.load %arg7[%get3A_38, %get3A_39, %get3A_40] : memref<1x1x1024xf32, #tpu.memory_space<vmem>>, vector<1x1x1024xf32>
      %get3A_42 = vector.shape_cast %get3A_41 : vector<1x1x1024xf32> to vector<1x1024xf32>
      %add3A_43 = vector.broadcast %get3A_42 : vector<1x1024xf32> to vector<512x1024xf32>
      %add3A_44 = arith.addf %dot_general3A_31, %add3A_43 : vector<512x1024xf32>
      %swap3A = arith.constant 0 : index
      %swap3A_45 = arith.constant 0 : index
      %swap3A_46 = vector.load %arg8[%swap3A, %swap3A_45] : memref<512x1024xf32, #tpu.memory_space<vmem>>, vector<512x1024xf32>
      tpu.vector_store %arg8[%swap3A, %swap3A_45], %add3A_44 {strides = array<i32>} : memref<512x1024xf32, #tpu.memory_space<vmem>>, vector<512x1024xf32>,
    } else {
    }
    %ne3A = arith.constant 0 : i32
    %ne3A_34 = arith.cmpi ne, %arg1, %ne3A : i32
    %convert_element_type3A_35 = arith.extui %ne3A_34 : i1 to i32
    %cond3A_36 = arith.constant 0 : i32
    %cond3A_37 = arith.cmpi ne, %convert_element_type3A_35, %cond3A_36 : i32
    scf.if %cond3A_37 {
      %get3A_38 = arith.constant 0 : index
      %get3A_39 = arith.constant 0 : index
      %get3A_40 = vector.load %arg8[%get3A_38, %get3A_39] : memref<512x1024xf32, #tpu.memory_space<vmem>>, vector<512x1024xf32>
      %add3A_41 = arith.addf %get3A_40, %dot_general3A_31 : vector<512x1024xf32>
      %swap3A = arith.constant 0 : index
      %swap3A_42 = arith.constant 0 : index
      %swap3A_43 = vector.load %arg8[%swap3A, %swap3A_42] : memref<512x1024xf32, #tpu.memory_space<vmem>>, vector<512x1024xf32>
      tpu.vector_store %arg8[%swap3A, %swap3A_42], %add3A_41 {strides = array<i32>} : memref<512x1024xf32, #tpu.memory_space<vmem>>, vector<512x1024xf32>,
    } else {
    }
    return
  }
  func.func @transform_0(%arg0: i32, %arg1: i32, %arg2: memref<15xi32, #tpu.memory_space<smem>>) -> (i32, i32) {
    %c0_i32 = arith.constant 0 : i32
    %c0_i32_0 = arith.constant 0 : i32
    return %arg0, %c0_i32 : i32, i32
  }
  func.func @transform_1(%arg0: i32, %arg1: i32, %arg2: memref<15xi32, #tpu.memory_space<smem>>) -> (i32, i32, i32) {
    %get3A = arith.index_cast %arg0 : i32 to index
    %get3A_0 = memref.load %arg2[%get3A] : memref<15xi32, #tpu.memory_space<smem>>
    %c0_i32 = arith.constant 0 : i32
    %c0_i32_1 = arith.constant 0 : i32
    return %get3A_0, %arg1, %c0_i32 : i32, i32, i32
  }
  func.func @transform_2(%arg0: i32, %arg1: i32, %arg2: memref<15xi32, #tpu.memory_space<smem>>) -> (i32, i32, i32, i32) {
    %get3A = arith.index_cast %arg0 : i32 to index
    %get3A_0 = memref.load %arg2[%get3A] : memref<15xi32, #tpu.memory_space<smem>>
    %c0_i32 = arith.constant 0 : i32
    %c0_i32_1 = arith.constant 0 : i32
    %c0_i32_2 = arith.constant 0 : i32
    return %get3A_0, %arg1, %c0_i32, %c0_i32_1 : i32, i32, i32, i32
  }
  func.func @transform_3(%arg0: i32, %arg1: i32, %arg2: memref<15xi32, #tpu.memory_space<smem>>) -> (i32, i32, i32) {
    %get3A = arith.index_cast %arg0 : i32 to index
    %get3A_0 = memref.load %arg2[%get3A] : memref<15xi32, #tpu.memory_space<smem>>
    %c0_i32 = arith.constant 0 : i32
    %c0_i32_1 = arith.constant 0 : i32
    return %get3A_0, %c0_i32, %arg1 : i32, i32, i32
  }
  func.func @transform_4(%arg0: i32, %arg1: i32, %arg2: memref<15xi32, #tpu.memory_space<smem>>) -> (i32, i32, i32) {
    %get3A = arith.index_cast %arg0 : i32 to index
    %get3A_0 = memref.load %arg2[%get3A] : memref<15xi32, #tpu.memory_space<smem>>
    %c0_i32 = arith.constant 0 : i32
    %c0_i32_1 = arith.constant 0 : i32
    %c0_i32_2 = arith.constant 0 : i32
    return %get3A_0, %c0_i32, %c0_i32_1 : i32, i32, i32
  }
  func.func @transform_5(%arg0: i32, %arg1: i32, %arg2: memref<15xi32, #tpu.memory_space<smem>>) -> (i32, i32) {
    %c0_i32 = arith.constant 0 : i32
    %c0_i32_0 = arith.constant 0 : i32
    return %arg0, %c0_i32 : i32, i32
  }
}

</mosaic_0001>

<sc_bundles>
// kernel: _moe.6.cloned.1.call-start
scs
__scs_entry_jumppad:
0x0: {  	(pc) =	sbr.rel $0x88, $3  }
0x1: {  	(tag) =	ssettag $0x0;
	lr =	simm.s32 $0x1  }
0x2: {  	[smem:$0x3F9A] =	sst lr;
	_ =	strace $0xD0000000  }
0x3: {  	_ = 	snop  }
0x4: {  	_ = 	snop  }
0x5: {  	_ = 	snop  }
0x6: {  	_ = 	snop  }
0x7: {  	_ = 	snop  }
__scs_overlays_trampoline_lowered:
0x8: {  	[smem:$0x3FA9] =	sst s0  }
0x9: {  	[smem:$0x3FAA] =	sst s1  }
0xa: {  	[smem:$0x3FAB] =	sst s2  }
0xb: {  	[smem:$0x3FAC] =	sst s3  }
0xc: {  	[smem:$0x3FAD] =	sst s4  }
0xd: {  	[smem:$0x3FAE] =	sst s5  }
0xe: {  	[smem:$0x3FAF] =	sst s6  }
0xf: {  	[smem:$0x3FB0] =	sst s7  }
0x10: {  	[smem:$0x3FB1] =	sst s8  }
0x11: {  	[smem:$0x3FB2] =	sst s9;
	s0 =	simm.s32 @!p0 $0x0  }
0x12: {  	s1 =	sld [smem:$0x3F98];
	s0 =	simm.s32 @p0 $0x1  }
0x13: {  	[smem:$0x3FB3] =	sst s0;
	s0 =	simm.s32 @!p1 $0x0  }
0x14: {  	s2 =	sld [smem:$0x3F97];
	s0 =	simm.s32 @p1 $0x1  }
0x15: {  	[smem:$0x3FB4] =	sst s0;
	s0 =	simm.s32 @!p2 $0x0  }
0x16: {  	s3 =	sld [smem:$0x3FDB];
	s0 =	simm.s32 @p2 $0x1  }
0x17: {  	s4 =	simm.s32 $0x1BF5;
	[smem:$0x3FB6] =	sst s0  }
0x18: {  	s0 =	sld [smem:$0x3F99];
	_ =	swait.ge [sflag:s4], $0x0  }
0x19: {  	s7 =	sld [smem:$0x3F9A]  }
0x1a: {  	s8 =	sadd.s32 $0xFFFFE003, lr  }
0x1b: {  	s9 =	sadd.s32 $0xFFFFFEF7, lr;
	s5 =	simm.s32 $0xFFFFFFFF;
	p2 =	slt.u32 s8, $0xFFFFF086  }
0x1c: {  	p1 =	slt.u32 s9, $0xF7A;
	s5 =	simm.s32 @!p2 $0x0  }
0x1d: {  	s5 =	simm.s32 @p1 $0x1;
	p0 =	seq.s32 s7, s2  }
0x1e: {  	s7 =	smul.u32 @!p0 $0xF7A, s2;
	p2 =	seq.s32 @!p0 s5, $0x0  }
0x1f: {  	s9 =	smul.u32 $0xF7A, s1;
	s8 =	simm.s32 @!p0 $0x1BF5;
	p2 =	por !p2, p0  }
0x20: {  	[sflag:s8] =	ssyncset.s32 @!p0 $0xFFFFF086;
	s6 =	sadd.s32 @!p0 s3, s7;
	s7 =	simm.s32 @!p0 $0x108  }
0x21: {  	s3 =	sadd.s32 s3, s9;
	s6 =	sadd.s32 @!p0 $0x88, s6;
	s7 =	simm.s32 @p2 $0x1082  }
0x22: {  	[simem:s7], [sflag:s8] =	dma.local @!p0 [hbm:s6], $0xF7A  }
0x23: {  	s9 =	sor.u32 $0xD0000000, s2;
	s6 =	simm.s32 $0x108;
	_ =	swait.ge @!p0 [sflag:s8], $0x0  }
0x24: {  	s3 =	sadd.s32 $0x88, s3;
	s6 =	simm.s32 @!p1 $0x1082;
	[sflag:s4] =	ssyncset.s32 $0xFFFFF086  }
0x25: {  	[simem:s6], [sflag:s4] =	dma.local [hbm:s3], $0xF7A  }
0x26: {  	[smem:$0x3F9A] =	sst s1;
	(tag) =	ssettag s2;
	_ =	strace s9  }
0x27: {  	s1 =	sld [smem:$0x3FAA]  }
0x28: {  	s2 =	sld [smem:$0x3FAB]  }
0x29: {  	s4 =	sld [smem:$0x3FAD]  }
0x2a: {  	p0 =	seq.s32 s5, $0x0;
	s5 =	sld [smem:$0x3FAE]  }
0x2b: {  	s6 =	sld [smem:$0x3FAF]  }
0x2c: {  	s7 =	sld [smem:$0x3FB0]  }
0x2d: {  	s3 =	simm.s32 $0x108;
	s8 =	sld [smem:$0x3FB1]  }
0x2e: {  	s3 =	simm.s32 @!p0 $0x1082;
	s9 =	sld [smem:$0x3FB2]  }
0x2f: {  	lr =	sadd.s32 s0, s3;
	s0 =	sld [smem:$0x3FA9]  }
0x30: {  	s3 =	sld [smem:$0x3FAC]  }
0x31: {  	[smem:$0x3FB5] =	sst s10  }
0x32: {  	s10 =	sld [smem:$0x3FB3];
	_ =	sdelay $0x3  }
0x33: {  	p0 =	seq.s32 s10, $0x1;
	s10 =	sld [smem:$0x3FB5];
	_ =	sdelay $0x3  }
0x34: {  	[smem:$0x3FB5] =	sst s10  }
0x35: {  	s10 =	sld [smem:$0x3FB4];
	_ =	sdelay $0x3  }
0x36: {  	p1 =	seq.s32 s10, $0x1;
	s10 =	sld [smem:$0x3FB5];
	_ =	sdelay $0x3  }
0x37: {  	[smem:$0x3FB5] =	sst s10  }
0x38: {  	s10 =	sld [smem:$0x3FB6]  }
0x39: {  	_ = 	snop;
	(pc) =	sbr.ind lr, $3  }
0x3a: {  	_ = 	snop  }
0x3b: {  	_ = 	snop  }
0x3c: {  	p2 =	seq.s32 s10, $0x1;
	s10 =	sld [smem:$0x3FB5]  }
0x3d: {  	_ =	shalt  }
0x3e: {  	_ =	shalt  }
0x3f: {  	_ =	shalt  }
0x40: {  	_ =	shalt  }
0x41: {  	_ =	shalt  }
0x42: {  	_ =	shalt  }
0x43: {  	_ =	shalt  }
0x44: {  	_ =	shalt  }
0x45: {  	_ =	shalt  }
0x46: {  	_ =	shalt  }
0x47: {  	_ =	shalt  }
0x48: {  	_ =	shalt  }
0x49: {  	_ =	shalt  }
0x4a: {  	_ =	shalt  }
0x4b: {  	_ =	shalt  }
0x4c: {  	_ =	shalt  }
0x4d: {  	_ =	shalt  }
0x4e: {  	_ =	shalt  }
0x4f: {  	_ =	shalt  }
0x50: {  	_ =	shalt  }
0x51: {  	_ =	shalt  }
0x52: {  	_ =	shalt  }
0x53: {  	_ =	shalt  }
0x54: {  	_ =	shalt  }
0x55: {  	_ =	shalt  }
0x56: {  	_ =	shalt  }
0x57: {  	_ =	shalt  }
0x58: {  	_ =	shalt  }
0x59: {  	_ =	shalt  }
0x5a: {  	_ =	shalt  }
0x5b: {  	_ =	shalt  }
0x5c: {  	_ =	shalt  }
0x5d: {  	_ =	shalt  }
0x5e: {  	_ =	shalt  }
0x5f: {  	_ =	shalt  }
0x60: {  	_ =	shalt  }
0x61: {  	_ =	shalt  }
0x62: {  	_ =	shalt  }
0x63: {  	_ =	shalt  }
0x64: {  	_ =	shalt  }
0x65: {  	_ =	shalt  }
0x66: {  	_ =	shalt  }
0x67: {  	_ =	shalt  }
0x68: {  	_ =	shalt  }
0x69: {  	_ =	shalt  }
0x6a: {  	_ =	shalt  }
0x6b: {  	_ =	shalt  }
0x6c: {  	_ =	shalt  }
0x6d: {  	_ =	shalt  }
0x6e: {  	_ =	shalt  }
0x6f: {  	_ =	shalt  }
0x70: {  	_ =	shalt  }
0x71: {  	_ =	shalt  }
0x72: {  	_ =	shalt  }
0x73: {  	_ =	shalt  }
0x74: {  	_ =	shalt  }
0x75: {  	_ =	shalt  }
0x76: {  	_ =	shalt  }
0x77: {  	_ =	shalt  }
0x78: {  	_ =	shalt  }
0x79: {  	_ =	shalt  }
0x7a: {  	_ =	shalt  }
0x7b: {  	_ =	shalt  }
0x7c: {  	_ =	shalt  }
0x7d: {  	_ =	shalt  }
0x7e: {  	_ =	shalt  }
0x7f: {  	_ =	shalt  }
0x80: {  	_ =	shalt  }
0x81: {  	_ =	shalt  }
0x82: {  	_ =	shalt  }
0x83: {  	_ =	shalt  }
0x84: {  	_ =	shalt  }
0x85: {  	_ =	shalt  }
0x86: {  	_ =	shalt  }
0x87: {  	_ =	shalt  }
.Lfunc_end0:
.L_simem_size_0:
called_computation_lowered:
.L_overlay_start_0:
0x88: {  	s2 =	sld [smem:$0x3FD9]  }
0x89: {  	s3 =	sld [smem:$0x3FFE];
	_ =	sdelay $0x1  }
0x8a: {  	s1 =	srdreg.scid  }
0x8b: {  	s0 =	sand.u32 $0x1, s1  }
0x8c: {  	s17 =	sshll.u32 s0, $0xA;
	s2 =	sadd.s32 s3, s2  }
0x8d: {  	s2 =	sadd.s32 s2, s17  }
0x8e: {  	[smem:$0x3FC1] =	sst s2  }
0x8f: {  	_ = 	snop  }
0x90: {  	s2 =	sld [smem:$0x3FC9];
	(tm) =	ssettm $0x1  }
0x91: {  	s18 =	sld [smem:$0x3FFB];
	_ =	sdelay $0x3  }
0x92: {  	_ =	strace s18  }
0x93: {  	s3 =	sld [smem:$0x3FFC];
	_ =	sdelay $0x3  }
0x94: {  	_ =	strace s3  }
0x95: {  	s3 =	sld [smem:$0x3FFD];
	_ =	sdelay $0x3  }
0x96: {  	_ =	strace s3  }
0x97: {  	_ =	strace $0x8FFFFFFF  }
0x98: {  	s19 =	sld [smem:$0x3FDB];
	_ =	sdelay $0x1  }
0x99: {  	s4 =	simm.s32 $_scs_section_size  }
0x9a: {  	s5 =	simm.s32 $_size__tile_overlayer_lowered;
	s6 =	simm.s32 $_tile_overlayer_lowered  }
0x9b: {  	s22 =	simm.s32 $0x1BFF;
	s21 =	sshll.u32 s6, $0x1;
	s3 =	sadd.s32 s4, s19  }
0x9c: {  	s7 =	simm.s32 $0x0;
	s20 =	sshll.u32 s5, $0x1;
	s5 =	sadd.s32 s21, s3  }
0x9d: {  	[timem:s7], [sflag:s22] =	dma.local [hbm:s5], s20  }
0x9e: {  	_ =	swait.ge [sflag:s22], s20  }
0x9f: {  	s4 =	ssub.s32 $0x0, s20;
	[sflag:s22] =	ssyncset.done $0x0  }
0xa0: {  	[sflag:s22] =	ssyncadd.s32 s4;
	_ =	sdelay $0x1  }
0xa1: {  	s23 =	simm.s32 $0x1B8B  }
0xa2: {  	_ =	swait.ge [sflag:s23], $0x1  }
0xa3: {  	[sflag:s23] =	ssyncset.done $0x0  }
0xa4: {  	s25 =	simm.s32 $0x1B8E;
	s24 =	sld [smem:$0x3FFE];
	[sflag:s23] =	ssyncadd.s32 $0xFFFFFFFF  }
0xa5: {  	s26 =	simm.s32 $execute0_lowered;
	[smem:$0x3FD2] =	sst s25  }
0xa6: {  	s5 =	sshll.u32 s26, $0x1;
	_ =	strace $0x80000046;
	[dreg:$0x1] =	wrdreg $0xFFFFFFFF  }
0xa7: {  	s28 =	simm.s32 $_size_execute0_lowered;
	s3 =	sadd.s32 s3, s5;
	[dreg:$0x0] =	wrdreg $0x0  }
0xa8: {  	s5 =	sshll.u32 s28, $0x1;
	[dreg:$0x2] =	wrdreg s3  }
0xa9: {  	[dreg:$0x3] =	wrdreg s5  }
0xaa: {  	[dreg:$0x4] =	wrdreg $0xC0  }
0xab: {  	_ =	task [dreg:s7], $0x5FFFF  }
0xac: {  	[dreg:$0x1] =	wrdreg $0xFFFFFFFF  }
0xad: {  	[dreg:$0x0] =	wrdreg $0x60  }
0xae: {  	[dreg:$0x2] =	wrdreg s2  }
0xaf: {  	[dreg:$0x3] =	wrdreg s24  }
0xb0: {  	[dreg:$0x4] =	wrdreg $0x9  }
0xb1: {  	_ =	task.clear_ibuf [dreg:s7], $0x5FFFF;
	_ =	strace $0x90000046  }
0xb2: {  	s29 =	simm.s32 $0x9;
	_ =	strace $0x80000048  }
0xb3: {  	_ =	swait.ge [sflag:s29], $0x1  }
0xb4: {  	[sflag:s29] =	ssyncadd.s32 $0xFFFFFFFF  }
0xb5: {  	_ =	strace $0x90000048  }
0xb6: {  	_ =	sfence  }
0xb7: {  	s30 =	sld [smem:$0x0];
	_ =	sdelay $0x2  }
0xb8: {  	s31 =	sshll.u32 s1, $0xD;
	s1 =	sshrl.u32 s1, $0x2  }
0xb9: {  	s3 =	sand.u32 $0x4000, s31;
	s1 =	sadd.s32 s1, s30  }
0xba: {  	s0 =	sor.u32 s3, s0;
	s1 =	sshll.u32 s1, $0x11  }
0xbb: {  	s0 =	sor.u32 s1, s0  }
0xbc: {  	s0 =	sadd.s32 $0x8F2B, s0  }
0xbd: {  	[sflag:s0] =	ssyncadd.remote.s32 $0x1  }
0xbe: {  	_ =	sfence.sel $0xFFFF  }
0xbf: {  	[dreg:$0x0] =	wrdreg $0xFFFFFFFF;
	(pc) =	sbr.abs _section_cstart, $3  }
0xc0: {  	[dreg:$0x1] =	wrdreg $0xFFFFFFFF  }
0xc1: {  	_ =	task.clear_ibuf [dreg:s7], $0x2FFFF;
	_ =	strace $0x9FFFFFFF  }
0xc2: {  	(tm) =	ssettm $0x7FFFFFFF  }
0xc3: {  	_ =	shalt  }
tec
execute0_lowered:
.L_overlay_start_1:
0x0: {  	(tag) =	ssettag $0x1  }
0x1: {  	s0 =	srdreg.scid  }
0x2: {  	s1 =	rddreg [dreg:$0x0];
	s2 =	stileid.u32  }
0x3: {  	s6 =	rddreg [dreg:$0x1];
	s26 =	simm.s32 $0x80;
	s18 =	simm.s32 $0x100  }
0x4: {  	s22 =	simm.s32 $0x1900;
	s23 =	simm.s32 $0x2100;
	s28 =	simm.s32 $0x4100  }
0x5: {  	s29 =	simm.s32 $0x4900;
	s30 =	simm.s32 $0x5100;
	s31 =	simm.s32 $0x5900  }
0x6: {  	s10 =	simm.s32 $0x7100;
	s11 =	simm.s32 $0x7900;
	s12 =	simm.s32 $0x8100  }
0x7: {  	s13 =	simm.s32 $0x8900;
	s14 =	simm.s32 $0x9100;
	s15 =	simm.s32 $0x9900  }
0x8: {  	s16 =	simm.s32 $0xA100;
	s17 =	simm.s32 $0xA900;
	s19 =	simm.s32 $0xB900  }
0x9: {  	s0 =	sand.u32 $0x1, s0;
	s3 =	sshll.u32 s2, $0x7;
	s2 =	simm.s32 $0x0  }
0xa: {  	s8 =	sadd.s32 $0x11800, s6;
	s4 =	sshll.u32 s0, $0x6;
	[smem:$0x7FF] =	sst s2  }
0xb: {  	s0 =	ssub.s32 $0x2, s0;
	s5 =	sor.u32 s4, s3;
	_ =	strace $0x80000047  }
0xc: {  	s3 =	sadd.s32 $0x11A00, s6;
	s25 =	sshrl.u32 s0, $0x1;
	[dreg:$0x6] =	wrdreg s26  }
0xd: {  	s26 =	simm.s32 $0x3900;
	s7 =	sshll.u32 s5, $0x1;
	s5 =	sshll.u32 s5, $0x7  }
0xe: {  	s0 =	ssub.s32 s0, s25;
	s25 =	simm.s32 $0x3100;
	s9 =	sand.u32 $0xF00, s7  }
0xf: {  	s1 =	sadd.s32 s1, s5;
	s5 =	sadd.s32 $0x11C00, s6;
	s9 =	sor.u32 s4, s9  }
0x10: {  	s4 =	sor.u32 s4, s7;
	[dreg:$0x5] =	wrdreg s1;
	s24 =	sshrl.u32 s9, $0x3  }
0x11: {  	s4 =	sshrl.u32 s4, $0x3;
	s9 =	simm.s32 $0xB100;
	s7 =	sadd.s32 s8, s24  }
0x12: {  	v2 =	vlaneseq.u32;
	s4 =	sor.u32 $0x10, s4;
	s24 =	simm.s32 $0x2900;
	[dreg:$0x3] =	wrdreg s7  }
0x13: {  	vm0 =	vmmov $0xffff;
	v1 =	vshrl.u32 v2, $0x3;
	s4 =	sadd.s32 s8, s4;
	s7 =	smax.u32 s0, $0x1;
	s8 =	simm.s32 $0x3  }
0x14: {  	v0 =	vand.u32 $0x7, v2;
	v2 =	vor.u32 $0x8, v2;
	v1 =	vmul.u32 $0x8, v1;
	[dreg:$0x4] =	wrdreg s4;
	s4 =	sadd.s32 $0x11B00, s6;
	s6 =	sadd.s32 $0x11D00, s6  }
.LBB2_1:
0x15: {  	s20 =	rddreg [dreg:$0x3]  }
0x16: {  	[tilespmem:s2], [sflag:$0x3] =	stream.linear.gather [hbm4b:s20+s2], $0x40, $0x38;
	[tilespmem:$0x10100] =	vst v63  }
0x17: {  	_ =	swait.ge [sflag:s8], $0x40  }
0x18: {  	s0 =	rddreg [dreg:$0x4];
	[sflag:s8] =	ssyncset.done $0x0  }
0x19: {  	s21 =	rddreg [dreg:$0x6];
	[sflag:s8] =	ssyncadd.s32 $0xFFFFFFC0  }
0x1a: {  	[tilespmem:s21], [sflag:$0x3] =	stream.linear.gather [hbm4b:s0+s2], $0x40, $0x38;
	[tilespmem:$0x10100] =	vst v63  }
0x1b: {  	_ =	swait.ge [sflag:s8], $0x40  }
0x1c: {  	[sflag:s8] =	ssyncset.done $0x0  }
0x1d: {  	s1 =	rddreg [dreg:$0x5];
	[sflag:s8] =	ssyncadd.s32 $0xFFFFFFC0  }
0x1e: {  	[tilespmem:s18], [sflag:$0x3] =	stream.linear.gather [hbm4b:s1+s2], $0x10000, $0x38;
	[tilespmem:$0x10100] =	vst v63  }
0x1f: {  	_ =	swait.ge [sflag:s8], $0x10000  }
0x20: {  	[sflag:s8] =	ssyncset.done $0x0  }
0x21: {  	[sflag:s8] =	ssyncadd.s32 $0xFFFF0000  }
0x22: {  	v3 =	vld [tilespmem:$0x0];
	_ =	sdelay $0x4  }
0x23: {  	v4 =	vshll.u32 v3, $0x3  }
0x24: {  	v3 =	vand.u32 $0x7, v3;
	v4 =	vand.u32 $0xFFFFFFC0, v4  }
0x25: {  	v3 =	vor.u32 v3, v4  }
0x26: {  	v4 =	vperm.xlane v3, v0;
	_ =	sdelay $0x1  }
0x27: {  	v4 =	vadd.s32 v1, v4;
	_ =	sdelay $0x4  }
0x28: {  	[hbm4b:s3+s2] =	stream.indirect_vreg.scatter [tilespmem:s18], [sflag:$0x1], $0x80, v4, vm0, $0xb8;
	[tilespmem:$0x10100] =	vst v63  }
0x29: {  	s20 =	simm.s32 $0x900;
	v3 =	vperm.xlane v3, v2  }
0x2a: {  	[hbm4b:s4+s2] =	stream.indirect_vreg.scatter [tilespmem:s20], [sflag:$0x1], $0x80, v4, vm0, $0xb8;
	[tilespmem:$0x10100] =	vst v63  }
0x2b: {  	s21 =	simm.s32 $0x1100;
	v3 =	vadd.s32 v1, v3  }
0x2c: {  	[hbm4b:s5+s2] =	stream.indirect_vreg.scatter [tilespmem:s21], [sflag:$0x1], $0x80, v4, vm0, $0xb8;
	[tilespmem:$0x10100] =	vst v63  }
0x2d: {  	_ = 	snop  }
0x2e: {  	[hbm4b:s6+s2] =	stream.indirect_vreg.scatter [tilespmem:s22], [sflag:$0x1], $0x80, v4, vm0, $0xb8;
	[tilespmem:$0x10100] =	vst v63  }
0x2f: {  	_ = 	snop  }
0x30: {  	[hbm4b:s3+s2] =	stream.indirect_vreg.scatter [tilespmem:s23], [sflag:$0x1], $0x80, v3, vm0, $0xb8;
	[tilespmem:$0x10100] =	vst v63  }
0x31: {  	_ = 	snop  }
0x32: {  	[hbm4b:s4+s2] =	stream.indirect_vreg.scatter [tilespmem:s24], [sflag:$0x1], $0x80, v3, vm0, $0xb8;
	[tilespmem:$0x10100] =	vst v63  }
0x33: {  	_ = 	snop  }
0x34: {  	[hbm4b:s5+s2] =	stream.indirect_vreg.scatter [tilespmem:s25], [sflag:$0x1], $0x80, v3, vm0, $0xb8;
	[tilespmem:$0x10100] =	vst v63  }
0x35: {  	_ = 	snop  }
0x36: {  	[hbm4b:s6+s2] =	stream.indirect_vreg.scatter [tilespmem:s26], [sflag:$0x1], $0x80, v3, vm0, $0xb8;
	[tilespmem:$0x10100] =	vst v63  }
0x37: {  	v3 =	vld [tilespmem:$0x10];
	_ =	sdelay $0x4  }
0x38: {  	v57 =	vshll.u32 v3, $0x3  }
0x39: {  	v3 =	vand.u32 $0x7, v3;
	v4 =	vand.u32 $0xFFFFFFC0, v57  }
0x3a: {  	v3 =	vor.u32 v3, v4  }
0x3b: {  	v4 =	vperm.xlane v3, v0;
	_ =	sdelay $0x1  }
0x3c: {  	v4 =	vadd.s32 v1, v4;
	_ =	sdelay $0x4  }
0x3d: {  	[hbm4b:s3+s2] =	stream.indirect_vreg.scatter [tilespmem:s28], [sflag:$0x1], $0x80, v4, vm0, $0xb8;
	[tilespmem:$0x10100] =	vst v63  }
0x3e: {  	v3 =	vperm.xlane v3, v2  }
0x3f: {  	[hbm4b:s4+s2] =	stream.indirect_vreg.scatter [tilespmem:s29], [sflag:$0x1], $0x80, v4, vm0, $0xb8;
	[tilespmem:$0x10100] =	vst v63  }
0x40: {  	v3 =	vadd.s32 v1, v3  }
0x41: {  	[hbm4b:s5+s2] =	stream.indirect_vreg.scatter [tilespmem:s30], [sflag:$0x1], $0x80, v4, vm0, $0xb8;
	[tilespmem:$0x10100] =	vst v63  }
0x42: {  	_ = 	snop  }
0x43: {  	[hbm4b:s6+s2] =	stream.indirect_vreg.scatter [tilespmem:s31], [sflag:$0x1], $0x80, v4, vm0, $0xb8;
	[tilespmem:$0x10100] =	vst v63  }
0x44: {  	s1 =	simm.s32 $0x6100  }
0x45: {  	[hbm4b:s3+s2] =	stream.indirect_vreg.scatter [tilespmem:s1], [sflag:$0x1], $0x80, v3, vm0, $0xb8;
	[tilespmem:$0x10100] =	vst v63  }
0x46: {  	s0 =	simm.s32 $0x6900  }
0x47: {  	[hbm4b:s4+s2] =	stream.indirect_vreg.scatter [tilespmem:s0], [sflag:$0x1], $0x80, v3, vm0, $0xb8;
	[tilespmem:$0x10100] =	vst v63  }
0x48: {  	_ = 	snop  }
0x49: {  	[hbm4b:s5+s2] =	stream.indirect_vreg.scatter [tilespmem:s10], [sflag:$0x1], $0x80, v3, vm0, $0xb8;
	[tilespmem:$0x10100] =	vst v63  }
0x4a: {  	_ = 	snop  }
0x4b: {  	[hbm4b:s6+s2] =	stream.indirect_vreg.scatter [tilespmem:s11], [sflag:$0x1], $0x80, v3, vm0, $0xb8;
	[tilespmem:$0x10100] =	vst v63  }
0x4c: {  	v3 =	vld [tilespmem:$0x20];
	_ =	sdelay $0x4  }
0x4d: {  	v58 =	vshll.u32 v3, $0x3  }
0x4e: {  	v3 =	vand.u32 $0x7, v3;
	v4 =	vand.u32 $0xFFFFFFC0, v58  }
0x4f: {  	v3 =	vor.u32 v3, v4  }
0x50: {  	v4 =	vperm.xlane v3, v0;
	_ =	sdelay $0x1  }
0x51: {  	v4 =	vadd.s32 v1, v4;
	_ =	sdelay $0x4  }
0x52: {  	[hbm4b:s3+s2] =	stream.indirect_vreg.scatter [tilespmem:s12], [sflag:$0x1], $0x80, v4, vm0, $0xb8;
	[tilespmem:$0x10100] =	vst v63  }
0x53: {  	v3 =	vperm.xlane v3, v2  }
0x54: {  	[hbm4b:s4+s2] =	stream.indirect_vreg.scatter [tilespmem:s13], [sflag:$0x1], $0x80, v4, vm0, $0xb8;
	[tilespmem:$0x10100] =	vst v63  }
0x55: {  	v3 =	vadd.s32 v1, v3  }
0x56: {  	[hbm4b:s5+s2] =	stream.indirect_vreg.scatter [tilespmem:s14], [sflag:$0x1], $0x80, v4, vm0, $0xb8;
	[tilespmem:$0x10100] =	vst v63  }
0x57: {  	_ = 	snop  }
0x58: {  	[hbm4b:s6+s2] =	stream.indirect_vreg.scatter [tilespmem:s15], [sflag:$0x1], $0x80, v4, vm0, $0xb8;
	[tilespmem:$0x10100] =	vst v63  }
0x59: {  	_ = 	snop  }
0x5a: {  	[hbm4b:s3+s2] =	stream.indirect_vreg.scatter [tilespmem:s16], [sflag:$0x1], $0x80, v3, vm0, $0xb8;
	[tilespmem:$0x10100] =	vst v63  }
0x5b: {  	_ = 	snop  }
0x5c: {  	[hbm4b:s4+s2] =	stream.indirect_vreg.scatter [tilespmem:s17], [sflag:$0x1], $0x80, v3, vm0, $0xb8;
	[tilespmem:$0x10100] =	vst v63  }
0x5d: {  	_ = 	snop  }
0x5e: {  	[hbm4b:s5+s2] =	stream.indirect_vreg.scatter [tilespmem:s9], [sflag:$0x1], $0x80, v3, vm0, $0xb8;
	[tilespmem:$0x10100] =	vst v63  }
0x5f: {  	_ = 	snop  }
0x60: {  	[hbm4b:s6+s2] =	stream.indirect_vreg.scatter [tilespmem:s19], [sflag:$0x1], $0x80, v3, vm0, $0xb8;
	[tilespmem:$0x10100] =	vst v63  }
0x61: {  	v3 =	vld [tilespmem:$0x30];
	_ =	sdelay $0x4  }
0x62: {  	v59 =	vshll.u32 v3, $0x3  }
0x63: {  	v3 =	vand.u32 $0x7, v3;
	v4 =	vand.u32 $0xFFFFFFC0, v59  }
0x64: {  	v3 =	vor.u32 v3, v4  }
0x65: {  	v4 =	vperm.xlane v3, v0;
	_ =	sdelay $0x1  }
0x66: {  	v4 =	vadd.s32 v1, v4;
	_ =	sdelay $0x3  }
0x67: {  	s0 =	simm.s32 $0xC100  }
0x68: {  	[hbm4b:s3+s2] =	stream.indirect_vreg.scatter [tilespmem:s0], [sflag:$0x1], $0x80, v4, vm0, $0xb8;
	[tilespmem:$0x10100] =	vst v63  }
0x69: {  	v3 =	vperm.xlane v3, v2;
	s0 =	simm.s32 $0xC900  }
0x6a: {  	[hbm4b:s4+s2] =	stream.indirect_vreg.scatter [tilespmem:s0], [sflag:$0x1], $0x80, v4, vm0, $0xb8;
	[tilespmem:$0x10100] =	vst v63  }
0x6b: {  	v3 =	vadd.s32 v1, v3;
	s0 =	simm.s32 $0xD100  }
0x6c: {  	[hbm4b:s5+s2] =	stream.indirect_vreg.scatter [tilespmem:s0], [sflag:$0x1], $0x80, v4, vm0, $0xb8;
	[tilespmem:$0x10100] =	vst v63  }
0x6d: {  	s0 =	simm.s32 $0xD900  }
0x6e: {  	[hbm4b:s6+s2] =	stream.indirect_vreg.scatter [tilespmem:s0], [sflag:$0x1], $0x80, v4, vm0, $0xb8;
	[tilespmem:$0x10100] =	vst v63  }
0x6f: {  	s0 =	simm.s32 $0xE100  }
0x70: {  	[hbm4b:s3+s2] =	stream.indirect_vreg.scatter [tilespmem:s0], [sflag:$0x1], $0x80, v3, vm0, $0xb8;
	[tilespmem:$0x10100] =	vst v63  }
0x71: {  	s0 =	simm.s32 $0xE900  }
0x72: {  	[hbm4b:s4+s2] =	stream.indirect_vreg.scatter [tilespmem:s0], [sflag:$0x1], $0x80, v3, vm0, $0xb8;
	[tilespmem:$0x10100] =	vst v63  }
0x73: {  	s0 =	simm.s32 $0xF100  }
0x74: {  	[hbm4b:s5+s2] =	stream.indirect_vreg.scatter [tilespmem:s0], [sflag:$0x1], $0x80, v3, vm0, $0xb8;
	[tilespmem:$0x10100] =	vst v63  }
0x75: {  	s0 =	simm.s32 $0xF900  }
0x76: {  	[hbm4b:s6+s2] =	stream.indirect_vreg.scatter [tilespmem:s0], [sflag:$0x1], $0x80, v3, vm0, $0xb8;
	[tilespmem:$0x10100] =	vst v63  }
0x77: {  	v3 =	vld [tilespmem:$0x80];
	_ =	sdelay $0x4  }
0x78: {  	v60 =	vshll.u32 v3, $0x3  }
0x79: {  	v3 =	vand.u32 $0x7, v3;
	v4 =	vand.u32 $0xFFFFFFC0, v60  }
0x7a: {  	v3 =	vor.u32 v3, v4  }
0x7b: {  	v4 =	vperm.xlane v3, v0;
	_ =	sdelay $0x1  }
0x7c: {  	v4 =	vadd.s32 v1, v4;
	_ =	sdelay $0x4  }
0x7d: {  	[hbm4b:s3+s2] =	stream.indirect_vreg.scatter [tilespmem:s18], [sflag:$0x2], $0x80, v4, vm0, $0xb8;
	[tilespmem:$0x10100] =	vst v63  }
0x7e: {  	v3 =	vperm.xlane v3, v2  }
0x7f: {  	[hbm4b:s4+s2] =	stream.indirect_vreg.scatter [tilespmem:s20], [sflag:$0x2], $0x80, v4, vm0, $0xb8;
	[tilespmem:$0x10100] =	vst v63  }
0x80: {  	v3 =	vadd.s32 v1, v3  }
0x81: {  	[hbm4b:s5+s2] =	stream.indirect_vreg.scatter [tilespmem:s21], [sflag:$0x2], $0x80, v4, vm0, $0xb8;
	[tilespmem:$0x10100] =	vst v63  }
0x82: {  	_ = 	snop  }
0x83: {  	[hbm4b:s6+s2] =	stream.indirect_vreg.scatter [tilespmem:s22], [sflag:$0x2], $0x80, v4, vm0, $0xb8;
	[tilespmem:$0x10100] =	vst v63  }
0x84: {  	_ = 	snop  }
0x85: {  	[hbm4b:s3+s2] =	stream.indirect_vreg.scatter [tilespmem:s23], [sflag:$0x2], $0x80, v3, vm0, $0xb8;
	[tilespmem:$0x10100] =	vst v63  }
0x86: {  	_ = 	snop  }
0x87: {  	[hbm4b:s4+s2] =	stream.indirect_vreg.scatter [tilespmem:s24], [sflag:$0x2], $0x80, v3, vm0, $0xb8;
	[tilespmem:$0x10100] =	vst v63  }
0x88: {  	_ = 	snop  }
0x89: {  	[hbm4b:s5+s2] =	stream.indirect_vreg.scatter [tilespmem:s25], [sflag:$0x2], $0x80, v3, vm0, $0xb8;
	[tilespmem:$0x10100] =	vst v63  }
0x8a: {  	_ = 	snop  }
0x8b: {  	[hbm4b:s6+s2] =	stream.indirect_vreg.scatter [tilespmem:s26], [sflag:$0x2], $0x80, v3, vm0, $0xb8;
	[tilespmem:$0x10100] =	vst v63  }
0x8c: {  	v3 =	vld [tilespmem:$0x90];
	_ =	sdelay $0x4  }
0x8d: {  	v61 =	vshll.u32 v3, $0x3  }
0x8e: {  	v3 =	vand.u32 $0x7, v3;
	v4 =	vand.u32 $0xFFFFFFC0, v61  }
0x8f: {  	v3 =	vor.u32 v3, v4  }
0x90: {  	v4 =	vperm.xlane v3, v0;
	_ =	sdelay $0x1  }
0x91: {  	v4 =	vadd.s32 v1, v4;
	_ =	sdelay $0x4  }
0x92: {  	[hbm4b:s3+s2] =	stream.indirect_vreg.scatter [tilespmem:s28], [sflag:$0x2], $0x80, v4, vm0, $0xb8;
	[tilespmem:$0x10100] =	vst v63  }
0x93: {  	v3 =	vperm.xlane v3, v2  }
0x94: {  	[hbm4b:s4+s2] =	stream.indirect_vreg.scatter [tilespmem:s29], [sflag:$0x2], $0x80, v4, vm0, $0xb8;
	[tilespmem:$0x10100] =	vst v63  }
0x95: {  	v3 =	vadd.s32 v1, v3  }
0x96: {  	[hbm4b:s5+s2] =	stream.indirect_vreg.scatter [tilespmem:s30], [sflag:$0x2], $0x80, v4, vm0, $0xb8;
	[tilespmem:$0x10100] =	vst v63  }
0x97: {  	_ = 	snop  }
0x98: {  	[hbm4b:s6+s2] =	stream.indirect_vreg.scatter [tilespmem:s31], [sflag:$0x2], $0x80, v4, vm0, $0xb8;
	[tilespmem:$0x10100] =	vst v63  }
0x99: {  	_ = 	snop  }
0x9a: {  	[hbm4b:s3+s2] =	stream.indirect_vreg.scatter [tilespmem:s1], [sflag:$0x2], $0x80, v3, vm0, $0xb8;
	[tilespmem:$0x10100] =	vst v63  }
0x9b: {  	s20 =	simm.s32 $0x6900  }
0x9c: {  	[hbm4b:s4+s2] =	stream.indirect_vreg.scatter [tilespmem:s20], [sflag:$0x2], $0x80, v3, vm0, $0xb8;
	[tilespmem:$0x10100] =	vst v63  }
0x9d: {  	_ = 	snop  }
0x9e: {  	[hbm4b:s5+s2] =	stream.indirect_vreg.scatter [tilespmem:s10], [sflag:$0x2], $0x80, v3, vm0, $0xb8;
	[tilespmem:$0x10100] =	vst v63  }
0x9f: {  	_ = 	snop  }
0xa0: {  	[hbm4b:s6+s2] =	stream.indirect_vreg.scatter [tilespmem:s11], [sflag:$0x2], $0x80, v3, vm0, $0xb8;
	[tilespmem:$0x10100] =	vst v63  }
0xa1: {  	v3 =	vld [tilespmem:$0xA0];
	_ =	sdelay $0x4  }
0xa2: {  	v62 =	vshll.u32 v3, $0x3  }
0xa3: {  	v3 =	vand.u32 $0x7, v3;
	v4 =	vand.u32 $0xFFFFFFC0, v62  }
0xa4: {  	v3 =	vor.u32 v3, v4  }
0xa5: {  	v4 =	vperm.xlane v3, v0;
	_ =	sdelay $0x1  }
0xa6: {  	v4 =	vadd.s32 v1, v4;
	_ =	sdelay $0x4  }
0xa7: {  	[hbm4b:s3+s2] =	stream.indirect_vreg.scatter [tilespmem:s12], [sflag:$0x2], $0x80, v4, vm0, $0xb8;
	[tilespmem:$0x10100] =	vst v63  }
0xa8: {  	v3 =	vperm.xlane v3, v2  }
0xa9: {  	[hbm4b:s4+s2] =	stream.indirect_vreg.scatter [tilespmem:s13], [sflag:$0x2], $0x80, v4, vm0, $0xb8;
	[tilespmem:$0x10100] =	vst v63  }
0xaa: {  	v3 =	vadd.s32 v1, v3  }
0xab: {  	[hbm4b:s5+s2] =	stream.indirect_vreg.scatter [tilespmem:s14], [sflag:$0x2], $0x80, v4, vm0, $0xb8;
	[tilespmem:$0x10100] =	vst v63  }
0xac: {  	_ = 	snop  }
0xad: {  	[hbm4b:s6+s2] =	stream.indirect_vreg.scatter [tilespmem:s15], [sflag:$0x2], $0x80, v4, vm0, $0xb8;
	[tilespmem:$0x10100] =	vst v63  }
0xae: {  	_ = 	snop  }
0xaf: {  	[hbm4b:s3+s2] =	stream.indirect_vreg.scatter [tilespmem:s16], [sflag:$0x2], $0x80, v3, vm0, $0xb8;
	[tilespmem:$0x10100] =	vst v63  }
0xb0: {  	_ = 	snop  }
0xb1: {  	[hbm4b:s4+s2] =	stream.indirect_vreg.scatter [tilespmem:s17], [sflag:$0x2], $0x80, v3, vm0, $0xb8;
	[tilespmem:$0x10100] =	vst v63  }
0xb2: {  	_ = 	snop  }
0xb3: {  	[hbm4b:s5+s2] =	stream.indirect_vreg.scatter [tilespmem:s9], [sflag:$0x2], $0x80, v3, vm0, $0xb8;
	[tilespmem:$0x10100] =	vst v63  }
0xb4: {  	_ = 	snop  }
0xb5: {  	[hbm4b:s6+s2] =	stream.indirect_vreg.scatter [tilespmem:s19], [sflag:$0x2], $0x80, v3, vm0, $0xb8;
	[tilespmem:$0x10100] =	vst v63  }
0xb6: {  	v3 =	vld [tilespmem:$0xB0];
	_ =	sdelay $0x4  }
0xb7: {  	v63 =	vshll.u32 v3, $0x3  }
0xb8: {  	v3 =	vand.u32 $0x7, v3;
	v4 =	vand.u32 $0xFFFFFFC0, v63  }
0xb9: {  	v3 =	vor.u32 v3, v4  }
0xba: {  	v4 =	vperm.xlane v3, v0;
	_ =	sdelay $0x1  }
0xbb: {  	v4 =	vadd.s32 v1, v4;
	_ =	sdelay $0x3  }
0xbc: {  	s21 =	simm.s32 $0xC100  }
0xbd: {  	[hbm4b:s3+s2] =	stream.indirect_vreg.scatter [tilespmem:s21], [sflag:$0x2], $0x80, v4, vm0, $0xb8;
	[tilespmem:$0x10100] =	vst v63  }
0xbe: {  	s20 =	simm.s32 $0xC900;
	v3 =	vperm.xlane v3, v2  }
0xbf: {  	[hbm4b:s4+s2] =	stream.indirect_vreg.scatter [tilespmem:s20], [sflag:$0x2], $0x80, v4, vm0, $0xb8;
	[tilespmem:$0x10100] =	vst v63  }
0xc0: {  	v3 =	vadd.s32 v1, v3;
	s21 =	simm.s32 $0xD100  }
0xc1: {  	[hbm4b:s5+s2] =	stream.indirect_vreg.scatter [tilespmem:s21], [sflag:$0x2], $0x80, v4, vm0, $0xb8;
	[tilespmem:$0x10100] =	vst v63  }
0xc2: {  	s20 =	simm.s32 $0xD900  }
0xc3: {  	[hbm4b:s6+s2] =	stream.indirect_vreg.scatter [tilespmem:s20], [sflag:$0x2], $0x80, v4, vm0, $0xb8;
	[tilespmem:$0x10100] =	vst v63  }
0xc4: {  	s21 =	simm.s32 $0xE100  }
0xc5: {  	[hbm4b:s3+s2] =	stream.indirect_vreg.scatter [tilespmem:s21], [sflag:$0x2], $0x80, v3, vm0, $0xb8;
	[tilespmem:$0x10100] =	vst v63  }
0xc6: {  	s20 =	simm.s32 $0xE900  }
0xc7: {  	[hbm4b:s4+s2] =	stream.indirect_vreg.scatter [tilespmem:s20], [sflag:$0x2], $0x80, v3, vm0, $0xb8;
	[tilespmem:$0x10100] =	vst v63  }
0xc8: {  	s21 =	simm.s32 $0xF100  }
0xc9: {  	[hbm4b:s5+s2] =	stream.indirect_vreg.scatter [tilespmem:s21], [sflag:$0x2], $0x80, v3, vm0, $0xb8;
	[tilespmem:$0x10100] =	vst v63  }
0xca: {  	s20 =	simm.s32 $0x1  }
0xcb: {  	[hbm4b:s6+s2] =	stream.indirect_vreg.scatter [tilespmem:s0], [sflag:$0x2], $0x80, v3, vm0, $0xb8;
	[tilespmem:$0x10100] =	vst v63  }
0xcc: {  	p0 =	sne.s32 s7, $0x1;
	_ =	swait.ge [sflag:s20], $0x10000  }
.Ltmp0:
0xcd: {  	[sflag:s20] =	ssyncset.done $0x0;
	(pc) =	sbr.rel @p0 .LBB2_1-.Ltmp0, $4  }
0xce: {  	s21 =	simm.s32 $0x2;
	[sflag:s20] =	ssyncadd.s32 $0xFFFF0000  }
0xcf: {  	_ =	swait.ge [sflag:s21], $0x10000  }
0xd0: {  	[sflag:s21] =	ssyncset.done $0x0  }
0xd1: {  	s7 =	sadd.s32 $0xFFFFFFFF, s7;
	[sflag:s21] =	ssyncadd.s32 $0xFFFF0000  }
0xd2: {  	_ =	sfence.sel $0x180000  }
0xd3: {  	[bflag:$0x0] =	sbarrier.arrive $0xFFFF  }
0xd4: {  	_ =	strace $0x90000047  }
0xd5: {  	s0 =	stileid.u32;
	[bflag:$0x2] =	sbarrier.arrive $0xFFFF  }
0xd6: {  	p0 =	sne.s32 s0, $0x0;
	s0 =	rddreg [dreg:$0x2]  }
0xd7: {  	s0 =	sadd.s32 @!p0 $0x100000, s0  }
0xd8: {  	[sflag:s0] =	ssyncadd.tile.s32 @!p0 $0x1;
	_ =	shalt  }
.Lfunc_end2:
_tile_overlayer_lowered:
.L_overlay_start_2:
0xd9: {  	(tag) =	ssettag $0x2  }
0xda: {  	s0 =	rddreg [dreg:$0x0];
	s2 =	stileid.u32  }
0xdb: {  	s1 =	rddreg [dreg:$0x1];
	p0 =	sne.s32 s2, $0x0  }
0xdc: {  	s3 =	rddreg [dreg:$0x2];
	[bflag:$0x3] =	sbarrier.arrive $0xFFFF;
	s2 =	simm.s32 @!p0 $0x1C03  }
0xdd: {  	[timem:s3], [sflag:s2] =	dma.local @!p0 [hbm:s0], s1  }
0xde: {  	s0 =	simm.s32 @!p0 $0x3  }
0xdf: {  	_ =	swait.ge @!p0 [sflag:s0], s1  }
0xe0: {  	s1 =	ssub.s32 @!p0 $0x0, s1;
	[sflag:s0] =	ssyncset.done @!p0 $0x0  }
0xe1: {  	[sflag:s0] =	ssyncadd.s32 @!p0 s1  }
0xe2: {  	[bflag:$0x3] =	sbarrier.arrive $0xFFFF  }
0xe3: {  	_ =	shalt  }

// kernel: _moe.9.cloned.1.call-start
scs
__scs_entry_jumppad:
0x0: {  	(pc) =	sbr.rel $0x88, $3  }
0x1: {  	(tag) =	ssettag $0x0;
	lr =	simm.s32 $0x1  }
0x2: {  	[smem:$0x3F9A] =	sst lr;
	_ =	strace $0xD0000000  }
0x3: {  	_ = 	snop  }
0x4: {  	_ = 	snop  }
0x5: {  	_ = 	snop  }
0x6: {  	_ = 	snop  }
0x7: {  	_ = 	snop  }
__scs_overlays_trampoline_lowered:
0x8: {  	[smem:$0x3FA9] =	sst s0  }
0x9: {  	[smem:$0x3FAA] =	sst s1  }
0xa: {  	[smem:$0x3FAB] =	sst s2  }
0xb: {  	[smem:$0x3FAC] =	sst s3  }
0xc: {  	[smem:$0x3FAD] =	sst s4  }
0xd: {  	[smem:$0x3FAE] =	sst s5  }
0xe: {  	[smem:$0x3FAF] =	sst s6  }
0xf: {  	[smem:$0x3FB0] =	sst s7  }
0x10: {  	[smem:$0x3FB1] =	sst s8  }
0x11: {  	[smem:$0x3FB2] =	sst s9;
	s0 =	simm.s32 @!p0 $0x0  }
0x12: {  	s1 =	sld [smem:$0x3F98];
	s0 =	simm.s32 @p0 $0x1  }
0x13: {  	[smem:$0x3FB3] =	sst s0;
	s0 =	simm.s32 @!p1 $0x0  }
0x14: {  	s2 =	sld [smem:$0x3F97];
	s0 =	simm.s32 @p1 $0x1  }
0x15: {  	[smem:$0x3FB4] =	sst s0;
	s0 =	simm.s32 @!p2 $0x0  }
0x16: {  	s3 =	sld [smem:$0x3FDB];
	s0 =	simm.s32 @p2 $0x1  }
0x17: {  	s4 =	simm.s32 $0x1BF5;
	[smem:$0x3FB6] =	sst s0  }
0x18: {  	s0 =	sld [smem:$0x3F99];
	_ =	swait.ge [sflag:s4], $0x0  }
0x19: {  	s7 =	sld [smem:$0x3F9A]  }
0x1a: {  	s8 =	sadd.s32 $0xFFFFE003, lr  }
0x1b: {  	s9 =	sadd.s32 $0xFFFFFEF7, lr;
	s5 =	simm.s32 $0xFFFFFFFF;
	p2 =	slt.u32 s8, $0xFFFFF086  }
0x1c: {  	p1 =	slt.u32 s9, $0xF7A;
	s5 =	simm.s32 @!p2 $0x0  }
0x1d: {  	s5 =	simm.s32 @p1 $0x1;
	p0 =	seq.s32 s7, s2  }
0x1e: {  	s7 =	smul.u32 @!p0 $0xF7A, s2;
	p2 =	seq.s32 @!p0 s5, $0x0  }
0x1f: {  	s9 =	smul.u32 $0xF7A, s1;
	s8 =	simm.s32 @!p0 $0x1BF5;
	p2 =	por !p2, p0  }
0x20: {  	[sflag:s8] =	ssyncset.s32 @!p0 $0xFFFFF086;
	s6 =	sadd.s32 @!p0 s3, s7;
	s7 =	simm.s32 @!p0 $0x108  }
0x21: {  	s3 =	sadd.s32 s3, s9;
	s6 =	sadd.s32 @!p0 $0x88, s6;
	s7 =	simm.s32 @p2 $0x1082  }
0x22: {  	[simem:s7], [sflag:s8] =	dma.local @!p0 [hbm:s6], $0xF7A  }
0x23: {  	s9 =	sor.u32 $0xD0000000, s2;
	s6 =	simm.s32 $0x108;
	_ =	swait.ge @!p0 [sflag:s8], $0x0  }
0x24: {  	s3 =	sadd.s32 $0x88, s3;
	s6 =	simm.s32 @!p1 $0x1082;
	[sflag:s4] =	ssyncset.s32 $0xFFFFF086  }
0x25: {  	[simem:s6], [sflag:s4] =	dma.local [hbm:s3], $0xF7A  }
0x26: {  	[smem:$0x3F9A] =	sst s1;
	(tag) =	ssettag s2;
	_ =	strace s9  }
0x27: {  	s1 =	sld [smem:$0x3FAA]  }
0x28: {  	s2 =	sld [smem:$0x3FAB]  }
0x29: {  	s4 =	sld [smem:$0x3FAD]  }
0x2a: {  	p0 =	seq.s32 s5, $0x0;
	s5 =	sld [smem:$0x3FAE]  }
0x2b: {  	s6 =	sld [smem:$0x3FAF]  }
0x2c: {  	s7 =	sld [smem:$0x3FB0]  }
0x2d: {  	s3 =	simm.s32 $0x108;
	s8 =	sld [smem:$0x3FB1]  }
0x2e: {  	s3 =	simm.s32 @!p0 $0x1082;
	s9 =	sld [smem:$0x3FB2]  }
0x2f: {  	lr =	sadd.s32 s0, s3;
	s0 =	sld [smem:$0x3FA9]  }
0x30: {  	s3 =	sld [smem:$0x3FAC]  }
0x31: {  	[smem:$0x3FB5] =	sst s10  }
0x32: {  	s10 =	sld [smem:$0x3FB3];
	_ =	sdelay $0x3  }
0x33: {  	p0 =	seq.s32 s10, $0x1;
	s10 =	sld [smem:$0x3FB5];
	_ =	sdelay $0x3  }
0x34: {  	[smem:$0x3FB5] =	sst s10  }
0x35: {  	s10 =	sld [smem:$0x3FB4];
	_ =	sdelay $0x3  }
0x36: {  	p1 =	seq.s32 s10, $0x1;
	s10 =	sld [smem:$0x3FB5];
	_ =	sdelay $0x3  }
0x37: {  	[smem:$0x3FB5] =	sst s10  }
0x38: {  	s10 =	sld [smem:$0x3FB6]  }
0x39: {  	_ = 	snop;
	(pc) =	sbr.ind lr, $3  }
0x3a: {  	_ = 	snop  }
0x3b: {  	_ = 	snop  }
0x3c: {  	p2 =	seq.s32 s10, $0x1;
	s10 =	sld [smem:$0x3FB5]  }
0x3d: {  	_ =	shalt  }
0x3e: {  	_ =	shalt  }
0x3f: {  	_ =	shalt  }
0x40: {  	_ =	shalt  }
0x41: {  	_ =	shalt  }
0x42: {  	_ =	shalt  }
0x43: {  	_ =	shalt  }
0x44: {  	_ =	shalt  }
0x45: {  	_ =	shalt  }
0x46: {  	_ =	shalt  }
0x47: {  	_ =	shalt  }
0x48: {  	_ =	shalt  }
0x49: {  	_ =	shalt  }
0x4a: {  	_ =	shalt  }
0x4b: {  	_ =	shalt  }
0x4c: {  	_ =	shalt  }
0x4d: {  	_ =	shalt  }
0x4e: {  	_ =	shalt  }
0x4f: {  	_ =	shalt  }
0x50: {  	_ =	shalt  }
0x51: {  	_ =	shalt  }
0x52: {  	_ =	shalt  }
0x53: {  	_ =	shalt  }
0x54: {  	_ =	shalt  }
0x55: {  	_ =	shalt  }
0x56: {  	_ =	shalt  }
0x57: {  	_ =	shalt  }
0x58: {  	_ =	shalt  }
0x59: {  	_ =	shalt  }
0x5a: {  	_ =	shalt  }
0x5b: {  	_ =	shalt  }
0x5c: {  	_ =	shalt  }
0x5d: {  	_ =	shalt  }
0x5e: {  	_ =	shalt  }
0x5f: {  	_ =	shalt  }
0x60: {  	_ =	shalt  }
0x61: {  	_ =	shalt  }
0x62: {  	_ =	shalt  }
0x63: {  	_ =	shalt  }
0x64: {  	_ =	shalt  }
0x65: {  	_ =	shalt  }
0x66: {  	_ =	shalt  }
0x67: {  	_ =	shalt  }
0x68: {  	_ =	shalt  }
0x69: {  	_ =	shalt  }
0x6a: {  	_ =	shalt  }
0x6b: {  	_ =	shalt  }
0x6c: {  	_ =	shalt  }
0x6d: {  	_ =	shalt  }
0x6e: {  	_ =	shalt  }
0x6f: {  	_ =	shalt  }
0x70: {  	_ =	shalt  }
0x71: {  	_ =	shalt  }
0x72: {  	_ =	shalt  }
0x73: {  	_ =	shalt  }
0x74: {  	_ =	shalt  }
0x75: {  	_ =	shalt  }
0x76: {  	_ =	shalt  }
0x77: {  	_ =	shalt  }
0x78: {  	_ =	shalt  }
0x79: {  	_ =	shalt  }
0x7a: {  	_ =	shalt  }
0x7b: {  	_ =	shalt  }
0x7c: {  	_ =	shalt  }
0x7d: {  	_ =	shalt  }
0x7e: {  	_ =	shalt  }
0x7f: {  	_ =	shalt  }
0x80: {  	_ =	shalt  }
0x81: {  	_ =	shalt  }
0x82: {  	_ =	shalt  }
0x83: {  	_ =	shalt  }
0x84: {  	_ =	shalt  }
0x85: {  	_ =	shalt  }
0x86: {  	_ =	shalt  }
0x87: {  	_ =	shalt  }
.Lfunc_end0:
.L_simem_size_0:
called_computation.1_lowered:
.L_overlay_start_0:
0x88: {  	s2 =	sld [smem:$0x3FD9]  }
0x89: {  	s3 =	sld [smem:$0x3FFE];
	_ =	sdelay $0x1  }
0x8a: {  	s1 =	srdreg.scid  }
0x8b: {  	s0 =	sand.u32 $0x1, s1  }
0x8c: {  	s14 =	sshll.u32 s0, $0xA;
	s2 =	sadd.s32 s3, s2  }
0x8d: {  	s2 =	sadd.s32 s2, s14  }
0x8e: {  	[smem:$0x3FC1] =	sst s2  }
0x8f: {  	_ = 	snop  }
0x90: {  	s2 =	sld [smem:$0x3FD0];
	_ =	sdelay $0x2  }
0x91: {  	s15 =	simm.s32 $0xA;
	s4 =	simm.s32 $0x10  }
0x92: {  	[smem:s4], [sflag:s15] =	dma.local [hbm:s2], $0x1  }
0x93: {  	_ =	swait.eq [sflag:s15], $0x1  }
0x94: {  	[sflag:s15] =	ssyncset.done $0x0  }
0x95: {  	[sflag:s15] =	ssyncadd.s32 $0xFFFFFFFF  }
0x96: {  	s16 =	sld [smem:$0x10];
	(tm) =	ssettm $0x1  }
0x97: {  	s17 =	sld [smem:$0x3FFB];
	_ =	sdelay $0x3  }
0x98: {  	_ =	strace s17  }
0x99: {  	s3 =	sld [smem:$0x3FFC];
	_ =	sdelay $0x3  }
0x9a: {  	_ =	strace s3  }
0x9b: {  	s3 =	sld [smem:$0x3FFD];
	_ =	sdelay $0x3  }
0x9c: {  	_ =	strace s3  }
0x9d: {  	_ =	strace $0x8FFFFFFF  }
0x9e: {  	s18 =	sld [smem:$0x3FDB];
	_ =	sdelay $0x1  }
0x9f: {  	s19 =	simm.s32 $_scs_section_size  }
0xa0: {  	s5 =	simm.s32 $_size__tile_overlayer_lowered;
	s6 =	simm.s32 $_tile_overlayer_lowered  }
0xa1: {  	s22 =	simm.s32 $0x1BFF;
	s21 =	sshll.u32 s6, $0x1;
	s3 =	sadd.s32 s19, s18  }
0xa2: {  	s7 =	simm.s32 $0x0;
	s20 =	sshll.u32 s5, $0x1;
	s5 =	sadd.s32 s21, s3  }
0xa3: {  	[timem:s7], [sflag:s22] =	dma.local [hbm:s5], s20  }
0xa4: {  	_ =	swait.ge [sflag:s22], s20  }
0xa5: {  	s4 =	ssub.s32 $0x0, s20;
	[sflag:s22] =	ssyncset.done $0x0  }
0xa6: {  	[sflag:s22] =	ssyncadd.s32 s4;
	_ =	sdelay $0x1  }
0xa7: {  	s23 =	simm.s32 $0x1B8B  }
0xa8: {  	_ =	swait.ge [sflag:s23], $0x1  }
0xa9: {  	[sflag:s23] =	ssyncset.done $0x0  }
0xaa: {  	s25 =	simm.s32 $0x1B8E;
	s24 =	sld [smem:$0x3FFE];
	[sflag:s23] =	ssyncadd.s32 $0xFFFFFFFF  }
0xab: {  	s26 =	simm.s32 $execute0_lowered;
	[smem:$0x3FD2] =	sst s25  }
0xac: {  	s5 =	sshll.u32 s26, $0x1;
	_ =	strace $0x80000049;
	[dreg:$0x1] =	wrdreg $0xFFFFFFFF  }
0xad: {  	s28 =	simm.s32 $_size_execute0_lowered;
	s3 =	sadd.s32 s3, s5;
	[dreg:$0x0] =	wrdreg $0x0  }
0xae: {  	s5 =	sshll.u32 s28, $0x1;
	[dreg:$0x2] =	wrdreg s3  }
0xaf: {  	[dreg:$0x3] =	wrdreg s5  }
0xb0: {  	[dreg:$0x4] =	wrdreg $0xC0  }
0xb1: {  	_ =	task [dreg:s7], $0x5FFFF  }
0xb2: {  	[dreg:$0x1] =	wrdreg $0xFFFFFFFF  }
0xb3: {  	[dreg:$0x0] =	wrdreg $0x60  }
0xb4: {  	[dreg:$0x2] =	wrdreg s24  }
0xb5: {  	[dreg:$0x3] =	wrdreg s16  }
0xb6: {  	[dreg:$0x4] =	wrdreg $0x9  }
0xb7: {  	_ =	task.clear_ibuf [dreg:s7], $0x5FFFF;
	_ =	strace $0x90000049  }
0xb8: {  	s29 =	simm.s32 $0x9;
	_ =	strace $0x8000004B  }
0xb9: {  	_ =	swait.ge [sflag:s29], $0x1  }
0xba: {  	[sflag:s29] =	ssyncadd.s32 $0xFFFFFFFF  }
0xbb: {  	_ =	strace $0x9000004B  }
0xbc: {  	_ =	sfence  }
0xbd: {  	s30 =	sld [smem:$0x0];
	_ =	sdelay $0x2  }
0xbe: {  	s31 =	sshll.u32 s1, $0xD;
	s1 =	sshrl.u32 s1, $0x2  }
0xbf: {  	s3 =	sand.u32 $0x4000, s31;
	s1 =	sadd.s32 s1, s30  }
0xc0: {  	s0 =	sor.u32 s3, s0;
	s1 =	sshll.u32 s1, $0x11  }
0xc1: {  	s0 =	sor.u32 s1, s0  }
0xc2: {  	s0 =	sadd.s32 $0x8F2B, s0  }
0xc3: {  	[sflag:s0] =	ssyncadd.remote.s32 $0x1  }
0xc4: {  	_ =	sfence.sel $0xFFFF  }
0xc5: {  	[dreg:$0x0] =	wrdreg $0xFFFFFFFF;
	(pc) =	sbr.abs _section_cstart, $3  }
0xc6: {  	[dreg:$0x1] =	wrdreg $0xFFFFFFFF  }
0xc7: {  	_ =	task.clear_ibuf [dreg:s7], $0x2FFFF;
	_ =	strace $0x9FFFFFFF  }
0xc8: {  	(tm) =	ssettm $0x7FFFFFFF  }
0xc9: {  	_ =	shalt  }
tec
execute0_lowered:
.L_overlay_start_1:
0x0: {  	(tag) =	ssettag $0x1  }
0x1: {  	s0 =	rddreg [dreg:$0x0]  }
0x2: {  	s1 =	rddreg [dreg:$0x1]  }
0x3: {  	s3 =	srdreg.scid;
	s2 =	simm.s32 $0x0;
	s5 =	stileid.u32  }
0x4: {  	s18 =	simm.s32 $0x3;
	s19 =	simm.s32 $0xE900;
	s20 =	simm.s32 $0xF100  }
0x5: {  	s21 =	simm.s32 $0xF900;
	s28 =	simm.s32 $0x2;
	s29 =	simm.s32 $0x12100  }
0x6: {  	s4 =	sand.u32 $0x1, s3;
	[smem:$0x7FF] =	sst s2;
	s5 =	sshll.u32 s5, $0x7  }
0x7: {  	s3 =	sadd.s32 $0x101A00, s0;
	s13 =	sadd.s32 $0x11800, s0;
	s14 =	sadd.s32 $0x1800, s0  }
0x8: {  	s15 =	sadd.s32 $0x9800, s0;
	s9 =	sadd.s32 $0x101C00, s0;
	s6 =	sshll.u32 s4, $0x6  }
0x9: {  	s10 =	sadd.s32 $0x101D00, s0;
	s4 =	ssub.s32 $0x2, s4;
	s5 =	sor.u32 s6, s5  }
0xa: {  	_ =	strace $0x8000004A;
	s7 =	sshrl.u32 s4, $0x1;
	s11 =	sshll.u32 s5, $0x1  }
0xb: {  	s4 =	ssub.s32 s4, s7;
	s23 =	sshll.u32 s5, $0x4;
	s16 =	sor.u32 $0x20, s5  }
0xc: {  	s5 =	sshll.u32 s5, $0x7;
	s12 =	sand.u32 $0xF00, s11;
	s24 =	sadd.s32 s14, s23  }
0xd: {  	s17 =	sand.u32 $0x60, s16;
	s30 =	sshll.u32 s16, $0x4;
	s31 =	sshll.u32 s16, $0x7  }
0xe: {  	s8 =	sor.u32 s6, s12;
	s6 =	sor.u32 s6, s11;
	[dreg:$0x5] =	wrdreg s24  }
0xf: {  	s25 =	sor.u32 s11, s17;
	s12 =	sor.u32 s17, s12;
	s11 =	sadd.s32 s1, s5  }
0x10: {  	s14 =	sadd.s32 s14, s30;
	s16 =	sadd.s32 s1, s31;
	s17 =	smax.u32 s4, $0x1  }
0x11: {  	s24 =	simm.s32 $0x11100;
	s4 =	simm.s32 $0x0;
	s22 =	sshrl.u32 s8, $0x3  }
0x12: {  	s6 =	sshrl.u32 s6, $0x3;
	s8 =	sadd.s32 $0x101B00, s0;
	s0 =	sshrl.u32 s25, $0x3  }
0x13: {  	s26 =	sshrl.u32 s12, $0x3;
	s25 =	simm.s32 $0x11900;
	s7 =	sadd.s32 s13, s22  }
0x14: {  	s6 =	sor.u32 $0x10, s6;
	s0 =	sor.u32 $0x10, s0;
	s12 =	sadd.s32 s13, s26  }
0x15: {  	v2 =	vlaneseq.u32;
	s22 =	simm.s32 $0x10100;
	s26 =	simm.s32 $0x1;
	[dreg:$0x3] =	wrdreg s7  }
0x16: {  	vm0 =	vmmov $0xffff;
	v1 =	vshrl.u32 v2, $0x3;
	s6 =	sadd.s32 s13, s6;
	s7 =	sadd.s32 s15, s23;
	s13 =	sadd.s32 s13, s0  }
0x17: {  	v0 =	vand.u32 $0x7, v2;
	v2 =	vor.u32 $0x8, v2;
	v1 =	vmul.u32 $0x8, v1;
	s15 =	sadd.s32 s15, s30;
	s23 =	simm.s32 $0x10900;
	[dreg:$0x4] =	wrdreg s6  }
.LBB2_1:
0x18: {  	s0 =	rddreg [dreg:$0x3]  }
0x19: {  	[tilespmem:s2], [sflag:$0x3] =	stream.linear.gather [hbm4b:s0+s2], $0x20, $0x38;
	[tilespmem:$0x1A100] =	vst v63  }
0x1a: {  	_ =	swait.ge [sflag:s18], $0x20  }
0x1b: {  	[sflag:s18] =	ssyncset.done $0x0  }
0x1c: {  	s1 =	simm.s32 $0x80;
	s6 =	rddreg [dreg:$0x4];
	[sflag:s18] =	ssyncadd.s32 $0xFFFFFFE0  }
0x1d: {  	[tilespmem:s1], [sflag:$0x3] =	stream.linear.gather [hbm4b:s6+s2], $0x20, $0x38;
	[tilespmem:$0x1A100] =	vst v63  }
0x1e: {  	_ =	swait.ge [sflag:s18], $0x20  }
0x1f: {  	[sflag:s18] =	ssyncset.done $0x0  }
0x20: {  	s6 =	simm.s32 $0x100;
	s5 =	rddreg [dreg:$0x5];
	[sflag:s18] =	ssyncadd.s32 $0xFFFFFFE0  }
0x21: {  	[tilespmem:s6], [sflag:$0x3] =	stream.linear.gather [hbm4b:s5+s2], $0x1000, $0x38;
	[tilespmem:$0x1A100] =	vst v63  }
0x22: {  	_ =	swait.ge [sflag:s18], $0x1000  }
0x23: {  	[sflag:s18] =	ssyncset.done $0x0  }
0x24: {  	s5 =	simm.s32 $0x1100;
	[sflag:s18] =	ssyncadd.s32 $0xFFFFF000  }
0x25: {  	[tilespmem:s5], [sflag:$0x3] =	stream.linear.gather [hbm4b:s7+s2], $0x1000, $0x38;
	[tilespmem:$0x1A100] =	vst v63  }
0x26: {  	_ =	swait.ge [sflag:s18], $0x1000  }
0x27: {  	[sflag:s18] =	ssyncset.done $0x0  }
0x28: {  	[sflag:s18] =	ssyncadd.s32 $0xFFFFF000  }
0x29: {  	v3 =	vld [tilespmem:$0x0];
	_ =	sdelay $0x4  }
0x2a: {  	v4 =	vshll.u32 v3, $0x3  }
0x2b: {  	v3 =	vand.u32 $0x7, v3;
	v4 =	vand.u32 $0xFFFFFFC0, v4  }
0x2c: {  	v3 =	vor.u32 v3, v4  }
0x2d: {  	v4 =	vperm.xlane v3, v0;
	_ =	sdelay $0x1  }
0x2e: {  	v4 =	vadd.s32 v1, v4;
	_ =	sdelay $0x3  }
0x2f: {  	s6 =	simm.s32 $0x2100  }
0x30: {  	[tilespmem:s6], [sflag:$0x1] =	stream.indirect_vreg.gather [hbm4b:s3+s2], $0x80, v4, vm0, $0xb8;
	[tilespmem:$0x1A100] =	vst v63  }
0x31: {  	s1 =	simm.s32 $0x2900;
	v3 =	vperm.xlane v3, v2  }
0x32: {  	[tilespmem:s1], [sflag:$0x1] =	stream.indirect_vreg.gather [hbm4b:s8+s2], $0x80, v4, vm0, $0xb8;
	[tilespmem:$0x1A100] =	vst v63  }
0x33: {  	s5 =	simm.s32 $0x3100;
	v3 =	vadd.s32 v1, v3  }
0x34: {  	[tilespmem:s5], [sflag:$0x1] =	stream.indirect_vreg.gather [hbm4b:s9+s2], $0x80, v4, vm0, $0xb8;
	[tilespmem:$0x1A100] =	vst v63  }
0x35: {  	s6 =	simm.s32 $0x3900  }
0x36: {  	[tilespmem:s6], [sflag:$0x1] =	stream.indirect_vreg.gather [hbm4b:s10+s2], $0x80, v4, vm0, $0xb8;
	[tilespmem:$0x1A100] =	vst v63  }
0x37: {  	s1 =	simm.s32 $0x4100  }
0x38: {  	[tilespmem:s1], [sflag:$0x1] =	stream.indirect_vreg.gather [hbm4b:s3+s2], $0x80, v3, vm0, $0xb8;
	[tilespmem:$0x1A100] =	vst v63  }
0x39: {  	s5 =	simm.s32 $0x4900  }
0x3a: {  	[tilespmem:s5], [sflag:$0x1] =	stream.indirect_vreg.gather [hbm4b:s8+s2], $0x80, v3, vm0, $0xb8;
	[tilespmem:$0x1A100] =	vst v63  }
0x3b: {  	s6 =	simm.s32 $0x5100  }
0x3c: {  	[tilespmem:s6], [sflag:$0x1] =	stream.indirect_vreg.gather [hbm4b:s9+s2], $0x80, v3, vm0, $0xb8;
	[tilespmem:$0x1A100] =	vst v63  }
0x3d: {  	s1 =	simm.s32 $0x5900  }
0x3e: {  	[tilespmem:s1], [sflag:$0x1] =	stream.indirect_vreg.gather [hbm4b:s10+s2], $0x80, v3, vm0, $0xb8;
	[tilespmem:$0x1A100] =	vst v63  }
0x3f: {  	v3 =	vld [tilespmem:$0x10];
	_ =	sdelay $0x4  }
0x40: {  	v4 =	vshll.u32 v3, $0x3  }
0x41: {  	v3 =	vand.u32 $0x7, v3;
	v4 =	vand.u32 $0xFFFFFFC0, v4  }
0x42: {  	v3 =	vor.u32 v3, v4  }
0x43: {  	v4 =	vperm.xlane v3, v0;
	_ =	sdelay $0x1  }
0x44: {  	v4 =	vadd.s32 v1, v4;
	_ =	sdelay $0x3  }
0x45: {  	s5 =	simm.s32 $0x6100  }
0x46: {  	[tilespmem:s5], [sflag:$0x1] =	stream.indirect_vreg.gather [hbm4b:s3+s2], $0x80, v4, vm0, $0xb8;
	[tilespmem:$0x1A100] =	vst v63  }
0x47: {  	s6 =	simm.s32 $0x6900;
	v3 =	vperm.xlane v3, v2  }
0x48: {  	[tilespmem:s6], [sflag:$0x1] =	stream.indirect_vreg.gather [hbm4b:s8+s2], $0x80, v4, vm0, $0xb8;
	[tilespmem:$0x1A100] =	vst v63  }
0x49: {  	s1 =	simm.s32 $0x7100;
	v3 =	vadd.s32 v1, v3  }
0x4a: {  	[tilespmem:s1], [sflag:$0x1] =	stream.indirect_vreg.gather [hbm4b:s9+s2], $0x80, v4, vm0, $0xb8;
	[tilespmem:$0x1A100] =	vst v63  }
0x4b: {  	s5 =	simm.s32 $0x7900  }
0x4c: {  	[tilespmem:s5], [sflag:$0x1] =	stream.indirect_vreg.gather [hbm4b:s10+s2], $0x80, v4, vm0, $0xb8;
	[tilespmem:$0x1A100] =	vst v63  }
0x4d: {  	s6 =	simm.s32 $0x8100  }
0x4e: {  	[tilespmem:s6], [sflag:$0x1] =	stream.indirect_vreg.gather [hbm4b:s3+s2], $0x80, v3, vm0, $0xb8;
	[tilespmem:$0x1A100] =	vst v63  }
0x4f: {  	s1 =	simm.s32 $0x8900  }
0x50: {  	[tilespmem:s1], [sflag:$0x1] =	stream.indirect_vreg.gather [hbm4b:s8+s2], $0x80, v3, vm0, $0xb8;
	[tilespmem:$0x1A100] =	vst v63  }
0x51: {  	s5 =	simm.s32 $0x9100  }
0x52: {  	[tilespmem:s5], [sflag:$0x1] =	stream.indirect_vreg.gather [hbm4b:s9+s2], $0x80, v3, vm0, $0xb8;
	[tilespmem:$0x1A100] =	vst v63  }
0x53: {  	s6 =	simm.s32 $0x9900  }
0x54: {  	[tilespmem:s6], [sflag:$0x1] =	stream.indirect_vreg.gather [hbm4b:s10+s2], $0x80, v3, vm0, $0xb8;
	[tilespmem:$0x1A100] =	vst v63  }
0x55: {  	v3 =	vld [tilespmem:$0x80];
	_ =	sdelay $0x4  }
0x56: {  	v4 =	vshll.u32 v3, $0x3  }
0x57: {  	v3 =	vand.u32 $0x7, v3;
	v4 =	vand.u32 $0xFFFFFFC0, v4  }
0x58: {  	v3 =	vor.u32 v3, v4  }
0x59: {  	v4 =	vperm.xlane v3, v0;
	_ =	sdelay $0x1  }
0x5a: {  	v4 =	vadd.s32 v1, v4;
	_ =	sdelay $0x3  }
0x5b: {  	s1 =	simm.s32 $0xA100  }
0x5c: {  	[tilespmem:s1], [sflag:$0x2] =	stream.indirect_vreg.gather [hbm4b:s3+s2], $0x80, v4, vm0, $0xb8;
	[tilespmem:$0x1A100] =	vst v63  }
0x5d: {  	s5 =	simm.s32 $0xA900;
	v3 =	vperm.xlane v3, v2  }
0x5e: {  	[tilespmem:s5], [sflag:$0x2] =	stream.indirect_vreg.gather [hbm4b:s8+s2], $0x80, v4, vm0, $0xb8;
	[tilespmem:$0x1A100] =	vst v63  }
0x5f: {  	s6 =	simm.s32 $0xB100;
	v3 =	vadd.s32 v1, v3  }
0x60: {  	[tilespmem:s6], [sflag:$0x2] =	stream.indirect_vreg.gather [hbm4b:s9+s2], $0x80, v4, vm0, $0xb8;
	[tilespmem:$0x1A100] =	vst v63  }
0x61: {  	s1 =	simm.s32 $0xB900  }
0x62: {  	[tilespmem:s1], [sflag:$0x2] =	stream.indirect_vreg.gather [hbm4b:s10+s2], $0x80, v4, vm0, $0xb8;
	[tilespmem:$0x1A100] =	vst v63  }
0x63: {  	s5 =	simm.s32 $0xC100  }
0x64: {  	[tilespmem:s5], [sflag:$0x2] =	stream.indirect_vreg.gather [hbm4b:s3+s2], $0x80, v3, vm0, $0xb8;
	[tilespmem:$0x1A100] =	vst v63  }
0x65: {  	s6 =	simm.s32 $0xC900  }
0x66: {  	[tilespmem:s6], [sflag:$0x2] =	stream.indirect_vreg.gather [hbm4b:s8+s2], $0x80, v3, vm0, $0xb8;
	[tilespmem:$0x1A100] =	vst v63  }
0x67: {  	s1 =	simm.s32 $0xD100  }
0x68: {  	[tilespmem:s1], [sflag:$0x2] =	stream.indirect_vreg.gather [hbm4b:s9+s2], $0x80, v3, vm0, $0xb8;
	[tilespmem:$0x1A100] =	vst v63  }
0x69: {  	s5 =	simm.s32 $0xD900  }
0x6a: {  	[tilespmem:s5], [sflag:$0x2] =	stream.indirect_vreg.gather [hbm4b:s10+s2], $0x80, v3, vm0, $0xb8;
	[tilespmem:$0x1A100] =	vst v63  }
0x6b: {  	v3 =	vld [tilespmem:$0x90];
	_ =	sdelay $0x4  }
0x6c: {  	v4 =	vshll.u32 v3, $0x3  }
0x6d: {  	v3 =	vand.u32 $0x7, v3;
	v4 =	vand.u32 $0xFFFFFFC0, v4  }
0x6e: {  	v3 =	vor.u32 v3, v4  }
0x6f: {  	v4 =	vperm.xlane v3, v0;
	_ =	sdelay $0x1  }
0x70: {  	v4 =	vadd.s32 v1, v4;
	_ =	sdelay $0x3  }
0x71: {  	s6 =	simm.s32 $0xE100  }
0x72: {  	[tilespmem:s6], [sflag:$0x2] =	stream.indirect_vreg.gather [hbm4b:s3+s2], $0x80, v4, vm0, $0xb8;
	[tilespmem:$0x1A100] =	vst v63  }
0x73: {  	v3 =	vperm.xlane v3, v2  }
0x74: {  	[tilespmem:s19], [sflag:$0x2] =	stream.indirect_vreg.gather [hbm4b:s8+s2], $0x80, v4, vm0, $0xb8;
	[tilespmem:$0x1A100] =	vst v63  }
0x75: {  	v3 =	vadd.s32 v1, v3  }
0x76: {  	[tilespmem:s20], [sflag:$0x2] =	stream.indirect_vreg.gather [hbm4b:s9+s2], $0x80, v4, vm0, $0xb8;
	[tilespmem:$0x1A100] =	vst v63  }
0x77: {  	_ = 	snop  }
0x78: {  	[tilespmem:s21], [sflag:$0x2] =	stream.indirect_vreg.gather [hbm4b:s10+s2], $0x80, v4, vm0, $0xb8;
	[tilespmem:$0x1A100] =	vst v63  }
0x79: {  	_ = 	snop  }
0x7a: {  	[tilespmem:s22], [sflag:$0x2] =	stream.indirect_vreg.gather [hbm4b:s3+s2], $0x80, v3, vm0, $0xb8;
	[tilespmem:$0x1A100] =	vst v63  }
0x7b: {  	_ = 	snop  }
0x7c: {  	[tilespmem:s23], [sflag:$0x2] =	stream.indirect_vreg.gather [hbm4b:s8+s2], $0x80, v3, vm0, $0xb8;
	[tilespmem:$0x1A100] =	vst v63  }
0x7d: {  	_ = 	snop  }
0x7e: {  	[tilespmem:s24], [sflag:$0x2] =	stream.indirect_vreg.gather [hbm4b:s9+s2], $0x80, v3, vm0, $0xb8;
	[tilespmem:$0x1A100] =	vst v63  }
0x7f: {  	_ = 	snop  }
0x80: {  	[tilespmem:s25], [sflag:$0x2] =	stream.indirect_vreg.gather [hbm4b:s10+s2], $0x80, v3, vm0, $0xb8;
	[tilespmem:$0x1A100] =	vst v63  }
0x81: {  	_ =	swait.ge [sflag:s26], $0x8000  }
0x82: {  	[sflag:s26] =	ssyncset.done $0x0  }
0x83: {  	[sflag:s26] =	ssyncadd.s32 $0xFFFF8000  }
0x84: {  	_ =	swait.ge [sflag:s28], $0x8000  }
0x85: {  	[sflag:s28] =	ssyncset.done $0x0  }
0x86: {  	[sflag:s28] =	ssyncadd.s32 $0xFFFF8000  }
0x87: {  	s1 =	sand.u32 $0x70, s2;
	s5 =	sand.u32 $0x1C00, s2;
	v3 =	vld [tilespmem:$0x100]  }
0x88: {  	s30 =	sor.u32 s1, s5;
	v4 =	vld [tilespmem:$0x1100]  }
0x89: {  	v5 =	vld [tilespmem:s30+$0x2100]  }
0x8a: {  	v6 =	vld [tilespmem:s30+$0xA100];
	_ =	sdelay $0x1  }
0x8b: {  	s5 =	simm.s32 $0x10;
	s6 =	simm.s32 $0x80  }
0x8c: {  	s0 =	sand.u32 $0x70, s5;
	s5 =	sand.u32 $0x1C00, s6  }
0x8d: {  	s31 =	sor.u32 s0, s5  }
0x8e: {  	v7 =	vmul.f32 v5, v3;
	v8 =	vmul.f32 v6, v4;
	v5 =	vld [tilespmem:s31+$0x2100]  }
0x8f: {  	v6 =	vld [tilespmem:s31+$0xA100]  }
0x90: {  	s0 =	simm.s32 $0x20;
	s5 =	simm.s32 $0x100;
	v7 =	vadd.f32 v8, v7  }
.LBB2_2:
0x91: {  	s1 =	sand.u32 $0x70, s0  }
0x92: {  	s6 =	sand.u32 $0x1C00, s5;
	[tilespmem:s30+$0x12100] =	vst v7;
	s30 =	smov.u32 s31;
	p0 =	sne.s32 s0, $0x3F0  }
.Ltmp0:
0x93: {  	s0 =	sadd.s32 $0x10, s0;
	s31 =	sor.u32 s1, s6;
	(pc) =	sbr.rel @p0 .LBB2_2-.Ltmp0, $4  }
0x94: {  	v7 =	vmul.f32 v5, v3;
	v5 =	vld [tilespmem:s31+$0x2100];
	v8 =	vmul.f32 v6, v4  }
0x95: {  	v6 =	vld [tilespmem:s31+$0xA100]  }
0x96: {  	v7 =	vadd.f32 v8, v7  }
0x97: {  	s5 =	sadd.s32 $0x80, s5  }
0x98: {  	_ =	sdelay $0x1  }
0x99: {  	v3 =	vmul.f32 v5, v3;
	v4 =	vmul.f32 v6, v4;
	_ =	sdelay $0x1  }
0x9a: {  	v3 =	vadd.f32 v4, v3  }
0x9b: {  	[tilespmem:s30+$0x12100] =	vst v7  }
0x9c: {  	s0 =	simm.s32 $0x0;
	[tilespmem:s31+$0x12100] =	vst v3  }
0x9d: {  	s1 =	sand.u32 $0x70, s0;
	s0 =	sand.u32 $0x1C00, s0;
	v3 =	vld [tilespmem:$0x180]  }
0x9e: {  	s30 =	sor.u32 s0, s1;
	v4 =	vld [tilespmem:$0x1180]  }
0x9f: {  	v5 =	vld [tilespmem:s30+$0x2180]  }
0xa0: {  	v6 =	vld [tilespmem:s30+$0xA180];
	_ =	sdelay $0x1  }
0xa1: {  	s5 =	simm.s32 $0x10;
	s6 =	simm.s32 $0x80  }
0xa2: {  	s0 =	sand.u32 $0x70, s5;
	s1 =	sand.u32 $0x1C00, s6  }
0xa3: {  	s31 =	sor.u32 s1, s0  }
0xa4: {  	v7 =	vmul.f32 v5, v3;
	v8 =	vmul.f32 v6, v4;
	v5 =	vld [tilespmem:s31+$0x2180]  }
0xa5: {  	v6 =	vld [tilespmem:s31+$0xA180]  }
0xa6: {  	s5 =	simm.s32 $0x100;
	s0 =	simm.s32 $0x20;
	v7 =	vadd.f32 v8, v7  }
.LBB2_4:
0xa7: {  	s1 =	sand.u32 $0x70, s0  }
0xa8: {  	s6 =	sand.u32 $0x1C00, s5;
	[tilespmem:s30+$0x12180] =	vst v7;
	s30 =	smov.u32 s31;
	p0 =	sne.s32 s0, $0x3F0  }
.Ltmp1:
0xa9: {  	s0 =	sadd.s32 $0x10, s0;
	s31 =	sor.u32 s6, s1;
	(pc) =	sbr.rel @p0 .LBB2_4-.Ltmp1, $4  }
0xaa: {  	v7 =	vmul.f32 v5, v3;
	v5 =	vld [tilespmem:s31+$0x2180];
	v8 =	vmul.f32 v6, v4  }
0xab: {  	v6 =	vld [tilespmem:s31+$0xA180]  }
0xac: {  	v7 =	vadd.f32 v8, v7  }
0xad: {  	s5 =	sadd.s32 $0x80, s5  }
0xae: {  	_ =	sdelay $0x1  }
0xaf: {  	v3 =	vmul.f32 v5, v3;
	v4 =	vmul.f32 v6, v4;
	_ =	sdelay $0x1  }
0xb0: {  	v3 =	vadd.f32 v4, v3  }
0xb1: {  	[tilespmem:s30+$0x12180] =	vst v7  }
0xb2: {  	s0 =	simm.s32 $0x0;
	[tilespmem:s31+$0x12180] =	vst v3  }
0xb3: {  	s1 =	sand.u32 $0x70, s0;
	s0 =	sand.u32 $0x1C00, s0;
	v3 =	vld [tilespmem:$0x200]  }
0xb4: {  	s30 =	sor.u32 s0, s1;
	v4 =	vld [tilespmem:$0x1200]  }
0xb5: {  	v5 =	vld [tilespmem:s30+$0x2200]  }
0xb6: {  	v6 =	vld [tilespmem:s30+$0xA200];
	_ =	sdelay $0x1  }
0xb7: {  	s5 =	simm.s32 $0x10;
	s6 =	simm.s32 $0x80  }
0xb8: {  	s0 =	sand.u32 $0x70, s5;
	s1 =	sand.u32 $0x1C00, s6  }
0xb9: {  	s31 =	sor.u32 s1, s0  }
0xba: {  	v7 =	vmul.f32 v5, v3;
	v8 =	vmul.f32 v6, v4;
	v5 =	vld [tilespmem:s31+$0x2200]  }
0xbb: {  	v6 =	vld [tilespmem:s31+$0xA200]  }
0xbc: {  	s5 =	simm.s32 $0x100;
	s0 =	simm.s32 $0x20;
	v7 =	vadd.f32 v8, v7  }
.LBB2_6:
0xbd: {  	s1 =	sand.u32 $0x70, s0  }
0xbe: {  	s6 =	sand.u32 $0x1C00, s5;
	[tilespmem:s30+$0x12200] =	vst v7;
	s30 =	smov.u32 s31;
	p0 =	sne.s32 s0, $0x3F0  }
.Ltmp2:
0xbf: {  	s0 =	sadd.s32 $0x10, s0;
	s31 =	sor.u32 s6, s1;
	(pc) =	sbr.rel @p0 .LBB2_6-.Ltmp2, $4  }
0xc0: {  	v7 =	vmul.f32 v5, v3;
	v5 =	vld [tilespmem:s31+$0x2200];
	v8 =	vmul.f32 v6, v4  }
0xc1: {  	v6 =	vld [tilespmem:s31+$0xA200]  }
0xc2: {  	v7 =	vadd.f32 v8, v7  }
0xc3: {  	s5 =	sadd.s32 $0x80, s5  }
0xc4: {  	_ =	sdelay $0x1  }
0xc5: {  	v3 =	vmul.f32 v5, v3;
	v4 =	vmul.f32 v6, v4;
	_ =	sdelay $0x1  }
0xc6: {  	v3 =	vadd.f32 v4, v3  }
0xc7: {  	[tilespmem:s30+$0x12200] =	vst v7  }
0xc8: {  	s0 =	simm.s32 $0x0;
	[tilespmem:s31+$0x12200] =	vst v3  }
0xc9: {  	s1 =	sand.u32 $0x70, s0;
	s0 =	sand.u32 $0x1C00, s0;
	v3 =	vld [tilespmem:$0x280]  }
0xca: {  	s30 =	sor.u32 s0, s1;
	v4 =	vld [tilespmem:$0x1280]  }
0xcb: {  	v5 =	vld [tilespmem:s30+$0x2280]  }
0xcc: {  	v6 =	vld [tilespmem:s30+$0xA280];
	_ =	sdelay $0x1  }
0xcd: {  	s5 =	simm.s32 $0x10;
	s6 =	simm.s32 $0x80  }
0xce: {  	s0 =	sand.u32 $0x70, s5;
	s1 =	sand.u32 $0x1C00, s6  }
0xcf: {  	s31 =	sor.u32 s1, s0  }
0xd0: {  	v7 =	vmul.f32 v5, v3;
	v8 =	vmul.f32 v6, v4;
	v5 =	vld [tilespmem:s31+$0x2280]  }
0xd1: {  	v6 =	vld [tilespmem:s31+$0xA280]  }
0xd2: {  	s5 =	simm.s32 $0x100;
	s0 =	simm.s32 $0x20;
	v7 =	vadd.f32 v8, v7  }
.LBB2_8:
0xd3: {  	s1 =	sand.u32 $0x70, s0  }
0xd4: {  	s6 =	sand.u32 $0x1C00, s5;
	[tilespmem:s30+$0x12280] =	vst v7;
	s30 =	smov.u32 s31;
	p0 =	sne.s32 s0, $0x3F0  }
.Ltmp3:
0xd5: {  	s0 =	sadd.s32 $0x10, s0;
	s31 =	sor.u32 s6, s1;
	(pc) =	sbr.rel @p0 .LBB2_8-.Ltmp3, $4  }
0xd6: {  	v7 =	vmul.f32 v5, v3;
	v5 =	vld [tilespmem:s31+$0x2280];
	v8 =	vmul.f32 v6, v4  }
0xd7: {  	v6 =	vld [tilespmem:s31+$0xA280]  }
0xd8: {  	v7 =	vadd.f32 v8, v7  }
0xd9: {  	s5 =	sadd.s32 $0x80, s5  }
0xda: {  	_ =	sdelay $0x1  }
0xdb: {  	v3 =	vmul.f32 v5, v3;
	v4 =	vmul.f32 v6, v4;
	_ =	sdelay $0x1  }
0xdc: {  	v3 =	vadd.f32 v4, v3  }
0xdd: {  	[tilespmem:s30+$0x12280] =	vst v7  }
0xde: {  	s0 =	simm.s32 $0x0;
	[tilespmem:s31+$0x12280] =	vst v3  }
0xdf: {  	s1 =	sand.u32 $0x70, s0;
	s0 =	sand.u32 $0x1C00, s0;
	v3 =	vld [tilespmem:$0x300]  }
0xe0: {  	s30 =	sor.u32 s0, s1;
	v4 =	vld [tilespmem:$0x1300]  }
0xe1: {  	v5 =	vld [tilespmem:s30+$0x2300]  }
0xe2: {  	v6 =	vld [tilespmem:s30+$0xA300];
	_ =	sdelay $0x1  }
0xe3: {  	s5 =	simm.s32 $0x10;
	s6 =	simm.s32 $0x80  }
0xe4: {  	s0 =	sand.u32 $0x70, s5;
	s1 =	sand.u32 $0x1C00, s6  }
0xe5: {  	s31 =	sor.u32 s1, s0  }
0xe6: {  	v7 =	vmul.f32 v5, v3;
	v8 =	vmul.f32 v6, v4;
	v5 =	vld [tilespmem:s31+$0x2300]  }
0xe7: {  	v6 =	vld [tilespmem:s31+$0xA300]  }
0xe8: {  	s5 =	simm.s32 $0x100;
	s0 =	simm.s32 $0x20;
	v7 =	vadd.f32 v8, v7  }
.LBB2_10:
0xe9: {  	s1 =	sand.u32 $0x70, s0  }
0xea: {  	s6 =	sand.u32 $0x1C00, s5;
	[tilespmem:s30+$0x12300] =	vst v7;
	s30 =	smov.u32 s31;
	p0 =	sne.s32 s0, $0x3F0  }
.Ltmp4:
0xeb: {  	s0 =	sadd.s32 $0x10, s0;
	s31 =	sor.u32 s6, s1;
	(pc) =	sbr.rel @p0 .LBB2_10-.Ltmp4, $4  }
0xec: {  	v7 =	vmul.f32 v5, v3;
	v5 =	vld [tilespmem:s31+$0x2300];
	v8 =	vmul.f32 v6, v4  }
0xed: {  	v6 =	vld [tilespmem:s31+$0xA300]  }
0xee: {  	v7 =	vadd.f32 v8, v7  }
0xef: {  	s5 =	sadd.s32 $0x80, s5  }
0xf0: {  	_ =	sdelay $0x1  }
0xf1: {  	v3 =	vmul.f32 v5, v3;
	v4 =	vmul.f32 v6, v4;
	_ =	sdelay $0x1  }
0xf2: {  	v3 =	vadd.f32 v4, v3  }
0xf3: {  	[tilespmem:s30+$0x12300] =	vst v7  }
0xf4: {  	s0 =	simm.s32 $0x0;
	[tilespmem:s31+$0x12300] =	vst v3  }
0xf5: {  	s1 =	sand.u32 $0x70, s0;
	s0 =	sand.u32 $0x1C00, s0;
	v3 =	vld [tilespmem:$0x380]  }
0xf6: {  	s30 =	sor.u32 s0, s1;
	v4 =	vld [tilespmem:$0x1380]  }
0xf7: {  	v5 =	vld [tilespmem:s30+$0x2380]  }
0xf8: {  	v6 =	vld [tilespmem:s30+$0xA380];
	_ =	sdelay $0x1  }
0xf9: {  	s5 =	simm.s32 $0x10;
	s6 =	simm.s32 $0x80  }
0xfa: {  	s0 =	sand.u32 $0x70, s5;
	s1 =	sand.u32 $0x1C00, s6  }
0xfb: {  	s31 =	sor.u32 s1, s0  }
0xfc: {  	v7 =	vmul.f32 v5, v3;
	v8 =	vmul.f32 v6, v4;
	v5 =	vld [tilespmem:s31+$0x2380]  }
0xfd: {  	v6 =	vld [tilespmem:s31+$0xA380]  }
0xfe: {  	s5 =	simm.s32 $0x100;
	s0 =	simm.s32 $0x20;
	v7 =	vadd.f32 v8, v7  }
.LBB2_12:
0xff: {  	s1 =	sand.u32 $0x70, s0  }
0x100: {  	s6 =	sand.u32 $0x1C00, s5;
	[tilespmem:s30+$0x12380] =	vst v7;
	s30 =	smov.u32 s31;
	p0 =	sne.s32 s0, $0x3F0  }
.Ltmp5:
0x101: {  	s0 =	sadd.s32 $0x10, s0;
	s31 =	sor.u32 s6, s1;
	(pc) =	sbr.rel @p0 .LBB2_12-.Ltmp5, $4  }
0x102: {  	v7 =	vmul.f32 v5, v3;
	v5 =	vld [tilespmem:s31+$0x2380];
	v8 =	vmul.f32 v6, v4  }
0x103: {  	v6 =	vld [tilespmem:s31+$0xA380]  }
0x104: {  	v7 =	vadd.f32 v8, v7  }
0x105: {  	s5 =	sadd.s32 $0x80, s5  }
0x106: {  	_ =	sdelay $0x1  }
0x107: {  	v3 =	vmul.f32 v5, v3;
	v4 =	vmul.f32 v6, v4;
	_ =	sdelay $0x1  }
0x108: {  	v3 =	vadd.f32 v4, v3  }
0x109: {  	[tilespmem:s30+$0x12380] =	vst v7  }
0x10a: {  	s0 =	simm.s32 $0x0;
	[tilespmem:s31+$0x12380] =	vst v3  }
0x10b: {  	s1 =	sand.u32 $0x70, s0;
	s0 =	sand.u32 $0x1C00, s0;
	v3 =	vld [tilespmem:$0x400]  }
0x10c: {  	s30 =	sor.u32 s0, s1;
	v4 =	vld [tilespmem:$0x1400]  }
0x10d: {  	v5 =	vld [tilespmem:s30+$0x2400]  }
0x10e: {  	v6 =	vld [tilespmem:s30+$0xA400];
	_ =	sdelay $0x1  }
0x10f: {  	s5 =	simm.s32 $0x10;
	s6 =	simm.s32 $0x80  }
0x110: {  	s0 =	sand.u32 $0x70, s5;
	s1 =	sand.u32 $0x1C00, s6  }
0x111: {  	s31 =	sor.u32 s1, s0  }
0x112: {  	v7 =	vmul.f32 v5, v3;
	v8 =	vmul.f32 v6, v4;
	v5 =	vld [tilespmem:s31+$0x2400]  }
0x113: {  	v6 =	vld [tilespmem:s31+$0xA400]  }
0x114: {  	s5 =	simm.s32 $0x100;
	s0 =	simm.s32 $0x20;
	v7 =	vadd.f32 v8, v7  }
.LBB2_14:
0x115: {  	s1 =	sand.u32 $0x70, s0  }
0x116: {  	s6 =	sand.u32 $0x1C00, s5;
	[tilespmem:s30+$0x12400] =	vst v7;
	s30 =	smov.u32 s31;
	p0 =	sne.s32 s0, $0x3F0  }
.Ltmp6:
0x117: {  	s0 =	sadd.s32 $0x10, s0;
	s31 =	sor.u32 s6, s1;
	(pc) =	sbr.rel @p0 .LBB2_14-.Ltmp6, $4  }
0x118: {  	v7 =	vmul.f32 v5, v3;
	v5 =	vld [tilespmem:s31+$0x2400];
	v8 =	vmul.f32 v6, v4  }
0x119: {  	v6 =	vld [tilespmem:s31+$0xA400]  }
0x11a: {  	v7 =	vadd.f32 v8, v7  }
0x11b: {  	s5 =	sadd.s32 $0x80, s5  }
0x11c: {  	_ =	sdelay $0x1  }
0x11d: {  	v3 =	vmul.f32 v5, v3;
	v4 =	vmul.f32 v6, v4;
	_ =	sdelay $0x1  }
0x11e: {  	v3 =	vadd.f32 v4, v3  }
0x11f: {  	[tilespmem:s30+$0x12400] =	vst v7  }
0x120: {  	s0 =	simm.s32 $0x0;
	[tilespmem:s31+$0x12400] =	vst v3  }
0x121: {  	s0 =	sor.u32 s0, s0;
	v3 =	vld [tilespmem:$0x480]  }
0x122: {  	s30 =	sor.u32 $0x380, s0;
	v4 =	vld [tilespmem:$0x1480]  }
0x123: {  	v5 =	vld [tilespmem:s30+$0x2100]  }
0x124: {  	v6 =	vld [tilespmem:s30+$0xA100];
	_ =	sdelay $0x1  }
0x125: {  	s6 =	simm.s32 $0x10;
	s1 =	simm.s32 $0x80  }
0x126: {  	s0 =	sor.u32 s1, s6  }
0x127: {  	s31 =	sor.u32 $0x380, s0  }
0x128: {  	v7 =	vmul.f32 v5, v3;
	v8 =	vmul.f32 v6, v4;
	v5 =	vld [tilespmem:s31+$0x2100]  }
0x129: {  	v6 =	vld [tilespmem:s31+$0xA100]  }
0x12a: {  	v7 =	vadd.f32 v8, v7  }
0x12b: {  	s5 =	simm.s32 $0x100;
	s0 =	simm.s32 $0x20  }
.LBB2_16:
0x12c: {  	s1 =	sor.u32 s5, s0;
	[tilespmem:s30+$0x12100] =	vst v7;
	s30 =	smov.u32 s31;
	p0 =	sne.s32 s0, $0x3F0  }
.Ltmp7:
0x12d: {  	s0 =	sadd.s32 $0x10, s0;
	s31 =	sor.u32 $0x380, s1;
	(pc) =	sbr.rel @p0 .LBB2_16-.Ltmp7, $4  }
0x12e: {  	v7 =	vmul.f32 v5, v3;
	v5 =	vld [tilespmem:s31+$0x2100];
	v8 =	vmul.f32 v6, v4  }
0x12f: {  	v6 =	vld [tilespmem:s31+$0xA100]  }
0x130: {  	v7 =	vadd.f32 v8, v7  }
0x131: {  	s5 =	sadd.s32 $0x80, s5  }
0x132: {  	_ =	sdelay $0x1  }
0x133: {  	v3 =	vmul.f32 v5, v3;
	v4 =	vmul.f32 v6, v4;
	_ =	sdelay $0x1  }
0x134: {  	v3 =	vadd.f32 v4, v3  }
0x135: {  	[tilespmem:s30+$0x12100] =	vst v7  }
0x136: {  	s0 =	simm.s32 $0x0;
	[tilespmem:s31+$0x12100] =	vst v3  }
0x137: {  	s1 =	sand.u32 $0x70, s0;
	s0 =	sand.u32 $0x1C00, s0;
	v3 =	vld [tilespmem:$0x500]  }
0x138: {  	s30 =	sor.u32 s0, s1;
	v4 =	vld [tilespmem:$0x1500]  }
0x139: {  	v5 =	vld [tilespmem:s30+$0x4100]  }
0x13a: {  	v6 =	vld [tilespmem:s30+$0xC100];
	_ =	sdelay $0x1  }
0x13b: {  	s5 =	simm.s32 $0x10;
	s6 =	simm.s32 $0x80  }
0x13c: {  	s0 =	sand.u32 $0x70, s5;
	s1 =	sand.u32 $0x1C00, s6  }
0x13d: {  	s31 =	sor.u32 s1, s0  }
0x13e: {  	v7 =	vmul.f32 v5, v3;
	v8 =	vmul.f32 v6, v4;
	v5 =	vld [tilespmem:s31+$0x4100]  }
0x13f: {  	v6 =	vld [tilespmem:s31+$0xC100]  }
0x140: {  	s5 =	simm.s32 $0x100;
	s0 =	simm.s32 $0x20;
	v7 =	vadd.f32 v8, v7  }
.LBB2_18:
0x141: {  	s1 =	sand.u32 $0x70, s0  }
0x142: {  	s6 =	sand.u32 $0x1C00, s5;
	[tilespmem:s30+$0x14100] =	vst v7;
	s30 =	smov.u32 s31;
	p0 =	sne.s32 s0, $0x3F0  }
.Ltmp8:
0x143: {  	s0 =	sadd.s32 $0x10, s0;
	s31 =	sor.u32 s6, s1;
	(pc) =	sbr.rel @p0 .LBB2_18-.Ltmp8, $4  }
0x144: {  	v7 =	vmul.f32 v5, v3;
	v5 =	vld [tilespmem:s31+$0x4100];
	v8 =	vmul.f32 v6, v4  }
0x145: {  	v6 =	vld [tilespmem:s31+$0xC100]  }
0x146: {  	v7 =	vadd.f32 v8, v7  }
0x147: {  	s5 =	sadd.s32 $0x80, s5  }
0x148: {  	_ =	sdelay $0x1  }
0x149: {  	v3 =	vmul.f32 v5, v3;
	v4 =	vmul.f32 v6, v4;
	_ =	sdelay $0x1  }
0x14a: {  	v3 =	vadd.f32 v4, v3  }
0x14b: {  	[tilespmem:s30+$0x14100] =	vst v7  }
0x14c: {  	s0 =	simm.s32 $0x0;
	[tilespmem:s31+$0x14100] =	vst v3  }
0x14d: {  	s1 =	sand.u32 $0x70, s0;
	s0 =	sand.u32 $0x1C00, s0;
	v3 =	vld [tilespmem:$0x580]  }
0x14e: {  	s30 =	sor.u32 s0, s1;
	v4 =	vld [tilespmem:$0x1580]  }
0x14f: {  	v5 =	vld [tilespmem:s30+$0x4180]  }
0x150: {  	v6 =	vld [tilespmem:s30+$0xC180];
	_ =	sdelay $0x1  }
0x151: {  	s5 =	simm.s32 $0x10;
	s6 =	simm.s32 $0x80  }
0x152: {  	s0 =	sand.u32 $0x70, s5;
	s1 =	sand.u32 $0x1C00, s6  }
0x153: {  	s31 =	sor.u32 s1, s0  }
0x154: {  	v7 =	vmul.f32 v5, v3;
	v8 =	vmul.f32 v6, v4;
	v5 =	vld [tilespmem:s31+$0x4180]  }
0x155: {  	v6 =	vld [tilespmem:s31+$0xC180]  }
0x156: {  	s5 =	simm.s32 $0x100;
	s0 =	simm.s32 $0x20;
	v7 =	vadd.f32 v8, v7  }
.LBB2_20:
0x157: {  	s1 =	sand.u32 $0x70, s0  }
0x158: {  	s6 =	sand.u32 $0x1C00, s5;
	[tilespmem:s30+$0x14180] =	vst v7;
	s30 =	smov.u32 s31;
	p0 =	sne.s32 s0, $0x3F0  }
.Ltmp9:
0x159: {  	s0 =	sadd.s32 $0x10, s0;
	s31 =	sor.u32 s6, s1;
	(pc) =	sbr.rel @p0 .LBB2_20-.Ltmp9, $4  }
0x15a: {  	v7 =	vmul.f32 v5, v3;
	v5 =	vld [tilespmem:s31+$0x4180];
	v8 =	vmul.f32 v6, v4  }
0x15b: {  	v6 =	vld [tilespmem:s31+$0xC180]  }
0x15c: {  	v7 =	vadd.f32 v8, v7  }
0x15d: {  	s5 =	sadd.s32 $0x80, s5  }
0x15e: {  	_ =	sdelay $0x1  }
0x15f: {  	v3 =	vmul.f32 v5, v3;
	v4 =	vmul.f32 v6, v4;
	_ =	sdelay $0x1  }
0x160: {  	v3 =	vadd.f32 v4, v3  }
0x161: {  	[tilespmem:s30+$0x14180] =	vst v7  }
0x162: {  	s0 =	simm.s32 $0x0;
	[tilespmem:s31+$0x14180] =	vst v3  }
0x163: {  	s1 =	sand.u32 $0x70, s0;
	s0 =	sand.u32 $0x1C00, s0;
	v3 =	vld [tilespmem:$0x600]  }
0x164: {  	s30 =	sor.u32 s0, s1;
	v4 =	vld [tilespmem:$0x1600]  }
0x165: {  	v5 =	vld [tilespmem:s30+$0x4200]  }
0x166: {  	v6 =	vld [tilespmem:s30+$0xC200];
	_ =	sdelay $0x1  }
0x167: {  	s5 =	simm.s32 $0x10;
	s6 =	simm.s32 $0x80  }
0x168: {  	s0 =	sand.u32 $0x70, s5;
	s1 =	sand.u32 $0x1C00, s6  }
0x169: {  	s31 =	sor.u32 s1, s0  }
0x16a: {  	v7 =	vmul.f32 v5, v3;
	v8 =	vmul.f32 v6, v4;
	v5 =	vld [tilespmem:s31+$0x4200]  }
0x16b: {  	v6 =	vld [tilespmem:s31+$0xC200]  }
0x16c: {  	s5 =	simm.s32 $0x100;
	s0 =	simm.s32 $0x20;
	v7 =	vadd.f32 v8, v7  }
.LBB2_22:
0x16d: {  	s1 =	sand.u32 $0x70, s0  }
0x16e: {  	s6 =	sand.u32 $0x1C00, s5;
	[tilespmem:s30+$0x14200] =	vst v7;
	s30 =	smov.u32 s31;
	p0 =	sne.s32 s0, $0x3F0  }
.Ltmp10:
0x16f: {  	s0 =	sadd.s32 $0x10, s0;
	s31 =	sor.u32 s6, s1;
	(pc) =	sbr.rel @p0 .LBB2_22-.Ltmp10, $4  }
0x170: {  	v7 =	vmul.f32 v5, v3;
	v5 =	vld [tilespmem:s31+$0x4200];
	v8 =	vmul.f32 v6, v4  }
0x171: {  	v6 =	vld [tilespmem:s31+$0xC200]  }
0x172: {  	v7 =	vadd.f32 v8, v7  }
0x173: {  	s5 =	sadd.s32 $0x80, s5  }
0x174: {  	_ =	sdelay $0x1  }
0x175: {  	v3 =	vmul.f32 v5, v3;
	v4 =	vmul.f32 v6, v4;
	_ =	sdelay $0x1  }
0x176: {  	v3 =	vadd.f32 v4, v3  }
0x177: {  	[tilespmem:s30+$0x14200] =	vst v7  }
0x178: {  	s0 =	simm.s32 $0x0;
	[tilespmem:s31+$0x14200] =	vst v3  }
0x179: {  	s1 =	sand.u32 $0x70, s0;
	s0 =	sand.u32 $0x1C00, s0;
	v3 =	vld [tilespmem:$0x680]  }
0x17a: {  	s30 =	sor.u32 s0, s1;
	v4 =	vld [tilespmem:$0x1680]  }
0x17b: {  	v5 =	vld [tilespmem:s30+$0x4280]  }
0x17c: {  	v6 =	vld [tilespmem:s30+$0xC280];
	_ =	sdelay $0x1  }
0x17d: {  	s5 =	simm.s32 $0x10;
	s6 =	simm.s32 $0x80  }
0x17e: {  	s0 =	sand.u32 $0x70, s5;
	s1 =	sand.u32 $0x1C00, s6  }
0x17f: {  	s31 =	sor.u32 s1, s0  }
0x180: {  	v7 =	vmul.f32 v5, v3;
	v8 =	vmul.f32 v6, v4;
	v5 =	vld [tilespmem:s31+$0x4280]  }
0x181: {  	v6 =	vld [tilespmem:s31+$0xC280]  }
0x182: {  	s5 =	simm.s32 $0x100;
	s0 =	simm.s32 $0x20;
	v7 =	vadd.f32 v8, v7  }
.LBB2_24:
0x183: {  	s1 =	sand.u32 $0x70, s0  }
0x184: {  	s6 =	sand.u32 $0x1C00, s5;
	[tilespmem:s30+$0x14280] =	vst v7;
	s30 =	smov.u32 s31;
	p0 =	sne.s32 s0, $0x3F0  }
.Ltmp11:
0x185: {  	s0 =	sadd.s32 $0x10, s0;
	s31 =	sor.u32 s6, s1;
	(pc) =	sbr.rel @p0 .LBB2_24-.Ltmp11, $4  }
0x186: {  	v7 =	vmul.f32 v5, v3;
	v5 =	vld [tilespmem:s31+$0x4280];
	v8 =	vmul.f32 v6, v4  }
0x187: {  	v6 =	vld [tilespmem:s31+$0xC280]  }
0x188: {  	v7 =	vadd.f32 v8, v7  }
0x189: {  	s5 =	sadd.s32 $0x80, s5  }
0x18a: {  	_ =	sdelay $0x1  }
0x18b: {  	v3 =	vmul.f32 v5, v3;
	v4 =	vmul.f32 v6, v4;
	_ =	sdelay $0x1  }
0x18c: {  	v3 =	vadd.f32 v4, v3  }
0x18d: {  	[tilespmem:s30+$0x14280] =	vst v7  }
0x18e: {  	s0 =	simm.s32 $0x0;
	[tilespmem:s31+$0x14280] =	vst v3  }
0x18f: {  	s1 =	sand.u32 $0x70, s0;
	s0 =	sand.u32 $0x1C00, s0;
	v3 =	vld [tilespmem:$0x700]  }
0x190: {  	s30 =	sor.u32 s0, s1;
	v4 =	vld [tilespmem:$0x1700]  }
0x191: {  	v5 =	vld [tilespmem:s30+$0x4300]  }
0x192: {  	v6 =	vld [tilespmem:s30+$0xC300];
	_ =	sdelay $0x1  }
0x193: {  	s5 =	simm.s32 $0x10;
	s6 =	simm.s32 $0x80  }
0x194: {  	s0 =	sand.u32 $0x70, s5;
	s1 =	sand.u32 $0x1C00, s6  }
0x195: {  	s31 =	sor.u32 s1, s0  }
0x196: {  	v7 =	vmul.f32 v5, v3;
	v8 =	vmul.f32 v6, v4;
	v5 =	vld [tilespmem:s31+$0x4300]  }
0x197: {  	v6 =	vld [tilespmem:s31+$0xC300]  }
0x198: {  	s5 =	simm.s32 $0x100;
	s0 =	simm.s32 $0x20;
	v7 =	vadd.f32 v8, v7  }
.LBB2_26:
0x199: {  	s1 =	sand.u32 $0x70, s0  }
0x19a: {  	s6 =	sand.u32 $0x1C00, s5;
	[tilespmem:s30+$0x14300] =	vst v7;
	s30 =	smov.u32 s31;
	p0 =	sne.s32 s0, $0x3F0  }
.Ltmp12:
0x19b: {  	s0 =	sadd.s32 $0x10, s0;
	s31 =	sor.u32 s6, s1;
	(pc) =	sbr.rel @p0 .LBB2_26-.Ltmp12, $4  }
0x19c: {  	v7 =	vmul.f32 v5, v3;
	v5 =	vld [tilespmem:s31+$0x4300];
	v8 =	vmul.f32 v6, v4  }
0x19d: {  	v6 =	vld [tilespmem:s31+$0xC300]  }
0x19e: {  	v7 =	vadd.f32 v8, v7  }
0x19f: {  	s5 =	sadd.s32 $0x80, s5  }
0x1a0: {  	_ =	sdelay $0x1  }
0x1a1: {  	v3 =	vmul.f32 v5, v3;
	v4 =	vmul.f32 v6, v4;
	_ =	sdelay $0x1  }
0x1a2: {  	v3 =	vadd.f32 v4, v3  }
0x1a3: {  	[tilespmem:s30+$0x14300] =	vst v7  }
0x1a4: {  	s0 =	simm.s32 $0x0;
	[tilespmem:s31+$0x14300] =	vst v3  }
0x1a5: {  	s1 =	sand.u32 $0x70, s0;
	s0 =	sand.u32 $0x1C00, s0;
	v3 =	vld [tilespmem:$0x780]  }
0x1a6: {  	s30 =	sor.u32 s0, s1;
	v4 =	vld [tilespmem:$0x1780]  }
0x1a7: {  	v5 =	vld [tilespmem:s30+$0x4380]  }
0x1a8: {  	v6 =	vld [tilespmem:s30+$0xC380];
	_ =	sdelay $0x1  }
0x1a9: {  	s5 =	simm.s32 $0x10;
	s6 =	simm.s32 $0x80  }
0x1aa: {  	s0 =	sand.u32 $0x70, s5;
	s1 =	sand.u32 $0x1C00, s6  }
0x1ab: {  	s31 =	sor.u32 s1, s0  }
0x1ac: {  	v7 =	vmul.f32 v5, v3;
	v8 =	vmul.f32 v6, v4;
	v5 =	vld [tilespmem:s31+$0x4380]  }
0x1ad: {  	v6 =	vld [tilespmem:s31+$0xC380]  }
0x1ae: {  	s5 =	simm.s32 $0x100;
	s0 =	simm.s32 $0x20;
	v7 =	vadd.f32 v8, v7  }
.LBB2_28:
0x1af: {  	s1 =	sand.u32 $0x70, s0  }
0x1b0: {  	s6 =	sand.u32 $0x1C00, s5;
	[tilespmem:s30+$0x14380] =	vst v7;
	s30 =	smov.u32 s31;
	p0 =	sne.s32 s0, $0x3F0  }
.Ltmp13:
0x1b1: {  	s0 =	sadd.s32 $0x10, s0;
	s31 =	sor.u32 s6, s1;
	(pc) =	sbr.rel @p0 .LBB2_28-.Ltmp13, $4  }
0x1b2: {  	v7 =	vmul.f32 v5, v3;
	v5 =	vld [tilespmem:s31+$0x4380];
	v8 =	vmul.f32 v6, v4  }
0x1b3: {  	v6 =	vld [tilespmem:s31+$0xC380]  }
0x1b4: {  	v7 =	vadd.f32 v8, v7  }
0x1b5: {  	s5 =	sadd.s32 $0x80, s5  }
0x1b6: {  	_ =	sdelay $0x1  }
0x1b7: {  	v3 =	vmul.f32 v5, v3;
	v4 =	vmul.f32 v6, v4;
	_ =	sdelay $0x1  }
0x1b8: {  	v3 =	vadd.f32 v4, v3  }
0x1b9: {  	[tilespmem:s30+$0x14380] =	vst v7  }
0x1ba: {  	s0 =	simm.s32 $0x0;
	[tilespmem:s31+$0x14380] =	vst v3  }
0x1bb: {  	s1 =	sand.u32 $0x70, s0;
	s0 =	sand.u32 $0x1C00, s0;
	v3 =	vld [tilespmem:$0x800]  }
0x1bc: {  	s30 =	sor.u32 s0, s1;
	v4 =	vld [tilespmem:$0x1800]  }
0x1bd: {  	v5 =	vld [tilespmem:s30+$0x4400]  }
0x1be: {  	v6 =	vld [tilespmem:s30+$0xC400];
	_ =	sdelay $0x1  }
0x1bf: {  	s5 =	simm.s32 $0x10;
	s6 =	simm.s32 $0x80  }
0x1c0: {  	s0 =	sand.u32 $0x70, s5;
	s1 =	sand.u32 $0x1C00, s6  }
0x1c1: {  	s31 =	sor.u32 s1, s0  }
0x1c2: {  	v7 =	vmul.f32 v5, v3;
	v8 =	vmul.f32 v6, v4;
	v5 =	vld [tilespmem:s31+$0x4400]  }
0x1c3: {  	v6 =	vld [tilespmem:s31+$0xC400]  }
0x1c4: {  	s5 =	simm.s32 $0x100;
	s0 =	simm.s32 $0x20;
	v7 =	vadd.f32 v8, v7  }
.LBB2_30:
0x1c5: {  	s1 =	sand.u32 $0x70, s0  }
0x1c6: {  	s6 =	sand.u32 $0x1C00, s5;
	[tilespmem:s30+$0x14400] =	vst v7;
	s30 =	smov.u32 s31;
	p0 =	sne.s32 s0, $0x3F0  }
.Ltmp14:
0x1c7: {  	s0 =	sadd.s32 $0x10, s0;
	s31 =	sor.u32 s6, s1;
	(pc) =	sbr.rel @p0 .LBB2_30-.Ltmp14, $4  }
0x1c8: {  	v7 =	vmul.f32 v5, v3;
	v5 =	vld [tilespmem:s31+$0x4400];
	v8 =	vmul.f32 v6, v4  }
0x1c9: {  	v6 =	vld [tilespmem:s31+$0xC400]  }
0x1ca: {  	v7 =	vadd.f32 v8, v7  }
0x1cb: {  	s5 =	sadd.s32 $0x80, s5  }
0x1cc: {  	_ =	sdelay $0x1  }
0x1cd: {  	v3 =	vmul.f32 v5, v3;
	v4 =	vmul.f32 v6, v4;
	_ =	sdelay $0x1  }
0x1ce: {  	v3 =	vadd.f32 v4, v3  }
0x1cf: {  	[tilespmem:s30+$0x14400] =	vst v7  }
0x1d0: {  	s0 =	simm.s32 $0x0;
	[tilespmem:s31+$0x14400] =	vst v3  }
0x1d1: {  	s0 =	sor.u32 s0, s0;
	v3 =	vld [tilespmem:$0x880]  }
0x1d2: {  	s30 =	sor.u32 $0x2380, s0;
	v4 =	vld [tilespmem:$0x1880]  }
0x1d3: {  	v5 =	vld [tilespmem:s30+$0x2100]  }
0x1d4: {  	v6 =	vld [tilespmem:s30+$0xA100];
	_ =	sdelay $0x1  }
0x1d5: {  	s6 =	simm.s32 $0x10;
	s1 =	simm.s32 $0x80  }
0x1d6: {  	s0 =	sor.u32 s1, s6  }
0x1d7: {  	s31 =	sor.u32 $0x2380, s0  }
0x1d8: {  	v7 =	vmul.f32 v5, v3;
	v8 =	vmul.f32 v6, v4;
	v5 =	vld [tilespmem:s31+$0x2100]  }
0x1d9: {  	v6 =	vld [tilespmem:s31+$0xA100]  }
0x1da: {  	v7 =	vadd.f32 v8, v7  }
0x1db: {  	s5 =	simm.s32 $0x100;
	s0 =	simm.s32 $0x20  }
.LBB2_32:
0x1dc: {  	s1 =	sor.u32 s5, s0;
	[tilespmem:s30+$0x12100] =	vst v7;
	s30 =	smov.u32 s31;
	p0 =	sne.s32 s0, $0x3F0  }
.Ltmp15:
0x1dd: {  	s0 =	sadd.s32 $0x10, s0;
	s31 =	sor.u32 $0x2380, s1;
	(pc) =	sbr.rel @p0 .LBB2_32-.Ltmp15, $4  }
0x1de: {  	v7 =	vmul.f32 v5, v3;
	v5 =	vld [tilespmem:s31+$0x2100];
	v8 =	vmul.f32 v6, v4  }
0x1df: {  	v6 =	vld [tilespmem:s31+$0xA100]  }
0x1e0: {  	v7 =	vadd.f32 v8, v7  }
0x1e1: {  	s5 =	sadd.s32 $0x80, s5  }
0x1e2: {  	_ =	sdelay $0x1  }
0x1e3: {  	v3 =	vmul.f32 v5, v3;
	v4 =	vmul.f32 v6, v4;
	_ =	sdelay $0x1  }
0x1e4: {  	v3 =	vadd.f32 v4, v3  }
0x1e5: {  	[tilespmem:s30+$0x12100] =	vst v7  }
0x1e6: {  	s0 =	simm.s32 $0x0;
	[tilespmem:s31+$0x12100] =	vst v3  }
0x1e7: {  	s1 =	sand.u32 $0x70, s0;
	s0 =	sand.u32 $0x1C00, s0;
	v3 =	vld [tilespmem:$0x900]  }
0x1e8: {  	s30 =	sor.u32 s0, s1;
	v4 =	vld [tilespmem:$0x1900]  }
0x1e9: {  	v5 =	vld [tilespmem:s30+$0x6100]  }
0x1ea: {  	v6 =	vld [tilespmem:s30+$0xE100];
	_ =	sdelay $0x1  }
0x1eb: {  	s5 =	simm.s32 $0x10;
	s6 =	simm.s32 $0x80  }
0x1ec: {  	s0 =	sand.u32 $0x70, s5;
	s1 =	sand.u32 $0x1C00, s6  }
0x1ed: {  	s31 =	sor.u32 s1, s0  }
0x1ee: {  	v7 =	vmul.f32 v5, v3;
	v8 =	vmul.f32 v6, v4;
	v5 =	vld [tilespmem:s31+$0x6100]  }
0x1ef: {  	v6 =	vld [tilespmem:s31+$0xE100]  }
0x1f0: {  	s5 =	simm.s32 $0x100;
	s0 =	simm.s32 $0x20;
	v7 =	vadd.f32 v8, v7  }
.LBB2_34:
0x1f1: {  	s1 =	sand.u32 $0x70, s0  }
0x1f2: {  	s6 =	sand.u32 $0x1C00, s5;
	[tilespmem:s30+$0x16100] =	vst v7;
	s30 =	smov.u32 s31;
	p0 =	sne.s32 s0, $0x3F0  }
.Ltmp16:
0x1f3: {  	s0 =	sadd.s32 $0x10, s0;
	s31 =	sor.u32 s6, s1;
	(pc) =	sbr.rel @p0 .LBB2_34-.Ltmp16, $4  }
0x1f4: {  	v7 =	vmul.f32 v5, v3;
	v5 =	vld [tilespmem:s31+$0x6100];
	v8 =	vmul.f32 v6, v4  }
0x1f5: {  	v6 =	vld [tilespmem:s31+$0xE100]  }
0x1f6: {  	v7 =	vadd.f32 v8, v7  }
0x1f7: {  	s5 =	sadd.s32 $0x80, s5  }
0x1f8: {  	_ =	sdelay $0x1  }
0x1f9: {  	v3 =	vmul.f32 v5, v3;
	v4 =	vmul.f32 v6, v4;
	_ =	sdelay $0x1  }
0x1fa: {  	v3 =	vadd.f32 v4, v3  }
0x1fb: {  	[tilespmem:s30+$0x16100] =	vst v7  }
0x1fc: {  	s0 =	simm.s32 $0x0;
	[tilespmem:s31+$0x16100] =	vst v3  }
0x1fd: {  	s1 =	sand.u32 $0x70, s0;
	s0 =	sand.u32 $0x1C00, s0;
	v3 =	vld [tilespmem:$0x980]  }
0x1fe: {  	s30 =	sor.u32 s0, s1;
	v4 =	vld [tilespmem:$0x1980]  }
0x1ff: {  	v5 =	vld [tilespmem:s30+$0x6180]  }
0x200: {  	v6 =	vld [tilespmem:s30+$0xE180];
	_ =	sdelay $0x1  }
0x201: {  	s5 =	simm.s32 $0x10;
	s6 =	simm.s32 $0x80  }
0x202: {  	s0 =	sand.u32 $0x70, s5;
	s1 =	sand.u32 $0x1C00, s6  }
0x203: {  	s31 =	sor.u32 s1, s0  }
0x204: {  	v7 =	vmul.f32 v5, v3;
	v8 =	vmul.f32 v6, v4;
	v5 =	vld [tilespmem:s31+$0x6180]  }
0x205: {  	v6 =	vld [tilespmem:s31+$0xE180]  }
0x206: {  	s5 =	simm.s32 $0x100;
	s0 =	simm.s32 $0x20;
	v7 =	vadd.f32 v8, v7  }
.LBB2_36:
0x207: {  	s1 =	sand.u32 $0x70, s0  }
0x208: {  	s6 =	sand.u32 $0x1C00, s5;
	[tilespmem:s30+$0x16180] =	vst v7;
	s30 =	smov.u32 s31;
	p0 =	sne.s32 s0, $0x3F0  }
.Ltmp17:
0x209: {  	s0 =	sadd.s32 $0x10, s0;
	s31 =	sor.u32 s6, s1;
	(pc) =	sbr.rel @p0 .LBB2_36-.Ltmp17, $4  }
0x20a: {  	v7 =	vmul.f32 v5, v3;
	v5 =	vld [tilespmem:s31+$0x6180];
	v8 =	vmul.f32 v6, v4  }
0x20b: {  	v6 =	vld [tilespmem:s31+$0xE180]  }
0x20c: {  	v7 =	vadd.f32 v8, v7  }
0x20d: {  	s5 =	sadd.s32 $0x80, s5  }
0x20e: {  	_ =	sdelay $0x1  }
0x20f: {  	v3 =	vmul.f32 v5, v3;
	v4 =	vmul.f32 v6, v4;
	_ =	sdelay $0x1  }
0x210: {  	v3 =	vadd.f32 v4, v3  }
0x211: {  	[tilespmem:s30+$0x16180] =	vst v7  }
0x212: {  	s0 =	simm.s32 $0x0;
	[tilespmem:s31+$0x16180] =	vst v3  }
0x213: {  	s1 =	sand.u32 $0x70, s0;
	s0 =	sand.u32 $0x1C00, s0;
	v3 =	vld [tilespmem:$0xA00]  }
0x214: {  	s30 =	sor.u32 s0, s1;
	v4 =	vld [tilespmem:$0x1A00]  }
0x215: {  	v5 =	vld [tilespmem:s30+$0x6200]  }
0x216: {  	v6 =	vld [tilespmem:s30+$0xE200];
	_ =	sdelay $0x1  }
0x217: {  	s5 =	simm.s32 $0x10;
	s6 =	simm.s32 $0x80  }
0x218: {  	s0 =	sand.u32 $0x70, s5;
	s1 =	sand.u32 $0x1C00, s6  }
0x219: {  	s31 =	sor.u32 s1, s0  }
0x21a: {  	v7 =	vmul.f32 v5, v3;
	v8 =	vmul.f32 v6, v4;
	v5 =	vld [tilespmem:s31+$0x6200]  }
0x21b: {  	v6 =	vld [tilespmem:s31+$0xE200]  }
0x21c: {  	s5 =	simm.s32 $0x100;
	s0 =	simm.s32 $0x20;
	v7 =	vadd.f32 v8, v7  }
.LBB2_38:
0x21d: {  	s1 =	sand.u32 $0x70, s0  }
0x21e: {  	s6 =	sand.u32 $0x1C00, s5;
	[tilespmem:s30+$0x16200] =	vst v7;
	s30 =	smov.u32 s31;
	p0 =	sne.s32 s0, $0x3F0  }
.Ltmp18:
0x21f: {  	s0 =	sadd.s32 $0x10, s0;
	s31 =	sor.u32 s6, s1;
	(pc) =	sbr.rel @p0 .LBB2_38-.Ltmp18, $4  }
0x220: {  	v7 =	vmul.f32 v5, v3;
	v5 =	vld [tilespmem:s31+$0x6200];
	v8 =	vmul.f32 v6, v4  }
0x221: {  	v6 =	vld [tilespmem:s31+$0xE200]  }
0x222: {  	v7 =	vadd.f32 v8, v7  }
0x223: {  	s5 =	sadd.s32 $0x80, s5  }
0x224: {  	_ =	sdelay $0x1  }
0x225: {  	v3 =	vmul.f32 v5, v3;
	v4 =	vmul.f32 v6, v4;
	_ =	sdelay $0x1  }
0x226: {  	v3 =	vadd.f32 v4, v3  }
0x227: {  	[tilespmem:s30+$0x16200] =	vst v7  }
0x228: {  	s0 =	simm.s32 $0x0;
	[tilespmem:s31+$0x16200] =	vst v3  }
0x229: {  	s1 =	sand.u32 $0x70, s0;
	s0 =	sand.u32 $0x1C00, s0;
	v3 =	vld [tilespmem:$0xA80]  }
0x22a: {  	s30 =	sor.u32 s0, s1;
	v4 =	vld [tilespmem:$0x1A80]  }
0x22b: {  	v5 =	vld [tilespmem:s30+$0x6280]  }
0x22c: {  	v6 =	vld [tilespmem:s30+$0xE280];
	_ =	sdelay $0x1  }
0x22d: {  	s5 =	simm.s32 $0x10;
	s6 =	simm.s32 $0x80  }
0x22e: {  	s0 =	sand.u32 $0x70, s5;
	s1 =	sand.u32 $0x1C00, s6  }
0x22f: {  	s31 =	sor.u32 s1, s0  }
0x230: {  	v7 =	vmul.f32 v5, v3;
	v8 =	vmul.f32 v6, v4;
	v5 =	vld [tilespmem:s31+$0x6280]  }
0x231: {  	v6 =	vld [tilespmem:s31+$0xE280]  }
0x232: {  	s5 =	simm.s32 $0x100;
	s0 =	simm.s32 $0x20;
	v7 =	vadd.f32 v8, v7  }
.LBB2_40:
0x233: {  	s1 =	sand.u32 $0x70, s0  }
0x234: {  	s6 =	sand.u32 $0x1C00, s5;
	[tilespmem:s30+$0x16280] =	vst v7;
	s30 =	smov.u32 s31;
	p0 =	sne.s32 s0, $0x3F0  }
.Ltmp19:
0x235: {  	s0 =	sadd.s32 $0x10, s0;
	s31 =	sor.u32 s6, s1;
	(pc) =	sbr.rel @p0 .LBB2_40-.Ltmp19, $4  }
0x236: {  	v7 =	vmul.f32 v5, v3;
	v5 =	vld [tilespmem:s31+$0x6280];
	v8 =	vmul.f32 v6, v4  }
0x237: {  	v6 =	vld [tilespmem:s31+$0xE280]  }
0x238: {  	v7 =	vadd.f32 v8, v7  }
0x239: {  	s5 =	sadd.s32 $0x80, s5  }
0x23a: {  	_ =	sdelay $0x1  }
0x23b: {  	v3 =	vmul.f32 v5, v3;
	v4 =	vmul.f32 v6, v4;
	_ =	sdelay $0x1  }
0x23c: {  	v3 =	vadd.f32 v4, v3  }
0x23d: {  	[tilespmem:s30+$0x16280] =	vst v7  }
0x23e: {  	s0 =	simm.s32 $0x0;
	[tilespmem:s31+$0x16280] =	vst v3  }
0x23f: {  	s1 =	sand.u32 $0x70, s0;
	s0 =	sand.u32 $0x1C00, s0;
	v3 =	vld [tilespmem:$0xB00]  }
0x240: {  	s30 =	sor.u32 s0, s1;
	v4 =	vld [tilespmem:$0x1B00]  }
0x241: {  	v5 =	vld [tilespmem:s30+$0x6300]  }
0x242: {  	v6 =	vld [tilespmem:s30+$0xE300];
	_ =	sdelay $0x1  }
0x243: {  	s5 =	simm.s32 $0x10;
	s6 =	simm.s32 $0x80  }
0x244: {  	s0 =	sand.u32 $0x70, s5;
	s1 =	sand.u32 $0x1C00, s6  }
0x245: {  	s31 =	sor.u32 s1, s0  }
0x246: {  	v7 =	vmul.f32 v5, v3;
	v8 =	vmul.f32 v6, v4;
	v5 =	vld [tilespmem:s31+$0x6300]  }
0x247: {  	v6 =	vld [tilespmem:s31+$0xE300]  }
0x248: {  	s5 =	simm.s32 $0x100;
	s0 =	simm.s32 $0x20;
	v7 =	vadd.f32 v8, v7  }
.LBB2_42:
0x249: {  	s1 =	sand.u32 $0x70, s0  }
0x24a: {  	s6 =	sand.u32 $0x1C00, s5;
	[tilespmem:s30+$0x16300] =	vst v7;
	s30 =	smov.u32 s31;
	p0 =	sne.s32 s0, $0x3F0  }
.Ltmp20:
0x24b: {  	s0 =	sadd.s32 $0x10, s0;
	s31 =	sor.u32 s6, s1;
	(pc) =	sbr.rel @p0 .LBB2_42-.Ltmp20, $4  }
0x24c: {  	v7 =	vmul.f32 v5, v3;
	v5 =	vld [tilespmem:s31+$0x6300];
	v8 =	vmul.f32 v6, v4  }
0x24d: {  	v6 =	vld [tilespmem:s31+$0xE300]  }
0x24e: {  	v7 =	vadd.f32 v8, v7  }
0x24f: {  	s5 =	sadd.s32 $0x80, s5  }
0x250: {  	_ =	sdelay $0x1  }
0x251: {  	v3 =	vmul.f32 v5, v3;
	v4 =	vmul.f32 v6, v4;
	_ =	sdelay $0x1  }
0x252: {  	v3 =	vadd.f32 v4, v3  }
0x253: {  	[tilespmem:s30+$0x16300] =	vst v7  }
0x254: {  	s0 =	simm.s32 $0x0;
	[tilespmem:s31+$0x16300] =	vst v3  }
0x255: {  	s1 =	sand.u32 $0x70, s0;
	s0 =	sand.u32 $0x1C00, s0;
	v3 =	vld [tilespmem:$0xB80]  }
0x256: {  	s30 =	sor.u32 s0, s1;
	v4 =	vld [tilespmem:$0x1B80]  }
0x257: {  	v5 =	vld [tilespmem:s30+$0x6380]  }
0x258: {  	v6 =	vld [tilespmem:s30+$0xE380];
	_ =	sdelay $0x1  }
0x259: {  	s5 =	simm.s32 $0x10;
	s6 =	simm.s32 $0x80  }
0x25a: {  	s0 =	sand.u32 $0x70, s5;
	s1 =	sand.u32 $0x1C00, s6  }
0x25b: {  	s31 =	sor.u32 s1, s0  }
0x25c: {  	v7 =	vmul.f32 v5, v3;
	v8 =	vmul.f32 v6, v4;
	v5 =	vld [tilespmem:s31+$0x6380]  }
0x25d: {  	v6 =	vld [tilespmem:s31+$0xE380]  }
0x25e: {  	s5 =	simm.s32 $0x100;
	s0 =	simm.s32 $0x20;
	v7 =	vadd.f32 v8, v7  }
.LBB2_44:
0x25f: {  	s1 =	sand.u32 $0x70, s0  }
0x260: {  	s6 =	sand.u32 $0x1C00, s5;
	[tilespmem:s30+$0x16380] =	vst v7;
	s30 =	smov.u32 s31;
	p0 =	sne.s32 s0, $0x3F0  }
.Ltmp21:
0x261: {  	s0 =	sadd.s32 $0x10, s0;
	s31 =	sor.u32 s6, s1;
	(pc) =	sbr.rel @p0 .LBB2_44-.Ltmp21, $4  }
0x262: {  	v7 =	vmul.f32 v5, v3;
	v5 =	vld [tilespmem:s31+$0x6380];
	v8 =	vmul.f32 v6, v4  }
0x263: {  	v6 =	vld [tilespmem:s31+$0xE380]  }
0x264: {  	v7 =	vadd.f32 v8, v7  }
0x265: {  	s5 =	sadd.s32 $0x80, s5  }
0x266: {  	_ =	sdelay $0x1  }
0x267: {  	v3 =	vmul.f32 v5, v3;
	v4 =	vmul.f32 v6, v4;
	_ =	sdelay $0x1  }
0x268: {  	v3 =	vadd.f32 v4, v3  }
0x269: {  	[tilespmem:s30+$0x16380] =	vst v7  }
0x26a: {  	s0 =	simm.s32 $0x0;
	[tilespmem:s31+$0x16380] =	vst v3  }
0x26b: {  	s1 =	sand.u32 $0x70, s0;
	s0 =	sand.u32 $0x1C00, s0;
	v3 =	vld [tilespmem:$0xC00]  }
0x26c: {  	s30 =	sor.u32 s0, s1;
	v4 =	vld [tilespmem:$0x1C00]  }
0x26d: {  	v5 =	vld [tilespmem:s30+$0x6400]  }
0x26e: {  	v6 =	vld [tilespmem:s30+$0xE400];
	_ =	sdelay $0x1  }
0x26f: {  	s5 =	simm.s32 $0x10;
	s6 =	simm.s32 $0x80  }
0x270: {  	s0 =	sand.u32 $0x70, s5;
	s1 =	sand.u32 $0x1C00, s6  }
0x271: {  	s31 =	sor.u32 s1, s0  }
0x272: {  	v7 =	vmul.f32 v5, v3;
	v8 =	vmul.f32 v6, v4;
	v5 =	vld [tilespmem:s31+$0x6400]  }
0x273: {  	v6 =	vld [tilespmem:s31+$0xE400]  }
0x274: {  	s5 =	simm.s32 $0x100;
	s0 =	simm.s32 $0x20;
	v7 =	vadd.f32 v8, v7  }
.LBB2_46:
0x275: {  	s1 =	sand.u32 $0x70, s0  }
0x276: {  	s6 =	sand.u32 $0x1C00, s5;
	[tilespmem:s30+$0x16400] =	vst v7;
	s30 =	smov.u32 s31;
	p0 =	sne.s32 s0, $0x3F0  }
.Ltmp22:
0x277: {  	s0 =	sadd.s32 $0x10, s0;
	s31 =	sor.u32 s6, s1;
	(pc) =	sbr.rel @p0 .LBB2_46-.Ltmp22, $4  }
0x278: {  	v7 =	vmul.f32 v5, v3;
	v5 =	vld [tilespmem:s31+$0x6400];
	v8 =	vmul.f32 v6, v4  }
0x279: {  	v6 =	vld [tilespmem:s31+$0xE400]  }
0x27a: {  	v7 =	vadd.f32 v8, v7  }
0x27b: {  	s5 =	sadd.s32 $0x80, s5  }
0x27c: {  	_ =	sdelay $0x1  }
0x27d: {  	v3 =	vmul.f32 v5, v3;
	v4 =	vmul.f32 v6, v4;
	_ =	sdelay $0x1  }
0x27e: {  	v3 =	vadd.f32 v4, v3  }
0x27f: {  	[tilespmem:s30+$0x16400] =	vst v7  }
0x280: {  	s0 =	simm.s32 $0x0;
	[tilespmem:s31+$0x16400] =	vst v3  }
0x281: {  	s0 =	sor.u32 s0, s0;
	v3 =	vld [tilespmem:$0xC80]  }
0x282: {  	s30 =	sor.u32 $0x4380, s0;
	v4 =	vld [tilespmem:$0x1C80]  }
0x283: {  	v5 =	vld [tilespmem:s30+$0x2100]  }
0x284: {  	v6 =	vld [tilespmem:s30+$0xA100];
	_ =	sdelay $0x1  }
0x285: {  	s6 =	simm.s32 $0x10;
	s1 =	simm.s32 $0x80  }
0x286: {  	s0 =	sor.u32 s1, s6  }
0x287: {  	s31 =	sor.u32 $0x4380, s0  }
0x288: {  	v7 =	vmul.f32 v5, v3;
	v8 =	vmul.f32 v6, v4;
	v5 =	vld [tilespmem:s31+$0x2100]  }
0x289: {  	v6 =	vld [tilespmem:s31+$0xA100]  }
0x28a: {  	v7 =	vadd.f32 v8, v7  }
0x28b: {  	s5 =	simm.s32 $0x100;
	s0 =	simm.s32 $0x20  }
.LBB2_48:
0x28c: {  	s1 =	sor.u32 s5, s0;
	[tilespmem:s30+$0x12100] =	vst v7;
	s30 =	smov.u32 s31;
	p0 =	sne.s32 s0, $0x3F0  }
.Ltmp23:
0x28d: {  	s0 =	sadd.s32 $0x10, s0;
	s31 =	sor.u32 $0x4380, s1;
	(pc) =	sbr.rel @p0 .LBB2_48-.Ltmp23, $4  }
0x28e: {  	v7 =	vmul.f32 v5, v3;
	v5 =	vld [tilespmem:s31+$0x2100];
	v8 =	vmul.f32 v6, v4  }
0x28f: {  	v6 =	vld [tilespmem:s31+$0xA100]  }
0x290: {  	v7 =	vadd.f32 v8, v7  }
0x291: {  	s5 =	sadd.s32 $0x80, s5  }
0x292: {  	_ =	sdelay $0x1  }
0x293: {  	v3 =	vmul.f32 v5, v3;
	v4 =	vmul.f32 v6, v4;
	_ =	sdelay $0x1  }
0x294: {  	v3 =	vadd.f32 v4, v3  }
0x295: {  	[tilespmem:s30+$0x12100] =	vst v7  }
0x296: {  	s0 =	simm.s32 $0x0;
	[tilespmem:s31+$0x12100] =	vst v3  }
0x297: {  	s1 =	sand.u32 $0x70, s0;
	s0 =	sand.u32 $0x1C00, s0;
	v3 =	vld [tilespmem:$0xD00]  }
0x298: {  	s30 =	sor.u32 s0, s1;
	v4 =	vld [tilespmem:$0x1D00]  }
0x299: {  	v5 =	vld [tilespmem:s30+$0x8100]  }
0x29a: {  	v6 =	vld [tilespmem:s30+$0x10100];
	_ =	sdelay $0x1  }
0x29b: {  	s5 =	simm.s32 $0x10;
	s6 =	simm.s32 $0x80  }
0x29c: {  	s0 =	sand.u32 $0x70, s5;
	s1 =	sand.u32 $0x1C00, s6  }
0x29d: {  	s31 =	sor.u32 s1, s0  }
0x29e: {  	v7 =	vmul.f32 v5, v3;
	v8 =	vmul.f32 v6, v4;
	v5 =	vld [tilespmem:s31+$0x8100]  }
0x29f: {  	v6 =	vld [tilespmem:s31+$0x10100]  }
0x2a0: {  	s5 =	simm.s32 $0x100;
	s0 =	simm.s32 $0x20;
	v7 =	vadd.f32 v8, v7  }
.LBB2_50:
0x2a1: {  	s1 =	sand.u32 $0x70, s0  }
0x2a2: {  	s6 =	sand.u32 $0x1C00, s5;
	[tilespmem:s30+$0x18100] =	vst v7;
	s30 =	smov.u32 s31;
	p0 =	sne.s32 s0, $0x3F0  }
.Ltmp24:
0x2a3: {  	s0 =	sadd.s32 $0x10, s0;
	s31 =	sor.u32 s6, s1;
	(pc) =	sbr.rel @p0 .LBB2_50-.Ltmp24, $4  }
0x2a4: {  	v7 =	vmul.f32 v5, v3;
	v5 =	vld [tilespmem:s31+$0x8100];
	v8 =	vmul.f32 v6, v4  }
0x2a5: {  	v6 =	vld [tilespmem:s31+$0x10100]  }
0x2a6: {  	v7 =	vadd.f32 v8, v7  }
0x2a7: {  	s5 =	sadd.s32 $0x80, s5  }
0x2a8: {  	_ =	sdelay $0x1  }
0x2a9: {  	v3 =	vmul.f32 v5, v3;
	v4 =	vmul.f32 v6, v4;
	_ =	sdelay $0x1  }
0x2aa: {  	v3 =	vadd.f32 v4, v3  }
0x2ab: {  	[tilespmem:s30+$0x18100] =	vst v7  }
0x2ac: {  	s0 =	simm.s32 $0x0;
	[tilespmem:s31+$0x18100] =	vst v3  }
0x2ad: {  	s1 =	sand.u32 $0x70, s0;
	s0 =	sand.u32 $0x1C00, s0;
	v3 =	vld [tilespmem:$0xD80]  }
0x2ae: {  	s30 =	sor.u32 s0, s1;
	v4 =	vld [tilespmem:$0x1D80]  }
0x2af: {  	v5 =	vld [tilespmem:s30+$0x8180]  }
0x2b0: {  	v6 =	vld [tilespmem:s30+$0x10180];
	_ =	sdelay $0x1  }
0x2b1: {  	s5 =	simm.s32 $0x10;
	s6 =	simm.s32 $0x80  }
0x2b2: {  	s0 =	sand.u32 $0x70, s5;
	s1 =	sand.u32 $0x1C00, s6  }
0x2b3: {  	s31 =	sor.u32 s1, s0  }
0x2b4: {  	v7 =	vmul.f32 v5, v3;
	v8 =	vmul.f32 v6, v4;
	v5 =	vld [tilespmem:s31+$0x8180]  }
0x2b5: {  	v6 =	vld [tilespmem:s31+$0x10180]  }
0x2b6: {  	s5 =	simm.s32 $0x100;
	s0 =	simm.s32 $0x20;
	v7 =	vadd.f32 v8, v7  }
.LBB2_52:
0x2b7: {  	s1 =	sand.u32 $0x70, s0  }
0x2b8: {  	s6 =	sand.u32 $0x1C00, s5;
	[tilespmem:s30+$0x18180] =	vst v7;
	s30 =	smov.u32 s31;
	p0 =	sne.s32 s0, $0x3F0  }
.Ltmp25:
0x2b9: {  	s0 =	sadd.s32 $0x10, s0;
	s31 =	sor.u32 s6, s1;
	(pc) =	sbr.rel @p0 .LBB2_52-.Ltmp25, $4  }
0x2ba: {  	v7 =	vmul.f32 v5, v3;
	v5 =	vld [tilespmem:s31+$0x8180];
	v8 =	vmul.f32 v6, v4  }
0x2bb: {  	v6 =	vld [tilespmem:s31+$0x10180]  }
0x2bc: {  	v7 =	vadd.f32 v8, v7  }
0x2bd: {  	s5 =	sadd.s32 $0x80, s5  }
0x2be: {  	_ =	sdelay $0x1  }
0x2bf: {  	v3 =	vmul.f32 v5, v3;
	v4 =	vmul.f32 v6, v4;
	_ =	sdelay $0x1  }
0x2c0: {  	v3 =	vadd.f32 v4, v3  }
0x2c1: {  	[tilespmem:s30+$0x18180] =	vst v7  }
0x2c2: {  	s0 =	simm.s32 $0x0;
	[tilespmem:s31+$0x18180] =	vst v3  }
0x2c3: {  	s1 =	sand.u32 $0x70, s0;
	s0 =	sand.u32 $0x1C00, s0;
	v3 =	vld [tilespmem:$0xE00]  }
0x2c4: {  	s30 =	sor.u32 s0, s1;
	v4 =	vld [tilespmem:$0x1E00]  }
0x2c5: {  	v5 =	vld [tilespmem:s30+$0x8200]  }
0x2c6: {  	v6 =	vld [tilespmem:s30+$0x10200];
	_ =	sdelay $0x1  }
0x2c7: {  	s5 =	simm.s32 $0x10;
	s6 =	simm.s32 $0x80  }
0x2c8: {  	s0 =	sand.u32 $0x70, s5;
	s1 =	sand.u32 $0x1C00, s6  }
0x2c9: {  	s31 =	sor.u32 s1, s0  }
0x2ca: {  	v7 =	vmul.f32 v5, v3;
	v8 =	vmul.f32 v6, v4;
	v5 =	vld [tilespmem:s31+$0x8200]  }
0x2cb: {  	v6 =	vld [tilespmem:s31+$0x10200]  }
0x2cc: {  	s5 =	simm.s32 $0x100;
	s0 =	simm.s32 $0x20;
	v7 =	vadd.f32 v8, v7  }
.LBB2_54:
0x2cd: {  	s1 =	sand.u32 $0x70, s0  }
0x2ce: {  	s6 =	sand.u32 $0x1C00, s5;
	[tilespmem:s30+$0x18200] =	vst v7;
	s30 =	smov.u32 s31;
	p0 =	sne.s32 s0, $0x3F0  }
.Ltmp26:
0x2cf: {  	s0 =	sadd.s32 $0x10, s0;
	s31 =	sor.u32 s6, s1;
	(pc) =	sbr.rel @p0 .LBB2_54-.Ltmp26, $4  }
0x2d0: {  	v7 =	vmul.f32 v5, v3;
	v5 =	vld [tilespmem:s31+$0x8200];
	v8 =	vmul.f32 v6, v4  }
0x2d1: {  	v6 =	vld [tilespmem:s31+$0x10200]  }
0x2d2: {  	v7 =	vadd.f32 v8, v7  }
0x2d3: {  	s5 =	sadd.s32 $0x80, s5  }
0x2d4: {  	_ =	sdelay $0x1  }
0x2d5: {  	v3 =	vmul.f32 v5, v3;
	v4 =	vmul.f32 v6, v4;
	_ =	sdelay $0x1  }
0x2d6: {  	v3 =	vadd.f32 v4, v3  }
0x2d7: {  	[tilespmem:s30+$0x18200] =	vst v7  }
0x2d8: {  	s0 =	simm.s32 $0x0;
	[tilespmem:s31+$0x18200] =	vst v3  }
0x2d9: {  	s1 =	sand.u32 $0x70, s0;
	s0 =	sand.u32 $0x1C00, s0;
	v3 =	vld [tilespmem:$0xE80]  }
0x2da: {  	s30 =	sor.u32 s0, s1;
	v4 =	vld [tilespmem:$0x1E80]  }
0x2db: {  	v5 =	vld [tilespmem:s30+$0x8280]  }
0x2dc: {  	v6 =	vld [tilespmem:s30+$0x10280];
	_ =	sdelay $0x1  }
0x2dd: {  	s5 =	simm.s32 $0x10;
	s6 =	simm.s32 $0x80  }
0x2de: {  	s0 =	sand.u32 $0x70, s5;
	s1 =	sand.u32 $0x1C00, s6  }
0x2df: {  	s31 =	sor.u32 s1, s0  }
0x2e0: {  	v7 =	vmul.f32 v5, v3;
	v8 =	vmul.f32 v6, v4;
	v5 =	vld [tilespmem:s31+$0x8280]  }
0x2e1: {  	v6 =	vld [tilespmem:s31+$0x10280]  }
0x2e2: {  	s5 =	simm.s32 $0x100;
	s0 =	simm.s32 $0x20;
	v7 =	vadd.f32 v8, v7  }
.LBB2_56:
0x2e3: {  	s1 =	sand.u32 $0x70, s0  }
0x2e4: {  	s6 =	sand.u32 $0x1C00, s5;
	[tilespmem:s30+$0x18280] =	vst v7;
	s30 =	smov.u32 s31;
	p0 =	sne.s32 s0, $0x3F0  }
.Ltmp27:
0x2e5: {  	s0 =	sadd.s32 $0x10, s0;
	s31 =	sor.u32 s6, s1;
	(pc) =	sbr.rel @p0 .LBB2_56-.Ltmp27, $4  }
0x2e6: {  	v7 =	vmul.f32 v5, v3;
	v5 =	vld [tilespmem:s31+$0x8280];
	v8 =	vmul.f32 v6, v4  }
0x2e7: {  	v6 =	vld [tilespmem:s31+$0x10280]  }
0x2e8: {  	v7 =	vadd.f32 v8, v7  }
0x2e9: {  	s5 =	sadd.s32 $0x80, s5  }
0x2ea: {  	_ =	sdelay $0x1  }
0x2eb: {  	v3 =	vmul.f32 v5, v3;
	v4 =	vmul.f32 v6, v4;
	_ =	sdelay $0x1  }
0x2ec: {  	v3 =	vadd.f32 v4, v3  }
0x2ed: {  	[tilespmem:s30+$0x18280] =	vst v7  }
0x2ee: {  	s0 =	simm.s32 $0x0;
	[tilespmem:s31+$0x18280] =	vst v3  }
0x2ef: {  	s1 =	sand.u32 $0x70, s0;
	s0 =	sand.u32 $0x1C00, s0;
	v3 =	vld [tilespmem:$0xF00]  }
0x2f0: {  	s30 =	sor.u32 s0, s1;
	v4 =	vld [tilespmem:$0x1F00]  }
0x2f1: {  	v5 =	vld [tilespmem:s30+$0x8300]  }
0x2f2: {  	v6 =	vld [tilespmem:s30+$0x10300];
	_ =	sdelay $0x1  }
0x2f3: {  	s5 =	simm.s32 $0x10;
	s6 =	simm.s32 $0x80  }
0x2f4: {  	s0 =	sand.u32 $0x70, s5;
	s1 =	sand.u32 $0x1C00, s6  }
0x2f5: {  	s31 =	sor.u32 s1, s0  }
0x2f6: {  	v7 =	vmul.f32 v5, v3;
	v8 =	vmul.f32 v6, v4;
	v5 =	vld [tilespmem:s31+$0x8300]  }
0x2f7: {  	v6 =	vld [tilespmem:s31+$0x10300]  }
0x2f8: {  	s5 =	simm.s32 $0x100;
	s0 =	simm.s32 $0x20;
	v7 =	vadd.f32 v8, v7  }
.LBB2_58:
0x2f9: {  	s1 =	sand.u32 $0x70, s0  }
0x2fa: {  	s6 =	sand.u32 $0x1C00, s5;
	[tilespmem:s30+$0x18300] =	vst v7;
	s30 =	smov.u32 s31;
	p0 =	sne.s32 s0, $0x3F0  }
.Ltmp28:
0x2fb: {  	s0 =	sadd.s32 $0x10, s0;
	s31 =	sor.u32 s6, s1;
	(pc) =	sbr.rel @p0 .LBB2_58-.Ltmp28, $4  }
0x2fc: {  	v7 =	vmul.f32 v5, v3;
	v5 =	vld [tilespmem:s31+$0x8300];
	v8 =	vmul.f32 v6, v4  }
0x2fd: {  	v6 =	vld [tilespmem:s31+$0x10300]  }
0x2fe: {  	v7 =	vadd.f32 v8, v7  }
0x2ff: {  	s5 =	sadd.s32 $0x80, s5  }
0x300: {  	_ =	sdelay $0x1  }
0x301: {  	v3 =	vmul.f32 v5, v3;
	v4 =	vmul.f32 v6, v4;
	_ =	sdelay $0x1  }
0x302: {  	v3 =	vadd.f32 v4, v3  }
0x303: {  	[tilespmem:s30+$0x18300] =	vst v7  }
0x304: {  	s0 =	simm.s32 $0x0;
	[tilespmem:s31+$0x18300] =	vst v3  }
0x305: {  	s1 =	sand.u32 $0x70, s0;
	s0 =	sand.u32 $0x1C00, s0;
	v3 =	vld [tilespmem:$0xF80]  }
0x306: {  	s30 =	sor.u32 s0, s1;
	v4 =	vld [tilespmem:$0x1F80]  }
0x307: {  	v5 =	vld [tilespmem:s30+$0x8380]  }
0x308: {  	v6 =	vld [tilespmem:s30+$0x10380];
	_ =	sdelay $0x1  }
0x309: {  	s5 =	simm.s32 $0x10;
	s6 =	simm.s32 $0x80  }
0x30a: {  	s0 =	sand.u32 $0x70, s5;
	s1 =	sand.u32 $0x1C00, s6  }
0x30b: {  	s31 =	sor.u32 s1, s0  }
0x30c: {  	v7 =	vmul.f32 v5, v3;
	v8 =	vmul.f32 v6, v4;
	v5 =	vld [tilespmem:s31+$0x8380]  }
0x30d: {  	v6 =	vld [tilespmem:s31+$0x10380]  }
0x30e: {  	s5 =	simm.s32 $0x100;
	s0 =	simm.s32 $0x20;
	v7 =	vadd.f32 v8, v7  }
.LBB2_60:
0x30f: {  	s1 =	sand.u32 $0x70, s0  }
0x310: {  	s6 =	sand.u32 $0x1C00, s5;
	[tilespmem:s30+$0x18380] =	vst v7;
	s30 =	smov.u32 s31;
	p0 =	sne.s32 s0, $0x3F0  }
.Ltmp29:
0x311: {  	s0 =	sadd.s32 $0x10, s0;
	s31 =	sor.u32 s6, s1;
	(pc) =	sbr.rel @p0 .LBB2_60-.Ltmp29, $4  }
0x312: {  	v7 =	vmul.f32 v5, v3;
	v5 =	vld [tilespmem:s31+$0x8380];
	v8 =	vmul.f32 v6, v4  }
0x313: {  	v6 =	vld [tilespmem:s31+$0x10380]  }
0x314: {  	v7 =	vadd.f32 v8, v7  }
0x315: {  	s5 =	sadd.s32 $0x80, s5  }
0x316: {  	_ =	sdelay $0x1  }
0x317: {  	v3 =	vmul.f32 v5, v3;
	v4 =	vmul.f32 v6, v4;
	_ =	sdelay $0x1  }
0x318: {  	v3 =	vadd.f32 v4, v3  }
0x319: {  	[tilespmem:s30+$0x18380] =	vst v7  }
0x31a: {  	s0 =	simm.s32 $0x0;
	[tilespmem:s31+$0x18380] =	vst v3  }
0x31b: {  	s1 =	sand.u32 $0x70, s0;
	s0 =	sand.u32 $0x1C00, s0;
	v3 =	vld [tilespmem:$0x1000]  }
0x31c: {  	s30 =	sor.u32 s0, s1;
	v4 =	vld [tilespmem:$0x2000]  }
0x31d: {  	v5 =	vld [tilespmem:s30+$0x8400]  }
0x31e: {  	v6 =	vld [tilespmem:s30+$0x10400];
	_ =	sdelay $0x1  }
0x31f: {  	s5 =	simm.s32 $0x10;
	s6 =	simm.s32 $0x80  }
0x320: {  	s0 =	sand.u32 $0x70, s5;
	s1 =	sand.u32 $0x1C00, s6  }
0x321: {  	s31 =	sor.u32 s1, s0  }
0x322: {  	v7 =	vmul.f32 v5, v3;
	v8 =	vmul.f32 v6, v4;
	v5 =	vld [tilespmem:s31+$0x8400]  }
0x323: {  	v6 =	vld [tilespmem:s31+$0x10400]  }
0x324: {  	s5 =	simm.s32 $0x100;
	s0 =	simm.s32 $0x20;
	v7 =	vadd.f32 v8, v7  }
.LBB2_62:
0x325: {  	s1 =	sand.u32 $0x70, s0  }
0x326: {  	s6 =	sand.u32 $0x1C00, s5;
	[tilespmem:s30+$0x18400] =	vst v7;
	s30 =	smov.u32 s31;
	p0 =	sne.s32 s0, $0x3F0  }
.Ltmp30:
0x327: {  	s0 =	sadd.s32 $0x10, s0;
	s31 =	sor.u32 s6, s1;
	(pc) =	sbr.rel @p0 .LBB2_62-.Ltmp30, $4  }
0x328: {  	v7 =	vmul.f32 v5, v3;
	v5 =	vld [tilespmem:s31+$0x8400];
	v8 =	vmul.f32 v6, v4  }
0x329: {  	v6 =	vld [tilespmem:s31+$0x10400]  }
0x32a: {  	v7 =	vadd.f32 v8, v7  }
0x32b: {  	s5 =	sadd.s32 $0x80, s5  }
0x32c: {  	_ =	sdelay $0x1  }
0x32d: {  	v3 =	vmul.f32 v5, v3;
	v4 =	vmul.f32 v6, v4;
	_ =	sdelay $0x1  }
0x32e: {  	v3 =	vadd.f32 v4, v3  }
0x32f: {  	[tilespmem:s30+$0x18400] =	vst v7  }
0x330: {  	s0 =	simm.s32 $0x0;
	[tilespmem:s31+$0x18400] =	vst v3  }
0x331: {  	s0 =	sor.u32 s0, s0;
	v3 =	vld [tilespmem:$0x1080]  }
0x332: {  	s30 =	sor.u32 $0x6380, s0;
	v4 =	vld [tilespmem:$0x2080]  }
0x333: {  	v5 =	vld [tilespmem:s30+$0x2100]  }
0x334: {  	v6 =	vld [tilespmem:s30+$0xA100];
	_ =	sdelay $0x1  }
0x335: {  	s6 =	simm.s32 $0x10;
	s1 =	simm.s32 $0x80  }
0x336: {  	s0 =	sor.u32 s1, s6  }
0x337: {  	s31 =	sor.u32 $0x6380, s0  }
0x338: {  	v7 =	vmul.f32 v5, v3;
	v8 =	vmul.f32 v6, v4;
	v5 =	vld [tilespmem:s31+$0x2100]  }
0x339: {  	v6 =	vld [tilespmem:s31+$0xA100]  }
0x33a: {  	v7 =	vadd.f32 v8, v7  }
0x33b: {  	s5 =	simm.s32 $0x100;
	s0 =	simm.s32 $0x20  }
.LBB2_64:
0x33c: {  	s1 =	sor.u32 s5, s0;
	[tilespmem:s30+$0x12100] =	vst v7;
	s30 =	smov.u32 s31;
	p0 =	sne.s32 s0, $0x3F0  }
.Ltmp31:
0x33d: {  	s0 =	sadd.s32 $0x10, s0;
	s31 =	sor.u32 $0x6380, s1;
	(pc) =	sbr.rel @p0 .LBB2_64-.Ltmp31, $4  }
0x33e: {  	v7 =	vmul.f32 v5, v3;
	v5 =	vld [tilespmem:s31+$0x2100];
	v8 =	vmul.f32 v6, v4  }
0x33f: {  	v6 =	vld [tilespmem:s31+$0xA100]  }
0x340: {  	v7 =	vadd.f32 v8, v7  }
0x341: {  	s5 =	sadd.s32 $0x80, s5  }
0x342: {  	_ =	sdelay $0x1  }
0x343: {  	v3 =	vmul.f32 v5, v3;
	v4 =	vmul.f32 v6, v4;
	_ =	sdelay $0x1  }
0x344: {  	v3 =	vadd.f32 v4, v3  }
0x345: {  	[tilespmem:s30+$0x12100] =	vst v7  }
0x346: {  	s30 =	simm.s32 $0x0;
	[tilespmem:s31+$0x12100] =	vst v3  }
0x347: {  	[hbm4b:s11+s30] =	stream.linear.scatter [tilespmem:s29], [sflag:$0x3], $0x8000, $0x38;
	[tilespmem:$0x1A100] =	vst v63  }
0x348: {  	_ =	swait.ge [sflag:s18], $0x8000  }
0x349: {  	[sflag:s18] =	ssyncset.done $0x0  }
0x34a: {  	[sflag:s18] =	ssyncadd.s32 $0xFFFF8000  }
0x34b: {  	[tilespmem:s30], [sflag:$0x3] =	stream.linear.gather [hbm4b:s12+s30], $0x20, $0x38;
	[tilespmem:$0x1A100] =	vst v63  }
0x34c: {  	_ =	swait.ge [sflag:s18], $0x20  }
0x34d: {  	[sflag:s18] =	ssyncset.done $0x0  }
0x34e: {  	s0 =	simm.s32 $0x80;
	[sflag:s18] =	ssyncadd.s32 $0xFFFFFFE0  }
0x34f: {  	[tilespmem:s0], [sflag:$0x3] =	stream.linear.gather [hbm4b:s13+s30], $0x20, $0x38;
	[tilespmem:$0x1A100] =	vst v63  }
0x350: {  	_ =	swait.ge [sflag:s18], $0x20  }
0x351: {  	[sflag:s18] =	ssyncset.done $0x0  }
0x352: {  	s6 =	simm.s32 $0x100;
	[sflag:s18] =	ssyncadd.s32 $0xFFFFFFE0  }
0x353: {  	[tilespmem:s6], [sflag:$0x3] =	stream.linear.gather [hbm4b:s14+s30], $0x1000, $0x38;
	[tilespmem:$0x1A100] =	vst v63  }
0x354: {  	_ =	swait.ge [sflag:s18], $0x1000  }
0x355: {  	[sflag:s18] =	ssyncset.done $0x0  }
0x356: {  	s1 =	simm.s32 $0x1100;
	[sflag:s18] =	ssyncadd.s32 $0xFFFFF000  }
0x357: {  	[tilespmem:s1], [sflag:$0x3] =	stream.linear.gather [hbm4b:s15+s30], $0x1000, $0x38;
	[tilespmem:$0x1A100] =	vst v63  }
0x358: {  	_ =	swait.ge [sflag:s18], $0x1000  }
0x359: {  	[sflag:s18] =	ssyncset.done $0x0  }
0x35a: {  	[sflag:s18] =	ssyncadd.s32 $0xFFFFF000  }
0x35b: {  	v3 =	vld [tilespmem:$0x0];
	_ =	sdelay $0x4  }
0x35c: {  	v4 =	vshll.u32 v3, $0x3  }
0x35d: {  	v3 =	vand.u32 $0x7, v3;
	v4 =	vand.u32 $0xFFFFFFC0, v4  }
0x35e: {  	v3 =	vor.u32 v3, v4  }
0x35f: {  	v4 =	vperm.xlane v3, v0;
	_ =	sdelay $0x1  }
0x360: {  	v4 =	vadd.s32 v1, v4;
	_ =	sdelay $0x3  }
0x361: {  	s5 =	simm.s32 $0x2100  }
0x362: {  	[tilespmem:s5], [sflag:$0x1] =	stream.indirect_vreg.gather [hbm4b:s3+s30], $0x80, v4, vm0, $0xb8;
	[tilespmem:$0x1A100] =	vst v63  }
0x363: {  	s6 =	simm.s32 $0x2900;
	v3 =	vperm.xlane v3, v2  }
0x364: {  	[tilespmem:s6], [sflag:$0x1] =	stream.indirect_vreg.gather [hbm4b:s8+s30], $0x80, v4, vm0, $0xb8;
	[tilespmem:$0x1A100] =	vst v63  }
0x365: {  	s1 =	simm.s32 $0x3100;
	v3 =	vadd.s32 v1, v3  }
0x366: {  	[tilespmem:s1], [sflag:$0x1] =	stream.indirect_vreg.gather [hbm4b:s9+s30], $0x80, v4, vm0, $0xb8;
	[tilespmem:$0x1A100] =	vst v63  }
0x367: {  	s5 =	simm.s32 $0x3900  }
0x368: {  	[tilespmem:s5], [sflag:$0x1] =	stream.indirect_vreg.gather [hbm4b:s10+s30], $0x80, v4, vm0, $0xb8;
	[tilespmem:$0x1A100] =	vst v63  }
0x369: {  	s6 =	simm.s32 $0x4100  }
0x36a: {  	[tilespmem:s6], [sflag:$0x1] =	stream.indirect_vreg.gather [hbm4b:s3+s30], $0x80, v3, vm0, $0xb8;
	[tilespmem:$0x1A100] =	vst v63  }
0x36b: {  	s1 =	simm.s32 $0x4900  }
0x36c: {  	[tilespmem:s1], [sflag:$0x1] =	stream.indirect_vreg.gather [hbm4b:s8+s30], $0x80, v3, vm0, $0xb8;
	[tilespmem:$0x1A100] =	vst v63  }
0x36d: {  	s5 =	simm.s32 $0x5100  }
0x36e: {  	[tilespmem:s5], [sflag:$0x1] =	stream.indirect_vreg.gather [hbm4b:s9+s30], $0x80, v3, vm0, $0xb8;
	[tilespmem:$0x1A100] =	vst v63  }
0x36f: {  	s6 =	simm.s32 $0x5900  }
0x370: {  	[tilespmem:s6], [sflag:$0x1] =	stream.indirect_vreg.gather [hbm4b:s10+s30], $0x80, v3, vm0, $0xb8;
	[tilespmem:$0x1A100] =	vst v63  }
0x371: {  	v3 =	vld [tilespmem:$0x10];
	_ =	sdelay $0x4  }
0x372: {  	v4 =	vshll.u32 v3, $0x3  }
0x373: {  	v3 =	vand.u32 $0x7, v3;
	v4 =	vand.u32 $0xFFFFFFC0, v4  }
0x374: {  	v3 =	vor.u32 v3, v4  }
0x375: {  	v4 =	vperm.xlane v3, v0;
	_ =	sdelay $0x1  }
0x376: {  	v4 =	vadd.s32 v1, v4;
	_ =	sdelay $0x3  }
0x377: {  	s1 =	simm.s32 $0x6100  }
0x378: {  	[tilespmem:s1], [sflag:$0x1] =	stream.indirect_vreg.gather [hbm4b:s3+s30], $0x80, v4, vm0, $0xb8;
	[tilespmem:$0x1A100] =	vst v63  }
0x379: {  	s5 =	simm.s32 $0x6900;
	v3 =	vperm.xlane v3, v2  }
0x37a: {  	[tilespmem:s5], [sflag:$0x1] =	stream.indirect_vreg.gather [hbm4b:s8+s30], $0x80, v4, vm0, $0xb8;
	[tilespmem:$0x1A100] =	vst v63  }
0x37b: {  	s6 =	simm.s32 $0x7100;
	v3 =	vadd.s32 v1, v3  }
0x37c: {  	[tilespmem:s6], [sflag:$0x1] =	stream.indirect_vreg.gather [hbm4b:s9+s30], $0x80, v4, vm0, $0xb8;
	[tilespmem:$0x1A100] =	vst v63  }
0x37d: {  	s1 =	simm.s32 $0x7900  }
0x37e: {  	[tilespmem:s1], [sflag:$0x1] =	stream.indirect_vreg.gather [hbm4b:s10+s30], $0x80, v4, vm0, $0xb8;
	[tilespmem:$0x1A100] =	vst v63  }
0x37f: {  	s5 =	simm.s32 $0x8100  }
0x380: {  	[tilespmem:s5], [sflag:$0x1] =	stream.indirect_vreg.gather [hbm4b:s3+s30], $0x80, v3, vm0, $0xb8;
	[tilespmem:$0x1A100] =	vst v63  }
0x381: {  	s6 =	simm.s32 $0x8900  }
0x382: {  	[tilespmem:s6], [sflag:$0x1] =	stream.indirect_vreg.gather [hbm4b:s8+s30], $0x80, v3, vm0, $0xb8;
	[tilespmem:$0x1A100] =	vst v63  }
0x383: {  	s1 =	simm.s32 $0x9100  }
0x384: {  	[tilespmem:s1], [sflag:$0x1] =	stream.indirect_vreg.gather [hbm4b:s9+s30], $0x80, v3, vm0, $0xb8;
	[tilespmem:$0x1A100] =	vst v63  }
0x385: {  	s5 =	simm.s32 $0x9900  }
0x386: {  	[tilespmem:s5], [sflag:$0x1] =	stream.indirect_vreg.gather [hbm4b:s10+s30], $0x80, v3, vm0, $0xb8;
	[tilespmem:$0x1A100] =	vst v63  }
0x387: {  	v3 =	vld [tilespmem:$0x80];
	_ =	sdelay $0x4  }
0x388: {  	v4 =	vshll.u32 v3, $0x3  }
0x389: {  	v3 =	vand.u32 $0x7, v3;
	v4 =	vand.u32 $0xFFFFFFC0, v4  }
0x38a: {  	v3 =	vor.u32 v3, v4  }
0x38b: {  	v4 =	vperm.xlane v3, v0;
	_ =	sdelay $0x1  }
0x38c: {  	v4 =	vadd.s32 v1, v4;
	_ =	sdelay $0x3  }
0x38d: {  	s6 =	simm.s32 $0xA100  }
0x38e: {  	[tilespmem:s6], [sflag:$0x2] =	stream.indirect_vreg.gather [hbm4b:s3+s30], $0x80, v4, vm0, $0xb8;
	[tilespmem:$0x1A100] =	vst v63  }
0x38f: {  	s1 =	simm.s32 $0xA900;
	v3 =	vperm.xlane v3, v2  }
0x390: {  	[tilespmem:s1], [sflag:$0x2] =	stream.indirect_vreg.gather [hbm4b:s8+s30], $0x80, v4, vm0, $0xb8;
	[tilespmem:$0x1A100] =	vst v63  }
0x391: {  	s5 =	simm.s32 $0xB100;
	v3 =	vadd.s32 v1, v3  }
0x392: {  	[tilespmem:s5], [sflag:$0x2] =	stream.indirect_vreg.gather [hbm4b:s9+s30], $0x80, v4, vm0, $0xb8;
	[tilespmem:$0x1A100] =	vst v63  }
0x393: {  	s6 =	simm.s32 $0xB900  }
0x394: {  	[tilespmem:s6], [sflag:$0x2] =	stream.indirect_vreg.gather [hbm4b:s10+s30], $0x80, v4, vm0, $0xb8;
	[tilespmem:$0x1A100] =	vst v63  }
0x395: {  	s1 =	simm.s32 $0xC100  }
0x396: {  	[tilespmem:s1], [sflag:$0x2] =	stream.indirect_vreg.gather [hbm4b:s3+s30], $0x80, v3, vm0, $0xb8;
	[tilespmem:$0x1A100] =	vst v63  }
0x397: {  	s5 =	simm.s32 $0xC900  }
0x398: {  	[tilespmem:s5], [sflag:$0x2] =	stream.indirect_vreg.gather [hbm4b:s8+s30], $0x80, v3, vm0, $0xb8;
	[tilespmem:$0x1A100] =	vst v63  }
0x399: {  	s6 =	simm.s32 $0xD100  }
0x39a: {  	[tilespmem:s6], [sflag:$0x2] =	stream.indirect_vreg.gather [hbm4b:s9+s30], $0x80, v3, vm0, $0xb8;
	[tilespmem:$0x1A100] =	vst v63  }
0x39b: {  	s1 =	simm.s32 $0xD900  }
0x39c: {  	[tilespmem:s1], [sflag:$0x2] =	stream.indirect_vreg.gather [hbm4b:s10+s30], $0x80, v3, vm0, $0xb8;
	[tilespmem:$0x1A100] =	vst v63  }
0x39d: {  	v3 =	vld [tilespmem:$0x90];
	_ =	sdelay $0x4  }
0x39e: {  	v4 =	vshll.u32 v3, $0x3  }
0x39f: {  	v3 =	vand.u32 $0x7, v3;
	v4 =	vand.u32 $0xFFFFFFC0, v4  }
0x3a0: {  	v3 =	vor.u32 v3, v4  }
0x3a1: {  	v4 =	vperm.xlane v3, v0;
	_ =	sdelay $0x1  }
0x3a2: {  	v4 =	vadd.s32 v1, v4;
	_ =	sdelay $0x3  }
0x3a3: {  	s5 =	simm.s32 $0xE100  }
0x3a4: {  	[tilespmem:s5], [sflag:$0x2] =	stream.indirect_vreg.gather [hbm4b:s3+s30], $0x80, v4, vm0, $0xb8;
	[tilespmem:$0x1A100] =	vst v63  }
0x3a5: {  	v3 =	vperm.xlane v3, v2  }
0x3a6: {  	[tilespmem:s19], [sflag:$0x2] =	stream.indirect_vreg.gather [hbm4b:s8+s30], $0x80, v4, vm0, $0xb8;
	[tilespmem:$0x1A100] =	vst v63  }
0x3a7: {  	v3 =	vadd.s32 v1, v3  }
0x3a8: {  	[tilespmem:s20], [sflag:$0x2] =	stream.indirect_vreg.gather [hbm4b:s9+s30], $0x80, v4, vm0, $0xb8;
	[tilespmem:$0x1A100] =	vst v63  }
0x3a9: {  	_ = 	snop  }
0x3aa: {  	[tilespmem:s21], [sflag:$0x2] =	stream.indirect_vreg.gather [hbm4b:s10+s30], $0x80, v4, vm0, $0xb8;
	[tilespmem:$0x1A100] =	vst v63  }
0x3ab: {  	_ = 	snop  }
0x3ac: {  	[tilespmem:s22], [sflag:$0x2] =	stream.indirect_vreg.gather [hbm4b:s3+s30], $0x80, v3, vm0, $0xb8;
	[tilespmem:$0x1A100] =	vst v63  }
0x3ad: {  	_ = 	snop  }
0x3ae: {  	[tilespmem:s23], [sflag:$0x2] =	stream.indirect_vreg.gather [hbm4b:s8+s30], $0x80, v3, vm0, $0xb8;
	[tilespmem:$0x1A100] =	vst v63  }
0x3af: {  	_ = 	snop  }
0x3b0: {  	[tilespmem:s24], [sflag:$0x2] =	stream.indirect_vreg.gather [hbm4b:s9+s30], $0x80, v3, vm0, $0xb8;
	[tilespmem:$0x1A100] =	vst v63  }
0x3b1: {  	_ = 	snop  }
0x3b2: {  	[tilespmem:s25], [sflag:$0x2] =	stream.indirect_vreg.gather [hbm4b:s10+s30], $0x80, v3, vm0, $0xb8;
	[tilespmem:$0x1A100] =	vst v63  }
0x3b3: {  	_ =	swait.ge [sflag:s26], $0x8000  }
0x3b4: {  	[sflag:s26] =	ssyncset.done $0x0  }
0x3b5: {  	[sflag:s26] =	ssyncadd.s32 $0xFFFF8000  }
0x3b6: {  	_ =	swait.ge [sflag:s28], $0x8000  }
0x3b7: {  	[sflag:s28] =	ssyncset.done $0x0  }
0x3b8: {  	[sflag:s28] =	ssyncadd.s32 $0xFFFF8000  }
0x3b9: {  	s6 =	sand.u32 $0x70, s30;
	s1 =	sand.u32 $0x1C00, s30;
	v3 =	vld [tilespmem:$0x100]  }
0x3ba: {  	s30 =	sor.u32 s6, s1;
	v4 =	vld [tilespmem:$0x1100]  }
0x3bb: {  	v5 =	vld [tilespmem:s30+$0x2100]  }
0x3bc: {  	v6 =	vld [tilespmem:s30+$0xA100];
	_ =	sdelay $0x1  }
0x3bd: {  	s5 =	simm.s32 $0x10;
	s6 =	simm.s32 $0x80  }
0x3be: {  	s0 =	sand.u32 $0x70, s5;
	s1 =	sand.u32 $0x1C00, s6  }
0x3bf: {  	s31 =	sor.u32 s0, s1  }
0x3c0: {  	v7 =	vmul.f32 v5, v3;
	v8 =	vmul.f32 v6, v4;
	v5 =	vld [tilespmem:s31+$0x2100]  }
0x3c1: {  	v6 =	vld [tilespmem:s31+$0xA100]  }
0x3c2: {  	s5 =	simm.s32 $0x100;
	s0 =	simm.s32 $0x20;
	v7 =	vadd.f32 v8, v7  }
.LBB2_66:
0x3c3: {  	s1 =	sand.u32 $0x70, s0  }
0x3c4: {  	s6 =	sand.u32 $0x1C00, s5;
	[tilespmem:s30+$0x12100] =	vst v7;
	s30 =	smov.u32 s31;
	p0 =	sne.s32 s0, $0x3F0  }
.Ltmp32:
0x3c5: {  	s0 =	sadd.s32 $0x10, s0;
	s31 =	sor.u32 s1, s6;
	(pc) =	sbr.rel @p0 .LBB2_66-.Ltmp32, $4  }
0x3c6: {  	v7 =	vmul.f32 v5, v3;
	v5 =	vld [tilespmem:s31+$0x2100];
	v8 =	vmul.f32 v6, v4  }
0x3c7: {  	v6 =	vld [tilespmem:s31+$0xA100]  }
0x3c8: {  	v7 =	vadd.f32 v8, v7  }
0x3c9: {  	s5 =	sadd.s32 $0x80, s5  }
0x3ca: {  	_ =	sdelay $0x1  }
0x3cb: {  	v3 =	vmul.f32 v5, v3;
	v4 =	vmul.f32 v6, v4;
	_ =	sdelay $0x1  }
0x3cc: {  	v3 =	vadd.f32 v4, v3  }
0x3cd: {  	[tilespmem:s30+$0x12100] =	vst v7  }
0x3ce: {  	s0 =	simm.s32 $0x0;
	[tilespmem:s31+$0x12100] =	vst v3  }
0x3cf: {  	s1 =	sand.u32 $0x70, s0;
	s0 =	sand.u32 $0x1C00, s0;
	v3 =	vld [tilespmem:$0x180]  }
0x3d0: {  	s30 =	sor.u32 s0, s1;
	v4 =	vld [tilespmem:$0x1180]  }
0x3d1: {  	v5 =	vld [tilespmem:s30+$0x2180]  }
0x3d2: {  	v6 =	vld [tilespmem:s30+$0xA180];
	_ =	sdelay $0x1  }
0x3d3: {  	s5 =	simm.s32 $0x10;
	s6 =	simm.s32 $0x80  }
0x3d4: {  	s0 =	sand.u32 $0x70, s5;
	s1 =	sand.u32 $0x1C00, s6  }
0x3d5: {  	s31 =	sor.u32 s1, s0  }
0x3d6: {  	v7 =	vmul.f32 v5, v3;
	v8 =	vmul.f32 v6, v4;
	v5 =	vld [tilespmem:s31+$0x2180]  }
0x3d7: {  	v6 =	vld [tilespmem:s31+$0xA180]  }
0x3d8: {  	s5 =	simm.s32 $0x100;
	s0 =	simm.s32 $0x20;
	v7 =	vadd.f32 v8, v7  }
.LBB2_68:
0x3d9: {  	s1 =	sand.u32 $0x70, s0  }
0x3da: {  	s6 =	sand.u32 $0x1C00, s5;
	[tilespmem:s30+$0x12180] =	vst v7;
	s30 =	smov.u32 s31;
	p0 =	sne.s32 s0, $0x3F0  }
.Ltmp33:
0x3db: {  	s0 =	sadd.s32 $0x10, s0;
	s31 =	sor.u32 s6, s1;
	(pc) =	sbr.rel @p0 .LBB2_68-.Ltmp33, $4  }
0x3dc: {  	v7 =	vmul.f32 v5, v3;
	v5 =	vld [tilespmem:s31+$0x2180];
	v8 =	vmul.f32 v6, v4  }
0x3dd: {  	v6 =	vld [tilespmem:s31+$0xA180]  }
0x3de: {  	v7 =	vadd.f32 v8, v7  }
0x3df: {  	s5 =	sadd.s32 $0x80, s5  }
0x3e0: {  	_ =	sdelay $0x1  }
0x3e1: {  	v3 =	vmul.f32 v5, v3;
	v4 =	vmul.f32 v6, v4;
	_ =	sdelay $0x1  }
0x3e2: {  	v3 =	vadd.f32 v4, v3  }
0x3e3: {  	[tilespmem:s30+$0x12180] =	vst v7  }
0x3e4: {  	s0 =	simm.s32 $0x0;
	[tilespmem:s31+$0x12180] =	vst v3  }
0x3e5: {  	s1 =	sand.u32 $0x70, s0;
	s0 =	sand.u32 $0x1C00, s0;
	v3 =	vld [tilespmem:$0x200]  }
0x3e6: {  	s30 =	sor.u32 s0, s1;
	v4 =	vld [tilespmem:$0x1200]  }
0x3e7: {  	v5 =	vld [tilespmem:s30+$0x2200]  }
0x3e8: {  	v6 =	vld [tilespmem:s30+$0xA200];
	_ =	sdelay $0x1  }
0x3e9: {  	s5 =	simm.s32 $0x10;
	s6 =	simm.s32 $0x80  }
0x3ea: {  	s0 =	sand.u32 $0x70, s5;
	s1 =	sand.u32 $0x1C00, s6  }
0x3eb: {  	s31 =	sor.u32 s1, s0  }
0x3ec: {  	v7 =	vmul.f32 v5, v3;
	v8 =	vmul.f32 v6, v4;
	v5 =	vld [tilespmem:s31+$0x2200]  }
0x3ed: {  	v6 =	vld [tilespmem:s31+$0xA200]  }
0x3ee: {  	s5 =	simm.s32 $0x100;
	s0 =	simm.s32 $0x20;
	v7 =	vadd.f32 v8, v7  }
.LBB2_70:
0x3ef: {  	s1 =	sand.u32 $0x70, s0  }
0x3f0: {  	s6 =	sand.u32 $0x1C00, s5;
	[tilespmem:s30+$0x12200] =	vst v7;
	s30 =	smov.u32 s31;
	p0 =	sne.s32 s0, $0x3F0  }
.Ltmp34:
0x3f1: {  	s0 =	sadd.s32 $0x10, s0;
	s31 =	sor.u32 s6, s1;
	(pc) =	sbr.rel @p0 .LBB2_70-.Ltmp34, $4  }
0x3f2: {  	v7 =	vmul.f32 v5, v3;
	v5 =	vld [tilespmem:s31+$0x2200];
	v8 =	vmul.f32 v6, v4  }
0x3f3: {  	v6 =	vld [tilespmem:s31+$0xA200]  }
0x3f4: {  	v7 =	vadd.f32 v8, v7  }
0x3f5: {  	s5 =	sadd.s32 $0x80, s5  }
0x3f6: {  	_ =	sdelay $0x1  }
0x3f7: {  	v3 =	vmul.f32 v5, v3;
	v4 =	vmul.f32 v6, v4;
	_ =	sdelay $0x1  }
0x3f8: {  	v3 =	vadd.f32 v4, v3  }
0x3f9: {  	[tilespmem:s30+$0x12200] =	vst v7  }
0x3fa: {  	s0 =	simm.s32 $0x0;
	[tilespmem:s31+$0x12200] =	vst v3  }
0x3fb: {  	s1 =	sand.u32 $0x70, s0;
	s0 =	sand.u32 $0x1C00, s0;
	v3 =	vld [tilespmem:$0x280]  }
0x3fc: {  	s30 =	sor.u32 s0, s1;
	v4 =	vld [tilespmem:$0x1280]  }
0x3fd: {  	v5 =	vld [tilespmem:s30+$0x2280]  }
0x3fe: {  	v6 =	vld [tilespmem:s30+$0xA280];
	_ =	sdelay $0x1  }
0x3ff: {  	s5 =	simm.s32 $0x10;
	s6 =	simm.s32 $0x80  }
0x400: {  	s0 =	sand.u32 $0x70, s5;
	s1 =	sand.u32 $0x1C00, s6  }
0x401: {  	s31 =	sor.u32 s1, s0  }
0x402: {  	v7 =	vmul.f32 v5, v3;
	v8 =	vmul.f32 v6, v4;
	v5 =	vld [tilespmem:s31+$0x2280]  }
0x403: {  	v6 =	vld [tilespmem:s31+$0xA280]  }
0x404: {  	s5 =	simm.s32 $0x100;
	s0 =	simm.s32 $0x20;
	v7 =	vadd.f32 v8, v7  }
.LBB2_72:
0x405: {  	s1 =	sand.u32 $0x70, s0  }
0x406: {  	s6 =	sand.u32 $0x1C00, s5;
	[tilespmem:s30+$0x12280] =	vst v7;
	s30 =	smov.u32 s31;
	p0 =	sne.s32 s0, $0x3F0  }
.Ltmp35:
0x407: {  	s0 =	sadd.s32 $0x10, s0;
	s31 =	sor.u32 s6, s1;
	(pc) =	sbr.rel @p0 .LBB2_72-.Ltmp35, $4  }
0x408: {  	v7 =	vmul.f32 v5, v3;
	v5 =	vld [tilespmem:s31+$0x2280];
	v8 =	vmul.f32 v6, v4  }
0x409: {  	v6 =	vld [tilespmem:s31+$0xA280]  }
0x40a: {  	v7 =	vadd.f32 v8, v7  }
0x40b: {  	s5 =	sadd.s32 $0x80, s5  }
0x40c: {  	_ =	sdelay $0x1  }
0x40d: {  	v3 =	vmul.f32 v5, v3;
	v4 =	vmul.f32 v6, v4;
	_ =	sdelay $0x1  }
0x40e: {  	v3 =	vadd.f32 v4, v3  }
0x40f: {  	[tilespmem:s30+$0x12280] =	vst v7  }
0x410: {  	s0 =	simm.s32 $0x0;
	[tilespmem:s31+$0x12280] =	vst v3  }
0x411: {  	s1 =	sand.u32 $0x70, s0;
	s0 =	sand.u32 $0x1C00, s0;
	v3 =	vld [tilespmem:$0x300]  }
0x412: {  	s30 =	sor.u32 s0, s1;
	v4 =	vld [tilespmem:$0x1300]  }
0x413: {  	v5 =	vld [tilespmem:s30+$0x2300]  }
0x414: {  	v6 =	vld [tilespmem:s30+$0xA300];
	_ =	sdelay $0x1  }
0x415: {  	s5 =	simm.s32 $0x10;
	s6 =	simm.s32 $0x80  }
0x416: {  	s0 =	sand.u32 $0x70, s5;
	s1 =	sand.u32 $0x1C00, s6  }
0x417: {  	s31 =	sor.u32 s1, s0  }
0x418: {  	v7 =	vmul.f32 v5, v3;
	v8 =	vmul.f32 v6, v4;
	v5 =	vld [tilespmem:s31+$0x2300]  }
0x419: {  	v6 =	vld [tilespmem:s31+$0xA300]  }
0x41a: {  	s5 =	simm.s32 $0x100;
	s0 =	simm.s32 $0x20;
	v7 =	vadd.f32 v8, v7  }
.LBB2_74:
0x41b: {  	s1 =	sand.u32 $0x70, s0  }
0x41c: {  	s6 =	sand.u32 $0x1C00, s5;
	[tilespmem:s30+$0x12300] =	vst v7;
	s30 =	smov.u32 s31;
	p0 =	sne.s32 s0, $0x3F0  }
.Ltmp36:
0x41d: {  	s0 =	sadd.s32 $0x10, s0;
	s31 =	sor.u32 s6, s1;
	(pc) =	sbr.rel @p0 .LBB2_74-.Ltmp36, $4  }
0x41e: {  	v7 =	vmul.f32 v5, v3;
	v5 =	vld [tilespmem:s31+$0x2300];
	v8 =	vmul.f32 v6, v4  }
0x41f: {  	v6 =	vld [tilespmem:s31+$0xA300]  }
0x420: {  	v7 =	vadd.f32 v8, v7  }
0x421: {  	s5 =	sadd.s32 $0x80, s5  }
0x422: {  	_ =	sdelay $0x1  }
0x423: {  	v3 =	vmul.f32 v5, v3;
	v4 =	vmul.f32 v6, v4;
	_ =	sdelay $0x1  }
0x424: {  	v3 =	vadd.f32 v4, v3  }
0x425: {  	[tilespmem:s30+$0x12300] =	vst v7  }
0x426: {  	s0 =	simm.s32 $0x0;
	[tilespmem:s31+$0x12300] =	vst v3  }
0x427: {  	s1 =	sand.u32 $0x70, s0;
	s0 =	sand.u32 $0x1C00, s0;
	v3 =	vld [tilespmem:$0x380]  }
0x428: {  	s30 =	sor.u32 s0, s1;
	v4 =	vld [tilespmem:$0x1380]  }
0x429: {  	v5 =	vld [tilespmem:s30+$0x2380]  }
0x42a: {  	v6 =	vld [tilespmem:s30+$0xA380];
	_ =	sdelay $0x1  }
0x42b: {  	s5 =	simm.s32 $0x10;
	s6 =	simm.s32 $0x80  }
0x42c: {  	s0 =	sand.u32 $0x70, s5;
	s1 =	sand.u32 $0x1C00, s6  }
0x42d: {  	s31 =	sor.u32 s1, s0  }
0x42e: {  	v7 =	vmul.f32 v5, v3;
	v8 =	vmul.f32 v6, v4;
	v5 =	vld [tilespmem:s31+$0x2380]  }
0x42f: {  	v6 =	vld [tilespmem:s31+$0xA380]  }
0x430: {  	s5 =	simm.s32 $0x100;
	s0 =	simm.s32 $0x20;
	v7 =	vadd.f32 v8, v7  }
.LBB2_76:
0x431: {  	s1 =	sand.u32 $0x70, s0  }
0x432: {  	s6 =	sand.u32 $0x1C00, s5;
	[tilespmem:s30+$0x12380] =	vst v7;
	s30 =	smov.u32 s31;
	p0 =	sne.s32 s0, $0x3F0  }
.Ltmp37:
0x433: {  	s0 =	sadd.s32 $0x10, s0;
	s31 =	sor.u32 s6, s1;
	(pc) =	sbr.rel @p0 .LBB2_76-.Ltmp37, $4  }
0x434: {  	v7 =	vmul.f32 v5, v3;
	v5 =	vld [tilespmem:s31+$0x2380];
	v8 =	vmul.f32 v6, v4  }
0x435: {  	v6 =	vld [tilespmem:s31+$0xA380]  }
0x436: {  	v7 =	vadd.f32 v8, v7  }
0x437: {  	s5 =	sadd.s32 $0x80, s5  }
0x438: {  	_ =	sdelay $0x1  }
0x439: {  	v3 =	vmul.f32 v5, v3;
	v4 =	vmul.f32 v6, v4;
	_ =	sdelay $0x1  }
0x43a: {  	v3 =	vadd.f32 v4, v3  }
0x43b: {  	[tilespmem:s30+$0x12380] =	vst v7  }
0x43c: {  	s0 =	simm.s32 $0x0;
	[tilespmem:s31+$0x12380] =	vst v3  }
0x43d: {  	s1 =	sand.u32 $0x70, s0;
	s0 =	sand.u32 $0x1C00, s0;
	v3 =	vld [tilespmem:$0x400]  }
0x43e: {  	s30 =	sor.u32 s0, s1;
	v4 =	vld [tilespmem:$0x1400]  }
0x43f: {  	v5 =	vld [tilespmem:s30+$0x2400]  }
0x440: {  	v6 =	vld [tilespmem:s30+$0xA400];
	_ =	sdelay $0x1  }
0x441: {  	s5 =	simm.s32 $0x10;
	s6 =	simm.s32 $0x80  }
0x442: {  	s0 =	sand.u32 $0x70, s5;
	s1 =	sand.u32 $0x1C00, s6  }
0x443: {  	s31 =	sor.u32 s1, s0  }
0x444: {  	v7 =	vmul.f32 v5, v3;
	v8 =	vmul.f32 v6, v4;
	v5 =	vld [tilespmem:s31+$0x2400]  }
0x445: {  	v6 =	vld [tilespmem:s31+$0xA400]  }
0x446: {  	s5 =	simm.s32 $0x100;
	s0 =	simm.s32 $0x20;
	v7 =	vadd.f32 v8, v7  }
.LBB2_78:
0x447: {  	s1 =	sand.u32 $0x70, s0  }
0x448: {  	s6 =	sand.u32 $0x1C00, s5;
	[tilespmem:s30+$0x12400] =	vst v7;
	s30 =	smov.u32 s31;
	p0 =	sne.s32 s0, $0x3F0  }
.Ltmp38:
0x449: {  	s0 =	sadd.s32 $0x10, s0;
	s31 =	sor.u32 s6, s1;
	(pc) =	sbr.rel @p0 .LBB2_78-.Ltmp38, $4  }
0x44a: {  	v7 =	vmul.f32 v5, v3;
	v5 =	vld [tilespmem:s31+$0x2400];
	v8 =	vmul.f32 v6, v4  }
0x44b: {  	v6 =	vld [tilespmem:s31+$0xA400]  }
0x44c: {  	v7 =	vadd.f32 v8, v7  }
0x44d: {  	s5 =	sadd.s32 $0x80, s5  }
0x44e: {  	_ =	sdelay $0x1  }
0x44f: {  	v3 =	vmul.f32 v5, v3;
	v4 =	vmul.f32 v6, v4;
	_ =	sdelay $0x1  }
0x450: {  	v3 =	vadd.f32 v4, v3  }
0x451: {  	[tilespmem:s30+$0x12400] =	vst v7  }
0x452: {  	s0 =	simm.s32 $0x0;
	[tilespmem:s31+$0x12400] =	vst v3  }
0x453: {  	s0 =	sor.u32 s0, s0;
	v3 =	vld [tilespmem:$0x480]  }
0x454: {  	s30 =	sor.u32 $0x380, s0;
	v4 =	vld [tilespmem:$0x1480]  }
0x455: {  	v5 =	vld [tilespmem:s30+$0x2100]  }
0x456: {  	v6 =	vld [tilespmem:s30+$0xA100];
	_ =	sdelay $0x1  }
0x457: {  	s6 =	simm.s32 $0x10;
	s1 =	simm.s32 $0x80  }
0x458: {  	s0 =	sor.u32 s1, s6  }
0x459: {  	s31 =	sor.u32 $0x380, s0  }
0x45a: {  	v7 =	vmul.f32 v5, v3;
	v8 =	vmul.f32 v6, v4;
	v5 =	vld [tilespmem:s31+$0x2100]  }
0x45b: {  	v6 =	vld [tilespmem:s31+$0xA100]  }
0x45c: {  	v7 =	vadd.f32 v8, v7  }
0x45d: {  	s5 =	simm.s32 $0x100;
	s0 =	simm.s32 $0x20  }
.LBB2_80:
0x45e: {  	s1 =	sor.u32 s5, s0;
	[tilespmem:s30+$0x12100] =	vst v7;
	s30 =	smov.u32 s31;
	p0 =	sne.s32 s0, $0x3F0  }
.Ltmp39:
0x45f: {  	s0 =	sadd.s32 $0x10, s0;
	s31 =	sor.u32 $0x380, s1;
	(pc) =	sbr.rel @p0 .LBB2_80-.Ltmp39, $4  }
0x460: {  	v7 =	vmul.f32 v5, v3;
	v5 =	vld [tilespmem:s31+$0x2100];
	v8 =	vmul.f32 v6, v4  }
0x461: {  	v6 =	vld [tilespmem:s31+$0xA100]  }
0x462: {  	v7 =	vadd.f32 v8, v7  }
0x463: {  	s5 =	sadd.s32 $0x80, s5  }
0x464: {  	_ =	sdelay $0x1  }
0x465: {  	v3 =	vmul.f32 v5, v3;
	v4 =	vmul.f32 v6, v4;
	_ =	sdelay $0x1  }
0x466: {  	v3 =	vadd.f32 v4, v3  }
0x467: {  	[tilespmem:s30+$0x12100] =	vst v7  }
0x468: {  	s0 =	simm.s32 $0x0;
	[tilespmem:s31+$0x12100] =	vst v3  }
0x469: {  	s1 =	sand.u32 $0x70, s0;
	s0 =	sand.u32 $0x1C00, s0;
	v3 =	vld [tilespmem:$0x500]  }
0x46a: {  	s30 =	sor.u32 s0, s1;
	v4 =	vld [tilespmem:$0x1500]  }
0x46b: {  	v5 =	vld [tilespmem:s30+$0x4100]  }
0x46c: {  	v6 =	vld [tilespmem:s30+$0xC100];
	_ =	sdelay $0x1  }
0x46d: {  	s5 =	simm.s32 $0x10;
	s6 =	simm.s32 $0x80  }
0x46e: {  	s0 =	sand.u32 $0x70, s5;
	s1 =	sand.u32 $0x1C00, s6  }
0x46f: {  	s31 =	sor.u32 s1, s0  }
0x470: {  	v7 =	vmul.f32 v5, v3;
	v8 =	vmul.f32 v6, v4;
	v5 =	vld [tilespmem:s31+$0x4100]  }
0x471: {  	v6 =	vld [tilespmem:s31+$0xC100]  }
0x472: {  	s5 =	simm.s32 $0x100;
	s0 =	simm.s32 $0x20;
	v7 =	vadd.f32 v8, v7  }
.LBB2_82:
0x473: {  	s1 =	sand.u32 $0x70, s0  }
0x474: {  	s6 =	sand.u32 $0x1C00, s5;
	[tilespmem:s30+$0x14100] =	vst v7;
	s30 =	smov.u32 s31;
	p0 =	sne.s32 s0, $0x3F0  }
.Ltmp40:
0x475: {  	s0 =	sadd.s32 $0x10, s0;
	s31 =	sor.u32 s6, s1;
	(pc) =	sbr.rel @p0 .LBB2_82-.Ltmp40, $4  }
0x476: {  	v7 =	vmul.f32 v5, v3;
	v5 =	vld [tilespmem:s31+$0x4100];
	v8 =	vmul.f32 v6, v4  }
0x477: {  	v6 =	vld [tilespmem:s31+$0xC100]  }
0x478: {  	v7 =	vadd.f32 v8, v7  }
0x479: {  	s5 =	sadd.s32 $0x80, s5  }
0x47a: {  	_ =	sdelay $0x1  }
0x47b: {  	v3 =	vmul.f32 v5, v3;
	v4 =	vmul.f32 v6, v4;
	_ =	sdelay $0x1  }
0x47c: {  	v3 =	vadd.f32 v4, v3  }
0x47d: {  	[tilespmem:s30+$0x14100] =	vst v7  }
0x47e: {  	s0 =	simm.s32 $0x0;
	[tilespmem:s31+$0x14100] =	vst v3  }
0x47f: {  	s1 =	sand.u32 $0x70, s0;
	s0 =	sand.u32 $0x1C00, s0;
	v3 =	vld [tilespmem:$0x580]  }
0x480: {  	s30 =	sor.u32 s0, s1;
	v4 =	vld [tilespmem:$0x1580]  }
0x481: {  	v5 =	vld [tilespmem:s30+$0x4180]  }
0x482: {  	v6 =	vld [tilespmem:s30+$0xC180];
	_ =	sdelay $0x1  }
0x483: {  	s5 =	simm.s32 $0x10;
	s6 =	simm.s32 $0x80  }
0x484: {  	s0 =	sand.u32 $0x70, s5;
	s1 =	sand.u32 $0x1C00, s6  }
0x485: {  	s31 =	sor.u32 s1, s0  }
0x486: {  	v7 =	vmul.f32 v5, v3;
	v8 =	vmul.f32 v6, v4;
	v5 =	vld [tilespmem:s31+$0x4180]  }
0x487: {  	v6 =	vld [tilespmem:s31+$0xC180]  }
0x488: {  	s5 =	simm.s32 $0x100;
	s0 =	simm.s32 $0x20;
	v7 =	vadd.f32 v8, v7  }
.LBB2_84:
0x489: {  	s1 =	sand.u32 $0x70, s0  }
0x48a: {  	s6 =	sand.u32 $0x1C00, s5;
	[tilespmem:s30+$0x14180] =	vst v7;
	s30 =	smov.u32 s31;
	p0 =	sne.s32 s0, $0x3F0  }
.Ltmp41:
0x48b: {  	s0 =	sadd.s32 $0x10, s0;
	s31 =	sor.u32 s6, s1;
	(pc) =	sbr.rel @p0 .LBB2_84-.Ltmp41, $4  }
0x48c: {  	v7 =	vmul.f32 v5, v3;
	v5 =	vld [tilespmem:s31+$0x4180];
	v8 =	vmul.f32 v6, v4  }
0x48d: {  	v6 =	vld [tilespmem:s31+$0xC180]  }
0x48e: {  	v7 =	vadd.f32 v8, v7  }
0x48f: {  	s5 =	sadd.s32 $0x80, s5  }
0x490: {  	_ =	sdelay $0x1  }
0x491: {  	v3 =	vmul.f32 v5, v3;
	v4 =	vmul.f32 v6, v4;
	_ =	sdelay $0x1  }
0x492: {  	v3 =	vadd.f32 v4, v3  }
0x493: {  	[tilespmem:s30+$0x14180] =	vst v7  }
0x494: {  	s0 =	simm.s32 $0x0;
	[tilespmem:s31+$0x14180] =	vst v3  }
0x495: {  	s1 =	sand.u32 $0x70, s0;
	s0 =	sand.u32 $0x1C00, s0;
	v3 =	vld [tilespmem:$0x600]  }
0x496: {  	s30 =	sor.u32 s0, s1;
	v4 =	vld [tilespmem:$0x1600]  }
0x497: {  	v5 =	vld [tilespmem:s30+$0x4200]  }
0x498: {  	v6 =	vld [tilespmem:s30+$0xC200];
	_ =	sdelay $0x1  }
0x499: {  	s5 =	simm.s32 $0x10;
	s6 =	simm.s32 $0x80  }
0x49a: {  	s0 =	sand.u32 $0x70, s5;
	s1 =	sand.u32 $0x1C00, s6  }
0x49b: {  	s31 =	sor.u32 s1, s0  }
0x49c: {  	v7 =	vmul.f32 v5, v3;
	v8 =	vmul.f32 v6, v4;
	v5 =	vld [tilespmem:s31+$0x4200]  }
0x49d: {  	v6 =	vld [tilespmem:s31+$0xC200]  }
0x49e: {  	s5 =	simm.s32 $0x100;
	s0 =	simm.s32 $0x20;
	v7 =	vadd.f32 v8, v7  }
.LBB2_86:
0x49f: {  	s1 =	sand.u32 $0x70, s0  }
0x4a0: {  	s6 =	sand.u32 $0x1C00, s5;
	[tilespmem:s30+$0x14200] =	vst v7;
	s30 =	smov.u32 s31;
	p0 =	sne.s32 s0, $0x3F0  }
.Ltmp42:
0x4a1: {  	s0 =	sadd.s32 $0x10, s0;
	s31 =	sor.u32 s6, s1;
	(pc) =	sbr.rel @p0 .LBB2_86-.Ltmp42, $4  }
0x4a2: {  	v7 =	vmul.f32 v5, v3;
	v5 =	vld [tilespmem:s31+$0x4200];
	v8 =	vmul.f32 v6, v4  }
0x4a3: {  	v6 =	vld [tilespmem:s31+$0xC200]  }
0x4a4: {  	v7 =	vadd.f32 v8, v7  }
0x4a5: {  	s5 =	sadd.s32 $0x80, s5  }
0x4a6: {  	_ =	sdelay $0x1  }
0x4a7: {  	v3 =	vmul.f32 v5, v3;
	v4 =	vmul.f32 v6, v4;
	_ =	sdelay $0x1  }
0x4a8: {  	v3 =	vadd.f32 v4, v3  }
0x4a9: {  	[tilespmem:s30+$0x14200] =	vst v7  }
0x4aa: {  	s0 =	simm.s32 $0x0;
	[tilespmem:s31+$0x14200] =	vst v3  }
0x4ab: {  	s1 =	sand.u32 $0x70, s0;
	s0 =	sand.u32 $0x1C00, s0;
	v3 =	vld [tilespmem:$0x680]  }
0x4ac: {  	s30 =	sor.u32 s0, s1;
	v4 =	vld [tilespmem:$0x1680]  }
0x4ad: {  	v5 =	vld [tilespmem:s30+$0x4280]  }
0x4ae: {  	v6 =	vld [tilespmem:s30+$0xC280];
	_ =	sdelay $0x1  }
0x4af: {  	s5 =	simm.s32 $0x10;
	s6 =	simm.s32 $0x80  }
0x4b0: {  	s0 =	sand.u32 $0x70, s5;
	s1 =	sand.u32 $0x1C00, s6  }
0x4b1: {  	s31 =	sor.u32 s1, s0  }
0x4b2: {  	v7 =	vmul.f32 v5, v3;
	v8 =	vmul.f32 v6, v4;
	v5 =	vld [tilespmem:s31+$0x4280]  }
0x4b3: {  	v6 =	vld [tilespmem:s31+$0xC280]  }
0x4b4: {  	s5 =	simm.s32 $0x100;
	s0 =	simm.s32 $0x20;
	v7 =	vadd.f32 v8, v7  }
.LBB2_88:
0x4b5: {  	s1 =	sand.u32 $0x70, s0  }
0x4b6: {  	s6 =	sand.u32 $0x1C00, s5;
	[tilespmem:s30+$0x14280] =	vst v7;
	s30 =	smov.u32 s31;
	p0 =	sne.s32 s0, $0x3F0  }
.Ltmp43:
0x4b7: {  	s0 =	sadd.s32 $0x10, s0;
	s31 =	sor.u32 s6, s1;
	(pc) =	sbr.rel @p0 .LBB2_88-.Ltmp43, $4  }
0x4b8: {  	v7 =	vmul.f32 v5, v3;
	v5 =	vld [tilespmem:s31+$0x4280];
	v8 =	vmul.f32 v6, v4  }
0x4b9: {  	v6 =	vld [tilespmem:s31+$0xC280]  }
0x4ba: {  	v7 =	vadd.f32 v8, v7  }
0x4bb: {  	s5 =	sadd.s32 $0x80, s5  }
0x4bc: {  	_ =	sdelay $0x1  }
0x4bd: {  	v3 =	vmul.f32 v5, v3;
	v4 =	vmul.f32 v6, v4;
	_ =	sdelay $0x1  }
0x4be: {  	v3 =	vadd.f32 v4, v3  }
0x4bf: {  	[tilespmem:s30+$0x14280] =	vst v7  }
0x4c0: {  	s0 =	simm.s32 $0x0;
	[tilespmem:s31+$0x14280] =	vst v3  }
0x4c1: {  	s1 =	sand.u32 $0x70, s0;
	s0 =	sand.u32 $0x1C00, s0;
	v3 =	vld [tilespmem:$0x700]  }
0x4c2: {  	s30 =	sor.u32 s0, s1;
	v4 =	vld [tilespmem:$0x1700]  }
0x4c3: {  	v5 =	vld [tilespmem:s30+$0x4300]  }
0x4c4: {  	v6 =	vld [tilespmem:s30+$0xC300];
	_ =	sdelay $0x1  }
0x4c5: {  	s5 =	simm.s32 $0x10;
	s6 =	simm.s32 $0x80  }
0x4c6: {  	s0 =	sand.u32 $0x70, s5;
	s1 =	sand.u32 $0x1C00, s6  }
0x4c7: {  	s31 =	sor.u32 s1, s0  }
0x4c8: {  	v7 =	vmul.f32 v5, v3;
	v8 =	vmul.f32 v6, v4;
	v5 =	vld [tilespmem:s31+$0x4300]  }
0x4c9: {  	v6 =	vld [tilespmem:s31+$0xC300]  }
0x4ca: {  	s5 =	simm.s32 $0x100;
	s0 =	simm.s32 $0x20;
	v7 =	vadd.f32 v8, v7  }
.LBB2_90:
0x4cb: {  	s1 =	sand.u32 $0x70, s0  }
0x4cc: {  	s6 =	sand.u32 $0x1C00, s5;
	[tilespmem:s30+$0x14300] =	vst v7;
	s30 =	smov.u32 s31;
	p0 =	sne.s32 s0, $0x3F0  }
.Ltmp44:
0x4cd: {  	s0 =	sadd.s32 $0x10, s0;
	s31 =	sor.u32 s6, s1;
	(pc) =	sbr.rel @p0 .LBB2_90-.Ltmp44, $4  }
0x4ce: {  	v7 =	vmul.f32 v5, v3;
	v5 =	vld [tilespmem:s31+$0x4300];
	v8 =	vmul.f32 v6, v4  }
0x4cf: {  	v6 =	vld [tilespmem:s31+$0xC300]  }
0x4d0: {  	v7 =	vadd.f32 v8, v7  }
0x4d1: {  	s5 =	sadd.s32 $0x80, s5  }
0x4d2: {  	_ =	sdelay $0x1  }
0x4d3: {  	v3 =	vmul.f32 v5, v3;
	v4 =	vmul.f32 v6, v4;
	_ =	sdelay $0x1  }
0x4d4: {  	v3 =	vadd.f32 v4, v3  }
0x4d5: {  	[tilespmem:s30+$0x14300] =	vst v7  }
0x4d6: {  	s0 =	simm.s32 $0x0;
	[tilespmem:s31+$0x14300] =	vst v3  }
0x4d7: {  	s1 =	sand.u32 $0x70, s0;
	s0 =	sand.u32 $0x1C00, s0;
	v3 =	vld [tilespmem:$0x780]  }
0x4d8: {  	s30 =	sor.u32 s0, s1;
	v4 =	vld [tilespmem:$0x1780]  }
0x4d9: {  	v5 =	vld [tilespmem:s30+$0x4380]  }
0x4da: {  	v6 =	vld [tilespmem:s30+$0xC380];
	_ =	sdelay $0x1  }
0x4db: {  	s5 =	simm.s32 $0x10;
	s6 =	simm.s32 $0x80  }
0x4dc: {  	s0 =	sand.u32 $0x70, s5;
	s1 =	sand.u32 $0x1C00, s6  }
0x4dd: {  	s31 =	sor.u32 s1, s0  }
0x4de: {  	v7 =	vmul.f32 v5, v3;
	v8 =	vmul.f32 v6, v4;
	v5 =	vld [tilespmem:s31+$0x4380]  }
0x4df: {  	v6 =	vld [tilespmem:s31+$0xC380]  }
0x4e0: {  	s5 =	simm.s32 $0x100;
	s0 =	simm.s32 $0x20;
	v7 =	vadd.f32 v8, v7  }
.LBB2_92:
0x4e1: {  	s1 =	sand.u32 $0x70, s0  }
0x4e2: {  	s6 =	sand.u32 $0x1C00, s5;
	[tilespmem:s30+$0x14380] =	vst v7;
	s30 =	smov.u32 s31;
	p0 =	sne.s32 s0, $0x3F0  }
.Ltmp45:
0x4e3: {  	s0 =	sadd.s32 $0x10, s0;
	s31 =	sor.u32 s6, s1;
	(pc) =	sbr.rel @p0 .LBB2_92-.Ltmp45, $4  }
0x4e4: {  	v7 =	vmul.f32 v5, v3;
	v5 =	vld [tilespmem:s31+$0x4380];
	v8 =	vmul.f32 v6, v4  }
0x4e5: {  	v6 =	vld [tilespmem:s31+$0xC380]  }
0x4e6: {  	v7 =	vadd.f32 v8, v7  }
0x4e7: {  	s5 =	sadd.s32 $0x80, s5  }
0x4e8: {  	_ =	sdelay $0x1  }
0x4e9: {  	v3 =	vmul.f32 v5, v3;
	v4 =	vmul.f32 v6, v4;
	_ =	sdelay $0x1  }
0x4ea: {  	v3 =	vadd.f32 v4, v3  }
0x4eb: {  	[tilespmem:s30+$0x14380] =	vst v7  }
0x4ec: {  	s0 =	simm.s32 $0x0;
	[tilespmem:s31+$0x14380] =	vst v3  }
0x4ed: {  	s1 =	sand.u32 $0x70, s0;
	s0 =	sand.u32 $0x1C00, s0;
	v3 =	vld [tilespmem:$0x800]  }
0x4ee: {  	s30 =	sor.u32 s0, s1;
	v4 =	vld [tilespmem:$0x1800]  }
0x4ef: {  	v5 =	vld [tilespmem:s30+$0x4400]  }
0x4f0: {  	v6 =	vld [tilespmem:s30+$0xC400];
	_ =	sdelay $0x1  }
0x4f1: {  	s5 =	simm.s32 $0x10;
	s6 =	simm.s32 $0x80  }
0x4f2: {  	s0 =	sand.u32 $0x70, s5;
	s1 =	sand.u32 $0x1C00, s6  }
0x4f3: {  	s31 =	sor.u32 s1, s0  }
0x4f4: {  	v7 =	vmul.f32 v5, v3;
	v8 =	vmul.f32 v6, v4;
	v5 =	vld [tilespmem:s31+$0x4400]  }
0x4f5: {  	v6 =	vld [tilespmem:s31+$0xC400]  }
0x4f6: {  	s5 =	simm.s32 $0x100;
	s0 =	simm.s32 $0x20;
	v7 =	vadd.f32 v8, v7  }
.LBB2_94:
0x4f7: {  	s1 =	sand.u32 $0x70, s0  }
0x4f8: {  	s6 =	sand.u32 $0x1C00, s5;
	[tilespmem:s30+$0x14400] =	vst v7;
	s30 =	smov.u32 s31;
	p0 =	sne.s32 s0, $0x3F0  }
.Ltmp46:
0x4f9: {  	s0 =	sadd.s32 $0x10, s0;
	s31 =	sor.u32 s6, s1;
	(pc) =	sbr.rel @p0 .LBB2_94-.Ltmp46, $4  }
0x4fa: {  	v7 =	vmul.f32 v5, v3;
	v5 =	vld [tilespmem:s31+$0x4400];
	v8 =	vmul.f32 v6, v4  }
0x4fb: {  	v6 =	vld [tilespmem:s31+$0xC400]  }
0x4fc: {  	v7 =	vadd.f32 v8, v7  }
0x4fd: {  	s5 =	sadd.s32 $0x80, s5  }
0x4fe: {  	_ =	sdelay $0x1  }
0x4ff: {  	v3 =	vmul.f32 v5, v3;
	v4 =	vmul.f32 v6, v4;
	_ =	sdelay $0x1  }
0x500: {  	v3 =	vadd.f32 v4, v3  }
0x501: {  	[tilespmem:s30+$0x14400] =	vst v7  }
0x502: {  	s0 =	simm.s32 $0x0;
	[tilespmem:s31+$0x14400] =	vst v3  }
0x503: {  	s0 =	sor.u32 s0, s0;
	v3 =	vld [tilespmem:$0x880]  }
0x504: {  	s30 =	sor.u32 $0x2380, s0;
	v4 =	vld [tilespmem:$0x1880]  }
0x505: {  	v5 =	vld [tilespmem:s30+$0x2100]  }
0x506: {  	v6 =	vld [tilespmem:s30+$0xA100];
	_ =	sdelay $0x1  }
0x507: {  	s6 =	simm.s32 $0x10;
	s1 =	simm.s32 $0x80  }
0x508: {  	s0 =	sor.u32 s1, s6  }
0x509: {  	s31 =	sor.u32 $0x2380, s0  }
0x50a: {  	v7 =	vmul.f32 v5, v3;
	v8 =	vmul.f32 v6, v4;
	v5 =	vld [tilespmem:s31+$0x2100]  }
0x50b: {  	v6 =	vld [tilespmem:s31+$0xA100]  }
0x50c: {  	v7 =	vadd.f32 v8, v7  }
0x50d: {  	s5 =	simm.s32 $0x100;
	s0 =	simm.s32 $0x20  }
.LBB2_96:
0x50e: {  	s1 =	sor.u32 s5, s0;
	[tilespmem:s30+$0x12100] =	vst v7;
	s30 =	smov.u32 s31;
	p0 =	sne.s32 s0, $0x3F0  }
.Ltmp47:
0x50f: {  	s0 =	sadd.s32 $0x10, s0;
	s31 =	sor.u32 $0x2380, s1;
	(pc) =	sbr.rel @p0 .LBB2_96-.Ltmp47, $4  }
0x510: {  	v7 =	vmul.f32 v5, v3;
	v5 =	vld [tilespmem:s31+$0x2100];
	v8 =	vmul.f32 v6, v4  }
0x511: {  	v6 =	vld [tilespmem:s31+$0xA100]  }
0x512: {  	v7 =	vadd.f32 v8, v7  }
0x513: {  	s5 =	sadd.s32 $0x80, s5  }
0x514: {  	_ =	sdelay $0x1  }
0x515: {  	v3 =	vmul.f32 v5, v3;
	v4 =	vmul.f32 v6, v4;
	_ =	sdelay $0x1  }
0x516: {  	v3 =	vadd.f32 v4, v3  }
0x517: {  	[tilespmem:s30+$0x12100] =	vst v7  }
0x518: {  	s0 =	simm.s32 $0x0;
	[tilespmem:s31+$0x12100] =	vst v3  }
0x519: {  	s1 =	sand.u32 $0x70, s0;
	s0 =	sand.u32 $0x1C00, s0;
	v3 =	vld [tilespmem:$0x900]  }
0x51a: {  	s30 =	sor.u32 s0, s1;
	v4 =	vld [tilespmem:$0x1900]  }
0x51b: {  	v5 =	vld [tilespmem:s30+$0x6100]  }
0x51c: {  	v6 =	vld [tilespmem:s30+$0xE100];
	_ =	sdelay $0x1  }
0x51d: {  	s5 =	simm.s32 $0x10;
	s6 =	simm.s32 $0x80  }
0x51e: {  	s0 =	sand.u32 $0x70, s5;
	s1 =	sand.u32 $0x1C00, s6  }
0x51f: {  	s31 =	sor.u32 s1, s0  }
0x520: {  	v7 =	vmul.f32 v5, v3;
	v8 =	vmul.f32 v6, v4;
	v5 =	vld [tilespmem:s31+$0x6100]  }
0x521: {  	v6 =	vld [tilespmem:s31+$0xE100]  }
0x522: {  	s5 =	simm.s32 $0x100;
	s0 =	simm.s32 $0x20;
	v7 =	vadd.f32 v8, v7  }
.LBB2_98:
0x523: {  	s1 =	sand.u32 $0x70, s0  }
0x524: {  	s6 =	sand.u32 $0x1C00, s5;
	[tilespmem:s30+$0x16100] =	vst v7;
	s30 =	smov.u32 s31;
	p0 =	sne.s32 s0, $0x3F0  }
.Ltmp48:
0x525: {  	s0 =	sadd.s32 $0x10, s0;
	s31 =	sor.u32 s6, s1;
	(pc) =	sbr.rel @p0 .LBB2_98-.Ltmp48, $4  }
0x526: {  	v7 =	vmul.f32 v5, v3;
	v5 =	vld [tilespmem:s31+$0x6100];
	v8 =	vmul.f32 v6, v4  }
0x527: {  	v6 =	vld [tilespmem:s31+$0xE100]  }
0x528: {  	v7 =	vadd.f32 v8, v7  }
0x529: {  	s5 =	sadd.s32 $0x80, s5  }
0x52a: {  	_ =	sdelay $0x1  }
0x52b: {  	v3 =	vmul.f32 v5, v3;
	v4 =	vmul.f32 v6, v4;
	_ =	sdelay $0x1  }
0x52c: {  	v3 =	vadd.f32 v4, v3  }
0x52d: {  	[tilespmem:s30+$0x16100] =	vst v7  }
0x52e: {  	s0 =	simm.s32 $0x0;
	[tilespmem:s31+$0x16100] =	vst v3  }
0x52f: {  	s1 =	sand.u32 $0x70, s0;
	s0 =	sand.u32 $0x1C00, s0;
	v3 =	vld [tilespmem:$0x980]  }
0x530: {  	s30 =	sor.u32 s0, s1;
	v4 =	vld [tilespmem:$0x1980]  }
0x531: {  	v5 =	vld [tilespmem:s30+$0x6180]  }
0x532: {  	v6 =	vld [tilespmem:s30+$0xE180];
	_ =	sdelay $0x1  }
0x533: {  	s5 =	simm.s32 $0x10;
	s6 =	simm.s32 $0x80  }
0x534: {  	s0 =	sand.u32 $0x70, s5;
	s1 =	sand.u32 $0x1C00, s6  }
0x535: {  	s31 =	sor.u32 s1, s0  }
0x536: {  	v7 =	vmul.f32 v5, v3;
	v8 =	vmul.f32 v6, v4;
	v5 =	vld [tilespmem:s31+$0x6180]  }
0x537: {  	v6 =	vld [tilespmem:s31+$0xE180]  }
0x538: {  	s5 =	simm.s32 $0x100;
	s0 =	simm.s32 $0x20;
	v7 =	vadd.f32 v8, v7  }
.LBB2_100:
0x539: {  	s1 =	sand.u32 $0x70, s0  }
0x53a: {  	s6 =	sand.u32 $0x1C00, s5;
	[tilespmem:s30+$0x16180] =	vst v7;
	s30 =	smov.u32 s31;
	p0 =	sne.s32 s0, $0x3F0  }
.Ltmp49:
0x53b: {  	s0 =	sadd.s32 $0x10, s0;
	s31 =	sor.u32 s6, s1;
	(pc) =	sbr.rel @p0 .LBB2_100-.Ltmp49, $4  }
0x53c: {  	v7 =	vmul.f32 v5, v3;
	v5 =	vld [tilespmem:s31+$0x6180];
	v8 =	vmul.f32 v6, v4  }
0x53d: {  	v6 =	vld [tilespmem:s31+$0xE180]  }
0x53e: {  	v7 =	vadd.f32 v8, v7  }
0x53f: {  	s5 =	sadd.s32 $0x80, s5  }
0x540: {  	_ =	sdelay $0x1  }
0x541: {  	v3 =	vmul.f32 v5, v3;
	v4 =	vmul.f32 v6, v4;
	_ =	sdelay $0x1  }
0x542: {  	v3 =	vadd.f32 v4, v3  }
0x543: {  	[tilespmem:s30+$0x16180] =	vst v7  }
0x544: {  	s0 =	simm.s32 $0x0;
	[tilespmem:s31+$0x16180] =	vst v3  }
0x545: {  	s1 =	sand.u32 $0x70, s0;
	s0 =	sand.u32 $0x1C00, s0;
	v3 =	vld [tilespmem:$0xA00]  }
0x546: {  	s30 =	sor.u32 s0, s1;
	v4 =	vld [tilespmem:$0x1A00]  }
0x547: {  	v5 =	vld [tilespmem:s30+$0x6200]  }
0x548: {  	v6 =	vld [tilespmem:s30+$0xE200];
	_ =	sdelay $0x1  }
0x549: {  	s5 =	simm.s32 $0x10;
	s6 =	simm.s32 $0x80  }
0x54a: {  	s0 =	sand.u32 $0x70, s5;
	s1 =	sand.u32 $0x1C00, s6  }
0x54b: {  	s31 =	sor.u32 s1, s0  }
0x54c: {  	v7 =	vmul.f32 v5, v3;
	v8 =	vmul.f32 v6, v4;
	v5 =	vld [tilespmem:s31+$0x6200]  }
0x54d: {  	v6 =	vld [tilespmem:s31+$0xE200]  }
0x54e: {  	s5 =	simm.s32 $0x100;
	s0 =	simm.s32 $0x20;
	v7 =	vadd.f32 v8, v7  }
.LBB2_102:
0x54f: {  	s1 =	sand.u32 $0x70, s0  }
0x550: {  	s6 =	sand.u32 $0x1C00, s5;
	[tilespmem:s30+$0x16200] =	vst v7;
	s30 =	smov.u32 s31;
	p0 =	sne.s32 s0, $0x3F0  }
.Ltmp50:
0x551: {  	s0 =	sadd.s32 $0x10, s0;
	s31 =	sor.u32 s6, s1;
	(pc) =	sbr.rel @p0 .LBB2_102-.Ltmp50, $4  }
0x552: {  	v7 =	vmul.f32 v5, v3;
	v5 =	vld [tilespmem:s31+$0x6200];
	v8 =	vmul.f32 v6, v4  }
0x553: {  	v6 =	vld [tilespmem:s31+$0xE200]  }
0x554: {  	v7 =	vadd.f32 v8, v7  }
0x555: {  	s5 =	sadd.s32 $0x80, s5  }
0x556: {  	_ =	sdelay $0x1  }
0x557: {  	v3 =	vmul.f32 v5, v3;
	v4 =	vmul.f32 v6, v4;
	_ =	sdelay $0x1  }
0x558: {  	v3 =	vadd.f32 v4, v3  }
0x559: {  	[tilespmem:s30+$0x16200] =	vst v7  }
0x55a: {  	s0 =	simm.s32 $0x0;
	[tilespmem:s31+$0x16200] =	vst v3  }
0x55b: {  	s1 =	sand.u32 $0x70, s0;
	s0 =	sand.u32 $0x1C00, s0;
	v3 =	vld [tilespmem:$0xA80]  }
0x55c: {  	s30 =	sor.u32 s0, s1;
	v4 =	vld [tilespmem:$0x1A80]  }
0x55d: {  	v5 =	vld [tilespmem:s30+$0x6280]  }
0x55e: {  	v6 =	vld [tilespmem:s30+$0xE280];
	_ =	sdelay $0x1  }
0x55f: {  	s5 =	simm.s32 $0x10;
	s6 =	simm.s32 $0x80  }
0x560: {  	s0 =	sand.u32 $0x70, s5;
	s1 =	sand.u32 $0x1C00, s6  }
0x561: {  	s31 =	sor.u32 s1, s0  }
0x562: {  	v7 =	vmul.f32 v5, v3;
	v8 =	vmul.f32 v6, v4;
	v5 =	vld [tilespmem:s31+$0x6280]  }
0x563: {  	v6 =	vld [tilespmem:s31+$0xE280]  }
0x564: {  	s5 =	simm.s32 $0x100;
	s0 =	simm.s32 $0x20;
	v7 =	vadd.f32 v8, v7  }
.LBB2_104:
0x565: {  	s1 =	sand.u32 $0x70, s0  }
0x566: {  	s6 =	sand.u32 $0x1C00, s5;
	[tilespmem:s30+$0x16280] =	vst v7;
	s30 =	smov.u32 s31;
	p0 =	sne.s32 s0, $0x3F0  }
.Ltmp51:
0x567: {  	s0 =	sadd.s32 $0x10, s0;
	s31 =	sor.u32 s6, s1;
	(pc) =	sbr.rel @p0 .LBB2_104-.Ltmp51, $4  }
0x568: {  	v7 =	vmul.f32 v5, v3;
	v5 =	vld [tilespmem:s31+$0x6280];
	v8 =	vmul.f32 v6, v4  }
0x569: {  	v6 =	vld [tilespmem:s31+$0xE280]  }
0x56a: {  	v7 =	vadd.f32 v8, v7  }
0x56b: {  	s5 =	sadd.s32 $0x80, s5  }
0x56c: {  	_ =	sdelay $0x1  }
0x56d: {  	v3 =	vmul.f32 v5, v3;
	v4 =	vmul.f32 v6, v4;
	_ =	sdelay $0x1  }
0x56e: {  	v3 =	vadd.f32 v4, v3  }
0x56f: {  	[tilespmem:s30+$0x16280] =	vst v7  }
0x570: {  	s0 =	simm.s32 $0x0;
	[tilespmem:s31+$0x16280] =	vst v3  }
0x571: {  	s1 =	sand.u32 $0x70, s0;
	s0 =	sand.u32 $0x1C00, s0;
	v3 =	vld [tilespmem:$0xB00]  }
0x572: {  	s30 =	sor.u32 s0, s1;
	v4 =	vld [tilespmem:$0x1B00]  }
0x573: {  	v5 =	vld [tilespmem:s30+$0x6300]  }
0x574: {  	v6 =	vld [tilespmem:s30+$0xE300];
	_ =	sdelay $0x1  }
0x575: {  	s5 =	simm.s32 $0x10;
	s6 =	simm.s32 $0x80  }
0x576: {  	s0 =	sand.u32 $0x70, s5;
	s1 =	sand.u32 $0x1C00, s6  }
0x577: {  	s31 =	sor.u32 s1, s0  }
0x578: {  	v7 =	vmul.f32 v5, v3;
	v8 =	vmul.f32 v6, v4;
	v5 =	vld [tilespmem:s31+$0x6300]  }
0x579: {  	v6 =	vld [tilespmem:s31+$0xE300]  }
0x57a: {  	s5 =	simm.s32 $0x100;
	s0 =	simm.s32 $0x20;
	v7 =	vadd.f32 v8, v7  }
.LBB2_106:
0x57b: {  	s1 =	sand.u32 $0x70, s0  }
0x57c: {  	s6 =	sand.u32 $0x1C00, s5;
	[tilespmem:s30+$0x16300] =	vst v7;
	s30 =	smov.u32 s31;
	p0 =	sne.s32 s0, $0x3F0  }
.Ltmp52:
0x57d: {  	s0 =	sadd.s32 $0x10, s0;
	s31 =	sor.u32 s6, s1;
	(pc) =	sbr.rel @p0 .LBB2_106-.Ltmp52, $4  }
0x57e: {  	v7 =	vmul.f32 v5, v3;
	v5 =	vld [tilespmem:s31+$0x6300];
	v8 =	vmul.f32 v6, v4  }
0x57f: {  	v6 =	vld [tilespmem:s31+$0xE300]  }
0x580: {  	v7 =	vadd.f32 v8, v7  }
0x581: {  	s5 =	sadd.s32 $0x80, s5  }
0x582: {  	_ =	sdelay $0x1  }
0x583: {  	v3 =	vmul.f32 v5, v3;
	v4 =	vmul.f32 v6, v4;
	_ =	sdelay $0x1  }
0x584: {  	v3 =	vadd.f32 v4, v3  }
0x585: {  	[tilespmem:s30+$0x16300] =	vst v7  }
0x586: {  	s0 =	simm.s32 $0x0;
	[tilespmem:s31+$0x16300] =	vst v3  }
0x587: {  	s1 =	sand.u32 $0x70, s0;
	s0 =	sand.u32 $0x1C00, s0;
	v3 =	vld [tilespmem:$0xB80]  }
0x588: {  	s30 =	sor.u32 s0, s1;
	v4 =	vld [tilespmem:$0x1B80]  }
0x589: {  	v5 =	vld [tilespmem:s30+$0x6380]  }
0x58a: {  	v6 =	vld [tilespmem:s30+$0xE380];
	_ =	sdelay $0x1  }
0x58b: {  	s5 =	simm.s32 $0x10;
	s6 =	simm.s32 $0x80  }
0x58c: {  	s0 =	sand.u32 $0x70, s5;
	s1 =	sand.u32 $0x1C00, s6  }
0x58d: {  	s31 =	sor.u32 s1, s0  }
0x58e: {  	v7 =	vmul.f32 v5, v3;
	v8 =	vmul.f32 v6, v4;
	v5 =	vld [tilespmem:s31+$0x6380]  }
0x58f: {  	v6 =	vld [tilespmem:s31+$0xE380]  }
0x590: {  	s5 =	simm.s32 $0x100;
	s0 =	simm.s32 $0x20;
	v7 =	vadd.f32 v8, v7  }
.LBB2_108:
0x591: {  	s1 =	sand.u32 $0x70, s0  }
0x592: {  	s6 =	sand.u32 $0x1C00, s5;
	[tilespmem:s30+$0x16380] =	vst v7;
	s30 =	smov.u32 s31;
	p0 =	sne.s32 s0, $0x3F0  }
.Ltmp53:
0x593: {  	s0 =	sadd.s32 $0x10, s0;
	s31 =	sor.u32 s6, s1;
	(pc) =	sbr.rel @p0 .LBB2_108-.Ltmp53, $4  }
0x594: {  	v7 =	vmul.f32 v5, v3;
	v5 =	vld [tilespmem:s31+$0x6380];
	v8 =	vmul.f32 v6, v4  }
0x595: {  	v6 =	vld [tilespmem:s31+$0xE380]  }
0x596: {  	v7 =	vadd.f32 v8, v7  }
0x597: {  	s5 =	sadd.s32 $0x80, s5  }
0x598: {  	_ =	sdelay $0x1  }
0x599: {  	v3 =	vmul.f32 v5, v3;
	v4 =	vmul.f32 v6, v4;
	_ =	sdelay $0x1  }
0x59a: {  	v3 =	vadd.f32 v4, v3  }
0x59b: {  	[tilespmem:s30+$0x16380] =	vst v7  }
0x59c: {  	s0 =	simm.s32 $0x0;
	[tilespmem:s31+$0x16380] =	vst v3  }
0x59d: {  	s1 =	sand.u32 $0x70, s0;
	s0 =	sand.u32 $0x1C00, s0;
	v3 =	vld [tilespmem:$0xC00]  }
0x59e: {  	s30 =	sor.u32 s0, s1;
	v4 =	vld [tilespmem:$0x1C00]  }
0x59f: {  	v5 =	vld [tilespmem:s30+$0x6400]  }
0x5a0: {  	v6 =	vld [tilespmem:s30+$0xE400];
	_ =	sdelay $0x1  }
0x5a1: {  	s5 =	simm.s32 $0x10;
	s6 =	simm.s32 $0x80  }
0x5a2: {  	s0 =	sand.u32 $0x70, s5;
	s1 =	sand.u32 $0x1C00, s6  }
0x5a3: {  	s31 =	sor.u32 s1, s0  }
0x5a4: {  	v7 =	vmul.f32 v5, v3;
	v8 =	vmul.f32 v6, v4;
	v5 =	vld [tilespmem:s31+$0x6400]  }
0x5a5: {  	v6 =	vld [tilespmem:s31+$0xE400]  }
0x5a6: {  	s5 =	simm.s32 $0x100;
	s0 =	simm.s32 $0x20;
	v7 =	vadd.f32 v8, v7  }
.LBB2_110:
0x5a7: {  	s1 =	sand.u32 $0x70, s0  }
0x5a8: {  	s6 =	sand.u32 $0x1C00, s5;
	[tilespmem:s30+$0x16400] =	vst v7;
	s30 =	smov.u32 s31;
	p0 =	sne.s32 s0, $0x3F0  }
.Ltmp54:
0x5a9: {  	s0 =	sadd.s32 $0x10, s0;
	s31 =	sor.u32 s6, s1;
	(pc) =	sbr.rel @p0 .LBB2_110-.Ltmp54, $4  }
0x5aa: {  	v7 =	vmul.f32 v5, v3;
	v5 =	vld [tilespmem:s31+$0x6400];
	v8 =	vmul.f32 v6, v4  }
0x5ab: {  	v6 =	vld [tilespmem:s31+$0xE400]  }
0x5ac: {  	v7 =	vadd.f32 v8, v7  }
0x5ad: {  	s5 =	sadd.s32 $0x80, s5  }
0x5ae: {  	_ =	sdelay $0x1  }
0x5af: {  	v3 =	vmul.f32 v5, v3;
	v4 =	vmul.f32 v6, v4;
	_ =	sdelay $0x1  }
0x5b0: {  	v3 =	vadd.f32 v4, v3  }
0x5b1: {  	[tilespmem:s30+$0x16400] =	vst v7  }
0x5b2: {  	s0 =	simm.s32 $0x0;
	[tilespmem:s31+$0x16400] =	vst v3  }
0x5b3: {  	s0 =	sor.u32 s0, s0;
	v3 =	vld [tilespmem:$0xC80]  }
0x5b4: {  	s30 =	sor.u32 $0x4380, s0;
	v4 =	vld [tilespmem:$0x1C80]  }
0x5b5: {  	v5 =	vld [tilespmem:s30+$0x2100]  }
0x5b6: {  	v6 =	vld [tilespmem:s30+$0xA100];
	_ =	sdelay $0x1  }
0x5b7: {  	s6 =	simm.s32 $0x10;
	s1 =	simm.s32 $0x80  }
0x5b8: {  	s0 =	sor.u32 s1, s6  }
0x5b9: {  	s31 =	sor.u32 $0x4380, s0  }
0x5ba: {  	v7 =	vmul.f32 v5, v3;
	v8 =	vmul.f32 v6, v4;
	v5 =	vld [tilespmem:s31+$0x2100]  }
0x5bb: {  	v6 =	vld [tilespmem:s31+$0xA100]  }
0x5bc: {  	v7 =	vadd.f32 v8, v7  }
0x5bd: {  	s5 =	simm.s32 $0x100;
	s0 =	simm.s32 $0x20  }
.LBB2_112:
0x5be: {  	s1 =	sor.u32 s5, s0;
	[tilespmem:s30+$0x12100] =	vst v7;
	s30 =	smov.u32 s31;
	p0 =	sne.s32 s0, $0x3F0  }
.Ltmp55:
0x5bf: {  	s0 =	sadd.s32 $0x10, s0;
	s31 =	sor.u32 $0x4380, s1;
	(pc) =	sbr.rel @p0 .LBB2_112-.Ltmp55, $4  }
0x5c0: {  	v7 =	vmul.f32 v5, v3;
	v5 =	vld [tilespmem:s31+$0x2100];
	v8 =	vmul.f32 v6, v4  }
0x5c1: {  	v6 =	vld [tilespmem:s31+$0xA100]  }
0x5c2: {  	v7 =	vadd.f32 v8, v7  }
0x5c3: {  	s5 =	sadd.s32 $0x80, s5  }
0x5c4: {  	_ =	sdelay $0x1  }
0x5c5: {  	v3 =	vmul.f32 v5, v3;
	v4 =	vmul.f32 v6, v4;
	_ =	sdelay $0x1  }
0x5c6: {  	v3 =	vadd.f32 v4, v3  }
0x5c7: {  	[tilespmem:s30+$0x12100] =	vst v7  }
0x5c8: {  	s0 =	simm.s32 $0x0;
	[tilespmem:s31+$0x12100] =	vst v3  }
0x5c9: {  	s1 =	sand.u32 $0x70, s0;
	s0 =	sand.u32 $0x1C00, s0;
	v3 =	vld [tilespmem:$0xD00]  }
0x5ca: {  	s30 =	sor.u32 s0, s1;
	v4 =	vld [tilespmem:$0x1D00]  }
0x5cb: {  	v5 =	vld [tilespmem:s30+$0x8100]  }
0x5cc: {  	v6 =	vld [tilespmem:s30+$0x10100];
	_ =	sdelay $0x1  }
0x5cd: {  	s5 =	simm.s32 $0x10;
	s6 =	simm.s32 $0x80  }
0x5ce: {  	s0 =	sand.u32 $0x70, s5;
	s1 =	sand.u32 $0x1C00, s6  }
0x5cf: {  	s31 =	sor.u32 s1, s0  }
0x5d0: {  	v7 =	vmul.f32 v5, v3;
	v8 =	vmul.f32 v6, v4;
	v5 =	vld [tilespmem:s31+$0x8100]  }
0x5d1: {  	v6 =	vld [tilespmem:s31+$0x10100]  }
0x5d2: {  	s5 =	simm.s32 $0x100;
	s0 =	simm.s32 $0x20;
	v7 =	vadd.f32 v8, v7  }
.LBB2_114:
0x5d3: {  	s1 =	sand.u32 $0x70, s0  }
0x5d4: {  	s6 =	sand.u32 $0x1C00, s5;
	[tilespmem:s30+$0x18100] =	vst v7;
	s30 =	smov.u32 s31;
	p0 =	sne.s32 s0, $0x3F0  }
.Ltmp56:
0x5d5: {  	s0 =	sadd.s32 $0x10, s0;
	s31 =	sor.u32 s6, s1;
	(pc) =	sbr.rel @p0 .LBB2_114-.Ltmp56, $4  }
0x5d6: {  	v7 =	vmul.f32 v5, v3;
	v5 =	vld [tilespmem:s31+$0x8100];
	v8 =	vmul.f32 v6, v4  }
0x5d7: {  	v6 =	vld [tilespmem:s31+$0x10100]  }
0x5d8: {  	v7 =	vadd.f32 v8, v7  }
0x5d9: {  	s5 =	sadd.s32 $0x80, s5  }
0x5da: {  	_ =	sdelay $0x1  }
0x5db: {  	v3 =	vmul.f32 v5, v3;
	v4 =	vmul.f32 v6, v4;
	_ =	sdelay $0x1  }
0x5dc: {  	v3 =	vadd.f32 v4, v3  }
0x5dd: {  	[tilespmem:s30+$0x18100] =	vst v7  }
0x5de: {  	s0 =	simm.s32 $0x0;
	[tilespmem:s31+$0x18100] =	vst v3  }
0x5df: {  	s1 =	sand.u32 $0x70, s0;
	s0 =	sand.u32 $0x1C00, s0;
	v3 =	vld [tilespmem:$0xD80]  }
0x5e0: {  	s30 =	sor.u32 s0, s1;
	v4 =	vld [tilespmem:$0x1D80]  }
0x5e1: {  	v5 =	vld [tilespmem:s30+$0x8180]  }
0x5e2: {  	v6 =	vld [tilespmem:s30+$0x10180];
	_ =	sdelay $0x1  }
0x5e3: {  	s5 =	simm.s32 $0x10;
	s6 =	simm.s32 $0x80  }
0x5e4: {  	s0 =	sand.u32 $0x70, s5;
	s1 =	sand.u32 $0x1C00, s6  }
0x5e5: {  	s31 =	sor.u32 s1, s0  }
0x5e6: {  	v7 =	vmul.f32 v5, v3;
	v8 =	vmul.f32 v6, v4;
	v5 =	vld [tilespmem:s31+$0x8180]  }
0x5e7: {  	v6 =	vld [tilespmem:s31+$0x10180]  }
0x5e8: {  	s5 =	simm.s32 $0x100;
	s0 =	simm.s32 $0x20;
	v7 =	vadd.f32 v8, v7  }
.LBB2_116:
0x5e9: {  	s1 =	sand.u32 $0x70, s0  }
0x5ea: {  	s6 =	sand.u32 $0x1C00, s5;
	[tilespmem:s30+$0x18180] =	vst v7;
	s30 =	smov.u32 s31;
	p0 =	sne.s32 s0, $0x3F0  }
.Ltmp57:
0x5eb: {  	s0 =	sadd.s32 $0x10, s0;
	s31 =	sor.u32 s6, s1;
	(pc) =	sbr.rel @p0 .LBB2_116-.Ltmp57, $4  }
0x5ec: {  	v7 =	vmul.f32 v5, v3;
	v5 =	vld [tilespmem:s31+$0x8180];
	v8 =	vmul.f32 v6, v4  }
0x5ed: {  	v6 =	vld [tilespmem:s31+$0x10180]  }
0x5ee: {  	v7 =	vadd.f32 v8, v7  }
0x5ef: {  	s5 =	sadd.s32 $0x80, s5  }
0x5f0: {  	_ =	sdelay $0x1  }
0x5f1: {  	v3 =	vmul.f32 v5, v3;
	v4 =	vmul.f32 v6, v4;
	_ =	sdelay $0x1  }
0x5f2: {  	v3 =	vadd.f32 v4, v3  }
0x5f3: {  	[tilespmem:s30+$0x18180] =	vst v7  }
0x5f4: {  	s0 =	simm.s32 $0x0;
	[tilespmem:s31+$0x18180] =	vst v3  }
0x5f5: {  	s1 =	sand.u32 $0x70, s0;
	s0 =	sand.u32 $0x1C00, s0;
	v3 =	vld [tilespmem:$0xE00]  }
0x5f6: {  	s30 =	sor.u32 s0, s1;
	v4 =	vld [tilespmem:$0x1E00]  }
0x5f7: {  	v5 =	vld [tilespmem:s30+$0x8200]  }
0x5f8: {  	v6 =	vld [tilespmem:s30+$0x10200];
	_ =	sdelay $0x1  }
0x5f9: {  	s5 =	simm.s32 $0x10;
	s6 =	simm.s32 $0x80  }
0x5fa: {  	s0 =	sand.u32 $0x70, s5;
	s1 =	sand.u32 $0x1C00, s6  }
0x5fb: {  	s31 =	sor.u32 s1, s0  }
0x5fc: {  	v7 =	vmul.f32 v5, v3;
	v8 =	vmul.f32 v6, v4;
	v5 =	vld [tilespmem:s31+$0x8200]  }
0x5fd: {  	v6 =	vld [tilespmem:s31+$0x10200]  }
0x5fe: {  	s5 =	simm.s32 $0x100;
	s0 =	simm.s32 $0x20;
	v7 =	vadd.f32 v8, v7  }
.LBB2_118:
0x5ff: {  	s1 =	sand.u32 $0x70, s0  }
0x600: {  	s6 =	sand.u32 $0x1C00, s5;
	[tilespmem:s30+$0x18200] =	vst v7;
	s30 =	smov.u32 s31;
	p0 =	sne.s32 s0, $0x3F0  }
.Ltmp58:
0x601: {  	s0 =	sadd.s32 $0x10, s0;
	s31 =	sor.u32 s6, s1;
	(pc) =	sbr.rel @p0 .LBB2_118-.Ltmp58, $4  }
0x602: {  	v7 =	vmul.f32 v5, v3;
	v5 =	vld [tilespmem:s31+$0x8200];
	v8 =	vmul.f32 v6, v4  }
0x603: {  	v6 =	vld [tilespmem:s31+$0x10200]  }
0x604: {  	v7 =	vadd.f32 v8, v7  }
0x605: {  	s5 =	sadd.s32 $0x80, s5  }
0x606: {  	_ =	sdelay $0x1  }
0x607: {  	v3 =	vmul.f32 v5, v3;
	v4 =	vmul.f32 v6, v4;
	_ =	sdelay $0x1  }
0x608: {  	v3 =	vadd.f32 v4, v3  }
0x609: {  	[tilespmem:s30+$0x18200] =	vst v7  }
0x60a: {  	s0 =	simm.s32 $0x0;
	[tilespmem:s31+$0x18200] =	vst v3  }
0x60b: {  	s1 =	sand.u32 $0x70, s0;
	s0 =	sand.u32 $0x1C00, s0;
	v3 =	vld [tilespmem:$0xE80]  }
0x60c: {  	s30 =	sor.u32 s0, s1;
	v4 =	vld [tilespmem:$0x1E80]  }
0x60d: {  	v5 =	vld [tilespmem:s30+$0x8280]  }
0x60e: {  	v6 =	vld [tilespmem:s30+$0x10280];
	_ =	sdelay $0x1  }
0x60f: {  	s5 =	simm.s32 $0x10;
	s6 =	simm.s32 $0x80  }
0x610: {  	s0 =	sand.u32 $0x70, s5;
	s1 =	sand.u32 $0x1C00, s6  }
0x611: {  	s31 =	sor.u32 s1, s0  }
0x612: {  	v7 =	vmul.f32 v5, v3;
	v8 =	vmul.f32 v6, v4;
	v5 =	vld [tilespmem:s31+$0x8280]  }
0x613: {  	v6 =	vld [tilespmem:s31+$0x10280]  }
0x614: {  	s5 =	simm.s32 $0x100;
	s0 =	simm.s32 $0x20;
	v7 =	vadd.f32 v8, v7  }
.LBB2_120:
0x615: {  	s1 =	sand.u32 $0x70, s0  }
0x616: {  	s6 =	sand.u32 $0x1C00, s5;
	[tilespmem:s30+$0x18280] =	vst v7;
	s30 =	smov.u32 s31;
	p0 =	sne.s32 s0, $0x3F0  }
.Ltmp59:
0x617: {  	s0 =	sadd.s32 $0x10, s0;
	s31 =	sor.u32 s6, s1;
	(pc) =	sbr.rel @p0 .LBB2_120-.Ltmp59, $4  }
0x618: {  	v7 =	vmul.f32 v5, v3;
	v5 =	vld [tilespmem:s31+$0x8280];
	v8 =	vmul.f32 v6, v4  }
0x619: {  	v6 =	vld [tilespmem:s31+$0x10280]  }
0x61a: {  	v7 =	vadd.f32 v8, v7  }
0x61b: {  	s5 =	sadd.s32 $0x80, s5  }
0x61c: {  	_ =	sdelay $0x1  }
0x61d: {  	v3 =	vmul.f32 v5, v3;
	v4 =	vmul.f32 v6, v4;
	_ =	sdelay $0x1  }
0x61e: {  	v3 =	vadd.f32 v4, v3  }
0x61f: {  	[tilespmem:s30+$0x18280] =	vst v7  }
0x620: {  	s0 =	simm.s32 $0x0;
	[tilespmem:s31+$0x18280] =	vst v3  }
0x621: {  	s1 =	sand.u32 $0x70, s0;
	s0 =	sand.u32 $0x1C00, s0;
	v3 =	vld [tilespmem:$0xF00]  }
0x622: {  	s30 =	sor.u32 s0, s1;
	v4 =	vld [tilespmem:$0x1F00]  }
0x623: {  	v5 =	vld [tilespmem:s30+$0x8300]  }
0x624: {  	v6 =	vld [tilespmem:s30+$0x10300];
	_ =	sdelay $0x1  }
0x625: {  	s5 =	simm.s32 $0x10;
	s6 =	simm.s32 $0x80  }
0x626: {  	s0 =	sand.u32 $0x70, s5;
	s1 =	sand.u32 $0x1C00, s6  }
0x627: {  	s31 =	sor.u32 s1, s0  }
0x628: {  	v7 =	vmul.f32 v5, v3;
	v8 =	vmul.f32 v6, v4;
	v5 =	vld [tilespmem:s31+$0x8300]  }
0x629: {  	v6 =	vld [tilespmem:s31+$0x10300]  }
0x62a: {  	s5 =	simm.s32 $0x100;
	s0 =	simm.s32 $0x20;
	v7 =	vadd.f32 v8, v7  }
.LBB2_122:
0x62b: {  	s1 =	sand.u32 $0x70, s0  }
0x62c: {  	s6 =	sand.u32 $0x1C00, s5;
	[tilespmem:s30+$0x18300] =	vst v7;
	s30 =	smov.u32 s31;
	p0 =	sne.s32 s0, $0x3F0  }
.Ltmp60:
0x62d: {  	s0 =	sadd.s32 $0x10, s0;
	s31 =	sor.u32 s6, s1;
	(pc) =	sbr.rel @p0 .LBB2_122-.Ltmp60, $4  }
0x62e: {  	v7 =	vmul.f32 v5, v3;
	v5 =	vld [tilespmem:s31+$0x8300];
	v8 =	vmul.f32 v6, v4  }
0x62f: {  	v6 =	vld [tilespmem:s31+$0x10300]  }
0x630: {  	v7 =	vadd.f32 v8, v7  }
0x631: {  	s5 =	sadd.s32 $0x80, s5  }
0x632: {  	_ =	sdelay $0x1  }
0x633: {  	v3 =	vmul.f32 v5, v3;
	v4 =	vmul.f32 v6, v4;
	_ =	sdelay $0x1  }
0x634: {  	v3 =	vadd.f32 v4, v3  }
0x635: {  	[tilespmem:s30+$0x18300] =	vst v7  }
0x636: {  	s0 =	simm.s32 $0x0;
	[tilespmem:s31+$0x18300] =	vst v3  }
0x637: {  	s1 =	sand.u32 $0x70, s0;
	s0 =	sand.u32 $0x1C00, s0;
	v3 =	vld [tilespmem:$0xF80]  }
0x638: {  	s30 =	sor.u32 s0, s1;
	v4 =	vld [tilespmem:$0x1F80]  }
0x639: {  	v5 =	vld [tilespmem:s30+$0x8380]  }
0x63a: {  	v6 =	vld [tilespmem:s30+$0x10380];
	_ =	sdelay $0x1  }
0x63b: {  	s5 =	simm.s32 $0x10;
	s6 =	simm.s32 $0x80  }
0x63c: {  	s0 =	sand.u32 $0x70, s5;
	s1 =	sand.u32 $0x1C00, s6  }
0x63d: {  	s31 =	sor.u32 s1, s0  }
0x63e: {  	v7 =	vmul.f32 v5, v3;
	v8 =	vmul.f32 v6, v4;
	v5 =	vld [tilespmem:s31+$0x8380]  }
0x63f: {  	v6 =	vld [tilespmem:s31+$0x10380]  }
0x640: {  	s5 =	simm.s32 $0x100;
	s0 =	simm.s32 $0x20;
	v7 =	vadd.f32 v8, v7  }
.LBB2_124:
0x641: {  	s1 =	sand.u32 $0x70, s0  }
0x642: {  	s6 =	sand.u32 $0x1C00, s5;
	[tilespmem:s30+$0x18380] =	vst v7;
	s30 =	smov.u32 s31;
	p0 =	sne.s32 s0, $0x3F0  }
.Ltmp61:
0x643: {  	s0 =	sadd.s32 $0x10, s0;
	s31 =	sor.u32 s6, s1;
	(pc) =	sbr.rel @p0 .LBB2_124-.Ltmp61, $4  }
0x644: {  	v7 =	vmul.f32 v5, v3;
	v5 =	vld [tilespmem:s31+$0x8380];
	v8 =	vmul.f32 v6, v4  }
0x645: {  	v6 =	vld [tilespmem:s31+$0x10380]  }
0x646: {  	v7 =	vadd.f32 v8, v7  }
0x647: {  	s5 =	sadd.s32 $0x80, s5  }
0x648: {  	_ =	sdelay $0x1  }
0x649: {  	v3 =	vmul.f32 v5, v3;
	v4 =	vmul.f32 v6, v4;
	_ =	sdelay $0x1  }
0x64a: {  	v3 =	vadd.f32 v4, v3  }
0x64b: {  	[tilespmem:s30+$0x18380] =	vst v7  }
0x64c: {  	s0 =	simm.s32 $0x0;
	[tilespmem:s31+$0x18380] =	vst v3  }
0x64d: {  	s1 =	sand.u32 $0x70, s0;
	s0 =	sand.u32 $0x1C00, s0;
	v3 =	vld [tilespmem:$0x1000]  }
0x64e: {  	s30 =	sor.u32 s0, s1;
	v4 =	vld [tilespmem:$0x2000]  }
0x64f: {  	v5 =	vld [tilespmem:s30+$0x8400]  }
0x650: {  	v6 =	vld [tilespmem:s30+$0x10400];
	_ =	sdelay $0x1  }
0x651: {  	s5 =	simm.s32 $0x10;
	s6 =	simm.s32 $0x80  }
0x652: {  	s0 =	sand.u32 $0x70, s5;
	s1 =	sand.u32 $0x1C00, s6  }
0x653: {  	s31 =	sor.u32 s1, s0  }
0x654: {  	v7 =	vmul.f32 v5, v3;
	v8 =	vmul.f32 v6, v4;
	v5 =	vld [tilespmem:s31+$0x8400]  }
0x655: {  	v6 =	vld [tilespmem:s31+$0x10400]  }
0x656: {  	s5 =	simm.s32 $0x100;
	s0 =	simm.s32 $0x20;
	v7 =	vadd.f32 v8, v7  }
.LBB2_126:
0x657: {  	s1 =	sand.u32 $0x70, s0  }
0x658: {  	s6 =	sand.u32 $0x1C00, s5;
	[tilespmem:s30+$0x18400] =	vst v7;
	s30 =	smov.u32 s31;
	p0 =	sne.s32 s0, $0x3F0  }
.Ltmp62:
0x659: {  	s0 =	sadd.s32 $0x10, s0;
	s31 =	sor.u32 s6, s1;
	(pc) =	sbr.rel @p0 .LBB2_126-.Ltmp62, $4  }
0x65a: {  	v7 =	vmul.f32 v5, v3;
	v5 =	vld [tilespmem:s31+$0x8400];
	v8 =	vmul.f32 v6, v4  }
0x65b: {  	v6 =	vld [tilespmem:s31+$0x10400]  }
0x65c: {  	v7 =	vadd.f32 v8, v7  }
0x65d: {  	s5 =	sadd.s32 $0x80, s5  }
0x65e: {  	_ =	sdelay $0x1  }
0x65f: {  	v3 =	vmul.f32 v5, v3;
	v4 =	vmul.f32 v6, v4;
	_ =	sdelay $0x1  }
0x660: {  	v3 =	vadd.f32 v4, v3  }
0x661: {  	[tilespmem:s30+$0x18400] =	vst v7  }
0x662: {  	s0 =	simm.s32 $0x0;
	[tilespmem:s31+$0x18400] =	vst v3  }
0x663: {  	s0 =	sor.u32 s0, s0;
	v3 =	vld [tilespmem:$0x1080]  }
0x664: {  	s30 =	sor.u32 $0x6380, s0;
	v4 =	vld [tilespmem:$0x2080]  }
0x665: {  	v5 =	vld [tilespmem:s30+$0x2100]  }
0x666: {  	v6 =	vld [tilespmem:s30+$0xA100];
	_ =	sdelay $0x1  }
0x667: {  	s6 =	simm.s32 $0x10;
	s1 =	simm.s32 $0x80  }
0x668: {  	s0 =	sor.u32 s1, s6  }
0x669: {  	s31 =	sor.u32 $0x6380, s0  }
0x66a: {  	v7 =	vmul.f32 v5, v3;
	v8 =	vmul.f32 v6, v4;
	v5 =	vld [tilespmem:s31+$0x2100]  }
0x66b: {  	v6 =	vld [tilespmem:s31+$0xA100]  }
0x66c: {  	v7 =	vadd.f32 v8, v7  }
0x66d: {  	s5 =	simm.s32 $0x100;
	s0 =	simm.s32 $0x20  }
.LBB2_128:
0x66e: {  	s1 =	sor.u32 s5, s0;
	[tilespmem:s30+$0x12100] =	vst v7;
	s30 =	smov.u32 s31;
	p0 =	sne.s32 s0, $0x3F0  }
.Ltmp63:
0x66f: {  	s0 =	sadd.s32 $0x10, s0;
	s31 =	sor.u32 $0x6380, s1;
	(pc) =	sbr.rel @p0 .LBB2_128-.Ltmp63, $4  }
0x670: {  	v7 =	vmul.f32 v5, v3;
	v5 =	vld [tilespmem:s31+$0x2100];
	v8 =	vmul.f32 v6, v4  }
0x671: {  	v6 =	vld [tilespmem:s31+$0xA100]  }
0x672: {  	v7 =	vadd.f32 v8, v7  }
0x673: {  	s5 =	sadd.s32 $0x80, s5  }
0x674: {  	_ =	sdelay $0x1  }
0x675: {  	v3 =	vmul.f32 v5, v3;
	v4 =	vmul.f32 v6, v4;
	_ =	sdelay $0x1  }
0x676: {  	s4 =	sadd.s32 $0x1, s4;
	v3 =	vadd.f32 v4, v3  }
0x677: {  	[tilespmem:s30+$0x12100] =	vst v7;
	p0 =	sne.s32 s4, s17  }
.Ltmp64:
0x678: {  	[tilespmem:s31+$0x12100] =	vst v3;
	(pc) =	sbr.rel @p0 .LBB2_1-.Ltmp64, $4  }
0x679: {  	[hbm4b:s16+s2] =	stream.linear.scatter [tilespmem:s29], [sflag:$0x3], $0x8000, $0x38;
	[tilespmem:$0x1A100] =	vst v63  }
0x67a: {  	_ =	swait.ge [sflag:s18], $0x8000  }
0x67b: {  	[sflag:s18] =	ssyncset.done $0x0  }
0x67c: {  	[sflag:s18] =	ssyncadd.s32 $0xFFFF8000  }
0x67d: {  	_ =	sfence.sel $0x180000  }
0x67e: {  	[bflag:$0x0] =	sbarrier.arrive $0xFFFF  }
0x67f: {  	_ =	strace $0x9000004A  }
0x680: {  	s0 =	stileid.u32;
	[bflag:$0x2] =	sbarrier.arrive $0xFFFF  }
0x681: {  	p0 =	sne.s32 s0, $0x0;
	s0 =	rddreg [dreg:$0x2]  }
0x682: {  	s0 =	sadd.s32 @!p0 $0x100000, s0  }
0x683: {  	[sflag:s0] =	ssyncadd.tile.s32 @!p0 $0x1;
	_ =	shalt  }
.Lfunc_end2:
_tile_overlayer_lowered:
.L_overlay_start_2:
0x684: {  	(tag) =	ssettag $0x2  }
0x685: {  	s0 =	rddreg [dreg:$0x0];
	s2 =	stileid.u32  }
0x686: {  	s1 =	rddreg [dreg:$0x1];
	p0 =	sne.s32 s2, $0x0  }
0x687: {  	s3 =	rddreg [dreg:$0x2];
	[bflag:$0x3] =	sbarrier.arrive $0xFFFF;
	s2 =	simm.s32 @!p0 $0x1C03  }
0x688: {  	[timem:s3], [sflag:s2] =	dma.local @!p0 [hbm:s0], s1  }
0x689: {  	s0 =	simm.s32 @!p0 $0x3  }
0x68a: {  	_ =	swait.ge @!p0 [sflag:s0], s1  }
0x68b: {  	s1 =	ssub.s32 @!p0 $0x0, s1;
	[sflag:s0] =	ssyncset.done @!p0 $0x0  }
0x68c: {  	[sflag:s0] =	ssyncadd.s32 @!p0 s1  }
0x68d: {  	[bflag:$0x3] =	sbarrier.arrive $0xFFFF  }
0x68e: {  	_ =	shalt  }

</sc_bundles>
